<compile_context>
chip_gen: v7x
topology: tpu7x:2x2x1
jax: 0.10.2.dev20260603
libtpu: 0.0.44.dev20260713+nightly
codegen_flags: <defaults>
</compile_context>

<pallas_src>
import functools

import jax
import jax.numpy as jnp
from jax import lax
from jax.experimental import pallas as pl
from jax.experimental.pallas import tpu as pltpu
from jax.experimental.pallas import tpu_sc as plsc

NC = 2
NS = 16
LANES = 16
NW = NC * NS
TAB_W = 128


def _detile_body(x_ref, o_ref):
    t = jnp.transpose(x_ref[...])
    o_ref[...] = jnp.concatenate(
        [t, jnp.zeros_like(t)], axis=1)


def _make_detile(V, D, bv):
    grid = (V + bv - 1) // bv

    return pl.pallas_call(
        _detile_body,
        grid=(grid,),
        in_specs=[pl.BlockSpec((D, bv), lambda j: (0, j))],
        out_specs=pl.BlockSpec((bv, TAB_W), lambda j: (j, 0)),
        out_shape=jax.ShapeDtypeStruct((V, TAB_W), jnp.float32),
        compiler_params=pltpu.CompilerParams(
            dimension_semantics=("parallel",)),
    )


def _make_sc_kernel(n_rows, D, chunk, n_chunks_per_w, sub, n_sub):
    mesh = plsc.VectorSubcoreMesh(core_axis_name="c", subcore_axis_name="s")

    @functools.partial(
        pl.kernel,
        mesh=mesh,
        compiler_params=pltpu.CompilerParams(use_tc_tiling_on_sc=False),
        out_type=jax.ShapeDtypeStruct((n_rows, TAB_W), jnp.float32),
        scratch_types=[
            pltpu.VMEM((chunk,), jnp.int32),
            pltpu.VMEM((chunk,), jnp.int32),
            pltpu.VMEM((chunk, TAB_W), jnp.float32),
            pltpu.VMEM((chunk, TAB_W), jnp.float32),
            pltpu.VMEM((chunk, D), jnp.float32),
            pltpu.SemaphoreType.DMA,
            pltpu.SemaphoreType.DMA,
            pltpu.SemaphoreType.DMA,
            pltpu.SemaphoreType.DMA,
        ],
    )
    def sc_kernel(xf_hbm, tab_hbm, pe_hbm, out_hbm,
                  idx0, idx1, rows0, rows1, pe_v,
                  gsem0, gsem1, wsem0, wsem1):
        wid = lax.axis_index("s") * NC + lax.axis_index("c")
        base_row = wid * (n_chunks_per_w * chunk)

        pltpu.sync_copy(pe_hbm, pe_v)

        idx_b = (idx0, idx1)
        rows_b = (rows0, rows1)
        gsem_b = (gsem0, gsem1)
        wsem_b = (wsem0, wsem1)

        def start_fetch(g, slot):
            start = base_row + g * chunk
            pltpu.sync_copy(xf_hbm.at[pl.ds(start, chunk)], idx_b[slot])
            cps = []
            for j in range(n_sub):
                cps.append(pltpu.async_copy(
                    tab_hbm.at[idx_b[slot].at[pl.ds(j * sub, sub)]],
                    rows_b[slot].at[pl.ds(j * sub, sub)],
                    gsem_b[slot]))
            return cps

        def add_pe(slot):
            rbuf = rows_b[slot]
            n_vec = D // LANES

            def body(r, carry):
                for c in range(n_vec):
                    sl = pl.ds(c * LANES, LANES)
                    rbuf[r, sl] = rbuf[r, sl] + pe_v[r, sl]
                return carry

            lax.fori_loop(0, chunk, body, 0)

        pending = [None, None]
        writes = [None, None]
        pending[0] = start_fetch(0, 0)
        for g in range(n_chunks_per_w):
            cur = g % 2
            nxt = (g + 1) % 2
            if g + 1 < n_chunks_per_w:
                if writes[nxt] is not None:
                    writes[nxt].wait()
                    writes[nxt] = None
                pending[nxt] = start_fetch(g + 1, nxt)
            for cp in pending[cur]:
                cp.wait()
            add_pe(cur)
            start = base_row + g * chunk
            writes[cur] = pltpu.async_copy(
                rows_b[cur], out_hbm.at[pl.ds(start, chunk)], wsem_b[cur])
        for w in writes:
            if w is not None:
                w.wait()

    return sc_kernel


def kernel(x, word_emb, pos_emb):
    B, S = x.shape
    V, D = word_emb.shape
    n_rows = B * S

    chunk = 2 * S
    n_chunks = n_rows // chunk
    n_chunks_per_w = n_chunks // NW
    assert chunk * n_chunks_per_w * NW == n_rows
    sub = 80
    n_sub = chunk // sub
    assert sub * n_sub == chunk

    xf = x.reshape(n_rows)
    pe = pos_emb[0, :S]
    pe2 = jnp.concatenate([pe, pe], axis=0)

    bv = 16384
    wt = _make_detile(V, D, bv)(word_emb.T)

    sc = _make_sc_kernel(n_rows, D, chunk, n_chunks_per_w, sub, n_sub)
    out_pad = sc(xf, wt, pe2)
    return out_pad.reshape(B, S, TAB_W)[:, :, :D]

# --- scband reference (transcript-rebuilt; emitter-appended) ---
"""Pipeline reference for scband-embedder-13365938225156 (READ-ONLY COPY).

The authoritative reference and input builder live on the scoring server;
editing this copy changes nothing except your own understanding.
"""

import jax, jax.numpy as jnp
import numpy as np
import math

D_MODEL = 64
VOCAB_SIZE = 1000000
MAX_LENGTH = 512
BATCH = 1024
SEQ_LEN = 200

def gen_wavelength_embedding(d_model, max_length):
    pos_embedding = np.zeros((max_length, d_model), dtype=np.float32)
    position = np.arange(0, max_length)[:, None].astype(np.float32)
    div_term = np.exp(np.arange(0, d_model, 2).astype(np.float32) * -(math.log(10000.0) / d_model))
    pos_embedding[:, 0::2] = np.sin(position * div_term)
    pos_embedding[:, 1::2] = np.cos(position * div_term)
    return jnp.asarray(pos_embedding[None])  # [1, max_length, d_model]

def setup_inputs(seed: int = 0) -> dict:
    key = jax.random.key(seed)
    k1, k2 = jax.random.split(key)
    x = jax.random.randint(k1, (BATCH, SEQ_LEN), 0, VOCAB_SIZE, dtype=jnp.int32)
    word_emb = jax.random.normal(k2, (VOCAB_SIZE, D_MODEL), dtype=jnp.float32) * 0.02
    pos_emb = gen_wavelength_embedding(D_MODEL, MAX_LENGTH)
    return {"x": x, "word_emb": word_emb, "pos_emb": pos_emb}

def reference(x, word_emb, pos_emb):
    # emb = word_emb(x)
    batch_size, seq_len = x.shape
    emb = jnp.take(word_emb, x, axis=0)  # [B, S, D]
    # use_sin_pos=True branch: pos_emb[:, :seq_len]
    pe = pos_emb[:, :seq_len]  # [1, S, D]
    return emb + pe

if __name__ == "__main__":
    import jax
    _d = setup_inputs()
    print(jax.jit(kernel)(*tuple(_d.values())))

</pallas_src>

<mosaic_0001>
#map = affine_map<(d0, d1) -> (0)>
#map1 = affine_map<(d0, d1) -> (0, 0)>
module attributes {stable_mosaic.version = 14 : i64} {
  func.func @sc_kernel(%arg0: i32, %arg1: i32, %arg2: memref<204800xi32, #tpu.memory_space<hbm>>, %arg3: memref<1000000x128xf32, #tpu.memory_space<hbm>>, %arg4: memref<400x64xf32, #tpu.memory_space<hbm>>, %arg5: memref<204800x128xf32, #tpu.memory_space<hbm>>, %arg6: memref<400xi32, #tpu.memory_space<vmem>>, %arg7: memref<400xi32, #tpu.memory_space<vmem>>, %arg8: memref<400x128xf32, #tpu.memory_space<vmem>>, %arg9: memref<400x128xf32, #tpu.memory_space<vmem>>, %arg10: memref<400x64xf32, #tpu.memory_space<vmem>>, %arg11: memref<!tpu.dma_semaphore, #tpu.memory_space<semaphore_mem>>, %arg12: memref<!tpu.dma_semaphore, #tpu.memory_space<semaphore_mem>>, %arg13: memref<!tpu.dma_semaphore, #tpu.memory_space<semaphore_mem>>, %arg14: memref<!tpu.dma_semaphore, #tpu.memory_space<semaphore_mem>>) attributes {dimension_semantics = [#tpu.dimension_semantics<core_parallel>, #tpu.dimension_semantics<subcore_parallel>], iteration_bounds = array<i64: 2, 16>, scalar_prefetch = 0 : i64, scratch_operands = 9 : i64, tpu.core_type = #tpu.core_type<sc_vector_subcore>, window_params = [{transform_indices = #map}, {transform_indices = #map1}, {transform_indices = #map1}, {transform_indices = #map1}]} {
    %mul3A = arith.constant 2 : i32
    %mul3A_0 = arith.muli %arg1, %mul3A : i32
    %add3A = arith.addi %mul3A_0, %arg0 : i32
    %mul3A_1 = arith.constant 6400 : i32
    %mul3A_2 = arith.muli %add3A, %mul3A_1 : i32
    "tpu.region"() ({
      %run_scoped3A = tpu.sem_alloc : memref<!tpu.dma_semaphore, #tpu.memory_space<semaphore_mem>>
      tpu.enqueue_dma source(%arg4 : memref<400x64xf32, #tpu.memory_space<hbm>>) target(%arg10 : memref<400x64xf32, #tpu.memory_space<vmem>>) target_semaphore(%run_scoped3A : memref<!tpu.dma_semaphore, #tpu.memory_space<semaphore_mem>>)
      tpu.wait_dma2 semaphore(%run_scoped3A : memref<!tpu.dma_semaphore, #tpu.memory_space<semaphore_mem>>) src(%arg4 : memref<400x64xf32, #tpu.memory_space<hbm>>) dst(%arg10 : memref<400x64xf32, #tpu.memory_space<vmem>>)
      tpu.yield
    }) : () -> ()
    %add3A_3 = arith.constant 0 : i32
    %add3A_4 = arith.addi %mul3A_2, %add3A_3 : i32
    "tpu.region"() ({
      %run_scoped3A = tpu.sem_alloc : memref<!tpu.dma_semaphore, #tpu.memory_space<semaphore_mem>>
      %dma_start3A_1568 = tpu.memref_slice %arg2[%add3A_4] : memref<204800xi32, #tpu.memory_space<hbm>> -> memref<400xi32, #tpu.memory_space<hbm>>
      %dma_start3A_1569 = tpu.memref_slice %arg2[%add3A_4] : memref<204800xi32, #tpu.memory_space<hbm>> -> memref<400xi32, #tpu.memory_space<hbm>>
      tpu.enqueue_dma source(%dma_start3A_1569 : memref<400xi32, #tpu.memory_space<hbm>>) target(%arg6 : memref<400xi32, #tpu.memory_space<vmem>>) target_semaphore(%run_scoped3A : memref<!tpu.dma_semaphore, #tpu.memory_space<semaphore_mem>>)
      %dma_wait3A_1570 = tpu.memref_slice %arg2[%add3A_4] : memref<204800xi32, #tpu.memory_space<hbm>> -> memref<400xi32, #tpu.memory_space<hbm>>
      %dma_wait3A_1571 = tpu.memref_slice %arg2[%add3A_4] : memref<204800xi32, #tpu.memory_space<hbm>> -> memref<400xi32, #tpu.memory_space<hbm>>
      tpu.wait_dma2 semaphore(%run_scoped3A : memref<!tpu.dma_semaphore, #tpu.memory_space<semaphore_mem>>) src(%dma_wait3A_1571 : memref<400xi32, #tpu.memory_space<hbm>>) dst(%arg6 : memref<400xi32, #tpu.memory_space<vmem>>)
      tpu.yield
    }) : () -> ()
    %dma_start3A = arith.constant 0 : i32
    %dma_start3A_5 = arith.constant 0 : i32
    %dma_start3A_6 = tpu.memref_slice %arg8[%dma_start3A, %dma_start3A_5] : memref<400x128xf32, #tpu.memory_space<vmem>> -> memref<80x128xf32, #tpu.memory_space<vmem>>
    %dma_start3A_7 = arith.constant 0 : i32
    %dma_start3A_8 = tpu.memref_slice %arg6[%dma_start3A_7] : memref<400xi32, #tpu.memory_space<vmem>> -> memref<80xi32, #tpu.memory_space<vmem>>
    %dma_start3A_9 = arith.constant 0 : i32
    %dma_start3A_10 = arith.constant 0 : i32
    %dma_start3A_11 = tpu.memref_slice %arg3[%dma_start3A_9, %dma_start3A_10] : memref<1000000x128xf32, #tpu.memory_space<hbm>> -> memref<1000000x128xf32, #tpu.memory_space<hbm>>
    tpu.enqueue_indirect_dma source(%dma_start3A_11 : memref<1000000x128xf32, #tpu.memory_space<hbm>>) target(%dma_start3A_6 : memref<80x128xf32, #tpu.memory_space<vmem>>) offsets(%dma_start3A_8 : memref<80xi32, #tpu.memory_space<vmem>>) semaphore(%arg11 : memref<!tpu.dma_semaphore, #tpu.memory_space<semaphore_mem>>)
    %dma_start3A_12 = arith.constant 80 : i32
    %dma_start3A_13 = arith.constant 0 : i32
    %dma_start3A_14 = tpu.memref_slice %arg8[%dma_start3A_12, %dma_start3A_13] : memref<400x128xf32, #tpu.memory_space<vmem>> -> memref<80x128xf32, #tpu.memory_space<vmem>>
    %dma_start3A_15 = arith.constant 80 : i32
    %dma_start3A_16 = tpu.memref_slice %arg6[%dma_start3A_15] : memref<400xi32, #tpu.memory_space<vmem>> -> memref<80xi32, #tpu.memory_space<vmem>>
    %dma_start3A_17 = arith.constant 0 : i32
    %dma_start3A_18 = arith.constant 0 : i32
    %dma_start3A_19 = tpu.memref_slice %arg3[%dma_start3A_17, %dma_start3A_18] : memref<1000000x128xf32, #tpu.memory_space<hbm>> -> memref<1000000x128xf32, #tpu.memory_space<hbm>>
    tpu.enqueue_indirect_dma source(%dma_start3A_19 : memref<1000000x128xf32, #tpu.memory_space<hbm>>) target(%dma_start3A_14 : memref<80x128xf32, #tpu.memory_space<vmem>>) offsets(%dma_start3A_16 : memref<80xi32, #tpu.memory_space<vmem>>) semaphore(%arg11 : memref<!tpu.dma_semaphore, #tpu.memory_space<semaphore_mem>>)
    %dma_start3A_20 = arith.constant 160 : i32
    %dma_start3A_21 = arith.constant 0 : i32
    %dma_start3A_22 = tpu.memref_slice %arg8[%dma_start3A_20, %dma_start3A_21] : memref<400x128xf32, #tpu.memory_space<vmem>> -> memref<80x128xf32, #tpu.memory_space<vmem>>
    %dma_start3A_23 = arith.constant 160 : i32
    %dma_start3A_24 = tpu.memref_slice %arg6[%dma_start3A_23] : memref<400xi32, #tpu.memory_space<vmem>> -> memref<80xi32, #tpu.memory_space<vmem>>
    %dma_start3A_25 = arith.constant 0 : i32
    %dma_start3A_26 = arith.constant 0 : i32
    %dma_start3A_27 = tpu.memref_slice %arg3[%dma_start3A_25, %dma_start3A_26] : memref<1000000x128xf32, #tpu.memory_space<hbm>> -> memref<1000000x128xf32, #tpu.memory_space<hbm>>
    tpu.enqueue_indirect_dma source(%dma_start3A_27 : memref<1000000x128xf32, #tpu.memory_space<hbm>>) target(%dma_start3A_22 : memref<80x128xf32, #tpu.memory_space<vmem>>) offsets(%dma_start3A_24 : memref<80xi32, #tpu.memory_space<vmem>>) semaphore(%arg11 : memref<!tpu.dma_semaphore, #tpu.memory_space<semaphore_mem>>)
    %dma_start3A_28 = arith.constant 240 : i32
    %dma_start3A_29 = arith.constant 0 : i32
    %dma_start3A_30 = tpu.memref_slice %arg8[%dma_start3A_28, %dma_start3A_29] : memref<400x128xf32, #tpu.memory_space<vmem>> -> memref<80x128xf32, #tpu.memory_space<vmem>>
    %dma_start3A_31 = arith.constant 240 : i32
    %dma_start3A_32 = tpu.memref_slice %arg6[%dma_start3A_31] : memref<400xi32, #tpu.memory_space<vmem>> -> memref<80xi32, #tpu.memory_space<vmem>>
    %dma_start3A_33 = arith.constant 0 : i32
    %dma_start3A_34 = arith.constant 0 : i32
    %dma_start3A_35 = tpu.memref_slice %arg3[%dma_start3A_33, %dma_start3A_34] : memref<1000000x128xf32, #tpu.memory_space<hbm>> -> memref<1000000x128xf32, #tpu.memory_space<hbm>>
    tpu.enqueue_indirect_dma source(%dma_start3A_35 : memref<1000000x128xf32, #tpu.memory_space<hbm>>) target(%dma_start3A_30 : memref<80x128xf32, #tpu.memory_space<vmem>>) offsets(%dma_start3A_32 : memref<80xi32, #tpu.memory_space<vmem>>) semaphore(%arg11 : memref<!tpu.dma_semaphore, #tpu.memory_space<semaphore_mem>>)
    %dma_start3A_36 = arith.constant 320 : i32
    %dma_start3A_37 = arith.constant 0 : i32
    %dma_start3A_38 = tpu.memref_slice %arg8[%dma_start3A_36, %dma_start3A_37] : memref<400x128xf32, #tpu.memory_space<vmem>> -> memref<80x128xf32, #tpu.memory_space<vmem>>
    %dma_start3A_39 = arith.constant 320 : i32
    %dma_start3A_40 = tpu.memref_slice %arg6[%dma_start3A_39] : memref<400xi32, #tpu.memory_space<vmem>> -> memref<80xi32, #tpu.memory_space<vmem>>
    %dma_start3A_41 = arith.constant 0 : i32
    %dma_start3A_42 = arith.constant 0 : i32
    %dma_start3A_43 = tpu.memref_slice %arg3[%dma_start3A_41, %dma_start3A_42] : memref<1000000x128xf32, #tpu.memory_space<hbm>> -> memref<1000000x128xf32, #tpu.memory_space<hbm>>
    tpu.enqueue_indirect_dma source(%dma_start3A_43 : memref<1000000x128xf32, #tpu.memory_space<hbm>>) target(%dma_start3A_38 : memref<80x128xf32, #tpu.memory_space<vmem>>) offsets(%dma_start3A_40 : memref<80xi32, #tpu.memory_space<vmem>>) semaphore(%arg11 : memref<!tpu.dma_semaphore, #tpu.memory_space<semaphore_mem>>)
    %add3A_44 = arith.constant 400 : i32
    %add3A_45 = arith.addi %mul3A_2, %add3A_44 : i32
    "tpu.region"() ({
      %run_scoped3A = tpu.sem_alloc : memref<!tpu.dma_semaphore, #tpu.memory_space<semaphore_mem>>
      %dma_start3A_1568 = tpu.memref_slice %arg2[%add3A_45] : memref<204800xi32, #tpu.memory_space<hbm>> -> memref<400xi32, #tpu.memory_space<hbm>>
      %dma_start3A_1569 = tpu.memref_slice %arg2[%add3A_45] : memref<204800xi32, #tpu.memory_space<hbm>> -> memref<400xi32, #tpu.memory_space<hbm>>
      tpu.enqueue_dma source(%dma_start3A_1569 : memref<400xi32, #tpu.memory_space<hbm>>) target(%arg7 : memref<400xi32, #tpu.memory_space<vmem>>) target_semaphore(%run_scoped3A : memref<!tpu.dma_semaphore, #tpu.memory_space<semaphore_mem>>)
      %dma_wait3A_1570 = tpu.memref_slice %arg2[%add3A_45] : memref<204800xi32, #tpu.memory_space<hbm>> -> memref<400xi32, #tpu.memory_space<hbm>>
      %dma_wait3A_1571 = tpu.memref_slice %arg2[%add3A_45] : memref<204800xi32, #tpu.memory_space<hbm>> -> memref<400xi32, #tpu.memory_space<hbm>>
      tpu.wait_dma2 semaphore(%run_scoped3A : memref<!tpu.dma_semaphore, #tpu.memory_space<semaphore_mem>>) src(%dma_wait3A_1571 : memref<400xi32, #tpu.memory_space<hbm>>) dst(%arg7 : memref<400xi32, #tpu.memory_space<vmem>>)
      tpu.yield
    }) : () -> ()
    %dma_start3A_46 = arith.constant 0 : i32
    %dma_start3A_47 = arith.constant 0 : i32
    %dma_start3A_48 = tpu.memref_slice %arg9[%dma_start3A_46, %dma_start3A_47] : memref<400x128xf32, #tpu.memory_space<vmem>> -> memref<80x128xf32, #tpu.memory_space<vmem>>
    %dma_start3A_49 = arith.constant 0 : i32
    %dma_start3A_50 = tpu.memref_slice %arg7[%dma_start3A_49] : memref<400xi32, #tpu.memory_space<vmem>> -> memref<80xi32, #tpu.memory_space<vmem>>
    %dma_start3A_51 = arith.constant 0 : i32
    %dma_start3A_52 = arith.constant 0 : i32
    %dma_start3A_53 = tpu.memref_slice %arg3[%dma_start3A_51, %dma_start3A_52] : memref<1000000x128xf32, #tpu.memory_space<hbm>> -> memref<1000000x128xf32, #tpu.memory_space<hbm>>
    tpu.enqueue_indirect_dma source(%dma_start3A_53 : memref<1000000x128xf32, #tpu.memory_space<hbm>>) target(%dma_start3A_48 : memref<80x128xf32, #tpu.memory_space<vmem>>) offsets(%dma_start3A_50 : memref<80xi32, #tpu.memory_space<vmem>>) semaphore(%arg12 : memref<!tpu.dma_semaphore, #tpu.memory_space<semaphore_mem>>)
    %dma_start3A_54 = arith.constant 80 : i32
    %dma_start3A_55 = arith.constant 0 : i32
    %dma_start3A_56 = tpu.memref_slice %arg9[%dma_start3A_54, %dma_start3A_55] : memref<400x128xf32, #tpu.memory_space<vmem>> -> memref<80x128xf32, #tpu.memory_space<vmem>>
    %dma_start3A_57 = arith.constant 80 : i32
    %dma_start3A_58 = tpu.memref_slice %arg7[%dma_start3A_57] : memref<400xi32, #tpu.memory_space<vmem>> -> memref<80xi32, #tpu.memory_space<vmem>>
    %dma_start3A_59 = arith.constant 0 : i32
    %dma_start3A_60 = arith.constant 0 : i32
    %dma_start3A_61 = tpu.memref_slice %arg3[%dma_start3A_59, %dma_start3A_60] : memref<1000000x128xf32, #tpu.memory_space<hbm>> -> memref<1000000x128xf32, #tpu.memory_space<hbm>>
    tpu.enqueue_indirect_dma source(%dma_start3A_61 : memref<1000000x128xf32, #tpu.memory_space<hbm>>) target(%dma_start3A_56 : memref<80x128xf32, #tpu.memory_space<vmem>>) offsets(%dma_start3A_58 : memref<80xi32, #tpu.memory_space<vmem>>) semaphore(%arg12 : memref<!tpu.dma_semaphore, #tpu.memory_space<semaphore_mem>>)
    %dma_start3A_62 = arith.constant 160 : i32
    %dma_start3A_63 = arith.constant 0 : i32
    %dma_start3A_64 = tpu.memref_slice %arg9[%dma_start3A_62, %dma_start3A_63] : memref<400x128xf32, #tpu.memory_space<vmem>> -> memref<80x128xf32, #tpu.memory_space<vmem>>
    %dma_start3A_65 = arith.constant 160 : i32
    %dma_start3A_66 = tpu.memref_slice %arg7[%dma_start3A_65] : memref<400xi32, #tpu.memory_space<vmem>> -> memref<80xi32, #tpu.memory_space<vmem>>
    %dma_start3A_67 = arith.constant 0 : i32
    %dma_start3A_68 = arith.constant 0 : i32
    %dma_start3A_69 = tpu.memref_slice %arg3[%dma_start3A_67, %dma_start3A_68] : memref<1000000x128xf32, #tpu.memory_space<hbm>> -> memref<1000000x128xf32, #tpu.memory_space<hbm>>
    tpu.enqueue_indirect_dma source(%dma_start3A_69 : memref<1000000x128xf32, #tpu.memory_space<hbm>>) target(%dma_start3A_64 : memref<80x128xf32, #tpu.memory_space<vmem>>) offsets(%dma_start3A_66 : memref<80xi32, #tpu.memory_space<vmem>>) semaphore(%arg12 : memref<!tpu.dma_semaphore, #tpu.memory_space<semaphore_mem>>)
    %dma_start3A_70 = arith.constant 240 : i32
    %dma_start3A_71 = arith.constant 0 : i32
    %dma_start3A_72 = tpu.memref_slice %arg9[%dma_start3A_70, %dma_start3A_71] : memref<400x128xf32, #tpu.memory_space<vmem>> -> memref<80x128xf32, #tpu.memory_space<vmem>>
    %dma_start3A_73 = arith.constant 240 : i32
    %dma_start3A_74 = tpu.memref_slice %arg7[%dma_start3A_73] : memref<400xi32, #tpu.memory_space<vmem>> -> memref<80xi32, #tpu.memory_space<vmem>>
    %dma_start3A_75 = arith.constant 0 : i32
    %dma_start3A_76 = arith.constant 0 : i32
    %dma_start3A_77 = tpu.memref_slice %arg3[%dma_start3A_75, %dma_start3A_76] : memref<1000000x128xf32, #tpu.memory_space<hbm>> -> memref<1000000x128xf32, #tpu.memory_space<hbm>>
    tpu.enqueue_indirect_dma source(%dma_start3A_77 : memref<1000000x128xf32, #tpu.memory_space<hbm>>) target(%dma_start3A_72 : memref<80x128xf32, #tpu.memory_space<vmem>>) offsets(%dma_start3A_74 : memref<80xi32, #tpu.memory_space<vmem>>) semaphore(%arg12 : memref<!tpu.dma_semaphore, #tpu.memory_space<semaphore_mem>>)
    %dma_start3A_78 = arith.constant 320 : i32
    %dma_start3A_79 = arith.constant 0 : i32
    %dma_start3A_80 = tpu.memref_slice %arg9[%dma_start3A_78, %dma_start3A_79] : memref<400x128xf32, #tpu.memory_space<vmem>> -> memref<80x128xf32, #tpu.memory_space<vmem>>
    %dma_start3A_81 = arith.constant 320 : i32
    %dma_start3A_82 = tpu.memref_slice %arg7[%dma_start3A_81] : memref<400xi32, #tpu.memory_space<vmem>> -> memref<80xi32, #tpu.memory_space<vmem>>
    %dma_start3A_83 = arith.constant 0 : i32
    %dma_start3A_84 = arith.constant 0 : i32
    %dma_start3A_85 = tpu.memref_slice %arg3[%dma_start3A_83, %dma_start3A_84] : memref<1000000x128xf32, #tpu.memory_space<hbm>> -> memref<1000000x128xf32, #tpu.memory_space<hbm>>
    tpu.enqueue_indirect_dma source(%dma_start3A_85 : memref<1000000x128xf32, #tpu.memory_space<hbm>>) target(%dma_start3A_80 : memref<80x128xf32, #tpu.memory_space<vmem>>) offsets(%dma_start3A_82 : memref<80xi32, #tpu.memory_space<vmem>>) semaphore(%arg12 : memref<!tpu.dma_semaphore, #tpu.memory_space<semaphore_mem>>)
    %dma_wait3A = arith.constant 0 : i32
    %dma_wait3A_86 = arith.constant 0 : i32
    %dma_wait3A_87 = tpu.memref_slice %arg8[%dma_wait3A, %dma_wait3A_86] : memref<400x128xf32, #tpu.memory_space<vmem>> -> memref<80x128xf32, #tpu.memory_space<vmem>>
    %dma_wait3A_88 = arith.constant 0 : i32
    %dma_wait3A_89 = tpu.memref_slice %arg6[%dma_wait3A_88] : memref<400xi32, #tpu.memory_space<vmem>> -> memref<80xi32, #tpu.memory_space<vmem>>
    %dma_wait3A_90 = arith.constant 0 : i32
    %dma_wait3A_91 = arith.constant 0 : i32
    %dma_wait3A_92 = tpu.memref_slice %arg3[%dma_wait3A_90, %dma_wait3A_91] : memref<1000000x128xf32, #tpu.memory_space<hbm>> -> memref<1000000x128xf32, #tpu.memory_space<hbm>>
    tpu.wait_indirect_dma semaphore(%arg11 : memref<!tpu.dma_semaphore, #tpu.memory_space<semaphore_mem>>) src(%dma_wait3A_92 : memref<1000000x128xf32, #tpu.memory_space<hbm>>) dst(%dma_wait3A_87 : memref<80x128xf32, #tpu.memory_space<vmem>>)
    %dma_wait3A_93 = arith.constant 80 : i32
    %dma_wait3A_94 = arith.constant 0 : i32
    %dma_wait3A_95 = tpu.memref_slice %arg8[%dma_wait3A_93, %dma_wait3A_94] : memref<400x128xf32, #tpu.memory_space<vmem>> -> memref<80x128xf32, #tpu.memory_space<vmem>>
    %dma_wait3A_96 = arith.constant 80 : i32
    %dma_wait3A_97 = tpu.memref_slice %arg6[%dma_wait3A_96] : memref<400xi32, #tpu.memory_space<vmem>> -> memref<80xi32, #tpu.memory_space<vmem>>
    %dma_wait3A_98 = arith.constant 0 : i32
    %dma_wait3A_99 = arith.constant 0 : i32
    %dma_wait3A_100 = tpu.memref_slice %arg3[%dma_wait3A_98, %dma_wait3A_99] : memref<1000000x128xf32, #tpu.memory_space<hbm>> -> memref<1000000x128xf32, #tpu.memory_space<hbm>>
    tpu.wait_indirect_dma semaphore(%arg11 : memref<!tpu.dma_semaphore, #tpu.memory_space<semaphore_mem>>) src(%dma_wait3A_100 : memref<1000000x128xf32, #tpu.memory_space<hbm>>) dst(%dma_wait3A_95 : memref<80x128xf32, #tpu.memory_space<vmem>>)
    %dma_wait3A_101 = arith.constant 160 : i32
    %dma_wait3A_102 = arith.constant 0 : i32
    %dma_wait3A_103 = tpu.memref_slice %arg8[%dma_wait3A_101, %dma_wait3A_102] : memref<400x128xf32, #tpu.memory_space<vmem>> -> memref<80x128xf32, #tpu.memory_space<vmem>>
    %dma_wait3A_104 = arith.constant 160 : i32
    %dma_wait3A_105 = tpu.memref_slice %arg6[%dma_wait3A_104] : memref<400xi32, #tpu.memory_space<vmem>> -> memref<80xi32, #tpu.memory_space<vmem>>
    %dma_wait3A_106 = arith.constant 0 : i32
    %dma_wait3A_107 = arith.constant 0 : i32
    %dma_wait3A_108 = tpu.memref_slice %arg3[%dma_wait3A_106, %dma_wait3A_107] : memref<1000000x128xf32, #tpu.memory_space<hbm>> -> memref<1000000x128xf32, #tpu.memory_space<hbm>>
    tpu.wait_indirect_dma semaphore(%arg11 : memref<!tpu.dma_semaphore, #tpu.memory_space<semaphore_mem>>) src(%dma_wait3A_108 : memref<1000000x128xf32, #tpu.memory_space<hbm>>) dst(%dma_wait3A_103 : memref<80x128xf32, #tpu.memory_space<vmem>>)
    %dma_wait3A_109 = arith.constant 240 : i32
    %dma_wait3A_110 = arith.constant 0 : i32
    %dma_wait3A_111 = tpu.memref_slice %arg8[%dma_wait3A_109, %dma_wait3A_110] : memref<400x128xf32, #tpu.memory_space<vmem>> -> memref<80x128xf32, #tpu.memory_space<vmem>>
    %dma_wait3A_112 = arith.constant 240 : i32
    %dma_wait3A_113 = tpu.memref_slice %arg6[%dma_wait3A_112] : memref<400xi32, #tpu.memory_space<vmem>> -> memref<80xi32, #tpu.memory_space<vmem>>
    %dma_wait3A_114 = arith.constant 0 : i32
    %dma_wait3A_115 = arith.constant 0 : i32
    %dma_wait3A_116 = tpu.memref_slice %arg3[%dma_wait3A_114, %dma_wait3A_115] : memref<1000000x128xf32, #tpu.memory_space<hbm>> -> memref<1000000x128xf32, #tpu.memory_space<hbm>>
    tpu.wait_indirect_dma semaphore(%arg11 : memref<!tpu.dma_semaphore, #tpu.memory_space<semaphore_mem>>) src(%dma_wait3A_116 : memref<1000000x128xf32, #tpu.memory_space<hbm>>) dst(%dma_wait3A_111 : memref<80x128xf32, #tpu.memory_space<vmem>>)
    %dma_wait3A_117 = arith.constant 320 : i32
    %dma_wait3A_118 = arith.constant 0 : i32
    %dma_wait3A_119 = tpu.memref_slice %arg8[%dma_wait3A_117, %dma_wait3A_118] : memref<400x128xf32, #tpu.memory_space<vmem>> -> memref<80x128xf32, #tpu.memory_space<vmem>>
    %dma_wait3A_120 = arith.constant 320 : i32
    %dma_wait3A_121 = tpu.memref_slice %arg6[%dma_wait3A_120] : memref<400xi32, #tpu.memory_space<vmem>> -> memref<80xi32, #tpu.memory_space<vmem>>
    %dma_wait3A_122 = arith.constant 0 : i32
    %dma_wait3A_123 = arith.constant 0 : i32
    %dma_wait3A_124 = tpu.memref_slice %arg3[%dma_wait3A_122, %dma_wait3A_123] : memref<1000000x128xf32, #tpu.memory_space<hbm>> -> memref<1000000x128xf32, #tpu.memory_space<hbm>>
    tpu.wait_indirect_dma semaphore(%arg11 : memref<!tpu.dma_semaphore, #tpu.memory_space<semaphore_mem>>) src(%dma_wait3A_124 : memref<1000000x128xf32, #tpu.memory_space<hbm>>) dst(%dma_wait3A_119 : memref<80x128xf32, #tpu.memory_space<vmem>>)
    %scan3A = arith.constant 0 : i32
    %scan3A_125 = arith.constant 0 : i32
    %scan3A_126 = arith.constant 400 : i32
    %scan3A_127 = arith.addi %scan3A_125, %scan3A_126 : i32
    %scan3A_128 = arith.constant 1 : i32
    scf.for %scan3A_1568 = %scan3A_125 to %scan3A_127 step %scan3A_128  : i32 {
      %get3A = arith.index_cast %scan3A_1568 : i32 to index
      %get3A_1569 = arith.constant 0 : index
      %get3A_1570 = tpu.vector_load %arg8[%get3A, %get3A_1569] {strides = array<i32>} : memref<400x128xf32, #tpu.memory_space<vmem>>, vector<1x16xf32>,
      %get3A_1571 = vector.shape_cast %get3A_1570 : vector<1x16xf32> to vector<16xf32>
      %get3A_1572 = arith.index_cast %scan3A_1568 : i32 to index
      %get3A_1573 = arith.constant 0 : index
      %get3A_1574 = tpu.vector_load %arg10[%get3A_1572, %get3A_1573] {strides = array<i32>} : memref<400x64xf32, #tpu.memory_space<vmem>>, vector<1x16xf32>,
      %get3A_1575 = vector.shape_cast %get3A_1574 : vector<1x16xf32> to vector<16xf32>
      %add3A_1576 = arith.addf %get3A_1571, %get3A_1575 : vector<16xf32>
      %swap3A = arith.index_cast %scan3A_1568 : i32 to index
      %swap3A_1577 = arith.constant 0 : index
      %swap3A_1578 = tpu.vector_load %arg8[%swap3A, %swap3A_1577] {strides = array<i32>} : memref<400x128xf32, #tpu.memory_space<vmem>>, vector<1x16xf32>,
      %swap3A_1579 = vector.shape_cast %swap3A_1578 : vector<1x16xf32> to vector<16xf32>
      %swap3A_1580 = vector.shape_cast %add3A_1576 : vector<16xf32> to vector<1x16xf32>
      tpu.vector_store %arg8[%swap3A, %swap3A_1577], %swap3A_1580 {strides = array<i32>} : memref<400x128xf32, #tpu.memory_space<vmem>>, vector<1x16xf32>,
      %get3A_1581 = arith.index_cast %scan3A_1568 : i32 to index
      %get3A_1582 = arith.constant 16 : index
      %get3A_1583 = tpu.vector_load %arg8[%get3A_1581, %get3A_1582] {strides = array<i32>} : memref<400x128xf32, #tpu.memory_space<vmem>>, vector<1x16xf32>,
      %get3A_1584 = vector.shape_cast %get3A_1583 : vector<1x16xf32> to vector<16xf32>
      %get3A_1585 = arith.index_cast %scan3A_1568 : i32 to index
      %get3A_1586 = arith.constant 16 : index
      %get3A_1587 = tpu.vector_load %arg10[%get3A_1585, %get3A_1586] {strides = array<i32>} : memref<400x64xf32, #tpu.memory_space<vmem>>, vector<1x16xf32>,
      %get3A_1588 = vector.shape_cast %get3A_1587 : vector<1x16xf32> to vector<16xf32>
      %add3A_1589 = arith.addf %get3A_1584, %get3A_1588 : vector<16xf32>
      %swap3A_1590 = arith.index_cast %scan3A_1568 : i32 to index
      %swap3A_1591 = arith.constant 16 : index
      %swap3A_1592 = tpu.vector_load %arg8[%swap3A_1590, %swap3A_1591] {strides = array<i32>} : memref<400x128xf32, #tpu.memory_space<vmem>>, vector<1x16xf32>,
      %swap3A_1593 = vector.shape_cast %swap3A_1592 : vector<1x16xf32> to vector<16xf32>
      %swap3A_1594 = vector.shape_cast %add3A_1589 : vector<16xf32> to vector<1x16xf32>
      tpu.vector_store %arg8[%swap3A_1590, %swap3A_1591], %swap3A_1594 {strides = array<i32>} : memref<400x128xf32, #tpu.memory_space<vmem>>, vector<1x16xf32>,
      %get3A_1595 = arith.index_cast %scan3A_1568 : i32 to index
      %get3A_1596 = arith.constant 32 : index
      %get3A_1597 = tpu.vector_load %arg8[%get3A_1595, %get3A_1596] {strides = array<i32>} : memref<400x128xf32, #tpu.memory_space<vmem>>, vector<1x16xf32>,
      %get3A_1598 = vector.shape_cast %get3A_1597 : vector<1x16xf32> to vector<16xf32>
      %get3A_1599 = arith.index_cast %scan3A_1568 : i32 to index
      %get3A_1600 = arith.constant 32 : index
      %get3A_1601 = tpu.vector_load %arg10[%get3A_1599, %get3A_1600] {strides = array<i32>} : memref<400x64xf32, #tpu.memory_space<vmem>>, vector<1x16xf32>,
      %get3A_1602 = vector.shape_cast %get3A_1601 : vector<1x16xf32> to vector<16xf32>
      %add3A_1603 = arith.addf %get3A_1598, %get3A_1602 : vector<16xf32>
      %swap3A_1604 = arith.index_cast %scan3A_1568 : i32 to index
      %swap3A_1605 = arith.constant 32 : index
      %swap3A_1606 = tpu.vector_load %arg8[%swap3A_1604, %swap3A_1605] {strides = array<i32>} : memref<400x128xf32, #tpu.memory_space<vmem>>, vector<1x16xf32>,
      %swap3A_1607 = vector.shape_cast %swap3A_1606 : vector<1x16xf32> to vector<16xf32>
      %swap3A_1608 = vector.shape_cast %add3A_1603 : vector<16xf32> to vector<1x16xf32>
      tpu.vector_store %arg8[%swap3A_1604, %swap3A_1605], %swap3A_1608 {strides = array<i32>} : memref<400x128xf32, #tpu.memory_space<vmem>>, vector<1x16xf32>,
      %get3A_1609 = arith.index_cast %scan3A_1568 : i32 to index
      %get3A_1610 = arith.constant 48 : index
      %get3A_1611 = tpu.vector_load %arg8[%get3A_1609, %get3A_1610] {strides = array<i32>} : memref<400x128xf32, #tpu.memory_space<vmem>>, vector<1x16xf32>,
      %get3A_1612 = vector.shape_cast %get3A_1611 : vector<1x16xf32> to vector<16xf32>
      %get3A_1613 = arith.index_cast %scan3A_1568 : i32 to index
      %get3A_1614 = arith.constant 48 : index
      %get3A_1615 = tpu.vector_load %arg10[%get3A_1613, %get3A_1614] {strides = array<i32>} : memref<400x64xf32, #tpu.memory_space<vmem>>, vector<1x16xf32>,
      %get3A_1616 = vector.shape_cast %get3A_1615 : vector<1x16xf32> to vector<16xf32>
      %add3A_1617 = arith.addf %get3A_1612, %get3A_1616 : vector<16xf32>
      %swap3A_1618 = arith.index_cast %scan3A_1568 : i32 to index
      %swap3A_1619 = arith.constant 48 : index
      %swap3A_1620 = tpu.vector_load %arg8[%swap3A_1618, %swap3A_1619] {strides = array<i32>} : memref<400x128xf32, #tpu.memory_space<vmem>>, vector<1x16xf32>,
      %swap3A_1621 = vector.shape_cast %swap3A_1620 : vector<1x16xf32> to vector<16xf32>
      %swap3A_1622 = vector.shape_cast %add3A_1617 : vector<16xf32> to vector<1x16xf32>
      tpu.vector_store %arg8[%swap3A_1618, %swap3A_1619], %swap3A_1622 {strides = array<i32>} : memref<400x128xf32, #tpu.memory_space<vmem>>, vector<1x16xf32>,
    }
    %scan3A_129 = arith.constant 400 : i32
    %add3A_130 = arith.constant 0 : i32
    %add3A_131 = arith.addi %mul3A_2, %add3A_130 : i32
    %dma_start3A_132 = arith.constant 0 : i32
    %dma_start3A_133 = tpu.memref_slice %arg5[%add3A_131, %dma_start3A_132] : memref<204800x128xf32, #tpu.memory_space<hbm>> -> memref<400x128xf32, #tpu.memory_space<hbm>>
    %dma_start3A_134 = arith.constant 0 : i32
    %dma_start3A_135 = tpu.memref_slice %arg5[%add3A_131, %dma_start3A_134] : memref<204800x128xf32, #tpu.memory_space<hbm>> -> memref<400x128xf32, #tpu.memory_space<hbm>>
    tpu.enqueue_dma source(%arg8 : memref<400x128xf32, #tpu.memory_space<vmem>>) target(%dma_start3A_135 : memref<400x128xf32, #tpu.memory_space<hbm>>) target_semaphore(%arg13 : memref<!tpu.dma_semaphore, #tpu.memory_space<semaphore_mem>>)
    %dma_wait3A_136 = arith.constant 0 : i32
    %dma_wait3A_137 = tpu.memref_slice %arg5[%add3A_131, %dma_wait3A_136] : memref<204800x128xf32, #tpu.memory_space<hbm>> -> memref<400x128xf32, #tpu.memory_space<hbm>>
    %dma_wait3A_138 = arith.constant 0 : i32
    %dma_wait3A_139 = tpu.memref_slice %arg5[%add3A_131, %dma_wait3A_138] : memref<204800x128xf32, #tpu.memory_space<hbm>> -> memref<400x128xf32, #tpu.memory_space<hbm>>
    tpu.wait_dma2 semaphore(%arg13 : memref<!tpu.dma_semaphore, #tpu.memory_space<semaphore_mem>>) src(%arg8 : memref<400x128xf32, #tpu.memory_space<vmem>>) dst(%dma_wait3A_139 : memref<400x128xf32, #tpu.memory_space<hbm>>)
    %add3A_140 = arith.constant 800 : i32
    %add3A_141 = arith.addi %mul3A_2, %add3A_140 : i32
    "tpu.region"() ({
      %run_scoped3A = tpu.sem_alloc : memref<!tpu.dma_semaphore, #tpu.memory_space<semaphore_mem>>
      %dma_start3A_1568 = tpu.memref_slice %arg2[%add3A_141] : memref<204800xi32, #tpu.memory_space<hbm>> -> memref<400xi32, #tpu.memory_space<hbm>>
      %dma_start3A_1569 = tpu.memref_slice %arg2[%add3A_141] : memref<204800xi32, #tpu.memory_space<hbm>> -> memref<400xi32, #tpu.memory_space<hbm>>
      tpu.enqueue_dma source(%dma_start3A_1569 : memref<400xi32, #tpu.memory_space<hbm>>) target(%arg6 : memref<400xi32, #tpu.memory_space<vmem>>) target_semaphore(%run_scoped3A : memref<!tpu.dma_semaphore, #tpu.memory_space<semaphore_mem>>)
      %dma_wait3A_1570 = tpu.memref_slice %arg2[%add3A_141] : memref<204800xi32, #tpu.memory_space<hbm>> -> memref<400xi32, #tpu.memory_space<hbm>>
      %dma_wait3A_1571 = tpu.memref_slice %arg2[%add3A_141] : memref<204800xi32, #tpu.memory_space<hbm>> -> memref<400xi32, #tpu.memory_space<hbm>>
      tpu.wait_dma2 semaphore(%run_scoped3A : memref<!tpu.dma_semaphore, #tpu.memory_space<semaphore_mem>>) src(%dma_wait3A_1571 : memref<400xi32, #tpu.memory_space<hbm>>) dst(%arg6 : memref<400xi32, #tpu.memory_space<vmem>>)
      tpu.yield
    }) : () -> ()
    %dma_start3A_142 = arith.constant 0 : i32
    %dma_start3A_143 = arith.constant 0 : i32
    %dma_start3A_144 = tpu.memref_slice %arg8[%dma_start3A_142, %dma_start3A_143] : memref<400x128xf32, #tpu.memory_space<vmem>> -> memref<80x128xf32, #tpu.memory_space<vmem>>
    %dma_start3A_145 = arith.constant 0 : i32
    %dma_start3A_146 = tpu.memref_slice %arg6[%dma_start3A_145] : memref<400xi32, #tpu.memory_space<vmem>> -> memref<80xi32, #tpu.memory_space<vmem>>
    %dma_start3A_147 = arith.constant 0 : i32
    %dma_start3A_148 = arith.constant 0 : i32
    %dma_start3A_149 = tpu.memref_slice %arg3[%dma_start3A_147, %dma_start3A_148] : memref<1000000x128xf32, #tpu.memory_space<hbm>> -> memref<1000000x128xf32, #tpu.memory_space<hbm>>
    tpu.enqueue_indirect_dma source(%dma_start3A_149 : memref<1000000x128xf32, #tpu.memory_space<hbm>>) target(%dma_start3A_144 : memref<80x128xf32, #tpu.memory_space<vmem>>) offsets(%dma_start3A_146 : memref<80xi32, #tpu.memory_space<vmem>>) semaphore(%arg11 : memref<!tpu.dma_semaphore, #tpu.memory_space<semaphore_mem>>)
    %dma_start3A_150 = arith.constant 80 : i32
    %dma_start3A_151 = arith.constant 0 : i32
    %dma_start3A_152 = tpu.memref_slice %arg8[%dma_start3A_150, %dma_start3A_151] : memref<400x128xf32, #tpu.memory_space<vmem>> -> memref<80x128xf32, #tpu.memory_space<vmem>>
    %dma_start3A_153 = arith.constant 80 : i32
    %dma_start3A_154 = tpu.memref_slice %arg6[%dma_start3A_153] : memref<400xi32, #tpu.memory_space<vmem>> -> memref<80xi32, #tpu.memory_space<vmem>>
    %dma_start3A_155 = arith.constant 0 : i32
    %dma_start3A_156 = arith.constant 0 : i32
    %dma_start3A_157 = tpu.memref_slice %arg3[%dma_start3A_155, %dma_start3A_156] : memref<1000000x128xf32, #tpu.memory_space<hbm>> -> memref<1000000x128xf32, #tpu.memory_space<hbm>>
    tpu.enqueue_indirect_dma source(%dma_start3A_157 : memref<1000000x128xf32, #tpu.memory_space<hbm>>) target(%dma_start3A_152 : memref<80x128xf32, #tpu.memory_space<vmem>>) offsets(%dma_start3A_154 : memref<80xi32, #tpu.memory_space<vmem>>) semaphore(%arg11 : memref<!tpu.dma_semaphore, #tpu.memory_space<semaphore_mem>>)
    %dma_start3A_158 = arith.constant 160 : i32
    %dma_start3A_159 = arith.constant 0 : i32
    %dma_start3A_160 = tpu.memref_slice %arg8[%dma_start3A_158, %dma_start3A_159] : memref<400x128xf32, #tpu.memory_space<vmem>> -> memref<80x128xf32, #tpu.memory_space<vmem>>
    %dma_start3A_161 = arith.constant 160 : i32
    %dma_start3A_162 = tpu.memref_slice %arg6[%dma_start3A_161] : memref<400xi32, #tpu.memory_space<vmem>> -> memref<80xi32, #tpu.memory_space<vmem>>
    %dma_start3A_163 = arith.constant 0 : i32
    %dma_start3A_164 = arith.constant 0 : i32
    %dma_start3A_165 = tpu.memref_slice %arg3[%dma_start3A_163, %dma_start3A_164] : memref<1000000x128xf32, #tpu.memory_space<hbm>> -> memref<1000000x128xf32, #tpu.memory_space<hbm>>
    tpu.enqueue_indirect_dma source(%dma_start3A_165 : memref<1000000x128xf32, #tpu.memory_space<hbm>>) target(%dma_start3A_160 : memref<80x128xf32, #tpu.memory_space<vmem>>) offsets(%dma_start3A_162 : memref<80xi32, #tpu.memory_space<vmem>>) semaphore(%arg11 : memref<!tpu.dma_semaphore, #tpu.memory_space<semaphore_mem>>)
    %dma_start3A_166 = arith.constant 240 : i32
    %dma_start3A_167 = arith.constant 0 : i32
    %dma_start3A_168 = tpu.memref_slice %arg8[%dma_start3A_166, %dma_start3A_167] : memref<400x128xf32, #tpu.memory_space<vmem>> -> memref<80x128xf32, #tpu.memory_space<vmem>>
    %dma_start3A_169 = arith.constant 240 : i32
    %dma_start3A_170 = tpu.memref_slice %arg6[%dma_start3A_169] : memref<400xi32, #tpu.memory_space<vmem>> -> memref<80xi32, #tpu.memory_space<vmem>>
    %dma_start3A_171 = arith.constant 0 : i32
    %dma_start3A_172 = arith.constant 0 : i32
    %dma_start3A_173 = tpu.memref_slice %arg3[%dma_start3A_171, %dma_start3A_172] : memref<1000000x128xf32, #tpu.memory_space<hbm>> -> memref<1000000x128xf32, #tpu.memory_space<hbm>>
    tpu.enqueue_indirect_dma source(%dma_start3A_173 : memref<1000000x128xf32, #tpu.memory_space<hbm>>) target(%dma_start3A_168 : memref<80x128xf32, #tpu.memory_space<vmem>>) offsets(%dma_start3A_170 : memref<80xi32, #tpu.memory_space<vmem>>) semaphore(%arg11 : memref<!tpu.dma_semaphore, #tpu.memory_space<semaphore_mem>>)
    %dma_start3A_174 = arith.constant 320 : i32
    %dma_start3A_175 = arith.constant 0 : i32
    %dma_start3A_176 = tpu.memref_slice %arg8[%dma_start3A_174, %dma_start3A_175] : memref<400x128xf32, #tpu.memory_space<vmem>> -> memref<80x128xf32, #tpu.memory_space<vmem>>
    %dma_start3A_177 = arith.constant 320 : i32
    %dma_start3A_178 = tpu.memref_slice %arg6[%dma_start3A_177] : memref<400xi32, #tpu.memory_space<vmem>> -> memref<80xi32, #tpu.memory_space<vmem>>
    %dma_start3A_179 = arith.constant 0 : i32
    %dma_start3A_180 = arith.constant 0 : i32
    %dma_start3A_181 = tpu.memref_slice %arg3[%dma_start3A_179, %dma_start3A_180] : memref<1000000x128xf32, #tpu.memory_space<hbm>> -> memref<1000000x128xf32, #tpu.memory_space<hbm>>
    tpu.enqueue_indirect_dma source(%dma_start3A_181 : memref<1000000x128xf32, #tpu.memory_space<hbm>>) target(%dma_start3A_176 : memref<80x128xf32, #tpu.memory_space<vmem>>) offsets(%dma_start3A_178 : memref<80xi32, #tpu.memory_space<vmem>>) semaphore(%arg11 : memref<!tpu.dma_semaphore, #tpu.memory_space<semaphore_mem>>)
    %dma_wait3A_182 = arith.constant 0 : i32
    %dma_wait3A_183 = arith.constant 0 : i32
    %dma_wait3A_184 = tpu.memref_slice %arg9[%dma_wait3A_182, %dma_wait3A_183] : memref<400x128xf32, #tpu.memory_space<vmem>> -> memref<80x128xf32, #tpu.memory_space<vmem>>
    %dma_wait3A_185 = arith.constant 0 : i32
    %dma_wait3A_186 = tpu.memref_slice %arg7[%dma_wait3A_185] : memref<400xi32, #tpu.memory_space<vmem>> -> memref<80xi32, #tpu.memory_space<vmem>>
    %dma_wait3A_187 = arith.constant 0 : i32
    %dma_wait3A_188 = arith.constant 0 : i32
    %dma_wait3A_189 = tpu.memref_slice %arg3[%dma_wait3A_187, %dma_wait3A_188] : memref<1000000x128xf32, #tpu.memory_space<hbm>> -> memref<1000000x128xf32, #tpu.memory_space<hbm>>
    tpu.wait_indirect_dma semaphore(%arg12 : memref<!tpu.dma_semaphore, #tpu.memory_space<semaphore_mem>>) src(%dma_wait3A_189 : memref<1000000x128xf32, #tpu.memory_space<hbm>>) dst(%dma_wait3A_184 : memref<80x128xf32, #tpu.memory_space<vmem>>)
    %dma_wait3A_190 = arith.constant 80 : i32
    %dma_wait3A_191 = arith.constant 0 : i32
    %dma_wait3A_192 = tpu.memref_slice %arg9[%dma_wait3A_190, %dma_wait3A_191] : memref<400x128xf32, #tpu.memory_space<vmem>> -> memref<80x128xf32, #tpu.memory_space<vmem>>
    %dma_wait3A_193 = arith.constant 80 : i32
    %dma_wait3A_194 = tpu.memref_slice %arg7[%dma_wait3A_193] : memref<400xi32, #tpu.memory_space<vmem>> -> memref<80xi32, #tpu.memory_space<vmem>>
    %dma_wait3A_195 = arith.constant 0 : i32
    %dma_wait3A_196 = arith.constant 0 : i32
    %dma_wait3A_197 = tpu.memref_slice %arg3[%dma_wait3A_195, %dma_wait3A_196] : memref<1000000x128xf32, #tpu.memory_space<hbm>> -> memref<1000000x128xf32, #tpu.memory_space<hbm>>
    tpu.wait_indirect_dma semaphore(%arg12 : memref<!tpu.dma_semaphore, #tpu.memory_space<semaphore_mem>>) src(%dma_wait3A_197 : memref<1000000x128xf32, #tpu.memory_space<hbm>>) dst(%dma_wait3A_192 : memref<80x128xf32, #tpu.memory_space<vmem>>)
    %dma_wait3A_198 = arith.constant 160 : i32
    %dma_wait3A_199 = arith.constant 0 : i32
    %dma_wait3A_200 = tpu.memref_slice %arg9[%dma_wait3A_198, %dma_wait3A_199] : memref<400x128xf32, #tpu.memory_space<vmem>> -> memref<80x128xf32, #tpu.memory_space<vmem>>
    %dma_wait3A_201 = arith.constant 160 : i32
    %dma_wait3A_202 = tpu.memref_slice %arg7[%dma_wait3A_201] : memref<400xi32, #tpu.memory_space<vmem>> -> memref<80xi32, #tpu.memory_space<vmem>>
    %dma_wait3A_203 = arith.constant 0 : i32
    %dma_wait3A_204 = arith.constant 0 : i32
    %dma_wait3A_205 = tpu.memref_slice %arg3[%dma_wait3A_203, %dma_wait3A_204] : memref<1000000x128xf32, #tpu.memory_space<hbm>> -> memref<1000000x128xf32, #tpu.memory_space<hbm>>
    tpu.wait_indirect_dma semaphore(%arg12 : memref<!tpu.dma_semaphore, #tpu.memory_space<semaphore_mem>>) src(%dma_wait3A_205 : memref<1000000x128xf32, #tpu.memory_space<hbm>>) dst(%dma_wait3A_200 : memref<80x128xf32, #tpu.memory_space<vmem>>)
    %dma_wait3A_206 = arith.constant 240 : i32
    %dma_wait3A_207 = arith.constant 0 : i32
    %dma_wait3A_208 = tpu.memref_slice %arg9[%dma_wait3A_206, %dma_wait3A_207] : memref<400x128xf32, #tpu.memory_space<vmem>> -> memref<80x128xf32, #tpu.memory_space<vmem>>
    %dma_wait3A_209 = arith.constant 240 : i32
    %dma_wait3A_210 = tpu.memref_slice %arg7[%dma_wait3A_209] : memref<400xi32, #tpu.memory_space<vmem>> -> memref<80xi32, #tpu.memory_space<vmem>>
    %dma_wait3A_211 = arith.constant 0 : i32
    %dma_wait3A_212 = arith.constant 0 : i32
    %dma_wait3A_213 = tpu.memref_slice %arg3[%dma_wait3A_211, %dma_wait3A_212] : memref<1000000x128xf32, #tpu.memory_space<hbm>> -> memref<1000000x128xf32, #tpu.memory_space<hbm>>
    tpu.wait_indirect_dma semaphore(%arg12 : memref<!tpu.dma_semaphore, #tpu.memory_space<semaphore_mem>>) src(%dma_wait3A_213 : memref<1000000x128xf32, #tpu.memory_space<hbm>>) dst(%dma_wait3A_208 : memref<80x128xf32, #tpu.memory_space<vmem>>)
    %dma_wait3A_214 = arith.constant 320 : i32
    %dma_wait3A_215 = arith.constant 0 : i32
    %dma_wait3A_216 = tpu.memref_slice %arg9[%dma_wait3A_214, %dma_wait3A_215] : memref<400x128xf32, #tpu.memory_space<vmem>> -> memref<80x128xf32, #tpu.memory_space<vmem>>
    %dma_wait3A_217 = arith.constant 320 : i32
    %dma_wait3A_218 = tpu.memref_slice %arg7[%dma_wait3A_217] : memref<400xi32, #tpu.memory_space<vmem>> -> memref<80xi32, #tpu.memory_space<vmem>>
    %dma_wait3A_219 = arith.constant 0 : i32
    %dma_wait3A_220 = arith.constant 0 : i32
    %dma_wait3A_221 = tpu.memref_slice %arg3[%dma_wait3A_219, %dma_wait3A_220] : memref<1000000x128xf32, #tpu.memory_space<hbm>> -> memref<1000000x128xf32, #tpu.memory_space<hbm>>
    tpu.wait_indirect_dma semaphore(%arg12 : memref<!tpu.dma_semaphore, #tpu.memory_space<semaphore_mem>>) src(%dma_wait3A_221 : memref<1000000x128xf32, #tpu.memory_space<hbm>>) dst(%dma_wait3A_216 : memref<80x128xf32, #tpu.memory_space<vmem>>)
    %scan3A_222 = arith.constant 0 : i32
    %scan3A_223 = arith.constant 0 : i32
    %scan3A_224 = arith.constant 400 : i32
    %scan3A_225 = arith.addi %scan3A_223, %scan3A_224 : i32
    %scan3A_226 = arith.constant 1 : i32
    scf.for %scan3A_1568 = %scan3A_223 to %scan3A_225 step %scan3A_226  : i32 {
      %get3A = arith.index_cast %scan3A_1568 : i32 to index
      %get3A_1569 = arith.constant 0 : index
      %get3A_1570 = tpu.vector_load %arg9[%get3A, %get3A_1569] {strides = array<i32>} : memref<400x128xf32, #tpu.memory_space<vmem>>, vector<1x16xf32>,
      %get3A_1571 = vector.shape_cast %get3A_1570 : vector<1x16xf32> to vector<16xf32>
      %get3A_1572 = arith.index_cast %scan3A_1568 : i32 to index
      %get3A_1573 = arith.constant 0 : index
      %get3A_1574 = tpu.vector_load %arg10[%get3A_1572, %get3A_1573] {strides = array<i32>} : memref<400x64xf32, #tpu.memory_space<vmem>>, vector<1x16xf32>,
      %get3A_1575 = vector.shape_cast %get3A_1574 : vector<1x16xf32> to vector<16xf32>
      %add3A_1576 = arith.addf %get3A_1571, %get3A_1575 : vector<16xf32>
      %swap3A = arith.index_cast %scan3A_1568 : i32 to index
      %swap3A_1577 = arith.constant 0 : index
      %swap3A_1578 = tpu.vector_load %arg9[%swap3A, %swap3A_1577] {strides = array<i32>} : memref<400x128xf32, #tpu.memory_space<vmem>>, vector<1x16xf32>,
      %swap3A_1579 = vector.shape_cast %swap3A_1578 : vector<1x16xf32> to vector<16xf32>
      %swap3A_1580 = vector.shape_cast %add3A_1576 : vector<16xf32> to vector<1x16xf32>
      tpu.vector_store %arg9[%swap3A, %swap3A_1577], %swap3A_1580 {strides = array<i32>} : memref<400x128xf32, #tpu.memory_space<vmem>>, vector<1x16xf32>,
      %get3A_1581 = arith.index_cast %scan3A_1568 : i32 to index
      %get3A_1582 = arith.constant 16 : index
      %get3A_1583 = tpu.vector_load %arg9[%get3A_1581, %get3A_1582] {strides = array<i32>} : memref<400x128xf32, #tpu.memory_space<vmem>>, vector<1x16xf32>,
      %get3A_1584 = vector.shape_cast %get3A_1583 : vector<1x16xf32> to vector<16xf32>
      %get3A_1585 = arith.index_cast %scan3A_1568 : i32 to index
      %get3A_1586 = arith.constant 16 : index
      %get3A_1587 = tpu.vector_load %arg10[%get3A_1585, %get3A_1586] {strides = array<i32>} : memref<400x64xf32, #tpu.memory_space<vmem>>, vector<1x16xf32>,
      %get3A_1588 = vector.shape_cast %get3A_1587 : vector<1x16xf32> to vector<16xf32>
      %add3A_1589 = arith.addf %get3A_1584, %get3A_1588 : vector<16xf32>
      %swap3A_1590 = arith.index_cast %scan3A_1568 : i32 to index
      %swap3A_1591 = arith.constant 16 : index
      %swap3A_1592 = tpu.vector_load %arg9[%swap3A_1590, %swap3A_1591] {strides = array<i32>} : memref<400x128xf32, #tpu.memory_space<vmem>>, vector<1x16xf32>,
      %swap3A_1593 = vector.shape_cast %swap3A_1592 : vector<1x16xf32> to vector<16xf32>
      %swap3A_1594 = vector.shape_cast %add3A_1589 : vector<16xf32> to vector<1x16xf32>
      tpu.vector_store %arg9[%swap3A_1590, %swap3A_1591], %swap3A_1594 {strides = array<i32>} : memref<400x128xf32, #tpu.memory_space<vmem>>, vector<1x16xf32>,
      %get3A_1595 = arith.index_cast %scan3A_1568 : i32 to index
      %get3A_1596 = arith.constant 32 : index
      %get3A_1597 = tpu.vector_load %arg9[%get3A_1595, %get3A_1596] {strides = array<i32>} : memref<400x128xf32, #tpu.memory_space<vmem>>, vector<1x16xf32>,
      %get3A_1598 = vector.shape_cast %get3A_1597 : vector<1x16xf32> to vector<16xf32>
      %get3A_1599 = arith.index_cast %scan3A_1568 : i32 to index
      %get3A_1600 = arith.constant 32 : index
      %get3A_1601 = tpu.vector_load %arg10[%get3A_1599, %get3A_1600] {strides = array<i32>} : memref<400x64xf32, #tpu.memory_space<vmem>>, vector<1x16xf32>,
      %get3A_1602 = vector.shape_cast %get3A_1601 : vector<1x16xf32> to vector<16xf32>
      %add3A_1603 = arith.addf %get3A_1598, %get3A_1602 : vector<16xf32>
      %swap3A_1604 = arith.index_cast %scan3A_1568 : i32 to index
      %swap3A_1605 = arith.constant 32 : index
      %swap3A_1606 = tpu.vector_load %arg9[%swap3A_1604, %swap3A_1605] {strides = array<i32>} : memref<400x128xf32, #tpu.memory_space<vmem>>, vector<1x16xf32>,
      %swap3A_1607 = vector.shape_cast %swap3A_1606 : vector<1x16xf32> to vector<16xf32>
      %swap3A_1608 = vector.shape_cast %add3A_1603 : vector<16xf32> to vector<1x16xf32>
      tpu.vector_store %arg9[%swap3A_1604, %swap3A_1605], %swap3A_1608 {strides = array<i32>} : memref<400x128xf32, #tpu.memory_space<vmem>>, vector<1x16xf32>,
      %get3A_1609 = arith.index_cast %scan3A_1568 : i32 to index
      %get3A_1610 = arith.constant 48 : index
      %get3A_1611 = tpu.vector_load %arg9[%get3A_1609, %get3A_1610] {strides = array<i32>} : memref<400x128xf32, #tpu.memory_space<vmem>>, vector<1x16xf32>,
      %get3A_1612 = vector.shape_cast %get3A_1611 : vector<1x16xf32> to vector<16xf32>
      %get3A_1613 = arith.index_cast %scan3A_1568 : i32 to index
      %get3A_1614 = arith.constant 48 : index
      %get3A_1615 = tpu.vector_load %arg10[%get3A_1613, %get3A_1614] {strides = array<i32>} : memref<400x64xf32, #tpu.memory_space<vmem>>, vector<1x16xf32>,
      %get3A_1616 = vector.shape_cast %get3A_1615 : vector<1x16xf32> to vector<16xf32>
      %add3A_1617 = arith.addf %get3A_1612, %get3A_1616 : vector<16xf32>
      %swap3A_1618 = arith.index_cast %scan3A_1568 : i32 to index
      %swap3A_1619 = arith.constant 48 : index
      %swap3A_1620 = tpu.vector_load %arg9[%swap3A_1618, %swap3A_1619] {strides = array<i32>} : memref<400x128xf32, #tpu.memory_space<vmem>>, vector<1x16xf32>,
      %swap3A_1621 = vector.shape_cast %swap3A_1620 : vector<1x16xf32> to vector<16xf32>
      %swap3A_1622 = vector.shape_cast %add3A_1617 : vector<16xf32> to vector<1x16xf32>
      tpu.vector_store %arg9[%swap3A_1618, %swap3A_1619], %swap3A_1622 {strides = array<i32>} : memref<400x128xf32, #tpu.memory_space<vmem>>, vector<1x16xf32>,
    }
    %scan3A_227 = arith.constant 400 : i32
    %add3A_228 = arith.constant 400 : i32
    %add3A_229 = arith.addi %mul3A_2, %add3A_228 : i32
    %dma_start3A_230 = arith.constant 0 : i32
    %dma_start3A_231 = tpu.memref_slice %arg5[%add3A_229, %dma_start3A_230] : memref<204800x128xf32, #tpu.memory_space<hbm>> -> memref<400x128xf32, #tpu.memory_space<hbm>>
    %dma_start3A_232 = arith.constant 0 : i32
    %dma_start3A_233 = tpu.memref_slice %arg5[%add3A_229, %dma_start3A_232] : memref<204800x128xf32, #tpu.memory_space<hbm>> -> memref<400x128xf32, #tpu.memory_space<hbm>>
    tpu.enqueue_dma source(%arg9 : memref<400x128xf32, #tpu.memory_space<vmem>>) target(%dma_start3A_233 : memref<400x128xf32, #tpu.memory_space<hbm>>) target_semaphore(%arg14 : memref<!tpu.dma_semaphore, #tpu.memory_space<semaphore_mem>>)
    %dma_wait3A_234 = arith.constant 0 : i32
    %dma_wait3A_235 = tpu.memref_slice %arg5[%add3A_229, %dma_wait3A_234] : memref<204800x128xf32, #tpu.memory_space<hbm>> -> memref<400x128xf32, #tpu.memory_space<hbm>>
    %dma_wait3A_236 = arith.constant 0 : i32
    %dma_wait3A_237 = tpu.memref_slice %arg5[%add3A_229, %dma_wait3A_236] : memref<204800x128xf32, #tpu.memory_space<hbm>> -> memref<400x128xf32, #tpu.memory_space<hbm>>
    tpu.wait_dma2 semaphore(%arg14 : memref<!tpu.dma_semaphore, #tpu.memory_space<semaphore_mem>>) src(%arg9 : memref<400x128xf32, #tpu.memory_space<vmem>>) dst(%dma_wait3A_237 : memref<400x128xf32, #tpu.memory_space<hbm>>)
    %add3A_238 = arith.constant 1200 : i32
    %add3A_239 = arith.addi %mul3A_2, %add3A_238 : i32
    "tpu.region"() ({
      %run_scoped3A = tpu.sem_alloc : memref<!tpu.dma_semaphore, #tpu.memory_space<semaphore_mem>>
      %dma_start3A_1568 = tpu.memref_slice %arg2[%add3A_239] : memref<204800xi32, #tpu.memory_space<hbm>> -> memref<400xi32, #tpu.memory_space<hbm>>
      %dma_start3A_1569 = tpu.memref_slice %arg2[%add3A_239] : memref<204800xi32, #tpu.memory_space<hbm>> -> memref<400xi32, #tpu.memory_space<hbm>>
      tpu.enqueue_dma source(%dma_start3A_1569 : memref<400xi32, #tpu.memory_space<hbm>>) target(%arg7 : memref<400xi32, #tpu.memory_space<vmem>>) target_semaphore(%run_scoped3A : memref<!tpu.dma_semaphore, #tpu.memory_space<semaphore_mem>>)
      %dma_wait3A_1570 = tpu.memref_slice %arg2[%add3A_239] : memref<204800xi32, #tpu.memory_space<hbm>> -> memref<400xi32, #tpu.memory_space<hbm>>
      %dma_wait3A_1571 = tpu.memref_slice %arg2[%add3A_239] : memref<204800xi32, #tpu.memory_space<hbm>> -> memref<400xi32, #tpu.memory_space<hbm>>
      tpu.wait_dma2 semaphore(%run_scoped3A : memref<!tpu.dma_semaphore, #tpu.memory_space<semaphore_mem>>) src(%dma_wait3A_1571 : memref<400xi32, #tpu.memory_space<hbm>>) dst(%arg7 : memref<400xi32, #tpu.memory_space<vmem>>)
      tpu.yield
    }) : () -> ()
    %dma_start3A_240 = arith.constant 0 : i32
    %dma_start3A_241 = arith.constant 0 : i32
    %dma_start3A_242 = tpu.memref_slice %arg9[%dma_start3A_240, %dma_start3A_241] : memref<400x128xf32, #tpu.memory_space<vmem>> -> memref<80x128xf32, #tpu.memory_space<vmem>>
    %dma_start3A_243 = arith.constant 0 : i32
    %dma_start3A_244 = tpu.memref_slice %arg7[%dma_start3A_243] : memref<400xi32, #tpu.memory_space<vmem>> -> memref<80xi32, #tpu.memory_space<vmem>>
    %dma_start3A_245 = arith.constant 0 : i32
    %dma_start3A_246 = arith.constant 0 : i32
    %dma_start3A_247 = tpu.memref_slice %arg3[%dma_start3A_245, %dma_start3A_246] : memref<1000000x128xf32, #tpu.memory_space<hbm>> -> memref<1000000x128xf32, #tpu.memory_space<hbm>>
    tpu.enqueue_indirect_dma source(%dma_start3A_247 : memref<1000000x128xf32, #tpu.memory_space<hbm>>) target(%dma_start3A_242 : memref<80x128xf32, #tpu.memory_space<vmem>>) offsets(%dma_start3A_244 : memref<80xi32, #tpu.memory_space<vmem>>) semaphore(%arg12 : memref<!tpu.dma_semaphore, #tpu.memory_space<semaphore_mem>>)
    %dma_start3A_248 = arith.constant 80 : i32
    %dma_start3A_249 = arith.constant 0 : i32
    %dma_start3A_250 = tpu.memref_slice %arg9[%dma_start3A_248, %dma_start3A_249] : memref<400x128xf32, #tpu.memory_space<vmem>> -> memref<80x128xf32, #tpu.memory_space<vmem>>
    %dma_start3A_251 = arith.constant 80 : i32
    %dma_start3A_252 = tpu.memref_slice %arg7[%dma_start3A_251] : memref<400xi32, #tpu.memory_space<vmem>> -> memref<80xi32, #tpu.memory_space<vmem>>
    %dma_start3A_253 = arith.constant 0 : i32
    %dma_start3A_254 = arith.constant 0 : i32
    %dma_start3A_255 = tpu.memref_slice %arg3[%dma_start3A_253, %dma_start3A_254] : memref<1000000x128xf32, #tpu.memory_space<hbm>> -> memref<1000000x128xf32, #tpu.memory_space<hbm>>
    tpu.enqueue_indirect_dma source(%dma_start3A_255 : memref<1000000x128xf32, #tpu.memory_space<hbm>>) target(%dma_start3A_250 : memref<80x128xf32, #tpu.memory_space<vmem>>) offsets(%dma_start3A_252 : memref<80xi32, #tpu.memory_space<vmem>>) semaphore(%arg12 : memref<!tpu.dma_semaphore, #tpu.memory_space<semaphore_mem>>)
    %dma_start3A_256 = arith.constant 160 : i32
    %dma_start3A_257 = arith.constant 0 : i32
    %dma_start3A_258 = tpu.memref_slice %arg9[%dma_start3A_256, %dma_start3A_257] : memref<400x128xf32, #tpu.memory_space<vmem>> -> memref<80x128xf32, #tpu.memory_space<vmem>>
    %dma_start3A_259 = arith.constant 160 : i32
    %dma_start3A_260 = tpu.memref_slice %arg7[%dma_start3A_259] : memref<400xi32, #tpu.memory_space<vmem>> -> memref<80xi32, #tpu.memory_space<vmem>>
    %dma_start3A_261 = arith.constant 0 : i32
    %dma_start3A_262 = arith.constant 0 : i32
    %dma_start3A_263 = tpu.memref_slice %arg3[%dma_start3A_261, %dma_start3A_262] : memref<1000000x128xf32, #tpu.memory_space<hbm>> -> memref<1000000x128xf32, #tpu.memory_space<hbm>>
    tpu.enqueue_indirect_dma source(%dma_start3A_263 : memref<1000000x128xf32, #tpu.memory_space<hbm>>) target(%dma_start3A_258 : memref<80x128xf32, #tpu.memory_space<vmem>>) offsets(%dma_start3A_260 : memref<80xi32, #tpu.memory_space<vmem>>) semaphore(%arg12 : memref<!tpu.dma_semaphore, #tpu.memory_space<semaphore_mem>>)
    %dma_start3A_264 = arith.constant 240 : i32
    %dma_start3A_265 = arith.constant 0 : i32
    %dma_start3A_266 = tpu.memref_slice %arg9[%dma_start3A_264, %dma_start3A_265] : memref<400x128xf32, #tpu.memory_space<vmem>> -> memref<80x128xf32, #tpu.memory_space<vmem>>
    %dma_start3A_267 = arith.constant 240 : i32
    %dma_start3A_268 = tpu.memref_slice %arg7[%dma_start3A_267] : memref<400xi32, #tpu.memory_space<vmem>> -> memref<80xi32, #tpu.memory_space<vmem>>
    %dma_start3A_269 = arith.constant 0 : i32
    %dma_start3A_270 = arith.constant 0 : i32
    %dma_start3A_271 = tpu.memref_slice %arg3[%dma_start3A_269, %dma_start3A_270] : memref<1000000x128xf32, #tpu.memory_space<hbm>> -> memref<1000000x128xf32, #tpu.memory_space<hbm>>
    tpu.enqueue_indirect_dma source(%dma_start3A_271 : memref<1000000x128xf32, #tpu.memory_space<hbm>>) target(%dma_start3A_266 : memref<80x128xf32, #tpu.memory_space<vmem>>) offsets(%dma_start3A_268 : memref<80xi32, #tpu.memory_space<vmem>>) semaphore(%arg12 : memref<!tpu.dma_semaphore, #tpu.memory_space<semaphore_mem>>)
    %dma_start3A_272 = arith.constant 320 : i32
    %dma_start3A_273 = arith.constant 0 : i32
    %dma_start3A_274 = tpu.memref_slice %arg9[%dma_start3A_272, %dma_start3A_273] : memref<400x128xf32, #tpu.memory_space<vmem>> -> memref<80x128xf32, #tpu.memory_space<vmem>>
    %dma_start3A_275 = arith.constant 320 : i32
    %dma_start3A_276 = tpu.memref_slice %arg7[%dma_start3A_275] : memref<400xi32, #tpu.memory_space<vmem>> -> memref<80xi32, #tpu.memory_space<vmem>>
    %dma_start3A_277 = arith.constant 0 : i32
    %dma_start3A_278 = arith.constant 0 : i32
    %dma_start3A_279 = tpu.memref_slice %arg3[%dma_start3A_277, %dma_start3A_278] : memref<1000000x128xf32, #tpu.memory_space<hbm>> -> memref<1000000x128xf32, #tpu.memory_space<hbm>>
    tpu.enqueue_indirect_dma source(%dma_start3A_279 : memref<1000000x128xf32, #tpu.memory_space<hbm>>) target(%dma_start3A_274 : memref<80x128xf32, #tpu.memory_space<vmem>>) offsets(%dma_start3A_276 : memref<80xi32, #tpu.memory_space<vmem>>) semaphore(%arg12 : memref<!tpu.dma_semaphore, #tpu.memory_space<semaphore_mem>>)
    %dma_wait3A_280 = arith.constant 0 : i32
    %dma_wait3A_281 = arith.constant 0 : i32
    %dma_wait3A_282 = tpu.memref_slice %arg8[%dma_wait3A_280, %dma_wait3A_281] : memref<400x128xf32, #tpu.memory_space<vmem>> -> memref<80x128xf32, #tpu.memory_space<vmem>>
    %dma_wait3A_283 = arith.constant 0 : i32
    %dma_wait3A_284 = tpu.memref_slice %arg6[%dma_wait3A_283] : memref<400xi32, #tpu.memory_space<vmem>> -> memref<80xi32, #tpu.memory_space<vmem>>
    %dma_wait3A_285 = arith.constant 0 : i32
    %dma_wait3A_286 = arith.constant 0 : i32
    %dma_wait3A_287 = tpu.memref_slice %arg3[%dma_wait3A_285, %dma_wait3A_286] : memref<1000000x128xf32, #tpu.memory_space<hbm>> -> memref<1000000x128xf32, #tpu.memory_space<hbm>>
    tpu.wait_indirect_dma semaphore(%arg11 : memref<!tpu.dma_semaphore, #tpu.memory_space<semaphore_mem>>) src(%dma_wait3A_287 : memref<1000000x128xf32, #tpu.memory_space<hbm>>) dst(%dma_wait3A_282 : memref<80x128xf32, #tpu.memory_space<vmem>>)
    %dma_wait3A_288 = arith.constant 80 : i32
    %dma_wait3A_289 = arith.constant 0 : i32
    %dma_wait3A_290 = tpu.memref_slice %arg8[%dma_wait3A_288, %dma_wait3A_289] : memref<400x128xf32, #tpu.memory_space<vmem>> -> memref<80x128xf32, #tpu.memory_space<vmem>>
    %dma_wait3A_291 = arith.constant 80 : i32
    %dma_wait3A_292 = tpu.memref_slice %arg6[%dma_wait3A_291] : memref<400xi32, #tpu.memory_space<vmem>> -> memref<80xi32, #tpu.memory_space<vmem>>
    %dma_wait3A_293 = arith.constant 0 : i32
    %dma_wait3A_294 = arith.constant 0 : i32
    %dma_wait3A_295 = tpu.memref_slice %arg3[%dma_wait3A_293, %dma_wait3A_294] : memref<1000000x128xf32, #tpu.memory_space<hbm>> -> memref<1000000x128xf32, #tpu.memory_space<hbm>>
    tpu.wait_indirect_dma semaphore(%arg11 : memref<!tpu.dma_semaphore, #tpu.memory_space<semaphore_mem>>) src(%dma_wait3A_295 : memref<1000000x128xf32, #tpu.memory_space<hbm>>) dst(%dma_wait3A_290 : memref<80x128xf32, #tpu.memory_space<vmem>>)
    %dma_wait3A_296 = arith.constant 160 : i32
    %dma_wait3A_297 = arith.constant 0 : i32
    %dma_wait3A_298 = tpu.memref_slice %arg8[%dma_wait3A_296, %dma_wait3A_297] : memref<400x128xf32, #tpu.memory_space<vmem>> -> memref<80x128xf32, #tpu.memory_space<vmem>>
    %dma_wait3A_299 = arith.constant 160 : i32
    %dma_wait3A_300 = tpu.memref_slice %arg6[%dma_wait3A_299] : memref<400xi32, #tpu.memory_space<vmem>> -> memref<80xi32, #tpu.memory_space<vmem>>
    %dma_wait3A_301 = arith.constant 0 : i32
    %dma_wait3A_302 = arith.constant 0 : i32
    %dma_wait3A_303 = tpu.memref_slice %arg3[%dma_wait3A_301, %dma_wait3A_302] : memref<1000000x128xf32, #tpu.memory_space<hbm>> -> memref<1000000x128xf32, #tpu.memory_space<hbm>>
    tpu.wait_indirect_dma semaphore(%arg11 : memref<!tpu.dma_semaphore, #tpu.memory_space<semaphore_mem>>) src(%dma_wait3A_303 : memref<1000000x128xf32, #tpu.memory_space<hbm>>) dst(%dma_wait3A_298 : memref<80x128xf32, #tpu.memory_space<vmem>>)
    %dma_wait3A_304 = arith.constant 240 : i32
    %dma_wait3A_305 = arith.constant 0 : i32
    %dma_wait3A_306 = tpu.memref_slice %arg8[%dma_wait3A_304, %dma_wait3A_305] : memref<400x128xf32, #tpu.memory_space<vmem>> -> memref<80x128xf32, #tpu.memory_space<vmem>>
    %dma_wait3A_307 = arith.constant 240 : i32
    %dma_wait3A_308 = tpu.memref_slice %arg6[%dma_wait3A_307] : memref<400xi32, #tpu.memory_space<vmem>> -> memref<80xi32, #tpu.memory_space<vmem>>
    %dma_wait3A_309 = arith.constant 0 : i32
    %dma_wait3A_310 = arith.constant 0 : i32
    %dma_wait3A_311 = tpu.memref_slice %arg3[%dma_wait3A_309, %dma_wait3A_310] : memref<1000000x128xf32, #tpu.memory_space<hbm>> -> memref<1000000x128xf32, #tpu.memory_space<hbm>>
    tpu.wait_indirect_dma semaphore(%arg11 : memref<!tpu.dma_semaphore, #tpu.memory_space<semaphore_mem>>) src(%dma_wait3A_311 : memref<1000000x128xf32, #tpu.memory_space<hbm>>) dst(%dma_wait3A_306 : memref<80x128xf32, #tpu.memory_space<vmem>>)
    %dma_wait3A_312 = arith.constant 320 : i32
    %dma_wait3A_313 = arith.constant 0 : i32
    %dma_wait3A_314 = tpu.memref_slice %arg8[%dma_wait3A_312, %dma_wait3A_313] : memref<400x128xf32, #tpu.memory_space<vmem>> -> memref<80x128xf32, #tpu.memory_space<vmem>>
    %dma_wait3A_315 = arith.constant 320 : i32
    %dma_wait3A_316 = tpu.memref_slice %arg6[%dma_wait3A_315] : memref<400xi32, #tpu.memory_space<vmem>> -> memref<80xi32, #tpu.memory_space<vmem>>
    %dma_wait3A_317 = arith.constant 0 : i32
    %dma_wait3A_318 = arith.constant 0 : i32
    %dma_wait3A_319 = tpu.memref_slice %arg3[%dma_wait3A_317, %dma_wait3A_318] : memref<1000000x128xf32, #tpu.memory_space<hbm>> -> memref<1000000x128xf32, #tpu.memory_space<hbm>>
    tpu.wait_indirect_dma semaphore(%arg11 : memref<!tpu.dma_semaphore, #tpu.memory_space<semaphore_mem>>) src(%dma_wait3A_319 : memref<1000000x128xf32, #tpu.memory_space<hbm>>) dst(%dma_wait3A_314 : memref<80x128xf32, #tpu.memory_space<vmem>>)
    %scan3A_320 = arith.constant 0 : i32
    %scan3A_321 = arith.constant 0 : i32
    %scan3A_322 = arith.constant 400 : i32
    %scan3A_323 = arith.addi %scan3A_321, %scan3A_322 : i32
    %scan3A_324 = arith.constant 1 : i32
    scf.for %scan3A_1568 = %scan3A_321 to %scan3A_323 step %scan3A_324  : i32 {
      %get3A = arith.index_cast %scan3A_1568 : i32 to index
      %get3A_1569 = arith.constant 0 : index
      %get3A_1570 = tpu.vector_load %arg8[%get3A, %get3A_1569] {strides = array<i32>} : memref<400x128xf32, #tpu.memory_space<vmem>>, vector<1x16xf32>,
      %get3A_1571 = vector.shape_cast %get3A_1570 : vector<1x16xf32> to vector<16xf32>
      %get3A_1572 = arith.index_cast %scan3A_1568 : i32 to index
      %get3A_1573 = arith.constant 0 : index
      %get3A_1574 = tpu.vector_load %arg10[%get3A_1572, %get3A_1573] {strides = array<i32>} : memref<400x64xf32, #tpu.memory_space<vmem>>, vector<1x16xf32>,
      %get3A_1575 = vector.shape_cast %get3A_1574 : vector<1x16xf32> to vector<16xf32>
      %add3A_1576 = arith.addf %get3A_1571, %get3A_1575 : vector<16xf32>
      %swap3A = arith.index_cast %scan3A_1568 : i32 to index
      %swap3A_1577 = arith.constant 0 : index
      %swap3A_1578 = tpu.vector_load %arg8[%swap3A, %swap3A_1577] {strides = array<i32>} : memref<400x128xf32, #tpu.memory_space<vmem>>, vector<1x16xf32>,
      %swap3A_1579 = vector.shape_cast %swap3A_1578 : vector<1x16xf32> to vector<16xf32>
      %swap3A_1580 = vector.shape_cast %add3A_1576 : vector<16xf32> to vector<1x16xf32>
      tpu.vector_store %arg8[%swap3A, %swap3A_1577], %swap3A_1580 {strides = array<i32>} : memref<400x128xf32, #tpu.memory_space<vmem>>, vector<1x16xf32>,
      %get3A_1581 = arith.index_cast %scan3A_1568 : i32 to index
      %get3A_1582 = arith.constant 16 : index
      %get3A_1583 = tpu.vector_load %arg8[%get3A_1581, %get3A_1582] {strides = array<i32>} : memref<400x128xf32, #tpu.memory_space<vmem>>, vector<1x16xf32>,
      %get3A_1584 = vector.shape_cast %get3A_1583 : vector<1x16xf32> to vector<16xf32>
      %get3A_1585 = arith.index_cast %scan3A_1568 : i32 to index
      %get3A_1586 = arith.constant 16 : index
      %get3A_1587 = tpu.vector_load %arg10[%get3A_1585, %get3A_1586] {strides = array<i32>} : memref<400x64xf32, #tpu.memory_space<vmem>>, vector<1x16xf32>,
      %get3A_1588 = vector.shape_cast %get3A_1587 : vector<1x16xf32> to vector<16xf32>
      %add3A_1589 = arith.addf %get3A_1584, %get3A_1588 : vector<16xf32>
      %swap3A_1590 = arith.index_cast %scan3A_1568 : i32 to index
      %swap3A_1591 = arith.constant 16 : index
      %swap3A_1592 = tpu.vector_load %arg8[%swap3A_1590, %swap3A_1591] {strides = array<i32>} : memref<400x128xf32, #tpu.memory_space<vmem>>, vector<1x16xf32>,
      %swap3A_1593 = vector.shape_cast %swap3A_1592 : vector<1x16xf32> to vector<16xf32>
      %swap3A_1594 = vector.shape_cast %add3A_1589 : vector<16xf32> to vector<1x16xf32>
      tpu.vector_store %arg8[%swap3A_1590, %swap3A_1591], %swap3A_1594 {strides = array<i32>} : memref<400x128xf32, #tpu.memory_space<vmem>>, vector<1x16xf32>,
      %get3A_1595 = arith.index_cast %scan3A_1568 : i32 to index
      %get3A_1596 = arith.constant 32 : index
      %get3A_1597 = tpu.vector_load %arg8[%get3A_1595, %get3A_1596] {strides = array<i32>} : memref<400x128xf32, #tpu.memory_space<vmem>>, vector<1x16xf32>,
      %get3A_1598 = vector.shape_cast %get3A_1597 : vector<1x16xf32> to vector<16xf32>
      %get3A_1599 = arith.index_cast %scan3A_1568 : i32 to index
      %get3A_1600 = arith.constant 32 : index
      %get3A_1601 = tpu.vector_load %arg10[%get3A_1599, %get3A_1600] {strides = array<i32>} : memref<400x64xf32, #tpu.memory_space<vmem>>, vector<1x16xf32>,
      %get3A_1602 = vector.shape_cast %get3A_1601 : vector<1x16xf32> to vector<16xf32>
      %add3A_1603 = arith.addf %get3A_1598, %get3A_1602 : vector<16xf32>
      %swap3A_1604 = arith.index_cast %scan3A_1568 : i32 to index
      %swap3A_1605 = arith.constant 32 : index
      %swap3A_1606 = tpu.vector_load %arg8[%swap3A_1604, %swap3A_1605] {strides = array<i32>} : memref<400x128xf32, #tpu.memory_space<vmem>>, vector<1x16xf32>,
      %swap3A_1607 = vector.shape_cast %swap3A_1606 : vector<1x16xf32> to vector<16xf32>
      %swap3A_1608 = vector.shape_cast %add3A_1603 : vector<16xf32> to vector<1x16xf32>
      tpu.vector_store %arg8[%swap3A_1604, %swap3A_1605], %swap3A_1608 {strides = array<i32>} : memref<400x128xf32, #tpu.memory_space<vmem>>, vector<1x16xf32>,
      %get3A_1609 = arith.index_cast %scan3A_1568 : i32 to index
      %get3A_1610 = arith.constant 48 : index
      %get3A_1611 = tpu.vector_load %arg8[%get3A_1609, %get3A_1610] {strides = array<i32>} : memref<400x128xf32, #tpu.memory_space<vmem>>, vector<1x16xf32>,
      %get3A_1612 = vector.shape_cast %get3A_1611 : vector<1x16xf32> to vector<16xf32>
      %get3A_1613 = arith.index_cast %scan3A_1568 : i32 to index
      %get3A_1614 = arith.constant 48 : index
      %get3A_1615 = tpu.vector_load %arg10[%get3A_1613, %get3A_1614] {strides = array<i32>} : memref<400x64xf32, #tpu.memory_space<vmem>>, vector<1x16xf32>,
      %get3A_1616 = vector.shape_cast %get3A_1615 : vector<1x16xf32> to vector<16xf32>
      %add3A_1617 = arith.addf %get3A_1612, %get3A_1616 : vector<16xf32>
      %swap3A_1618 = arith.index_cast %scan3A_1568 : i32 to index
      %swap3A_1619 = arith.constant 48 : index
      %swap3A_1620 = tpu.vector_load %arg8[%swap3A_1618, %swap3A_1619] {strides = array<i32>} : memref<400x128xf32, #tpu.memory_space<vmem>>, vector<1x16xf32>,
      %swap3A_1621 = vector.shape_cast %swap3A_1620 : vector<1x16xf32> to vector<16xf32>
      %swap3A_1622 = vector.shape_cast %add3A_1617 : vector<16xf32> to vector<1x16xf32>
      tpu.vector_store %arg8[%swap3A_1618, %swap3A_1619], %swap3A_1622 {strides = array<i32>} : memref<400x128xf32, #tpu.memory_space<vmem>>, vector<1x16xf32>,
    }
    %scan3A_325 = arith.constant 400 : i32
    %add3A_326 = arith.constant 800 : i32
    %add3A_327 = arith.addi %mul3A_2, %add3A_326 : i32
    %dma_start3A_328 = arith.constant 0 : i32
    %dma_start3A_329 = tpu.memref_slice %arg5[%add3A_327, %dma_start3A_328] : memref<204800x128xf32, #tpu.memory_space<hbm>> -> memref<400x128xf32, #tpu.memory_space<hbm>>
    %dma_start3A_330 = arith.constant 0 : i32
    %dma_start3A_331 = tpu.memref_slice %arg5[%add3A_327, %dma_start3A_330] : memref<204800x128xf32, #tpu.memory_space<hbm>> -> memref<400x128xf32, #tpu.memory_space<hbm>>
    tpu.enqueue_dma source(%arg8 : memref<400x128xf32, #tpu.memory_space<vmem>>) target(%dma_start3A_331 : memref<400x128xf32, #tpu.memory_space<hbm>>) target_semaphore(%arg13 : memref<!tpu.dma_semaphore, #tpu.memory_space<semaphore_mem>>)
    %dma_wait3A_332 = arith.constant 0 : i32
    %dma_wait3A_333 = tpu.memref_slice %arg5[%add3A_327, %dma_wait3A_332] : memref<204800x128xf32, #tpu.memory_space<hbm>> -> memref<400x128xf32, #tpu.memory_space<hbm>>
    %dma_wait3A_334 = arith.constant 0 : i32
    %dma_wait3A_335 = tpu.memref_slice %arg5[%add3A_327, %dma_wait3A_334] : memref<204800x128xf32, #tpu.memory_space<hbm>> -> memref<400x128xf32, #tpu.memory_space<hbm>>
    tpu.wait_dma2 semaphore(%arg13 : memref<!tpu.dma_semaphore, #tpu.memory_space<semaphore_mem>>) src(%arg8 : memref<400x128xf32, #tpu.memory_space<vmem>>) dst(%dma_wait3A_335 : memref<400x128xf32, #tpu.memory_space<hbm>>)
    %add3A_336 = arith.constant 1600 : i32
    %add3A_337 = arith.addi %mul3A_2, %add3A_336 : i32
    "tpu.region"() ({
      %run_scoped3A = tpu.sem_alloc : memref<!tpu.dma_semaphore, #tpu.memory_space<semaphore_mem>>
      %dma_start3A_1568 = tpu.memref_slice %arg2[%add3A_337] : memref<204800xi32, #tpu.memory_space<hbm>> -> memref<400xi32, #tpu.memory_space<hbm>>
      %dma_start3A_1569 = tpu.memref_slice %arg2[%add3A_337] : memref<204800xi32, #tpu.memory_space<hbm>> -> memref<400xi32, #tpu.memory_space<hbm>>
      tpu.enqueue_dma source(%dma_start3A_1569 : memref<400xi32, #tpu.memory_space<hbm>>) target(%arg6 : memref<400xi32, #tpu.memory_space<vmem>>) target_semaphore(%run_scoped3A : memref<!tpu.dma_semaphore, #tpu.memory_space<semaphore_mem>>)
      %dma_wait3A_1570 = tpu.memref_slice %arg2[%add3A_337] : memref<204800xi32, #tpu.memory_space<hbm>> -> memref<400xi32, #tpu.memory_space<hbm>>
      %dma_wait3A_1571 = tpu.memref_slice %arg2[%add3A_337] : memref<204800xi32, #tpu.memory_space<hbm>> -> memref<400xi32, #tpu.memory_space<hbm>>
      tpu.wait_dma2 semaphore(%run_scoped3A : memref<!tpu.dma_semaphore, #tpu.memory_space<semaphore_mem>>) src(%dma_wait3A_1571 : memref<400xi32, #tpu.memory_space<hbm>>) dst(%arg6 : memref<400xi32, #tpu.memory_space<vmem>>)
      tpu.yield
    }) : () -> ()
    %dma_start3A_338 = arith.constant 0 : i32
    %dma_start3A_339 = arith.constant 0 : i32
    %dma_start3A_340 = tpu.memref_slice %arg8[%dma_start3A_338, %dma_start3A_339] : memref<400x128xf32, #tpu.memory_space<vmem>> -> memref<80x128xf32, #tpu.memory_space<vmem>>
    %dma_start3A_341 = arith.constant 0 : i32
    %dma_start3A_342 = tpu.memref_slice %arg6[%dma_start3A_341] : memref<400xi32, #tpu.memory_space<vmem>> -> memref<80xi32, #tpu.memory_space<vmem>>
    %dma_start3A_343 = arith.constant 0 : i32
    %dma_start3A_344 = arith.constant 0 : i32
    %dma_start3A_345 = tpu.memref_slice %arg3[%dma_start3A_343, %dma_start3A_344] : memref<1000000x128xf32, #tpu.memory_space<hbm>> -> memref<1000000x128xf32, #tpu.memory_space<hbm>>
    tpu.enqueue_indirect_dma source(%dma_start3A_345 : memref<1000000x128xf32, #tpu.memory_space<hbm>>) target(%dma_start3A_340 : memref<80x128xf32, #tpu.memory_space<vmem>>) offsets(%dma_start3A_342 : memref<80xi32, #tpu.memory_space<vmem>>) semaphore(%arg11 : memref<!tpu.dma_semaphore, #tpu.memory_space<semaphore_mem>>)
    %dma_start3A_346 = arith.constant 80 : i32
    %dma_start3A_347 = arith.constant 0 : i32
    %dma_start3A_348 = tpu.memref_slice %arg8[%dma_start3A_346, %dma_start3A_347] : memref<400x128xf32, #tpu.memory_space<vmem>> -> memref<80x128xf32, #tpu.memory_space<vmem>>
    %dma_start3A_349 = arith.constant 80 : i32
    %dma_start3A_350 = tpu.memref_slice %arg6[%dma_start3A_349] : memref<400xi32, #tpu.memory_space<vmem>> -> memref<80xi32, #tpu.memory_space<vmem>>
    %dma_start3A_351 = arith.constant 0 : i32
    %dma_start3A_352 = arith.constant 0 : i32
    %dma_start3A_353 = tpu.memref_slice %arg3[%dma_start3A_351, %dma_start3A_352] : memref<1000000x128xf32, #tpu.memory_space<hbm>> -> memref<1000000x128xf32, #tpu.memory_space<hbm>>
    tpu.enqueue_indirect_dma source(%dma_start3A_353 : memref<1000000x128xf32, #tpu.memory_space<hbm>>) target(%dma_start3A_348 : memref<80x128xf32, #tpu.memory_space<vmem>>) offsets(%dma_start3A_350 : memref<80xi32, #tpu.memory_space<vmem>>) semaphore(%arg11 : memref<!tpu.dma_semaphore, #tpu.memory_space<semaphore_mem>>)
    %dma_start3A_354 = arith.constant 160 : i32
    %dma_start3A_355 = arith.constant 0 : i32
    %dma_start3A_356 = tpu.memref_slice %arg8[%dma_start3A_354, %dma_start3A_355] : memref<400x128xf32, #tpu.memory_space<vmem>> -> memref<80x128xf32, #tpu.memory_space<vmem>>
    %dma_start3A_357 = arith.constant 160 : i32
    %dma_start3A_358 = tpu.memref_slice %arg6[%dma_start3A_357] : memref<400xi32, #tpu.memory_space<vmem>> -> memref<80xi32, #tpu.memory_space<vmem>>
    %dma_start3A_359 = arith.constant 0 : i32
    %dma_start3A_360 = arith.constant 0 : i32
    %dma_start3A_361 = tpu.memref_slice %arg3[%dma_start3A_359, %dma_start3A_360] : memref<1000000x128xf32, #tpu.memory_space<hbm>> -> memref<1000000x128xf32, #tpu.memory_space<hbm>>
    tpu.enqueue_indirect_dma source(%dma_start3A_361 : memref<1000000x128xf32, #tpu.memory_space<hbm>>) target(%dma_start3A_356 : memref<80x128xf32, #tpu.memory_space<vmem>>) offsets(%dma_start3A_358 : memref<80xi32, #tpu.memory_space<vmem>>) semaphore(%arg11 : memref<!tpu.dma_semaphore, #tpu.memory_space<semaphore_mem>>)
    %dma_start3A_362 = arith.constant 240 : i32
    %dma_start3A_363 = arith.constant 0 : i32
    %dma_start3A_364 = tpu.memref_slice %arg8[%dma_start3A_362, %dma_start3A_363] : memref<400x128xf32, #tpu.memory_space<vmem>> -> memref<80x128xf32, #tpu.memory_space<vmem>>
    %dma_start3A_365 = arith.constant 240 : i32
    %dma_start3A_366 = tpu.memref_slice %arg6[%dma_start3A_365] : memref<400xi32, #tpu.memory_space<vmem>> -> memref<80xi32, #tpu.memory_space<vmem>>
    %dma_start3A_367 = arith.constant 0 : i32
    %dma_start3A_368 = arith.constant 0 : i32
    %dma_start3A_369 = tpu.memref_slice %arg3[%dma_start3A_367, %dma_start3A_368] : memref<1000000x128xf32, #tpu.memory_space<hbm>> -> memref<1000000x128xf32, #tpu.memory_space<hbm>>
    tpu.enqueue_indirect_dma source(%dma_start3A_369 : memref<1000000x128xf32, #tpu.memory_space<hbm>>) target(%dma_start3A_364 : memref<80x128xf32, #tpu.memory_space<vmem>>) offsets(%dma_start3A_366 : memref<80xi32, #tpu.memory_space<vmem>>) semaphore(%arg11 : memref<!tpu.dma_semaphore, #tpu.memory_space<semaphore_mem>>)
    %dma_start3A_370 = arith.constant 320 : i32
    %dma_start3A_371 = arith.constant 0 : i32
    %dma_start3A_372 = tpu.memref_slice %arg8[%dma_start3A_370, %dma_start3A_371] : memref<400x128xf32, #tpu.memory_space<vmem>> -> memref<80x128xf32, #tpu.memory_space<vmem>>
    %dma_start3A_373 = arith.constant 320 : i32
    %dma_start3A_374 = tpu.memref_slice %arg6[%dma_start3A_373] : memref<400xi32, #tpu.memory_space<vmem>> -> memref<80xi32, #tpu.memory_space<vmem>>
    %dma_start3A_375 = arith.constant 0 : i32
    %dma_start3A_376 = arith.constant 0 : i32
    %dma_start3A_377 = tpu.memref_slice %arg3[%dma_start3A_375, %dma_start3A_376] : memref<1000000x128xf32, #tpu.memory_space<hbm>> -> memref<1000000x128xf32, #tpu.memory_space<hbm>>
    tpu.enqueue_indirect_dma source(%dma_start3A_377 : memref<1000000x128xf32, #tpu.memory_space<hbm>>) target(%dma_start3A_372 : memref<80x128xf32, #tpu.memory_space<vmem>>) offsets(%dma_start3A_374 : memref<80xi32, #tpu.memory_space<vmem>>) semaphore(%arg11 : memref<!tpu.dma_semaphore, #tpu.memory_space<semaphore_mem>>)
    %dma_wait3A_378 = arith.constant 0 : i32
    %dma_wait3A_379 = arith.constant 0 : i32
    %dma_wait3A_380 = tpu.memref_slice %arg9[%dma_wait3A_378, %dma_wait3A_379] : memref<400x128xf32, #tpu.memory_space<vmem>> -> memref<80x128xf32, #tpu.memory_space<vmem>>
    %dma_wait3A_381 = arith.constant 0 : i32
    %dma_wait3A_382 = tpu.memref_slice %arg7[%dma_wait3A_381] : memref<400xi32, #tpu.memory_space<vmem>> -> memref<80xi32, #tpu.memory_space<vmem>>
    %dma_wait3A_383 = arith.constant 0 : i32
    %dma_wait3A_384 = arith.constant 0 : i32
    %dma_wait3A_385 = tpu.memref_slice %arg3[%dma_wait3A_383, %dma_wait3A_384] : memref<1000000x128xf32, #tpu.memory_space<hbm>> -> memref<1000000x128xf32, #tpu.memory_space<hbm>>
    tpu.wait_indirect_dma semaphore(%arg12 : memref<!tpu.dma_semaphore, #tpu.memory_space<semaphore_mem>>) src(%dma_wait3A_385 : memref<1000000x128xf32, #tpu.memory_space<hbm>>) dst(%dma_wait3A_380 : memref<80x128xf32, #tpu.memory_space<vmem>>)
    %dma_wait3A_386 = arith.constant 80 : i32
    %dma_wait3A_387 = arith.constant 0 : i32
    %dma_wait3A_388 = tpu.memref_slice %arg9[%dma_wait3A_386, %dma_wait3A_387] : memref<400x128xf32, #tpu.memory_space<vmem>> -> memref<80x128xf32, #tpu.memory_space<vmem>>
    %dma_wait3A_389 = arith.constant 80 : i32
    %dma_wait3A_390 = tpu.memref_slice %arg7[%dma_wait3A_389] : memref<400xi32, #tpu.memory_space<vmem>> -> memref<80xi32, #tpu.memory_space<vmem>>
    %dma_wait3A_391 = arith.constant 0 : i32
    %dma_wait3A_392 = arith.constant 0 : i32
    %dma_wait3A_393 = tpu.memref_slice %arg3[%dma_wait3A_391, %dma_wait3A_392] : memref<1000000x128xf32, #tpu.memory_space<hbm>> -> memref<1000000x128xf32, #tpu.memory_space<hbm>>
    tpu.wait_indirect_dma semaphore(%arg12 : memref<!tpu.dma_semaphore, #tpu.memory_space<semaphore_mem>>) src(%dma_wait3A_393 : memref<1000000x128xf32, #tpu.memory_space<hbm>>) dst(%dma_wait3A_388 : memref<80x128xf32, #tpu.memory_space<vmem>>)
    %dma_wait3A_394 = arith.constant 160 : i32
    %dma_wait3A_395 = arith.constant 0 : i32
    %dma_wait3A_396 = tpu.memref_slice %arg9[%dma_wait3A_394, %dma_wait3A_395] : memref<400x128xf32, #tpu.memory_space<vmem>> -> memref<80x128xf32, #tpu.memory_space<vmem>>
    %dma_wait3A_397 = arith.constant 160 : i32
    %dma_wait3A_398 = tpu.memref_slice %arg7[%dma_wait3A_397] : memref<400xi32, #tpu.memory_space<vmem>> -> memref<80xi32, #tpu.memory_space<vmem>>
    %dma_wait3A_399 = arith.constant 0 : i32
    %dma_wait3A_400 = arith.constant 0 : i32
    %dma_wait3A_401 = tpu.memref_slice %arg3[%dma_wait3A_399, %dma_wait3A_400] : memref<1000000x128xf32, #tpu.memory_space<hbm>> -> memref<1000000x128xf32, #tpu.memory_space<hbm>>
    tpu.wait_indirect_dma semaphore(%arg12 : memref<!tpu.dma_semaphore, #tpu.memory_space<semaphore_mem>>) src(%dma_wait3A_401 : memref<1000000x128xf32, #tpu.memory_space<hbm>>) dst(%dma_wait3A_396 : memref<80x128xf32, #tpu.memory_space<vmem>>)
    %dma_wait3A_402 = arith.constant 240 : i32
    %dma_wait3A_403 = arith.constant 0 : i32
    %dma_wait3A_404 = tpu.memref_slice %arg9[%dma_wait3A_402, %dma_wait3A_403] : memref<400x128xf32, #tpu.memory_space<vmem>> -> memref<80x128xf32, #tpu.memory_space<vmem>>
    %dma_wait3A_405 = arith.constant 240 : i32
    %dma_wait3A_406 = tpu.memref_slice %arg7[%dma_wait3A_405] : memref<400xi32, #tpu.memory_space<vmem>> -> memref<80xi32, #tpu.memory_space<vmem>>
    %dma_wait3A_407 = arith.constant 0 : i32
    %dma_wait3A_408 = arith.constant 0 : i32
    %dma_wait3A_409 = tpu.memref_slice %arg3[%dma_wait3A_407, %dma_wait3A_408] : memref<1000000x128xf32, #tpu.memory_space<hbm>> -> memref<1000000x128xf32, #tpu.memory_space<hbm>>
    tpu.wait_indirect_dma semaphore(%arg12 : memref<!tpu.dma_semaphore, #tpu.memory_space<semaphore_mem>>) src(%dma_wait3A_409 : memref<1000000x128xf32, #tpu.memory_space<hbm>>) dst(%dma_wait3A_404 : memref<80x128xf32, #tpu.memory_space<vmem>>)
    %dma_wait3A_410 = arith.constant 320 : i32
    %dma_wait3A_411 = arith.constant 0 : i32
    %dma_wait3A_412 = tpu.memref_slice %arg9[%dma_wait3A_410, %dma_wait3A_411] : memref<400x128xf32, #tpu.memory_space<vmem>> -> memref<80x128xf32, #tpu.memory_space<vmem>>
    %dma_wait3A_413 = arith.constant 320 : i32
    %dma_wait3A_414 = tpu.memref_slice %arg7[%dma_wait3A_413] : memref<400xi32, #tpu.memory_space<vmem>> -> memref<80xi32, #tpu.memory_space<vmem>>
    %dma_wait3A_415 = arith.constant 0 : i32
    %dma_wait3A_416 = arith.constant 0 : i32
    %dma_wait3A_417 = tpu.memref_slice %arg3[%dma_wait3A_415, %dma_wait3A_416] : memref<1000000x128xf32, #tpu.memory_space<hbm>> -> memref<1000000x128xf32, #tpu.memory_space<hbm>>
    tpu.wait_indirect_dma semaphore(%arg12 : memref<!tpu.dma_semaphore, #tpu.memory_space<semaphore_mem>>) src(%dma_wait3A_417 : memref<1000000x128xf32, #tpu.memory_space<hbm>>) dst(%dma_wait3A_412 : memref<80x128xf32, #tpu.memory_space<vmem>>)
    %scan3A_418 = arith.constant 0 : i32
    %scan3A_419 = arith.constant 0 : i32
    %scan3A_420 = arith.constant 400 : i32
    %scan3A_421 = arith.addi %scan3A_419, %scan3A_420 : i32
    %scan3A_422 = arith.constant 1 : i32
    scf.for %scan3A_1568 = %scan3A_419 to %scan3A_421 step %scan3A_422  : i32 {
      %get3A = arith.index_cast %scan3A_1568 : i32 to index
      %get3A_1569 = arith.constant 0 : index
      %get3A_1570 = tpu.vector_load %arg9[%get3A, %get3A_1569] {strides = array<i32>} : memref<400x128xf32, #tpu.memory_space<vmem>>, vector<1x16xf32>,
      %get3A_1571 = vector.shape_cast %get3A_1570 : vector<1x16xf32> to vector<16xf32>
      %get3A_1572 = arith.index_cast %scan3A_1568 : i32 to index
      %get3A_1573 = arith.constant 0 : index
      %get3A_1574 = tpu.vector_load %arg10[%get3A_1572, %get3A_1573] {strides = array<i32>} : memref<400x64xf32, #tpu.memory_space<vmem>>, vector<1x16xf32>,
      %get3A_1575 = vector.shape_cast %get3A_1574 : vector<1x16xf32> to vector<16xf32>
      %add3A_1576 = arith.addf %get3A_1571, %get3A_1575 : vector<16xf32>
      %swap3A = arith.index_cast %scan3A_1568 : i32 to index
      %swap3A_1577 = arith.constant 0 : index
      %swap3A_1578 = tpu.vector_load %arg9[%swap3A, %swap3A_1577] {strides = array<i32>} : memref<400x128xf32, #tpu.memory_space<vmem>>, vector<1x16xf32>,
      %swap3A_1579 = vector.shape_cast %swap3A_1578 : vector<1x16xf32> to vector<16xf32>
      %swap3A_1580 = vector.shape_cast %add3A_1576 : vector<16xf32> to vector<1x16xf32>
      tpu.vector_store %arg9[%swap3A, %swap3A_1577], %swap3A_1580 {strides = array<i32>} : memref<400x128xf32, #tpu.memory_space<vmem>>, vector<1x16xf32>,
      %get3A_1581 = arith.index_cast %scan3A_1568 : i32 to index
      %get3A_1582 = arith.constant 16 : index
      %get3A_1583 = tpu.vector_load %arg9[%get3A_1581, %get3A_1582] {strides = array<i32>} : memref<400x128xf32, #tpu.memory_space<vmem>>, vector<1x16xf32>,
      %get3A_1584 = vector.shape_cast %get3A_1583 : vector<1x16xf32> to vector<16xf32>
      %get3A_1585 = arith.index_cast %scan3A_1568 : i32 to index
      %get3A_1586 = arith.constant 16 : index
      %get3A_1587 = tpu.vector_load %arg10[%get3A_1585, %get3A_1586] {strides = array<i32>} : memref<400x64xf32, #tpu.memory_space<vmem>>, vector<1x16xf32>,
      %get3A_1588 = vector.shape_cast %get3A_1587 : vector<1x16xf32> to vector<16xf32>
      %add3A_1589 = arith.addf %get3A_1584, %get3A_1588 : vector<16xf32>
      %swap3A_1590 = arith.index_cast %scan3A_1568 : i32 to index
      %swap3A_1591 = arith.constant 16 : index
      %swap3A_1592 = tpu.vector_load %arg9[%swap3A_1590, %swap3A_1591] {strides = array<i32>} : memref<400x128xf32, #tpu.memory_space<vmem>>, vector<1x16xf32>,
      %swap3A_1593 = vector.shape_cast %swap3A_1592 : vector<1x16xf32> to vector<16xf32>
      %swap3A_1594 = vector.shape_cast %add3A_1589 : vector<16xf32> to vector<1x16xf32>
      tpu.vector_store %arg9[%swap3A_1590, %swap3A_1591], %swap3A_1594 {strides = array<i32>} : memref<400x128xf32, #tpu.memory_space<vmem>>, vector<1x16xf32>,
      %get3A_1595 = arith.index_cast %scan3A_1568 : i32 to index
      %get3A_1596 = arith.constant 32 : index
      %get3A_1597 = tpu.vector_load %arg9[%get3A_1595, %get3A_1596] {strides = array<i32>} : memref<400x128xf32, #tpu.memory_space<vmem>>, vector<1x16xf32>,
      %get3A_1598 = vector.shape_cast %get3A_1597 : vector<1x16xf32> to vector<16xf32>
      %get3A_1599 = arith.index_cast %scan3A_1568 : i32 to index
      %get3A_1600 = arith.constant 32 : index
      %get3A_1601 = tpu.vector_load %arg10[%get3A_1599, %get3A_1600] {strides = array<i32>} : memref<400x64xf32, #tpu.memory_space<vmem>>, vector<1x16xf32>,
      %get3A_1602 = vector.shape_cast %get3A_1601 : vector<1x16xf32> to vector<16xf32>
      %add3A_1603 = arith.addf %get3A_1598, %get3A_1602 : vector<16xf32>
      %swap3A_1604 = arith.index_cast %scan3A_1568 : i32 to index
      %swap3A_1605 = arith.constant 32 : index
      %swap3A_1606 = tpu.vector_load %arg9[%swap3A_1604, %swap3A_1605] {strides = array<i32>} : memref<400x128xf32, #tpu.memory_space<vmem>>, vector<1x16xf32>,
      %swap3A_1607 = vector.shape_cast %swap3A_1606 : vector<1x16xf32> to vector<16xf32>
      %swap3A_1608 = vector.shape_cast %add3A_1603 : vector<16xf32> to vector<1x16xf32>
      tpu.vector_store %arg9[%swap3A_1604, %swap3A_1605], %swap3A_1608 {strides = array<i32>} : memref<400x128xf32, #tpu.memory_space<vmem>>, vector<1x16xf32>,
      %get3A_1609 = arith.index_cast %scan3A_1568 : i32 to index
      %get3A_1610 = arith.constant 48 : index
      %get3A_1611 = tpu.vector_load %arg9[%get3A_1609, %get3A_1610] {strides = array<i32>} : memref<400x128xf32, #tpu.memory_space<vmem>>, vector<1x16xf32>,
      %get3A_1612 = vector.shape_cast %get3A_1611 : vector<1x16xf32> to vector<16xf32>
      %get3A_1613 = arith.index_cast %scan3A_1568 : i32 to index
      %get3A_1614 = arith.constant 48 : index
      %get3A_1615 = tpu.vector_load %arg10[%get3A_1613, %get3A_1614] {strides = array<i32>} : memref<400x64xf32, #tpu.memory_space<vmem>>, vector<1x16xf32>,
      %get3A_1616 = vector.shape_cast %get3A_1615 : vector<1x16xf32> to vector<16xf32>
      %add3A_1617 = arith.addf %get3A_1612, %get3A_1616 : vector<16xf32>
      %swap3A_1618 = arith.index_cast %scan3A_1568 : i32 to index
      %swap3A_1619 = arith.constant 48 : index
      %swap3A_1620 = tpu.vector_load %arg9[%swap3A_1618, %swap3A_1619] {strides = array<i32>} : memref<400x128xf32, #tpu.memory_space<vmem>>, vector<1x16xf32>,
      %swap3A_1621 = vector.shape_cast %swap3A_1620 : vector<1x16xf32> to vector<16xf32>
      %swap3A_1622 = vector.shape_cast %add3A_1617 : vector<16xf32> to vector<1x16xf32>
      tpu.vector_store %arg9[%swap3A_1618, %swap3A_1619], %swap3A_1622 {strides = array<i32>} : memref<400x128xf32, #tpu.memory_space<vmem>>, vector<1x16xf32>,
    }
    %scan3A_423 = arith.constant 400 : i32
    %add3A_424 = arith.constant 1200 : i32
    %add3A_425 = arith.addi %mul3A_2, %add3A_424 : i32
    %dma_start3A_426 = arith.constant 0 : i32
    %dma_start3A_427 = tpu.memref_slice %arg5[%add3A_425, %dma_start3A_426] : memref<204800x128xf32, #tpu.memory_space<hbm>> -> memref<400x128xf32, #tpu.memory_space<hbm>>
    %dma_start3A_428 = arith.constant 0 : i32
    %dma_start3A_429 = tpu.memref_slice %arg5[%add3A_425, %dma_start3A_428] : memref<204800x128xf32, #tpu.memory_space<hbm>> -> memref<400x128xf32, #tpu.memory_space<hbm>>
    tpu.enqueue_dma source(%arg9 : memref<400x128xf32, #tpu.memory_space<vmem>>) target(%dma_start3A_429 : memref<400x128xf32, #tpu.memory_space<hbm>>) target_semaphore(%arg14 : memref<!tpu.dma_semaphore, #tpu.memory_space<semaphore_mem>>)
    %dma_wait3A_430 = arith.constant 0 : i32
    %dma_wait3A_431 = tpu.memref_slice %arg5[%add3A_425, %dma_wait3A_430] : memref<204800x128xf32, #tpu.memory_space<hbm>> -> memref<400x128xf32, #tpu.memory_space<hbm>>
    %dma_wait3A_432 = arith.constant 0 : i32
    %dma_wait3A_433 = tpu.memref_slice %arg5[%add3A_425, %dma_wait3A_432] : memref<204800x128xf32, #tpu.memory_space<hbm>> -> memref<400x128xf32, #tpu.memory_space<hbm>>
    tpu.wait_dma2 semaphore(%arg14 : memref<!tpu.dma_semaphore, #tpu.memory_space<semaphore_mem>>) src(%arg9 : memref<400x128xf32, #tpu.memory_space<vmem>>) dst(%dma_wait3A_433 : memref<400x128xf32, #tpu.memory_space<hbm>>)
    %add3A_434 = arith.constant 2000 : i32
    %add3A_435 = arith.addi %mul3A_2, %add3A_434 : i32
    "tpu.region"() ({
      %run_scoped3A = tpu.sem_alloc : memref<!tpu.dma_semaphore, #tpu.memory_space<semaphore_mem>>
      %dma_start3A_1568 = tpu.memref_slice %arg2[%add3A_435] : memref<204800xi32, #tpu.memory_space<hbm>> -> memref<400xi32, #tpu.memory_space<hbm>>
      %dma_start3A_1569 = tpu.memref_slice %arg2[%add3A_435] : memref<204800xi32, #tpu.memory_space<hbm>> -> memref<400xi32, #tpu.memory_space<hbm>>
      tpu.enqueue_dma source(%dma_start3A_1569 : memref<400xi32, #tpu.memory_space<hbm>>) target(%arg7 : memref<400xi32, #tpu.memory_space<vmem>>) target_semaphore(%run_scoped3A : memref<!tpu.dma_semaphore, #tpu.memory_space<semaphore_mem>>)
      %dma_wait3A_1570 = tpu.memref_slice %arg2[%add3A_435] : memref<204800xi32, #tpu.memory_space<hbm>> -> memref<400xi32, #tpu.memory_space<hbm>>
      %dma_wait3A_1571 = tpu.memref_slice %arg2[%add3A_435] : memref<204800xi32, #tpu.memory_space<hbm>> -> memref<400xi32, #tpu.memory_space<hbm>>
      tpu.wait_dma2 semaphore(%run_scoped3A : memref<!tpu.dma_semaphore, #tpu.memory_space<semaphore_mem>>) src(%dma_wait3A_1571 : memref<400xi32, #tpu.memory_space<hbm>>) dst(%arg7 : memref<400xi32, #tpu.memory_space<vmem>>)
      tpu.yield
    }) : () -> ()
    %dma_start3A_436 = arith.constant 0 : i32
    %dma_start3A_437 = arith.constant 0 : i32
    %dma_start3A_438 = tpu.memref_slice %arg9[%dma_start3A_436, %dma_start3A_437] : memref<400x128xf32, #tpu.memory_space<vmem>> -> memref<80x128xf32, #tpu.memory_space<vmem>>
    %dma_start3A_439 = arith.constant 0 : i32
    %dma_start3A_440 = tpu.memref_slice %arg7[%dma_start3A_439] : memref<400xi32, #tpu.memory_space<vmem>> -> memref<80xi32, #tpu.memory_space<vmem>>
    %dma_start3A_441 = arith.constant 0 : i32
    %dma_start3A_442 = arith.constant 0 : i32
    %dma_start3A_443 = tpu.memref_slice %arg3[%dma_start3A_441, %dma_start3A_442] : memref<1000000x128xf32, #tpu.memory_space<hbm>> -> memref<1000000x128xf32, #tpu.memory_space<hbm>>
    tpu.enqueue_indirect_dma source(%dma_start3A_443 : memref<1000000x128xf32, #tpu.memory_space<hbm>>) target(%dma_start3A_438 : memref<80x128xf32, #tpu.memory_space<vmem>>) offsets(%dma_start3A_440 : memref<80xi32, #tpu.memory_space<vmem>>) semaphore(%arg12 : memref<!tpu.dma_semaphore, #tpu.memory_space<semaphore_mem>>)
    %dma_start3A_444 = arith.constant 80 : i32
    %dma_start3A_445 = arith.constant 0 : i32
    %dma_start3A_446 = tpu.memref_slice %arg9[%dma_start3A_444, %dma_start3A_445] : memref<400x128xf32, #tpu.memory_space<vmem>> -> memref<80x128xf32, #tpu.memory_space<vmem>>
    %dma_start3A_447 = arith.constant 80 : i32
    %dma_start3A_448 = tpu.memref_slice %arg7[%dma_start3A_447] : memref<400xi32, #tpu.memory_space<vmem>> -> memref<80xi32, #tpu.memory_space<vmem>>
    %dma_start3A_449 = arith.constant 0 : i32
    %dma_start3A_450 = arith.constant 0 : i32
    %dma_start3A_451 = tpu.memref_slice %arg3[%dma_start3A_449, %dma_start3A_450] : memref<1000000x128xf32, #tpu.memory_space<hbm>> -> memref<1000000x128xf32, #tpu.memory_space<hbm>>
    tpu.enqueue_indirect_dma source(%dma_start3A_451 : memref<1000000x128xf32, #tpu.memory_space<hbm>>) target(%dma_start3A_446 : memref<80x128xf32, #tpu.memory_space<vmem>>) offsets(%dma_start3A_448 : memref<80xi32, #tpu.memory_space<vmem>>) semaphore(%arg12 : memref<!tpu.dma_semaphore, #tpu.memory_space<semaphore_mem>>)
    %dma_start3A_452 = arith.constant 160 : i32
    %dma_start3A_453 = arith.constant 0 : i32
    %dma_start3A_454 = tpu.memref_slice %arg9[%dma_start3A_452, %dma_start3A_453] : memref<400x128xf32, #tpu.memory_space<vmem>> -> memref<80x128xf32, #tpu.memory_space<vmem>>
    %dma_start3A_455 = arith.constant 160 : i32
    %dma_start3A_456 = tpu.memref_slice %arg7[%dma_start3A_455] : memref<400xi32, #tpu.memory_space<vmem>> -> memref<80xi32, #tpu.memory_space<vmem>>
    %dma_start3A_457 = arith.constant 0 : i32
    %dma_start3A_458 = arith.constant 0 : i32
    %dma_start3A_459 = tpu.memref_slice %arg3[%dma_start3A_457, %dma_start3A_458] : memref<1000000x128xf32, #tpu.memory_space<hbm>> -> memref<1000000x128xf32, #tpu.memory_space<hbm>>
    tpu.enqueue_indirect_dma source(%dma_start3A_459 : memref<1000000x128xf32, #tpu.memory_space<hbm>>) target(%dma_start3A_454 : memref<80x128xf32, #tpu.memory_space<vmem>>) offsets(%dma_start3A_456 : memref<80xi32, #tpu.memory_space<vmem>>) semaphore(%arg12 : memref<!tpu.dma_semaphore, #tpu.memory_space<semaphore_mem>>)
    %dma_start3A_460 = arith.constant 240 : i32
    %dma_start3A_461 = arith.constant 0 : i32
    %dma_start3A_462 = tpu.memref_slice %arg9[%dma_start3A_460, %dma_start3A_461] : memref<400x128xf32, #tpu.memory_space<vmem>> -> memref<80x128xf32, #tpu.memory_space<vmem>>
    %dma_start3A_463 = arith.constant 240 : i32
    %dma_start3A_464 = tpu.memref_slice %arg7[%dma_start3A_463] : memref<400xi32, #tpu.memory_space<vmem>> -> memref<80xi32, #tpu.memory_space<vmem>>
    %dma_start3A_465 = arith.constant 0 : i32
    %dma_start3A_466 = arith.constant 0 : i32
    %dma_start3A_467 = tpu.memref_slice %arg3[%dma_start3A_465, %dma_start3A_466] : memref<1000000x128xf32, #tpu.memory_space<hbm>> -> memref<1000000x128xf32, #tpu.memory_space<hbm>>
    tpu.enqueue_indirect_dma source(%dma_start3A_467 : memref<1000000x128xf32, #tpu.memory_space<hbm>>) target(%dma_start3A_462 : memref<80x128xf32, #tpu.memory_space<vmem>>) offsets(%dma_start3A_464 : memref<80xi32, #tpu.memory_space<vmem>>) semaphore(%arg12 : memref<!tpu.dma_semaphore, #tpu.memory_space<semaphore_mem>>)
    %dma_start3A_468 = arith.constant 320 : i32
    %dma_start3A_469 = arith.constant 0 : i32
    %dma_start3A_470 = tpu.memref_slice %arg9[%dma_start3A_468, %dma_start3A_469] : memref<400x128xf32, #tpu.memory_space<vmem>> -> memref<80x128xf32, #tpu.memory_space<vmem>>
    %dma_start3A_471 = arith.constant 320 : i32
    %dma_start3A_472 = tpu.memref_slice %arg7[%dma_start3A_471] : memref<400xi32, #tpu.memory_space<vmem>> -> memref<80xi32, #tpu.memory_space<vmem>>
    %dma_start3A_473 = arith.constant 0 : i32
    %dma_start3A_474 = arith.constant 0 : i32
    %dma_start3A_475 = tpu.memref_slice %arg3[%dma_start3A_473, %dma_start3A_474] : memref<1000000x128xf32, #tpu.memory_space<hbm>> -> memref<1000000x128xf32, #tpu.memory_space<hbm>>
    tpu.enqueue_indirect_dma source(%dma_start3A_475 : memref<1000000x128xf32, #tpu.memory_space<hbm>>) target(%dma_start3A_470 : memref<80x128xf32, #tpu.memory_space<vmem>>) offsets(%dma_start3A_472 : memref<80xi32, #tpu.memory_space<vmem>>) semaphore(%arg12 : memref<!tpu.dma_semaphore, #tpu.memory_space<semaphore_mem>>)
    %dma_wait3A_476 = arith.constant 0 : i32
    %dma_wait3A_477 = arith.constant 0 : i32
    %dma_wait3A_478 = tpu.memref_slice %arg8[%dma_wait3A_476, %dma_wait3A_477] : memref<400x128xf32, #tpu.memory_space<vmem>> -> memref<80x128xf32, #tpu.memory_space<vmem>>
    %dma_wait3A_479 = arith.constant 0 : i32
    %dma_wait3A_480 = tpu.memref_slice %arg6[%dma_wait3A_479] : memref<400xi32, #tpu.memory_space<vmem>> -> memref<80xi32, #tpu.memory_space<vmem>>
    %dma_wait3A_481 = arith.constant 0 : i32
    %dma_wait3A_482 = arith.constant 0 : i32
    %dma_wait3A_483 = tpu.memref_slice %arg3[%dma_wait3A_481, %dma_wait3A_482] : memref<1000000x128xf32, #tpu.memory_space<hbm>> -> memref<1000000x128xf32, #tpu.memory_space<hbm>>
    tpu.wait_indirect_dma semaphore(%arg11 : memref<!tpu.dma_semaphore, #tpu.memory_space<semaphore_mem>>) src(%dma_wait3A_483 : memref<1000000x128xf32, #tpu.memory_space<hbm>>) dst(%dma_wait3A_478 : memref<80x128xf32, #tpu.memory_space<vmem>>)
    %dma_wait3A_484 = arith.constant 80 : i32
    %dma_wait3A_485 = arith.constant 0 : i32
    %dma_wait3A_486 = tpu.memref_slice %arg8[%dma_wait3A_484, %dma_wait3A_485] : memref<400x128xf32, #tpu.memory_space<vmem>> -> memref<80x128xf32, #tpu.memory_space<vmem>>
    %dma_wait3A_487 = arith.constant 80 : i32
    %dma_wait3A_488 = tpu.memref_slice %arg6[%dma_wait3A_487] : memref<400xi32, #tpu.memory_space<vmem>> -> memref<80xi32, #tpu.memory_space<vmem>>
    %dma_wait3A_489 = arith.constant 0 : i32
    %dma_wait3A_490 = arith.constant 0 : i32
    %dma_wait3A_491 = tpu.memref_slice %arg3[%dma_wait3A_489, %dma_wait3A_490] : memref<1000000x128xf32, #tpu.memory_space<hbm>> -> memref<1000000x128xf32, #tpu.memory_space<hbm>>
    tpu.wait_indirect_dma semaphore(%arg11 : memref<!tpu.dma_semaphore, #tpu.memory_space<semaphore_mem>>) src(%dma_wait3A_491 : memref<1000000x128xf32, #tpu.memory_space<hbm>>) dst(%dma_wait3A_486 : memref<80x128xf32, #tpu.memory_space<vmem>>)
    %dma_wait3A_492 = arith.constant 160 : i32
    %dma_wait3A_493 = arith.constant 0 : i32
    %dma_wait3A_494 = tpu.memref_slice %arg8[%dma_wait3A_492, %dma_wait3A_493] : memref<400x128xf32, #tpu.memory_space<vmem>> -> memref<80x128xf32, #tpu.memory_space<vmem>>
    %dma_wait3A_495 = arith.constant 160 : i32
    %dma_wait3A_496 = tpu.memref_slice %arg6[%dma_wait3A_495] : memref<400xi32, #tpu.memory_space<vmem>> -> memref<80xi32, #tpu.memory_space<vmem>>
    %dma_wait3A_497 = arith.constant 0 : i32
    %dma_wait3A_498 = arith.constant 0 : i32
    %dma_wait3A_499 = tpu.memref_slice %arg3[%dma_wait3A_497, %dma_wait3A_498] : memref<1000000x128xf32, #tpu.memory_space<hbm>> -> memref<1000000x128xf32, #tpu.memory_space<hbm>>
    tpu.wait_indirect_dma semaphore(%arg11 : memref<!tpu.dma_semaphore, #tpu.memory_space<semaphore_mem>>) src(%dma_wait3A_499 : memref<1000000x128xf32, #tpu.memory_space<hbm>>) dst(%dma_wait3A_494 : memref<80x128xf32, #tpu.memory_space<vmem>>)
    %dma_wait3A_500 = arith.constant 240 : i32
    %dma_wait3A_501 = arith.constant 0 : i32
    %dma_wait3A_502 = tpu.memref_slice %arg8[%dma_wait3A_500, %dma_wait3A_501] : memref<400x128xf32, #tpu.memory_space<vmem>> -> memref<80x128xf32, #tpu.memory_space<vmem>>
    %dma_wait3A_503 = arith.constant 240 : i32
    %dma_wait3A_504 = tpu.memref_slice %arg6[%dma_wait3A_503] : memref<400xi32, #tpu.memory_space<vmem>> -> memref<80xi32, #tpu.memory_space<vmem>>
    %dma_wait3A_505 = arith.constant 0 : i32
    %dma_wait3A_506 = arith.constant 0 : i32
    %dma_wait3A_507 = tpu.memref_slice %arg3[%dma_wait3A_505, %dma_wait3A_506] : memref<1000000x128xf32, #tpu.memory_space<hbm>> -> memref<1000000x128xf32, #tpu.memory_space<hbm>>
    tpu.wait_indirect_dma semaphore(%arg11 : memref<!tpu.dma_semaphore, #tpu.memory_space<semaphore_mem>>) src(%dma_wait3A_507 : memref<1000000x128xf32, #tpu.memory_space<hbm>>) dst(%dma_wait3A_502 : memref<80x128xf32, #tpu.memory_space<vmem>>)
    %dma_wait3A_508 = arith.constant 320 : i32
    %dma_wait3A_509 = arith.constant 0 : i32
    %dma_wait3A_510 = tpu.memref_slice %arg8[%dma_wait3A_508, %dma_wait3A_509] : memref<400x128xf32, #tpu.memory_space<vmem>> -> memref<80x128xf32, #tpu.memory_space<vmem>>
    %dma_wait3A_511 = arith.constant 320 : i32
    %dma_wait3A_512 = tpu.memref_slice %arg6[%dma_wait3A_511] : memref<400xi32, #tpu.memory_space<vmem>> -> memref<80xi32, #tpu.memory_space<vmem>>
    %dma_wait3A_513 = arith.constant 0 : i32
    %dma_wait3A_514 = arith.constant 0 : i32
    %dma_wait3A_515 = tpu.memref_slice %arg3[%dma_wait3A_513, %dma_wait3A_514] : memref<1000000x128xf32, #tpu.memory_space<hbm>> -> memref<1000000x128xf32, #tpu.memory_space<hbm>>
    tpu.wait_indirect_dma semaphore(%arg11 : memref<!tpu.dma_semaphore, #tpu.memory_space<semaphore_mem>>) src(%dma_wait3A_515 : memref<1000000x128xf32, #tpu.memory_space<hbm>>) dst(%dma_wait3A_510 : memref<80x128xf32, #tpu.memory_space<vmem>>)
    %scan3A_516 = arith.constant 0 : i32
    %scan3A_517 = arith.constant 0 : i32
    %scan3A_518 = arith.constant 400 : i32
    %scan3A_519 = arith.addi %scan3A_517, %scan3A_518 : i32
    %scan3A_520 = arith.constant 1 : i32
    scf.for %scan3A_1568 = %scan3A_517 to %scan3A_519 step %scan3A_520  : i32 {
      %get3A = arith.index_cast %scan3A_1568 : i32 to index
      %get3A_1569 = arith.constant 0 : index
      %get3A_1570 = tpu.vector_load %arg8[%get3A, %get3A_1569] {strides = array<i32>} : memref<400x128xf32, #tpu.memory_space<vmem>>, vector<1x16xf32>,
      %get3A_1571 = vector.shape_cast %get3A_1570 : vector<1x16xf32> to vector<16xf32>
      %get3A_1572 = arith.index_cast %scan3A_1568 : i32 to index
      %get3A_1573 = arith.constant 0 : index
      %get3A_1574 = tpu.vector_load %arg10[%get3A_1572, %get3A_1573] {strides = array<i32>} : memref<400x64xf32, #tpu.memory_space<vmem>>, vector<1x16xf32>,
      %get3A_1575 = vector.shape_cast %get3A_1574 : vector<1x16xf32> to vector<16xf32>
      %add3A_1576 = arith.addf %get3A_1571, %get3A_1575 : vector<16xf32>
      %swap3A = arith.index_cast %scan3A_1568 : i32 to index
      %swap3A_1577 = arith.constant 0 : index
      %swap3A_1578 = tpu.vector_load %arg8[%swap3A, %swap3A_1577] {strides = array<i32>} : memref<400x128xf32, #tpu.memory_space<vmem>>, vector<1x16xf32>,
      %swap3A_1579 = vector.shape_cast %swap3A_1578 : vector<1x16xf32> to vector<16xf32>
      %swap3A_1580 = vector.shape_cast %add3A_1576 : vector<16xf32> to vector<1x16xf32>
      tpu.vector_store %arg8[%swap3A, %swap3A_1577], %swap3A_1580 {strides = array<i32>} : memref<400x128xf32, #tpu.memory_space<vmem>>, vector<1x16xf32>,
      %get3A_1581 = arith.index_cast %scan3A_1568 : i32 to index
      %get3A_1582 = arith.constant 16 : index
      %get3A_1583 = tpu.vector_load %arg8[%get3A_1581, %get3A_1582] {strides = array<i32>} : memref<400x128xf32, #tpu.memory_space<vmem>>, vector<1x16xf32>,
      %get3A_1584 = vector.shape_cast %get3A_1583 : vector<1x16xf32> to vector<16xf32>
      %get3A_1585 = arith.index_cast %scan3A_1568 : i32 to index
      %get3A_1586 = arith.constant 16 : index
      %get3A_1587 = tpu.vector_load %arg10[%get3A_1585, %get3A_1586] {strides = array<i32>} : memref<400x64xf32, #tpu.memory_space<vmem>>, vector<1x16xf32>,
      %get3A_1588 = vector.shape_cast %get3A_1587 : vector<1x16xf32> to vector<16xf32>
      %add3A_1589 = arith.addf %get3A_1584, %get3A_1588 : vector<16xf32>
      %swap3A_1590 = arith.index_cast %scan3A_1568 : i32 to index
      %swap3A_1591 = arith.constant 16 : index
      %swap3A_1592 = tpu.vector_load %arg8[%swap3A_1590, %swap3A_1591] {strides = array<i32>} : memref<400x128xf32, #tpu.memory_space<vmem>>, vector<1x16xf32>,
      %swap3A_1593 = vector.shape_cast %swap3A_1592 : vector<1x16xf32> to vector<16xf32>
      %swap3A_1594 = vector.shape_cast %add3A_1589 : vector<16xf32> to vector<1x16xf32>
      tpu.vector_store %arg8[%swap3A_1590, %swap3A_1591], %swap3A_1594 {strides = array<i32>} : memref<400x128xf32, #tpu.memory_space<vmem>>, vector<1x16xf32>,
      %get3A_1595 = arith.index_cast %scan3A_1568 : i32 to index
      %get3A_1596 = arith.constant 32 : index
      %get3A_1597 = tpu.vector_load %arg8[%get3A_1595, %get3A_1596] {strides = array<i32>} : memref<400x128xf32, #tpu.memory_space<vmem>>, vector<1x16xf32>,
      %get3A_1598 = vector.shape_cast %get3A_1597 : vector<1x16xf32> to vector<16xf32>
      %get3A_1599 = arith.index_cast %scan3A_1568 : i32 to index
      %get3A_1600 = arith.constant 32 : index
      %get3A_1601 = tpu.vector_load %arg10[%get3A_1599, %get3A_1600] {strides = array<i32>} : memref<400x64xf32, #tpu.memory_space<vmem>>, vector<1x16xf32>,
      %get3A_1602 = vector.shape_cast %get3A_1601 : vector<1x16xf32> to vector<16xf32>
      %add3A_1603 = arith.addf %get3A_1598, %get3A_1602 : vector<16xf32>
      %swap3A_1604 = arith.index_cast %scan3A_1568 : i32 to index
      %swap3A_1605 = arith.constant 32 : index
      %swap3A_1606 = tpu.vector_load %arg8[%swap3A_1604, %swap3A_1605] {strides = array<i32>} : memref<400x128xf32, #tpu.memory_space<vmem>>, vector<1x16xf32>,
      %swap3A_1607 = vector.shape_cast %swap3A_1606 : vector<1x16xf32> to vector<16xf32>
      %swap3A_1608 = vector.shape_cast %add3A_1603 : vector<16xf32> to vector<1x16xf32>
      tpu.vector_store %arg8[%swap3A_1604, %swap3A_1605], %swap3A_1608 {strides = array<i32>} : memref<400x128xf32, #tpu.memory_space<vmem>>, vector<1x16xf32>,
      %get3A_1609 = arith.index_cast %scan3A_1568 : i32 to index
      %get3A_1610 = arith.constant 48 : index
      %get3A_1611 = tpu.vector_load %arg8[%get3A_1609, %get3A_1610] {strides = array<i32>} : memref<400x128xf32, #tpu.memory_space<vmem>>, vector<1x16xf32>,
      %get3A_1612 = vector.shape_cast %get3A_1611 : vector<1x16xf32> to vector<16xf32>
      %get3A_1613 = arith.index_cast %scan3A_1568 : i32 to index
      %get3A_1614 = arith.constant 48 : index
      %get3A_1615 = tpu.vector_load %arg10[%get3A_1613, %get3A_1614] {strides = array<i32>} : memref<400x64xf32, #tpu.memory_space<vmem>>, vector<1x16xf32>,
      %get3A_1616 = vector.shape_cast %get3A_1615 : vector<1x16xf32> to vector<16xf32>
      %add3A_1617 = arith.addf %get3A_1612, %get3A_1616 : vector<16xf32>
      %swap3A_1618 = arith.index_cast %scan3A_1568 : i32 to index
      %swap3A_1619 = arith.constant 48 : index
      %swap3A_1620 = tpu.vector_load %arg8[%swap3A_1618, %swap3A_1619] {strides = array<i32>} : memref<400x128xf32, #tpu.memory_space<vmem>>, vector<1x16xf32>,
      %swap3A_1621 = vector.shape_cast %swap3A_1620 : vector<1x16xf32> to vector<16xf32>
      %swap3A_1622 = vector.shape_cast %add3A_1617 : vector<16xf32> to vector<1x16xf32>
      tpu.vector_store %arg8[%swap3A_1618, %swap3A_1619], %swap3A_1622 {strides = array<i32>} : memref<400x128xf32, #tpu.memory_space<vmem>>, vector<1x16xf32>,
    }
    %scan3A_521 = arith.constant 400 : i32
    %add3A_522 = arith.constant 1600 : i32
    %add3A_523 = arith.addi %mul3A_2, %add3A_522 : i32
    %dma_start3A_524 = arith.constant 0 : i32
    %dma_start3A_525 = tpu.memref_slice %arg5[%add3A_523, %dma_start3A_524] : memref<204800x128xf32, #tpu.memory_space<hbm>> -> memref<400x128xf32, #tpu.memory_space<hbm>>
    %dma_start3A_526 = arith.constant 0 : i32
    %dma_start3A_527 = tpu.memref_slice %arg5[%add3A_523, %dma_start3A_526] : memref<204800x128xf32, #tpu.memory_space<hbm>> -> memref<400x128xf32, #tpu.memory_space<hbm>>
    tpu.enqueue_dma source(%arg8 : memref<400x128xf32, #tpu.memory_space<vmem>>) target(%dma_start3A_527 : memref<400x128xf32, #tpu.memory_space<hbm>>) target_semaphore(%arg13 : memref<!tpu.dma_semaphore, #tpu.memory_space<semaphore_mem>>)
    %dma_wait3A_528 = arith.constant 0 : i32
    %dma_wait3A_529 = tpu.memref_slice %arg5[%add3A_523, %dma_wait3A_528] : memref<204800x128xf32, #tpu.memory_space<hbm>> -> memref<400x128xf32, #tpu.memory_space<hbm>>
    %dma_wait3A_530 = arith.constant 0 : i32
    %dma_wait3A_531 = tpu.memref_slice %arg5[%add3A_523, %dma_wait3A_530] : memref<204800x128xf32, #tpu.memory_space<hbm>> -> memref<400x128xf32, #tpu.memory_space<hbm>>
    tpu.wait_dma2 semaphore(%arg13 : memref<!tpu.dma_semaphore, #tpu.memory_space<semaphore_mem>>) src(%arg8 : memref<400x128xf32, #tpu.memory_space<vmem>>) dst(%dma_wait3A_531 : memref<400x128xf32, #tpu.memory_space<hbm>>)
    %add3A_532 = arith.constant 2400 : i32
    %add3A_533 = arith.addi %mul3A_2, %add3A_532 : i32
    "tpu.region"() ({
      %run_scoped3A = tpu.sem_alloc : memref<!tpu.dma_semaphore, #tpu.memory_space<semaphore_mem>>
      %dma_start3A_1568 = tpu.memref_slice %arg2[%add3A_533] : memref<204800xi32, #tpu.memory_space<hbm>> -> memref<400xi32, #tpu.memory_space<hbm>>
      %dma_start3A_1569 = tpu.memref_slice %arg2[%add3A_533] : memref<204800xi32, #tpu.memory_space<hbm>> -> memref<400xi32, #tpu.memory_space<hbm>>
      tpu.enqueue_dma source(%dma_start3A_1569 : memref<400xi32, #tpu.memory_space<hbm>>) target(%arg6 : memref<400xi32, #tpu.memory_space<vmem>>) target_semaphore(%run_scoped3A : memref<!tpu.dma_semaphore, #tpu.memory_space<semaphore_mem>>)
      %dma_wait3A_1570 = tpu.memref_slice %arg2[%add3A_533] : memref<204800xi32, #tpu.memory_space<hbm>> -> memref<400xi32, #tpu.memory_space<hbm>>
      %dma_wait3A_1571 = tpu.memref_slice %arg2[%add3A_533] : memref<204800xi32, #tpu.memory_space<hbm>> -> memref<400xi32, #tpu.memory_space<hbm>>
      tpu.wait_dma2 semaphore(%run_scoped3A : memref<!tpu.dma_semaphore, #tpu.memory_space<semaphore_mem>>) src(%dma_wait3A_1571 : memref<400xi32, #tpu.memory_space<hbm>>) dst(%arg6 : memref<400xi32, #tpu.memory_space<vmem>>)
      tpu.yield
    }) : () -> ()
    %dma_start3A_534 = arith.constant 0 : i32
    %dma_start3A_535 = arith.constant 0 : i32
    %dma_start3A_536 = tpu.memref_slice %arg8[%dma_start3A_534, %dma_start3A_535] : memref<400x128xf32, #tpu.memory_space<vmem>> -> memref<80x128xf32, #tpu.memory_space<vmem>>
    %dma_start3A_537 = arith.constant 0 : i32
    %dma_start3A_538 = tpu.memref_slice %arg6[%dma_start3A_537] : memref<400xi32, #tpu.memory_space<vmem>> -> memref<80xi32, #tpu.memory_space<vmem>>
    %dma_start3A_539 = arith.constant 0 : i32
    %dma_start3A_540 = arith.constant 0 : i32
    %dma_start3A_541 = tpu.memref_slice %arg3[%dma_start3A_539, %dma_start3A_540] : memref<1000000x128xf32, #tpu.memory_space<hbm>> -> memref<1000000x128xf32, #tpu.memory_space<hbm>>
    tpu.enqueue_indirect_dma source(%dma_start3A_541 : memref<1000000x128xf32, #tpu.memory_space<hbm>>) target(%dma_start3A_536 : memref<80x128xf32, #tpu.memory_space<vmem>>) offsets(%dma_start3A_538 : memref<80xi32, #tpu.memory_space<vmem>>) semaphore(%arg11 : memref<!tpu.dma_semaphore, #tpu.memory_space<semaphore_mem>>)
    %dma_start3A_542 = arith.constant 80 : i32
    %dma_start3A_543 = arith.constant 0 : i32
    %dma_start3A_544 = tpu.memref_slice %arg8[%dma_start3A_542, %dma_start3A_543] : memref<400x128xf32, #tpu.memory_space<vmem>> -> memref<80x128xf32, #tpu.memory_space<vmem>>
    %dma_start3A_545 = arith.constant 80 : i32
    %dma_start3A_546 = tpu.memref_slice %arg6[%dma_start3A_545] : memref<400xi32, #tpu.memory_space<vmem>> -> memref<80xi32, #tpu.memory_space<vmem>>
    %dma_start3A_547 = arith.constant 0 : i32
    %dma_start3A_548 = arith.constant 0 : i32
    %dma_start3A_549 = tpu.memref_slice %arg3[%dma_start3A_547, %dma_start3A_548] : memref<1000000x128xf32, #tpu.memory_space<hbm>> -> memref<1000000x128xf32, #tpu.memory_space<hbm>>
    tpu.enqueue_indirect_dma source(%dma_start3A_549 : memref<1000000x128xf32, #tpu.memory_space<hbm>>) target(%dma_start3A_544 : memref<80x128xf32, #tpu.memory_space<vmem>>) offsets(%dma_start3A_546 : memref<80xi32, #tpu.memory_space<vmem>>) semaphore(%arg11 : memref<!tpu.dma_semaphore, #tpu.memory_space<semaphore_mem>>)
    %dma_start3A_550 = arith.constant 160 : i32
    %dma_start3A_551 = arith.constant 0 : i32
    %dma_start3A_552 = tpu.memref_slice %arg8[%dma_start3A_550, %dma_start3A_551] : memref<400x128xf32, #tpu.memory_space<vmem>> -> memref<80x128xf32, #tpu.memory_space<vmem>>
    %dma_start3A_553 = arith.constant 160 : i32
    %dma_start3A_554 = tpu.memref_slice %arg6[%dma_start3A_553] : memref<400xi32, #tpu.memory_space<vmem>> -> memref<80xi32, #tpu.memory_space<vmem>>
    %dma_start3A_555 = arith.constant 0 : i32
    %dma_start3A_556 = arith.constant 0 : i32
    %dma_start3A_557 = tpu.memref_slice %arg3[%dma_start3A_555, %dma_start3A_556] : memref<1000000x128xf32, #tpu.memory_space<hbm>> -> memref<1000000x128xf32, #tpu.memory_space<hbm>>
    tpu.enqueue_indirect_dma source(%dma_start3A_557 : memref<1000000x128xf32, #tpu.memory_space<hbm>>) target(%dma_start3A_552 : memref<80x128xf32, #tpu.memory_space<vmem>>) offsets(%dma_start3A_554 : memref<80xi32, #tpu.memory_space<vmem>>) semaphore(%arg11 : memref<!tpu.dma_semaphore, #tpu.memory_space<semaphore_mem>>)
    %dma_start3A_558 = arith.constant 240 : i32
    %dma_start3A_559 = arith.constant 0 : i32
    %dma_start3A_560 = tpu.memref_slice %arg8[%dma_start3A_558, %dma_start3A_559] : memref<400x128xf32, #tpu.memory_space<vmem>> -> memref<80x128xf32, #tpu.memory_space<vmem>>
    %dma_start3A_561 = arith.constant 240 : i32
    %dma_start3A_562 = tpu.memref_slice %arg6[%dma_start3A_561] : memref<400xi32, #tpu.memory_space<vmem>> -> memref<80xi32, #tpu.memory_space<vmem>>
    %dma_start3A_563 = arith.constant 0 : i32
    %dma_start3A_564 = arith.constant 0 : i32
    %dma_start3A_565 = tpu.memref_slice %arg3[%dma_start3A_563, %dma_start3A_564] : memref<1000000x128xf32, #tpu.memory_space<hbm>> -> memref<1000000x128xf32, #tpu.memory_space<hbm>>
    tpu.enqueue_indirect_dma source(%dma_start3A_565 : memref<1000000x128xf32, #tpu.memory_space<hbm>>) target(%dma_start3A_560 : memref<80x128xf32, #tpu.memory_space<vmem>>) offsets(%dma_start3A_562 : memref<80xi32, #tpu.memory_space<vmem>>) semaphore(%arg11 : memref<!tpu.dma_semaphore, #tpu.memory_space<semaphore_mem>>)
    %dma_start3A_566 = arith.constant 320 : i32
    %dma_start3A_567 = arith.constant 0 : i32
    %dma_start3A_568 = tpu.memref_slice %arg8[%dma_start3A_566, %dma_start3A_567] : memref<400x128xf32, #tpu.memory_space<vmem>> -> memref<80x128xf32, #tpu.memory_space<vmem>>
    %dma_start3A_569 = arith.constant 320 : i32
    %dma_start3A_570 = tpu.memref_slice %arg6[%dma_start3A_569] : memref<400xi32, #tpu.memory_space<vmem>> -> memref<80xi32, #tpu.memory_space<vmem>>
    %dma_start3A_571 = arith.constant 0 : i32
    %dma_start3A_572 = arith.constant 0 : i32
    %dma_start3A_573 = tpu.memref_slice %arg3[%dma_start3A_571, %dma_start3A_572] : memref<1000000x128xf32, #tpu.memory_space<hbm>> -> memref<1000000x128xf32, #tpu.memory_space<hbm>>
    tpu.enqueue_indirect_dma source(%dma_start3A_573 : memref<1000000x128xf32, #tpu.memory_space<hbm>>) target(%dma_start3A_568 : memref<80x128xf32, #tpu.memory_space<vmem>>) offsets(%dma_start3A_570 : memref<80xi32, #tpu.memory_space<vmem>>) semaphore(%arg11 : memref<!tpu.dma_semaphore, #tpu.memory_space<semaphore_mem>>)
    %dma_wait3A_574 = arith.constant 0 : i32
    %dma_wait3A_575 = arith.constant 0 : i32
    %dma_wait3A_576 = tpu.memref_slice %arg9[%dma_wait3A_574, %dma_wait3A_575] : memref<400x128xf32, #tpu.memory_space<vmem>> -> memref<80x128xf32, #tpu.memory_space<vmem>>
    %dma_wait3A_577 = arith.constant 0 : i32
    %dma_wait3A_578 = tpu.memref_slice %arg7[%dma_wait3A_577] : memref<400xi32, #tpu.memory_space<vmem>> -> memref<80xi32, #tpu.memory_space<vmem>>
    %dma_wait3A_579 = arith.constant 0 : i32
    %dma_wait3A_580 = arith.constant 0 : i32
    %dma_wait3A_581 = tpu.memref_slice %arg3[%dma_wait3A_579, %dma_wait3A_580] : memref<1000000x128xf32, #tpu.memory_space<hbm>> -> memref<1000000x128xf32, #tpu.memory_space<hbm>>
    tpu.wait_indirect_dma semaphore(%arg12 : memref<!tpu.dma_semaphore, #tpu.memory_space<semaphore_mem>>) src(%dma_wait3A_581 : memref<1000000x128xf32, #tpu.memory_space<hbm>>) dst(%dma_wait3A_576 : memref<80x128xf32, #tpu.memory_space<vmem>>)
    %dma_wait3A_582 = arith.constant 80 : i32
    %dma_wait3A_583 = arith.constant 0 : i32
    %dma_wait3A_584 = tpu.memref_slice %arg9[%dma_wait3A_582, %dma_wait3A_583] : memref<400x128xf32, #tpu.memory_space<vmem>> -> memref<80x128xf32, #tpu.memory_space<vmem>>
    %dma_wait3A_585 = arith.constant 80 : i32
    %dma_wait3A_586 = tpu.memref_slice %arg7[%dma_wait3A_585] : memref<400xi32, #tpu.memory_space<vmem>> -> memref<80xi32, #tpu.memory_space<vmem>>
    %dma_wait3A_587 = arith.constant 0 : i32
    %dma_wait3A_588 = arith.constant 0 : i32
    %dma_wait3A_589 = tpu.memref_slice %arg3[%dma_wait3A_587, %dma_wait3A_588] : memref<1000000x128xf32, #tpu.memory_space<hbm>> -> memref<1000000x128xf32, #tpu.memory_space<hbm>>
    tpu.wait_indirect_dma semaphore(%arg12 : memref<!tpu.dma_semaphore, #tpu.memory_space<semaphore_mem>>) src(%dma_wait3A_589 : memref<1000000x128xf32, #tpu.memory_space<hbm>>) dst(%dma_wait3A_584 : memref<80x128xf32, #tpu.memory_space<vmem>>)
    %dma_wait3A_590 = arith.constant 160 : i32
    %dma_wait3A_591 = arith.constant 0 : i32
    %dma_wait3A_592 = tpu.memref_slice %arg9[%dma_wait3A_590, %dma_wait3A_591] : memref<400x128xf32, #tpu.memory_space<vmem>> -> memref<80x128xf32, #tpu.memory_space<vmem>>
    %dma_wait3A_593 = arith.constant 160 : i32
    %dma_wait3A_594 = tpu.memref_slice %arg7[%dma_wait3A_593] : memref<400xi32, #tpu.memory_space<vmem>> -> memref<80xi32, #tpu.memory_space<vmem>>
    %dma_wait3A_595 = arith.constant 0 : i32
    %dma_wait3A_596 = arith.constant 0 : i32
    %dma_wait3A_597 = tpu.memref_slice %arg3[%dma_wait3A_595, %dma_wait3A_596] : memref<1000000x128xf32, #tpu.memory_space<hbm>> -> memref<1000000x128xf32, #tpu.memory_space<hbm>>
    tpu.wait_indirect_dma semaphore(%arg12 : memref<!tpu.dma_semaphore, #tpu.memory_space<semaphore_mem>>) src(%dma_wait3A_597 : memref<1000000x128xf32, #tpu.memory_space<hbm>>) dst(%dma_wait3A_592 : memref<80x128xf32, #tpu.memory_space<vmem>>)
    %dma_wait3A_598 = arith.constant 240 : i32
    %dma_wait3A_599 = arith.constant 0 : i32
    %dma_wait3A_600 = tpu.memref_slice %arg9[%dma_wait3A_598, %dma_wait3A_599] : memref<400x128xf32, #tpu.memory_space<vmem>> -> memref<80x128xf32, #tpu.memory_space<vmem>>
    %dma_wait3A_601 = arith.constant 240 : i32
    %dma_wait3A_602 = tpu.memref_slice %arg7[%dma_wait3A_601] : memref<400xi32, #tpu.memory_space<vmem>> -> memref<80xi32, #tpu.memory_space<vmem>>
    %dma_wait3A_603 = arith.constant 0 : i32
    %dma_wait3A_604 = arith.constant 0 : i32
    %dma_wait3A_605 = tpu.memref_slice %arg3[%dma_wait3A_603, %dma_wait3A_604] : memref<1000000x128xf32, #tpu.memory_space<hbm>> -> memref<1000000x128xf32, #tpu.memory_space<hbm>>
    tpu.wait_indirect_dma semaphore(%arg12 : memref<!tpu.dma_semaphore, #tpu.memory_space<semaphore_mem>>) src(%dma_wait3A_605 : memref<1000000x128xf32, #tpu.memory_space<hbm>>) dst(%dma_wait3A_600 : memref<80x128xf32, #tpu.memory_space<vmem>>)
    %dma_wait3A_606 = arith.constant 320 : i32
    %dma_wait3A_607 = arith.constant 0 : i32
    %dma_wait3A_608 = tpu.memref_slice %arg9[%dma_wait3A_606, %dma_wait3A_607] : memref<400x128xf32, #tpu.memory_space<vmem>> -> memref<80x128xf32, #tpu.memory_space<vmem>>
    %dma_wait3A_609 = arith.constant 320 : i32
    %dma_wait3A_610 = tpu.memref_slice %arg7[%dma_wait3A_609] : memref<400xi32, #tpu.memory_space<vmem>> -> memref<80xi32, #tpu.memory_space<vmem>>
    %dma_wait3A_611 = arith.constant 0 : i32
    %dma_wait3A_612 = arith.constant 0 : i32
    %dma_wait3A_613 = tpu.memref_slice %arg3[%dma_wait3A_611, %dma_wait3A_612] : memref<1000000x128xf32, #tpu.memory_space<hbm>> -> memref<1000000x128xf32, #tpu.memory_space<hbm>>
    tpu.wait_indirect_dma semaphore(%arg12 : memref<!tpu.dma_semaphore, #tpu.memory_space<semaphore_mem>>) src(%dma_wait3A_613 : memref<1000000x128xf32, #tpu.memory_space<hbm>>) dst(%dma_wait3A_608 : memref<80x128xf32, #tpu.memory_space<vmem>>)
    %scan3A_614 = arith.constant 0 : i32
    %scan3A_615 = arith.constant 0 : i32
    %scan3A_616 = arith.constant 400 : i32
    %scan3A_617 = arith.addi %scan3A_615, %scan3A_616 : i32
    %scan3A_618 = arith.constant 1 : i32
    scf.for %scan3A_1568 = %scan3A_615 to %scan3A_617 step %scan3A_618  : i32 {
      %get3A = arith.index_cast %scan3A_1568 : i32 to index
      %get3A_1569 = arith.constant 0 : index
      %get3A_1570 = tpu.vector_load %arg9[%get3A, %get3A_1569] {strides = array<i32>} : memref<400x128xf32, #tpu.memory_space<vmem>>, vector<1x16xf32>,
      %get3A_1571 = vector.shape_cast %get3A_1570 : vector<1x16xf32> to vector<16xf32>
      %get3A_1572 = arith.index_cast %scan3A_1568 : i32 to index
      %get3A_1573 = arith.constant 0 : index
      %get3A_1574 = tpu.vector_load %arg10[%get3A_1572, %get3A_1573] {strides = array<i32>} : memref<400x64xf32, #tpu.memory_space<vmem>>, vector<1x16xf32>,
      %get3A_1575 = vector.shape_cast %get3A_1574 : vector<1x16xf32> to vector<16xf32>
      %add3A_1576 = arith.addf %get3A_1571, %get3A_1575 : vector<16xf32>
      %swap3A = arith.index_cast %scan3A_1568 : i32 to index
      %swap3A_1577 = arith.constant 0 : index
      %swap3A_1578 = tpu.vector_load %arg9[%swap3A, %swap3A_1577] {strides = array<i32>} : memref<400x128xf32, #tpu.memory_space<vmem>>, vector<1x16xf32>,
      %swap3A_1579 = vector.shape_cast %swap3A_1578 : vector<1x16xf32> to vector<16xf32>
      %swap3A_1580 = vector.shape_cast %add3A_1576 : vector<16xf32> to vector<1x16xf32>
      tpu.vector_store %arg9[%swap3A, %swap3A_1577], %swap3A_1580 {strides = array<i32>} : memref<400x128xf32, #tpu.memory_space<vmem>>, vector<1x16xf32>,
      %get3A_1581 = arith.index_cast %scan3A_1568 : i32 to index
      %get3A_1582 = arith.constant 16 : index
      %get3A_1583 = tpu.vector_load %arg9[%get3A_1581, %get3A_1582] {strides = array<i32>} : memref<400x128xf32, #tpu.memory_space<vmem>>, vector<1x16xf32>,
      %get3A_1584 = vector.shape_cast %get3A_1583 : vector<1x16xf32> to vector<16xf32>
      %get3A_1585 = arith.index_cast %scan3A_1568 : i32 to index
      %get3A_1586 = arith.constant 16 : index
      %get3A_1587 = tpu.vector_load %arg10[%get3A_1585, %get3A_1586] {strides = array<i32>} : memref<400x64xf32, #tpu.memory_space<vmem>>, vector<1x16xf32>,
      %get3A_1588 = vector.shape_cast %get3A_1587 : vector<1x16xf32> to vector<16xf32>
      %add3A_1589 = arith.addf %get3A_1584, %get3A_1588 : vector<16xf32>
      %swap3A_1590 = arith.index_cast %scan3A_1568 : i32 to index
      %swap3A_1591 = arith.constant 16 : index
      %swap3A_1592 = tpu.vector_load %arg9[%swap3A_1590, %swap3A_1591] {strides = array<i32>} : memref<400x128xf32, #tpu.memory_space<vmem>>, vector<1x16xf32>,
      %swap3A_1593 = vector.shape_cast %swap3A_1592 : vector<1x16xf32> to vector<16xf32>
      %swap3A_1594 = vector.shape_cast %add3A_1589 : vector<16xf32> to vector<1x16xf32>
      tpu.vector_store %arg9[%swap3A_1590, %swap3A_1591], %swap3A_1594 {strides = array<i32>} : memref<400x128xf32, #tpu.memory_space<vmem>>, vector<1x16xf32>,
      %get3A_1595 = arith.index_cast %scan3A_1568 : i32 to index
      %get3A_1596 = arith.constant 32 : index
      %get3A_1597 = tpu.vector_load %arg9[%get3A_1595, %get3A_1596] {strides = array<i32>} : memref<400x128xf32, #tpu.memory_space<vmem>>, vector<1x16xf32>,
      %get3A_1598 = vector.shape_cast %get3A_1597 : vector<1x16xf32> to vector<16xf32>
      %get3A_1599 = arith.index_cast %scan3A_1568 : i32 to index
      %get3A_1600 = arith.constant 32 : index
      %get3A_1601 = tpu.vector_load %arg10[%get3A_1599, %get3A_1600] {strides = array<i32>} : memref<400x64xf32, #tpu.memory_space<vmem>>, vector<1x16xf32>,
      %get3A_1602 = vector.shape_cast %get3A_1601 : vector<1x16xf32> to vector<16xf32>
      %add3A_1603 = arith.addf %get3A_1598, %get3A_1602 : vector<16xf32>
      %swap3A_1604 = arith.index_cast %scan3A_1568 : i32 to index
      %swap3A_1605 = arith.constant 32 : index
      %swap3A_1606 = tpu.vector_load %arg9[%swap3A_1604, %swap3A_1605] {strides = array<i32>} : memref<400x128xf32, #tpu.memory_space<vmem>>, vector<1x16xf32>,
      %swap3A_1607 = vector.shape_cast %swap3A_1606 : vector<1x16xf32> to vector<16xf32>
      %swap3A_1608 = vector.shape_cast %add3A_1603 : vector<16xf32> to vector<1x16xf32>
      tpu.vector_store %arg9[%swap3A_1604, %swap3A_1605], %swap3A_1608 {strides = array<i32>} : memref<400x128xf32, #tpu.memory_space<vmem>>, vector<1x16xf32>,
      %get3A_1609 = arith.index_cast %scan3A_1568 : i32 to index
      %get3A_1610 = arith.constant 48 : index
      %get3A_1611 = tpu.vector_load %arg9[%get3A_1609, %get3A_1610] {strides = array<i32>} : memref<400x128xf32, #tpu.memory_space<vmem>>, vector<1x16xf32>,
      %get3A_1612 = vector.shape_cast %get3A_1611 : vector<1x16xf32> to vector<16xf32>
      %get3A_1613 = arith.index_cast %scan3A_1568 : i32 to index
      %get3A_1614 = arith.constant 48 : index
      %get3A_1615 = tpu.vector_load %arg10[%get3A_1613, %get3A_1614] {strides = array<i32>} : memref<400x64xf32, #tpu.memory_space<vmem>>, vector<1x16xf32>,
      %get3A_1616 = vector.shape_cast %get3A_1615 : vector<1x16xf32> to vector<16xf32>
      %add3A_1617 = arith.addf %get3A_1612, %get3A_1616 : vector<16xf32>
      %swap3A_1618 = arith.index_cast %scan3A_1568 : i32 to index
      %swap3A_1619 = arith.constant 48 : index
      %swap3A_1620 = tpu.vector_load %arg9[%swap3A_1618, %swap3A_1619] {strides = array<i32>} : memref<400x128xf32, #tpu.memory_space<vmem>>, vector<1x16xf32>,
      %swap3A_1621 = vector.shape_cast %swap3A_1620 : vector<1x16xf32> to vector<16xf32>
      %swap3A_1622 = vector.shape_cast %add3A_1617 : vector<16xf32> to vector<1x16xf32>
      tpu.vector_store %arg9[%swap3A_1618, %swap3A_1619], %swap3A_1622 {strides = array<i32>} : memref<400x128xf32, #tpu.memory_space<vmem>>, vector<1x16xf32>,
    }
    %scan3A_619 = arith.constant 400 : i32
    %add3A_620 = arith.constant 2000 : i32
    %add3A_621 = arith.addi %mul3A_2, %add3A_620 : i32
    %dma_start3A_622 = arith.constant 0 : i32
    %dma_start3A_623 = tpu.memref_slice %arg5[%add3A_621, %dma_start3A_622] : memref<204800x128xf32, #tpu.memory_space<hbm>> -> memref<400x128xf32, #tpu.memory_space<hbm>>
    %dma_start3A_624 = arith.constant 0 : i32
    %dma_start3A_625 = tpu.memref_slice %arg5[%add3A_621, %dma_start3A_624] : memref<204800x128xf32, #tpu.memory_space<hbm>> -> memref<400x128xf32, #tpu.memory_space<hbm>>
    tpu.enqueue_dma source(%arg9 : memref<400x128xf32, #tpu.memory_space<vmem>>) target(%dma_start3A_625 : memref<400x128xf32, #tpu.memory_space<hbm>>) target_semaphore(%arg14 : memref<!tpu.dma_semaphore, #tpu.memory_space<semaphore_mem>>)
    %dma_wait3A_626 = arith.constant 0 : i32
    %dma_wait3A_627 = tpu.memref_slice %arg5[%add3A_621, %dma_wait3A_626] : memref<204800x128xf32, #tpu.memory_space<hbm>> -> memref<400x128xf32, #tpu.memory_space<hbm>>
    %dma_wait3A_628 = arith.constant 0 : i32
    %dma_wait3A_629 = tpu.memref_slice %arg5[%add3A_621, %dma_wait3A_628] : memref<204800x128xf32, #tpu.memory_space<hbm>> -> memref<400x128xf32, #tpu.memory_space<hbm>>
    tpu.wait_dma2 semaphore(%arg14 : memref<!tpu.dma_semaphore, #tpu.memory_space<semaphore_mem>>) src(%arg9 : memref<400x128xf32, #tpu.memory_space<vmem>>) dst(%dma_wait3A_629 : memref<400x128xf32, #tpu.memory_space<hbm>>)
    %add3A_630 = arith.constant 2800 : i32
    %add3A_631 = arith.addi %mul3A_2, %add3A_630 : i32
    "tpu.region"() ({
      %run_scoped3A = tpu.sem_alloc : memref<!tpu.dma_semaphore, #tpu.memory_space<semaphore_mem>>
      %dma_start3A_1568 = tpu.memref_slice %arg2[%add3A_631] : memref<204800xi32, #tpu.memory_space<hbm>> -> memref<400xi32, #tpu.memory_space<hbm>>
      %dma_start3A_1569 = tpu.memref_slice %arg2[%add3A_631] : memref<204800xi32, #tpu.memory_space<hbm>> -> memref<400xi32, #tpu.memory_space<hbm>>
      tpu.enqueue_dma source(%dma_start3A_1569 : memref<400xi32, #tpu.memory_space<hbm>>) target(%arg7 : memref<400xi32, #tpu.memory_space<vmem>>) target_semaphore(%run_scoped3A : memref<!tpu.dma_semaphore, #tpu.memory_space<semaphore_mem>>)
      %dma_wait3A_1570 = tpu.memref_slice %arg2[%add3A_631] : memref<204800xi32, #tpu.memory_space<hbm>> -> memref<400xi32, #tpu.memory_space<hbm>>
      %dma_wait3A_1571 = tpu.memref_slice %arg2[%add3A_631] : memref<204800xi32, #tpu.memory_space<hbm>> -> memref<400xi32, #tpu.memory_space<hbm>>
      tpu.wait_dma2 semaphore(%run_scoped3A : memref<!tpu.dma_semaphore, #tpu.memory_space<semaphore_mem>>) src(%dma_wait3A_1571 : memref<400xi32, #tpu.memory_space<hbm>>) dst(%arg7 : memref<400xi32, #tpu.memory_space<vmem>>)
      tpu.yield
    }) : () -> ()
    %dma_start3A_632 = arith.constant 0 : i32
    %dma_start3A_633 = arith.constant 0 : i32
    %dma_start3A_634 = tpu.memref_slice %arg9[%dma_start3A_632, %dma_start3A_633] : memref<400x128xf32, #tpu.memory_space<vmem>> -> memref<80x128xf32, #tpu.memory_space<vmem>>
    %dma_start3A_635 = arith.constant 0 : i32
    %dma_start3A_636 = tpu.memref_slice %arg7[%dma_start3A_635] : memref<400xi32, #tpu.memory_space<vmem>> -> memref<80xi32, #tpu.memory_space<vmem>>
    %dma_start3A_637 = arith.constant 0 : i32
    %dma_start3A_638 = arith.constant 0 : i32
    %dma_start3A_639 = tpu.memref_slice %arg3[%dma_start3A_637, %dma_start3A_638] : memref<1000000x128xf32, #tpu.memory_space<hbm>> -> memref<1000000x128xf32, #tpu.memory_space<hbm>>
    tpu.enqueue_indirect_dma source(%dma_start3A_639 : memref<1000000x128xf32, #tpu.memory_space<hbm>>) target(%dma_start3A_634 : memref<80x128xf32, #tpu.memory_space<vmem>>) offsets(%dma_start3A_636 : memref<80xi32, #tpu.memory_space<vmem>>) semaphore(%arg12 : memref<!tpu.dma_semaphore, #tpu.memory_space<semaphore_mem>>)
    %dma_start3A_640 = arith.constant 80 : i32
    %dma_start3A_641 = arith.constant 0 : i32
    %dma_start3A_642 = tpu.memref_slice %arg9[%dma_start3A_640, %dma_start3A_641] : memref<400x128xf32, #tpu.memory_space<vmem>> -> memref<80x128xf32, #tpu.memory_space<vmem>>
    %dma_start3A_643 = arith.constant 80 : i32
    %dma_start3A_644 = tpu.memref_slice %arg7[%dma_start3A_643] : memref<400xi32, #tpu.memory_space<vmem>> -> memref<80xi32, #tpu.memory_space<vmem>>
    %dma_start3A_645 = arith.constant 0 : i32
    %dma_start3A_646 = arith.constant 0 : i32
    %dma_start3A_647 = tpu.memref_slice %arg3[%dma_start3A_645, %dma_start3A_646] : memref<1000000x128xf32, #tpu.memory_space<hbm>> -> memref<1000000x128xf32, #tpu.memory_space<hbm>>
    tpu.enqueue_indirect_dma source(%dma_start3A_647 : memref<1000000x128xf32, #tpu.memory_space<hbm>>) target(%dma_start3A_642 : memref<80x128xf32, #tpu.memory_space<vmem>>) offsets(%dma_start3A_644 : memref<80xi32, #tpu.memory_space<vmem>>) semaphore(%arg12 : memref<!tpu.dma_semaphore, #tpu.memory_space<semaphore_mem>>)
    %dma_start3A_648 = arith.constant 160 : i32
    %dma_start3A_649 = arith.constant 0 : i32
    %dma_start3A_650 = tpu.memref_slice %arg9[%dma_start3A_648, %dma_start3A_649] : memref<400x128xf32, #tpu.memory_space<vmem>> -> memref<80x128xf32, #tpu.memory_space<vmem>>
    %dma_start3A_651 = arith.constant 160 : i32
    %dma_start3A_652 = tpu.memref_slice %arg7[%dma_start3A_651] : memref<400xi32, #tpu.memory_space<vmem>> -> memref<80xi32, #tpu.memory_space<vmem>>
    %dma_start3A_653 = arith.constant 0 : i32
    %dma_start3A_654 = arith.constant 0 : i32
    %dma_start3A_655 = tpu.memref_slice %arg3[%dma_start3A_653, %dma_start3A_654] : memref<1000000x128xf32, #tpu.memory_space<hbm>> -> memref<1000000x128xf32, #tpu.memory_space<hbm>>
    tpu.enqueue_indirect_dma source(%dma_start3A_655 : memref<1000000x128xf32, #tpu.memory_space<hbm>>) target(%dma_start3A_650 : memref<80x128xf32, #tpu.memory_space<vmem>>) offsets(%dma_start3A_652 : memref<80xi32, #tpu.memory_space<vmem>>) semaphore(%arg12 : memref<!tpu.dma_semaphore, #tpu.memory_space<semaphore_mem>>)
    %dma_start3A_656 = arith.constant 240 : i32
    %dma_start3A_657 = arith.constant 0 : i32
    %dma_start3A_658 = tpu.memref_slice %arg9[%dma_start3A_656, %dma_start3A_657] : memref<400x128xf32, #tpu.memory_space<vmem>> -> memref<80x128xf32, #tpu.memory_space<vmem>>
    %dma_start3A_659 = arith.constant 240 : i32
    %dma_start3A_660 = tpu.memref_slice %arg7[%dma_start3A_659] : memref<400xi32, #tpu.memory_space<vmem>> -> memref<80xi32, #tpu.memory_space<vmem>>
    %dma_start3A_661 = arith.constant 0 : i32
    %dma_start3A_662 = arith.constant 0 : i32
    %dma_start3A_663 = tpu.memref_slice %arg3[%dma_start3A_661, %dma_start3A_662] : memref<1000000x128xf32, #tpu.memory_space<hbm>> -> memref<1000000x128xf32, #tpu.memory_space<hbm>>
    tpu.enqueue_indirect_dma source(%dma_start3A_663 : memref<1000000x128xf32, #tpu.memory_space<hbm>>) target(%dma_start3A_658 : memref<80x128xf32, #tpu.memory_space<vmem>>) offsets(%dma_start3A_660 : memref<80xi32, #tpu.memory_space<vmem>>) semaphore(%arg12 : memref<!tpu.dma_semaphore, #tpu.memory_space<semaphore_mem>>)
    %dma_start3A_664 = arith.constant 320 : i32
    %dma_start3A_665 = arith.constant 0 : i32
    %dma_start3A_666 = tpu.memref_slice %arg9[%dma_start3A_664, %dma_start3A_665] : memref<400x128xf32, #tpu.memory_space<vmem>> -> memref<80x128xf32, #tpu.memory_space<vmem>>
    %dma_start3A_667 = arith.constant 320 : i32
    %dma_start3A_668 = tpu.memref_slice %arg7[%dma_start3A_667] : memref<400xi32, #tpu.memory_space<vmem>> -> memref<80xi32, #tpu.memory_space<vmem>>
    %dma_start3A_669 = arith.constant 0 : i32
    %dma_start3A_670 = arith.constant 0 : i32
    %dma_start3A_671 = tpu.memref_slice %arg3[%dma_start3A_669, %dma_start3A_670] : memref<1000000x128xf32, #tpu.memory_space<hbm>> -> memref<1000000x128xf32, #tpu.memory_space<hbm>>
    tpu.enqueue_indirect_dma source(%dma_start3A_671 : memref<1000000x128xf32, #tpu.memory_space<hbm>>) target(%dma_start3A_666 : memref<80x128xf32, #tpu.memory_space<vmem>>) offsets(%dma_start3A_668 : memref<80xi32, #tpu.memory_space<vmem>>) semaphore(%arg12 : memref<!tpu.dma_semaphore, #tpu.memory_space<semaphore_mem>>)
    %dma_wait3A_672 = arith.constant 0 : i32
    %dma_wait3A_673 = arith.constant 0 : i32
    %dma_wait3A_674 = tpu.memref_slice %arg8[%dma_wait3A_672, %dma_wait3A_673] : memref<400x128xf32, #tpu.memory_space<vmem>> -> memref<80x128xf32, #tpu.memory_space<vmem>>
    %dma_wait3A_675 = arith.constant 0 : i32
    %dma_wait3A_676 = tpu.memref_slice %arg6[%dma_wait3A_675] : memref<400xi32, #tpu.memory_space<vmem>> -> memref<80xi32, #tpu.memory_space<vmem>>
    %dma_wait3A_677 = arith.constant 0 : i32
    %dma_wait3A_678 = arith.constant 0 : i32
    %dma_wait3A_679 = tpu.memref_slice %arg3[%dma_wait3A_677, %dma_wait3A_678] : memref<1000000x128xf32, #tpu.memory_space<hbm>> -> memref<1000000x128xf32, #tpu.memory_space<hbm>>
    tpu.wait_indirect_dma semaphore(%arg11 : memref<!tpu.dma_semaphore, #tpu.memory_space<semaphore_mem>>) src(%dma_wait3A_679 : memref<1000000x128xf32, #tpu.memory_space<hbm>>) dst(%dma_wait3A_674 : memref<80x128xf32, #tpu.memory_space<vmem>>)
    %dma_wait3A_680 = arith.constant 80 : i32
    %dma_wait3A_681 = arith.constant 0 : i32
    %dma_wait3A_682 = tpu.memref_slice %arg8[%dma_wait3A_680, %dma_wait3A_681] : memref<400x128xf32, #tpu.memory_space<vmem>> -> memref<80x128xf32, #tpu.memory_space<vmem>>
    %dma_wait3A_683 = arith.constant 80 : i32
    %dma_wait3A_684 = tpu.memref_slice %arg6[%dma_wait3A_683] : memref<400xi32, #tpu.memory_space<vmem>> -> memref<80xi32, #tpu.memory_space<vmem>>
    %dma_wait3A_685 = arith.constant 0 : i32
    %dma_wait3A_686 = arith.constant 0 : i32
    %dma_wait3A_687 = tpu.memref_slice %arg3[%dma_wait3A_685, %dma_wait3A_686] : memref<1000000x128xf32, #tpu.memory_space<hbm>> -> memref<1000000x128xf32, #tpu.memory_space<hbm>>
    tpu.wait_indirect_dma semaphore(%arg11 : memref<!tpu.dma_semaphore, #tpu.memory_space<semaphore_mem>>) src(%dma_wait3A_687 : memref<1000000x128xf32, #tpu.memory_space<hbm>>) dst(%dma_wait3A_682 : memref<80x128xf32, #tpu.memory_space<vmem>>)
    %dma_wait3A_688 = arith.constant 160 : i32
    %dma_wait3A_689 = arith.constant 0 : i32
    %dma_wait3A_690 = tpu.memref_slice %arg8[%dma_wait3A_688, %dma_wait3A_689] : memref<400x128xf32, #tpu.memory_space<vmem>> -> memref<80x128xf32, #tpu.memory_space<vmem>>
    %dma_wait3A_691 = arith.constant 160 : i32
    %dma_wait3A_692 = tpu.memref_slice %arg6[%dma_wait3A_691] : memref<400xi32, #tpu.memory_space<vmem>> -> memref<80xi32, #tpu.memory_space<vmem>>
    %dma_wait3A_693 = arith.constant 0 : i32
    %dma_wait3A_694 = arith.constant 0 : i32
    %dma_wait3A_695 = tpu.memref_slice %arg3[%dma_wait3A_693, %dma_wait3A_694] : memref<1000000x128xf32, #tpu.memory_space<hbm>> -> memref<1000000x128xf32, #tpu.memory_space<hbm>>
    tpu.wait_indirect_dma semaphore(%arg11 : memref<!tpu.dma_semaphore, #tpu.memory_space<semaphore_mem>>) src(%dma_wait3A_695 : memref<1000000x128xf32, #tpu.memory_space<hbm>>) dst(%dma_wait3A_690 : memref<80x128xf32, #tpu.memory_space<vmem>>)
    %dma_wait3A_696 = arith.constant 240 : i32
    %dma_wait3A_697 = arith.constant 0 : i32
    %dma_wait3A_698 = tpu.memref_slice %arg8[%dma_wait3A_696, %dma_wait3A_697] : memref<400x128xf32, #tpu.memory_space<vmem>> -> memref<80x128xf32, #tpu.memory_space<vmem>>
    %dma_wait3A_699 = arith.constant 240 : i32
    %dma_wait3A_700 = tpu.memref_slice %arg6[%dma_wait3A_699] : memref<400xi32, #tpu.memory_space<vmem>> -> memref<80xi32, #tpu.memory_space<vmem>>
    %dma_wait3A_701 = arith.constant 0 : i32
    %dma_wait3A_702 = arith.constant 0 : i32
    %dma_wait3A_703 = tpu.memref_slice %arg3[%dma_wait3A_701, %dma_wait3A_702] : memref<1000000x128xf32, #tpu.memory_space<hbm>> -> memref<1000000x128xf32, #tpu.memory_space<hbm>>
    tpu.wait_indirect_dma semaphore(%arg11 : memref<!tpu.dma_semaphore, #tpu.memory_space<semaphore_mem>>) src(%dma_wait3A_703 : memref<1000000x128xf32, #tpu.memory_space<hbm>>) dst(%dma_wait3A_698 : memref<80x128xf32, #tpu.memory_space<vmem>>)
    %dma_wait3A_704 = arith.constant 320 : i32
    %dma_wait3A_705 = arith.constant 0 : i32
    %dma_wait3A_706 = tpu.memref_slice %arg8[%dma_wait3A_704, %dma_wait3A_705] : memref<400x128xf32, #tpu.memory_space<vmem>> -> memref<80x128xf32, #tpu.memory_space<vmem>>
    %dma_wait3A_707 = arith.constant 320 : i32
    %dma_wait3A_708 = tpu.memref_slice %arg6[%dma_wait3A_707] : memref<400xi32, #tpu.memory_space<vmem>> -> memref<80xi32, #tpu.memory_space<vmem>>
    %dma_wait3A_709 = arith.constant 0 : i32
    %dma_wait3A_710 = arith.constant 0 : i32
    %dma_wait3A_711 = tpu.memref_slice %arg3[%dma_wait3A_709, %dma_wait3A_710] : memref<1000000x128xf32, #tpu.memory_space<hbm>> -> memref<1000000x128xf32, #tpu.memory_space<hbm>>
    tpu.wait_indirect_dma semaphore(%arg11 : memref<!tpu.dma_semaphore, #tpu.memory_space<semaphore_mem>>) src(%dma_wait3A_711 : memref<1000000x128xf32, #tpu.memory_space<hbm>>) dst(%dma_wait3A_706 : memref<80x128xf32, #tpu.memory_space<vmem>>)
    %scan3A_712 = arith.constant 0 : i32
    %scan3A_713 = arith.constant 0 : i32
    %scan3A_714 = arith.constant 400 : i32
    %scan3A_715 = arith.addi %scan3A_713, %scan3A_714 : i32
    %scan3A_716 = arith.constant 1 : i32
    scf.for %scan3A_1568 = %scan3A_713 to %scan3A_715 step %scan3A_716  : i32 {
      %get3A = arith.index_cast %scan3A_1568 : i32 to index
      %get3A_1569 = arith.constant 0 : index
      %get3A_1570 = tpu.vector_load %arg8[%get3A, %get3A_1569] {strides = array<i32>} : memref<400x128xf32, #tpu.memory_space<vmem>>, vector<1x16xf32>,
      %get3A_1571 = vector.shape_cast %get3A_1570 : vector<1x16xf32> to vector<16xf32>
      %get3A_1572 = arith.index_cast %scan3A_1568 : i32 to index
      %get3A_1573 = arith.constant 0 : index
      %get3A_1574 = tpu.vector_load %arg10[%get3A_1572, %get3A_1573] {strides = array<i32>} : memref<400x64xf32, #tpu.memory_space<vmem>>, vector<1x16xf32>,
      %get3A_1575 = vector.shape_cast %get3A_1574 : vector<1x16xf32> to vector<16xf32>
      %add3A_1576 = arith.addf %get3A_1571, %get3A_1575 : vector<16xf32>
      %swap3A = arith.index_cast %scan3A_1568 : i32 to index
      %swap3A_1577 = arith.constant 0 : index
      %swap3A_1578 = tpu.vector_load %arg8[%swap3A, %swap3A_1577] {strides = array<i32>} : memref<400x128xf32, #tpu.memory_space<vmem>>, vector<1x16xf32>,
      %swap3A_1579 = vector.shape_cast %swap3A_1578 : vector<1x16xf32> to vector<16xf32>
      %swap3A_1580 = vector.shape_cast %add3A_1576 : vector<16xf32> to vector<1x16xf32>
      tpu.vector_store %arg8[%swap3A, %swap3A_1577], %swap3A_1580 {strides = array<i32>} : memref<400x128xf32, #tpu.memory_space<vmem>>, vector<1x16xf32>,
      %get3A_1581 = arith.index_cast %scan3A_1568 : i32 to index
      %get3A_1582 = arith.constant 16 : index
      %get3A_1583 = tpu.vector_load %arg8[%get3A_1581, %get3A_1582] {strides = array<i32>} : memref<400x128xf32, #tpu.memory_space<vmem>>, vector<1x16xf32>,
      %get3A_1584 = vector.shape_cast %get3A_1583 : vector<1x16xf32> to vector<16xf32>
      %get3A_1585 = arith.index_cast %scan3A_1568 : i32 to index
      %get3A_1586 = arith.constant 16 : index
      %get3A_1587 = tpu.vector_load %arg10[%get3A_1585, %get3A_1586] {strides = array<i32>} : memref<400x64xf32, #tpu.memory_space<vmem>>, vector<1x16xf32>,
      %get3A_1588 = vector.shape_cast %get3A_1587 : vector<1x16xf32> to vector<16xf32>
      %add3A_1589 = arith.addf %get3A_1584, %get3A_1588 : vector<16xf32>
      %swap3A_1590 = arith.index_cast %scan3A_1568 : i32 to index
      %swap3A_1591 = arith.constant 16 : index
      %swap3A_1592 = tpu.vector_load %arg8[%swap3A_1590, %swap3A_1591] {strides = array<i32>} : memref<400x128xf32, #tpu.memory_space<vmem>>, vector<1x16xf32>,
      %swap3A_1593 = vector.shape_cast %swap3A_1592 : vector<1x16xf32> to vector<16xf32>
      %swap3A_1594 = vector.shape_cast %add3A_1589 : vector<16xf32> to vector<1x16xf32>
      tpu.vector_store %arg8[%swap3A_1590, %swap3A_1591], %swap3A_1594 {strides = array<i32>} : memref<400x128xf32, #tpu.memory_space<vmem>>, vector<1x16xf32>,
      %get3A_1595 = arith.index_cast %scan3A_1568 : i32 to index
      %get3A_1596 = arith.constant 32 : index
      %get3A_1597 = tpu.vector_load %arg8[%get3A_1595, %get3A_1596] {strides = array<i32>} : memref<400x128xf32, #tpu.memory_space<vmem>>, vector<1x16xf32>,
      %get3A_1598 = vector.shape_cast %get3A_1597 : vector<1x16xf32> to vector<16xf32>
      %get3A_1599 = arith.index_cast %scan3A_1568 : i32 to index
      %get3A_1600 = arith.constant 32 : index
      %get3A_1601 = tpu.vector_load %arg10[%get3A_1599, %get3A_1600] {strides = array<i32>} : memref<400x64xf32, #tpu.memory_space<vmem>>, vector<1x16xf32>,
      %get3A_1602 = vector.shape_cast %get3A_1601 : vector<1x16xf32> to vector<16xf32>
      %add3A_1603 = arith.addf %get3A_1598, %get3A_1602 : vector<16xf32>
      %swap3A_1604 = arith.index_cast %scan3A_1568 : i32 to index
      %swap3A_1605 = arith.constant 32 : index
      %swap3A_1606 = tpu.vector_load %arg8[%swap3A_1604, %swap3A_1605] {strides = array<i32>} : memref<400x128xf32, #tpu.memory_space<vmem>>, vector<1x16xf32>,
      %swap3A_1607 = vector.shape_cast %swap3A_1606 : vector<1x16xf32> to vector<16xf32>
      %swap3A_1608 = vector.shape_cast %add3A_1603 : vector<16xf32> to vector<1x16xf32>
      tpu.vector_store %arg8[%swap3A_1604, %swap3A_1605], %swap3A_1608 {strides = array<i32>} : memref<400x128xf32, #tpu.memory_space<vmem>>, vector<1x16xf32>,
      %get3A_1609 = arith.index_cast %scan3A_1568 : i32 to index
      %get3A_1610 = arith.constant 48 : index
      %get3A_1611 = tpu.vector_load %arg8[%get3A_1609, %get3A_1610] {strides = array<i32>} : memref<400x128xf32, #tpu.memory_space<vmem>>, vector<1x16xf32>,
      %get3A_1612 = vector.shape_cast %get3A_1611 : vector<1x16xf32> to vector<16xf32>
      %get3A_1613 = arith.index_cast %scan3A_1568 : i32 to index
      %get3A_1614 = arith.constant 48 : index
      %get3A_1615 = tpu.vector_load %arg10[%get3A_1613, %get3A_1614] {strides = array<i32>} : memref<400x64xf32, #tpu.memory_space<vmem>>, vector<1x16xf32>,
      %get3A_1616 = vector.shape_cast %get3A_1615 : vector<1x16xf32> to vector<16xf32>
      %add3A_1617 = arith.addf %get3A_1612, %get3A_1616 : vector<16xf32>
      %swap3A_1618 = arith.index_cast %scan3A_1568 : i32 to index
      %swap3A_1619 = arith.constant 48 : index
      %swap3A_1620 = tpu.vector_load %arg8[%swap3A_1618, %swap3A_1619] {strides = array<i32>} : memref<400x128xf32, #tpu.memory_space<vmem>>, vector<1x16xf32>,
      %swap3A_1621 = vector.shape_cast %swap3A_1620 : vector<1x16xf32> to vector<16xf32>
      %swap3A_1622 = vector.shape_cast %add3A_1617 : vector<16xf32> to vector<1x16xf32>
      tpu.vector_store %arg8[%swap3A_1618, %swap3A_1619], %swap3A_1622 {strides = array<i32>} : memref<400x128xf32, #tpu.memory_space<vmem>>, vector<1x16xf32>,
    }
    %scan3A_717 = arith.constant 400 : i32
    %add3A_718 = arith.constant 2400 : i32
    %add3A_719 = arith.addi %mul3A_2, %add3A_718 : i32
    %dma_start3A_720 = arith.constant 0 : i32
    %dma_start3A_721 = tpu.memref_slice %arg5[%add3A_719, %dma_start3A_720] : memref<204800x128xf32, #tpu.memory_space<hbm>> -> memref<400x128xf32, #tpu.memory_space<hbm>>
    %dma_start3A_722 = arith.constant 0 : i32
    %dma_start3A_723 = tpu.memref_slice %arg5[%add3A_719, %dma_start3A_722] : memref<204800x128xf32, #tpu.memory_space<hbm>> -> memref<400x128xf32, #tpu.memory_space<hbm>>
    tpu.enqueue_dma source(%arg8 : memref<400x128xf32, #tpu.memory_space<vmem>>) target(%dma_start3A_723 : memref<400x128xf32, #tpu.memory_space<hbm>>) target_semaphore(%arg13 : memref<!tpu.dma_semaphore, #tpu.memory_space<semaphore_mem>>)
    %dma_wait3A_724 = arith.constant 0 : i32
    %dma_wait3A_725 = tpu.memref_slice %arg5[%add3A_719, %dma_wait3A_724] : memref<204800x128xf32, #tpu.memory_space<hbm>> -> memref<400x128xf32, #tpu.memory_space<hbm>>
    %dma_wait3A_726 = arith.constant 0 : i32
    %dma_wait3A_727 = tpu.memref_slice %arg5[%add3A_719, %dma_wait3A_726] : memref<204800x128xf32, #tpu.memory_space<hbm>> -> memref<400x128xf32, #tpu.memory_space<hbm>>
    tpu.wait_dma2 semaphore(%arg13 : memref<!tpu.dma_semaphore, #tpu.memory_space<semaphore_mem>>) src(%arg8 : memref<400x128xf32, #tpu.memory_space<vmem>>) dst(%dma_wait3A_727 : memref<400x128xf32, #tpu.memory_space<hbm>>)
    %add3A_728 = arith.constant 3200 : i32
    %add3A_729 = arith.addi %mul3A_2, %add3A_728 : i32
    "tpu.region"() ({
      %run_scoped3A = tpu.sem_alloc : memref<!tpu.dma_semaphore, #tpu.memory_space<semaphore_mem>>
      %dma_start3A_1568 = tpu.memref_slice %arg2[%add3A_729] : memref<204800xi32, #tpu.memory_space<hbm>> -> memref<400xi32, #tpu.memory_space<hbm>>
      %dma_start3A_1569 = tpu.memref_slice %arg2[%add3A_729] : memref<204800xi32, #tpu.memory_space<hbm>> -> memref<400xi32, #tpu.memory_space<hbm>>
      tpu.enqueue_dma source(%dma_start3A_1569 : memref<400xi32, #tpu.memory_space<hbm>>) target(%arg6 : memref<400xi32, #tpu.memory_space<vmem>>) target_semaphore(%run_scoped3A : memref<!tpu.dma_semaphore, #tpu.memory_space<semaphore_mem>>)
      %dma_wait3A_1570 = tpu.memref_slice %arg2[%add3A_729] : memref<204800xi32, #tpu.memory_space<hbm>> -> memref<400xi32, #tpu.memory_space<hbm>>
      %dma_wait3A_1571 = tpu.memref_slice %arg2[%add3A_729] : memref<204800xi32, #tpu.memory_space<hbm>> -> memref<400xi32, #tpu.memory_space<hbm>>
      tpu.wait_dma2 semaphore(%run_scoped3A : memref<!tpu.dma_semaphore, #tpu.memory_space<semaphore_mem>>) src(%dma_wait3A_1571 : memref<400xi32, #tpu.memory_space<hbm>>) dst(%arg6 : memref<400xi32, #tpu.memory_space<vmem>>)
      tpu.yield
    }) : () -> ()
    %dma_start3A_730 = arith.constant 0 : i32
    %dma_start3A_731 = arith.constant 0 : i32
    %dma_start3A_732 = tpu.memref_slice %arg8[%dma_start3A_730, %dma_start3A_731] : memref<400x128xf32, #tpu.memory_space<vmem>> -> memref<80x128xf32, #tpu.memory_space<vmem>>
    %dma_start3A_733 = arith.constant 0 : i32
    %dma_start3A_734 = tpu.memref_slice %arg6[%dma_start3A_733] : memref<400xi32, #tpu.memory_space<vmem>> -> memref<80xi32, #tpu.memory_space<vmem>>
    %dma_start3A_735 = arith.constant 0 : i32
    %dma_start3A_736 = arith.constant 0 : i32
    %dma_start3A_737 = tpu.memref_slice %arg3[%dma_start3A_735, %dma_start3A_736] : memref<1000000x128xf32, #tpu.memory_space<hbm>> -> memref<1000000x128xf32, #tpu.memory_space<hbm>>
    tpu.enqueue_indirect_dma source(%dma_start3A_737 : memref<1000000x128xf32, #tpu.memory_space<hbm>>) target(%dma_start3A_732 : memref<80x128xf32, #tpu.memory_space<vmem>>) offsets(%dma_start3A_734 : memref<80xi32, #tpu.memory_space<vmem>>) semaphore(%arg11 : memref<!tpu.dma_semaphore, #tpu.memory_space<semaphore_mem>>)
    %dma_start3A_738 = arith.constant 80 : i32
    %dma_start3A_739 = arith.constant 0 : i32
    %dma_start3A_740 = tpu.memref_slice %arg8[%dma_start3A_738, %dma_start3A_739] : memref<400x128xf32, #tpu.memory_space<vmem>> -> memref<80x128xf32, #tpu.memory_space<vmem>>
    %dma_start3A_741 = arith.constant 80 : i32
    %dma_start3A_742 = tpu.memref_slice %arg6[%dma_start3A_741] : memref<400xi32, #tpu.memory_space<vmem>> -> memref<80xi32, #tpu.memory_space<vmem>>
    %dma_start3A_743 = arith.constant 0 : i32
    %dma_start3A_744 = arith.constant 0 : i32
    %dma_start3A_745 = tpu.memref_slice %arg3[%dma_start3A_743, %dma_start3A_744] : memref<1000000x128xf32, #tpu.memory_space<hbm>> -> memref<1000000x128xf32, #tpu.memory_space<hbm>>
    tpu.enqueue_indirect_dma source(%dma_start3A_745 : memref<1000000x128xf32, #tpu.memory_space<hbm>>) target(%dma_start3A_740 : memref<80x128xf32, #tpu.memory_space<vmem>>) offsets(%dma_start3A_742 : memref<80xi32, #tpu.memory_space<vmem>>) semaphore(%arg11 : memref<!tpu.dma_semaphore, #tpu.memory_space<semaphore_mem>>)
    %dma_start3A_746 = arith.constant 160 : i32
    %dma_start3A_747 = arith.constant 0 : i32
    %dma_start3A_748 = tpu.memref_slice %arg8[%dma_start3A_746, %dma_start3A_747] : memref<400x128xf32, #tpu.memory_space<vmem>> -> memref<80x128xf32, #tpu.memory_space<vmem>>
    %dma_start3A_749 = arith.constant 160 : i32
    %dma_start3A_750 = tpu.memref_slice %arg6[%dma_start3A_749] : memref<400xi32, #tpu.memory_space<vmem>> -> memref<80xi32, #tpu.memory_space<vmem>>
    %dma_start3A_751 = arith.constant 0 : i32
    %dma_start3A_752 = arith.constant 0 : i32
    %dma_start3A_753 = tpu.memref_slice %arg3[%dma_start3A_751, %dma_start3A_752] : memref<1000000x128xf32, #tpu.memory_space<hbm>> -> memref<1000000x128xf32, #tpu.memory_space<hbm>>
    tpu.enqueue_indirect_dma source(%dma_start3A_753 : memref<1000000x128xf32, #tpu.memory_space<hbm>>) target(%dma_start3A_748 : memref<80x128xf32, #tpu.memory_space<vmem>>) offsets(%dma_start3A_750 : memref<80xi32, #tpu.memory_space<vmem>>) semaphore(%arg11 : memref<!tpu.dma_semaphore, #tpu.memory_space<semaphore_mem>>)
    %dma_start3A_754 = arith.constant 240 : i32
    %dma_start3A_755 = arith.constant 0 : i32
    %dma_start3A_756 = tpu.memref_slice %arg8[%dma_start3A_754, %dma_start3A_755] : memref<400x128xf32, #tpu.memory_space<vmem>> -> memref<80x128xf32, #tpu.memory_space<vmem>>
    %dma_start3A_757 = arith.constant 240 : i32
    %dma_start3A_758 = tpu.memref_slice %arg6[%dma_start3A_757] : memref<400xi32, #tpu.memory_space<vmem>> -> memref<80xi32, #tpu.memory_space<vmem>>
    %dma_start3A_759 = arith.constant 0 : i32
    %dma_start3A_760 = arith.constant 0 : i32
    %dma_start3A_761 = tpu.memref_slice %arg3[%dma_start3A_759, %dma_start3A_760] : memref<1000000x128xf32, #tpu.memory_space<hbm>> -> memref<1000000x128xf32, #tpu.memory_space<hbm>>
    tpu.enqueue_indirect_dma source(%dma_start3A_761 : memref<1000000x128xf32, #tpu.memory_space<hbm>>) target(%dma_start3A_756 : memref<80x128xf32, #tpu.memory_space<vmem>>) offsets(%dma_start3A_758 : memref<80xi32, #tpu.memory_space<vmem>>) semaphore(%arg11 : memref<!tpu.dma_semaphore, #tpu.memory_space<semaphore_mem>>)
    %dma_start3A_762 = arith.constant 320 : i32
    %dma_start3A_763 = arith.constant 0 : i32
    %dma_start3A_764 = tpu.memref_slice %arg8[%dma_start3A_762, %dma_start3A_763] : memref<400x128xf32, #tpu.memory_space<vmem>> -> memref<80x128xf32, #tpu.memory_space<vmem>>
    %dma_start3A_765 = arith.constant 320 : i32
    %dma_start3A_766 = tpu.memref_slice %arg6[%dma_start3A_765] : memref<400xi32, #tpu.memory_space<vmem>> -> memref<80xi32, #tpu.memory_space<vmem>>
    %dma_start3A_767 = arith.constant 0 : i32
    %dma_start3A_768 = arith.constant 0 : i32
    %dma_start3A_769 = tpu.memref_slice %arg3[%dma_start3A_767, %dma_start3A_768] : memref<1000000x128xf32, #tpu.memory_space<hbm>> -> memref<1000000x128xf32, #tpu.memory_space<hbm>>
    tpu.enqueue_indirect_dma source(%dma_start3A_769 : memref<1000000x128xf32, #tpu.memory_space<hbm>>) target(%dma_start3A_764 : memref<80x128xf32, #tpu.memory_space<vmem>>) offsets(%dma_start3A_766 : memref<80xi32, #tpu.memory_space<vmem>>) semaphore(%arg11 : memref<!tpu.dma_semaphore, #tpu.memory_space<semaphore_mem>>)
    %dma_wait3A_770 = arith.constant 0 : i32
    %dma_wait3A_771 = arith.constant 0 : i32
    %dma_wait3A_772 = tpu.memref_slice %arg9[%dma_wait3A_770, %dma_wait3A_771] : memref<400x128xf32, #tpu.memory_space<vmem>> -> memref<80x128xf32, #tpu.memory_space<vmem>>
    %dma_wait3A_773 = arith.constant 0 : i32
    %dma_wait3A_774 = tpu.memref_slice %arg7[%dma_wait3A_773] : memref<400xi32, #tpu.memory_space<vmem>> -> memref<80xi32, #tpu.memory_space<vmem>>
    %dma_wait3A_775 = arith.constant 0 : i32
    %dma_wait3A_776 = arith.constant 0 : i32
    %dma_wait3A_777 = tpu.memref_slice %arg3[%dma_wait3A_775, %dma_wait3A_776] : memref<1000000x128xf32, #tpu.memory_space<hbm>> -> memref<1000000x128xf32, #tpu.memory_space<hbm>>
    tpu.wait_indirect_dma semaphore(%arg12 : memref<!tpu.dma_semaphore, #tpu.memory_space<semaphore_mem>>) src(%dma_wait3A_777 : memref<1000000x128xf32, #tpu.memory_space<hbm>>) dst(%dma_wait3A_772 : memref<80x128xf32, #tpu.memory_space<vmem>>)
    %dma_wait3A_778 = arith.constant 80 : i32
    %dma_wait3A_779 = arith.constant 0 : i32
    %dma_wait3A_780 = tpu.memref_slice %arg9[%dma_wait3A_778, %dma_wait3A_779] : memref<400x128xf32, #tpu.memory_space<vmem>> -> memref<80x128xf32, #tpu.memory_space<vmem>>
    %dma_wait3A_781 = arith.constant 80 : i32
    %dma_wait3A_782 = tpu.memref_slice %arg7[%dma_wait3A_781] : memref<400xi32, #tpu.memory_space<vmem>> -> memref<80xi32, #tpu.memory_space<vmem>>
    %dma_wait3A_783 = arith.constant 0 : i32
    %dma_wait3A_784 = arith.constant 0 : i32
    %dma_wait3A_785 = tpu.memref_slice %arg3[%dma_wait3A_783, %dma_wait3A_784] : memref<1000000x128xf32, #tpu.memory_space<hbm>> -> memref<1000000x128xf32, #tpu.memory_space<hbm>>
    tpu.wait_indirect_dma semaphore(%arg12 : memref<!tpu.dma_semaphore, #tpu.memory_space<semaphore_mem>>) src(%dma_wait3A_785 : memref<1000000x128xf32, #tpu.memory_space<hbm>>) dst(%dma_wait3A_780 : memref<80x128xf32, #tpu.memory_space<vmem>>)
    %dma_wait3A_786 = arith.constant 160 : i32
    %dma_wait3A_787 = arith.constant 0 : i32
    %dma_wait3A_788 = tpu.memref_slice %arg9[%dma_wait3A_786, %dma_wait3A_787] : memref<400x128xf32, #tpu.memory_space<vmem>> -> memref<80x128xf32, #tpu.memory_space<vmem>>
    %dma_wait3A_789 = arith.constant 160 : i32
    %dma_wait3A_790 = tpu.memref_slice %arg7[%dma_wait3A_789] : memref<400xi32, #tpu.memory_space<vmem>> -> memref<80xi32, #tpu.memory_space<vmem>>
    %dma_wait3A_791 = arith.constant 0 : i32
    %dma_wait3A_792 = arith.constant 0 : i32
    %dma_wait3A_793 = tpu.memref_slice %arg3[%dma_wait3A_791, %dma_wait3A_792] : memref<1000000x128xf32, #tpu.memory_space<hbm>> -> memref<1000000x128xf32, #tpu.memory_space<hbm>>
    tpu.wait_indirect_dma semaphore(%arg12 : memref<!tpu.dma_semaphore, #tpu.memory_space<semaphore_mem>>) src(%dma_wait3A_793 : memref<1000000x128xf32, #tpu.memory_space<hbm>>) dst(%dma_wait3A_788 : memref<80x128xf32, #tpu.memory_space<vmem>>)
    %dma_wait3A_794 = arith.constant 240 : i32
    %dma_wait3A_795 = arith.constant 0 : i32
    %dma_wait3A_796 = tpu.memref_slice %arg9[%dma_wait3A_794, %dma_wait3A_795] : memref<400x128xf32, #tpu.memory_space<vmem>> -> memref<80x128xf32, #tpu.memory_space<vmem>>
    %dma_wait3A_797 = arith.constant 240 : i32
    %dma_wait3A_798 = tpu.memref_slice %arg7[%dma_wait3A_797] : memref<400xi32, #tpu.memory_space<vmem>> -> memref<80xi32, #tpu.memory_space<vmem>>
    %dma_wait3A_799 = arith.constant 0 : i32
    %dma_wait3A_800 = arith.constant 0 : i32
    %dma_wait3A_801 = tpu.memref_slice %arg3[%dma_wait3A_799, %dma_wait3A_800] : memref<1000000x128xf32, #tpu.memory_space<hbm>> -> memref<1000000x128xf32, #tpu.memory_space<hbm>>
    tpu.wait_indirect_dma semaphore(%arg12 : memref<!tpu.dma_semaphore, #tpu.memory_space<semaphore_mem>>) src(%dma_wait3A_801 : memref<1000000x128xf32, #tpu.memory_space<hbm>>) dst(%dma_wait3A_796 : memref<80x128xf32, #tpu.memory_space<vmem>>)
    %dma_wait3A_802 = arith.constant 320 : i32
    %dma_wait3A_803 = arith.constant 0 : i32
    %dma_wait3A_804 = tpu.memref_slice %arg9[%dma_wait3A_802, %dma_wait3A_803] : memref<400x128xf32, #tpu.memory_space<vmem>> -> memref<80x128xf32, #tpu.memory_space<vmem>>
    %dma_wait3A_805 = arith.constant 320 : i32
    %dma_wait3A_806 = tpu.memref_slice %arg7[%dma_wait3A_805] : memref<400xi32, #tpu.memory_space<vmem>> -> memref<80xi32, #tpu.memory_space<vmem>>
    %dma_wait3A_807 = arith.constant 0 : i32
    %dma_wait3A_808 = arith.constant 0 : i32
    %dma_wait3A_809 = tpu.memref_slice %arg3[%dma_wait3A_807, %dma_wait3A_808] : memref<1000000x128xf32, #tpu.memory_space<hbm>> -> memref<1000000x128xf32, #tpu.memory_space<hbm>>
    tpu.wait_indirect_dma semaphore(%arg12 : memref<!tpu.dma_semaphore, #tpu.memory_space<semaphore_mem>>) src(%dma_wait3A_809 : memref<1000000x128xf32, #tpu.memory_space<hbm>>) dst(%dma_wait3A_804 : memref<80x128xf32, #tpu.memory_space<vmem>>)
    %scan3A_810 = arith.constant 0 : i32
    %scan3A_811 = arith.constant 0 : i32
    %scan3A_812 = arith.constant 400 : i32
    %scan3A_813 = arith.addi %scan3A_811, %scan3A_812 : i32
    %scan3A_814 = arith.constant 1 : i32
    scf.for %scan3A_1568 = %scan3A_811 to %scan3A_813 step %scan3A_814  : i32 {
      %get3A = arith.index_cast %scan3A_1568 : i32 to index
      %get3A_1569 = arith.constant 0 : index
      %get3A_1570 = tpu.vector_load %arg9[%get3A, %get3A_1569] {strides = array<i32>} : memref<400x128xf32, #tpu.memory_space<vmem>>, vector<1x16xf32>,
      %get3A_1571 = vector.shape_cast %get3A_1570 : vector<1x16xf32> to vector<16xf32>
      %get3A_1572 = arith.index_cast %scan3A_1568 : i32 to index
      %get3A_1573 = arith.constant 0 : index
      %get3A_1574 = tpu.vector_load %arg10[%get3A_1572, %get3A_1573] {strides = array<i32>} : memref<400x64xf32, #tpu.memory_space<vmem>>, vector<1x16xf32>,
      %get3A_1575 = vector.shape_cast %get3A_1574 : vector<1x16xf32> to vector<16xf32>
      %add3A_1576 = arith.addf %get3A_1571, %get3A_1575 : vector<16xf32>
      %swap3A = arith.index_cast %scan3A_1568 : i32 to index
      %swap3A_1577 = arith.constant 0 : index
      %swap3A_1578 = tpu.vector_load %arg9[%swap3A, %swap3A_1577] {strides = array<i32>} : memref<400x128xf32, #tpu.memory_space<vmem>>, vector<1x16xf32>,
      %swap3A_1579 = vector.shape_cast %swap3A_1578 : vector<1x16xf32> to vector<16xf32>
      %swap3A_1580 = vector.shape_cast %add3A_1576 : vector<16xf32> to vector<1x16xf32>
      tpu.vector_store %arg9[%swap3A, %swap3A_1577], %swap3A_1580 {strides = array<i32>} : memref<400x128xf32, #tpu.memory_space<vmem>>, vector<1x16xf32>,
      %get3A_1581 = arith.index_cast %scan3A_1568 : i32 to index
      %get3A_1582 = arith.constant 16 : index
      %get3A_1583 = tpu.vector_load %arg9[%get3A_1581, %get3A_1582] {strides = array<i32>} : memref<400x128xf32, #tpu.memory_space<vmem>>, vector<1x16xf32>,
      %get3A_1584 = vector.shape_cast %get3A_1583 : vector<1x16xf32> to vector<16xf32>
      %get3A_1585 = arith.index_cast %scan3A_1568 : i32 to index
      %get3A_1586 = arith.constant 16 : index
      %get3A_1587 = tpu.vector_load %arg10[%get3A_1585, %get3A_1586] {strides = array<i32>} : memref<400x64xf32, #tpu.memory_space<vmem>>, vector<1x16xf32>,
      %get3A_1588 = vector.shape_cast %get3A_1587 : vector<1x16xf32> to vector<16xf32>
      %add3A_1589 = arith.addf %get3A_1584, %get3A_1588 : vector<16xf32>
      %swap3A_1590 = arith.index_cast %scan3A_1568 : i32 to index
      %swap3A_1591 = arith.constant 16 : index
      %swap3A_1592 = tpu.vector_load %arg9[%swap3A_1590, %swap3A_1591] {strides = array<i32>} : memref<400x128xf32, #tpu.memory_space<vmem>>, vector<1x16xf32>,
      %swap3A_1593 = vector.shape_cast %swap3A_1592 : vector<1x16xf32> to vector<16xf32>
      %swap3A_1594 = vector.shape_cast %add3A_1589 : vector<16xf32> to vector<1x16xf32>
      tpu.vector_store %arg9[%swap3A_1590, %swap3A_1591], %swap3A_1594 {strides = array<i32>} : memref<400x128xf32, #tpu.memory_space<vmem>>, vector<1x16xf32>,
      %get3A_1595 = arith.index_cast %scan3A_1568 : i32 to index
      %get3A_1596 = arith.constant 32 : index
      %get3A_1597 = tpu.vector_load %arg9[%get3A_1595, %get3A_1596] {strides = array<i32>} : memref<400x128xf32, #tpu.memory_space<vmem>>, vector<1x16xf32>,
      %get3A_1598 = vector.shape_cast %get3A_1597 : vector<1x16xf32> to vector<16xf32>
      %get3A_1599 = arith.index_cast %scan3A_1568 : i32 to index
      %get3A_1600 = arith.constant 32 : index
      %get3A_1601 = tpu.vector_load %arg10[%get3A_1599, %get3A_1600] {strides = array<i32>} : memref<400x64xf32, #tpu.memory_space<vmem>>, vector<1x16xf32>,
      %get3A_1602 = vector.shape_cast %get3A_1601 : vector<1x16xf32> to vector<16xf32>
      %add3A_1603 = arith.addf %get3A_1598, %get3A_1602 : vector<16xf32>
      %swap3A_1604 = arith.index_cast %scan3A_1568 : i32 to index
      %swap3A_1605 = arith.constant 32 : index
      %swap3A_1606 = tpu.vector_load %arg9[%swap3A_1604, %swap3A_1605] {strides = array<i32>} : memref<400x128xf32, #tpu.memory_space<vmem>>, vector<1x16xf32>,
      %swap3A_1607 = vector.shape_cast %swap3A_1606 : vector<1x16xf32> to vector<16xf32>
      %swap3A_1608 = vector.shape_cast %add3A_1603 : vector<16xf32> to vector<1x16xf32>
      tpu.vector_store %arg9[%swap3A_1604, %swap3A_1605], %swap3A_1608 {strides = array<i32>} : memref<400x128xf32, #tpu.memory_space<vmem>>, vector<1x16xf32>,
      %get3A_1609 = arith.index_cast %scan3A_1568 : i32 to index
      %get3A_1610 = arith.constant 48 : index
      %get3A_1611 = tpu.vector_load %arg9[%get3A_1609, %get3A_1610] {strides = array<i32>} : memref<400x128xf32, #tpu.memory_space<vmem>>, vector<1x16xf32>,
      %get3A_1612 = vector.shape_cast %get3A_1611 : vector<1x16xf32> to vector<16xf32>
      %get3A_1613 = arith.index_cast %scan3A_1568 : i32 to index
      %get3A_1614 = arith.constant 48 : index
      %get3A_1615 = tpu.vector_load %arg10[%get3A_1613, %get3A_1614] {strides = array<i32>} : memref<400x64xf32, #tpu.memory_space<vmem>>, vector<1x16xf32>,
      %get3A_1616 = vector.shape_cast %get3A_1615 : vector<1x16xf32> to vector<16xf32>
      %add3A_1617 = arith.addf %get3A_1612, %get3A_1616 : vector<16xf32>
      %swap3A_1618 = arith.index_cast %scan3A_1568 : i32 to index
      %swap3A_1619 = arith.constant 48 : index
      %swap3A_1620 = tpu.vector_load %arg9[%swap3A_1618, %swap3A_1619] {strides = array<i32>} : memref<400x128xf32, #tpu.memory_space<vmem>>, vector<1x16xf32>,
      %swap3A_1621 = vector.shape_cast %swap3A_1620 : vector<1x16xf32> to vector<16xf32>
      %swap3A_1622 = vector.shape_cast %add3A_1617 : vector<16xf32> to vector<1x16xf32>
      tpu.vector_store %arg9[%swap3A_1618, %swap3A_1619], %swap3A_1622 {strides = array<i32>} : memref<400x128xf32, #tpu.memory_space<vmem>>, vector<1x16xf32>,
    }
    %scan3A_815 = arith.constant 400 : i32
    %add3A_816 = arith.constant 2800 : i32
    %add3A_817 = arith.addi %mul3A_2, %add3A_816 : i32
    %dma_start3A_818 = arith.constant 0 : i32
    %dma_start3A_819 = tpu.memref_slice %arg5[%add3A_817, %dma_start3A_818] : memref<204800x128xf32, #tpu.memory_space<hbm>> -> memref<400x128xf32, #tpu.memory_space<hbm>>
    %dma_start3A_820 = arith.constant 0 : i32
    %dma_start3A_821 = tpu.memref_slice %arg5[%add3A_817, %dma_start3A_820] : memref<204800x128xf32, #tpu.memory_space<hbm>> -> memref<400x128xf32, #tpu.memory_space<hbm>>
    tpu.enqueue_dma source(%arg9 : memref<400x128xf32, #tpu.memory_space<vmem>>) target(%dma_start3A_821 : memref<400x128xf32, #tpu.memory_space<hbm>>) target_semaphore(%arg14 : memref<!tpu.dma_semaphore, #tpu.memory_space<semaphore_mem>>)
    %dma_wait3A_822 = arith.constant 0 : i32
    %dma_wait3A_823 = tpu.memref_slice %arg5[%add3A_817, %dma_wait3A_822] : memref<204800x128xf32, #tpu.memory_space<hbm>> -> memref<400x128xf32, #tpu.memory_space<hbm>>
    %dma_wait3A_824 = arith.constant 0 : i32
    %dma_wait3A_825 = tpu.memref_slice %arg5[%add3A_817, %dma_wait3A_824] : memref<204800x128xf32, #tpu.memory_space<hbm>> -> memref<400x128xf32, #tpu.memory_space<hbm>>
    tpu.wait_dma2 semaphore(%arg14 : memref<!tpu.dma_semaphore, #tpu.memory_space<semaphore_mem>>) src(%arg9 : memref<400x128xf32, #tpu.memory_space<vmem>>) dst(%dma_wait3A_825 : memref<400x128xf32, #tpu.memory_space<hbm>>)
    %add3A_826 = arith.constant 3600 : i32
    %add3A_827 = arith.addi %mul3A_2, %add3A_826 : i32
    "tpu.region"() ({
      %run_scoped3A = tpu.sem_alloc : memref<!tpu.dma_semaphore, #tpu.memory_space<semaphore_mem>>
      %dma_start3A_1568 = tpu.memref_slice %arg2[%add3A_827] : memref<204800xi32, #tpu.memory_space<hbm>> -> memref<400xi32, #tpu.memory_space<hbm>>
      %dma_start3A_1569 = tpu.memref_slice %arg2[%add3A_827] : memref<204800xi32, #tpu.memory_space<hbm>> -> memref<400xi32, #tpu.memory_space<hbm>>
      tpu.enqueue_dma source(%dma_start3A_1569 : memref<400xi32, #tpu.memory_space<hbm>>) target(%arg7 : memref<400xi32, #tpu.memory_space<vmem>>) target_semaphore(%run_scoped3A : memref<!tpu.dma_semaphore, #tpu.memory_space<semaphore_mem>>)
      %dma_wait3A_1570 = tpu.memref_slice %arg2[%add3A_827] : memref<204800xi32, #tpu.memory_space<hbm>> -> memref<400xi32, #tpu.memory_space<hbm>>
      %dma_wait3A_1571 = tpu.memref_slice %arg2[%add3A_827] : memref<204800xi32, #tpu.memory_space<hbm>> -> memref<400xi32, #tpu.memory_space<hbm>>
      tpu.wait_dma2 semaphore(%run_scoped3A : memref<!tpu.dma_semaphore, #tpu.memory_space<semaphore_mem>>) src(%dma_wait3A_1571 : memref<400xi32, #tpu.memory_space<hbm>>) dst(%arg7 : memref<400xi32, #tpu.memory_space<vmem>>)
      tpu.yield
    }) : () -> ()
    %dma_start3A_828 = arith.constant 0 : i32
    %dma_start3A_829 = arith.constant 0 : i32
    %dma_start3A_830 = tpu.memref_slice %arg9[%dma_start3A_828, %dma_start3A_829] : memref<400x128xf32, #tpu.memory_space<vmem>> -> memref<80x128xf32, #tpu.memory_space<vmem>>
    %dma_start3A_831 = arith.constant 0 : i32
    %dma_start3A_832 = tpu.memref_slice %arg7[%dma_start3A_831] : memref<400xi32, #tpu.memory_space<vmem>> -> memref<80xi32, #tpu.memory_space<vmem>>
    %dma_start3A_833 = arith.constant 0 : i32
    %dma_start3A_834 = arith.constant 0 : i32
    %dma_start3A_835 = tpu.memref_slice %arg3[%dma_start3A_833, %dma_start3A_834] : memref<1000000x128xf32, #tpu.memory_space<hbm>> -> memref<1000000x128xf32, #tpu.memory_space<hbm>>
    tpu.enqueue_indirect_dma source(%dma_start3A_835 : memref<1000000x128xf32, #tpu.memory_space<hbm>>) target(%dma_start3A_830 : memref<80x128xf32, #tpu.memory_space<vmem>>) offsets(%dma_start3A_832 : memref<80xi32, #tpu.memory_space<vmem>>) semaphore(%arg12 : memref<!tpu.dma_semaphore, #tpu.memory_space<semaphore_mem>>)
    %dma_start3A_836 = arith.constant 80 : i32
    %dma_start3A_837 = arith.constant 0 : i32
    %dma_start3A_838 = tpu.memref_slice %arg9[%dma_start3A_836, %dma_start3A_837] : memref<400x128xf32, #tpu.memory_space<vmem>> -> memref<80x128xf32, #tpu.memory_space<vmem>>
    %dma_start3A_839 = arith.constant 80 : i32
    %dma_start3A_840 = tpu.memref_slice %arg7[%dma_start3A_839] : memref<400xi32, #tpu.memory_space<vmem>> -> memref<80xi32, #tpu.memory_space<vmem>>
    %dma_start3A_841 = arith.constant 0 : i32
    %dma_start3A_842 = arith.constant 0 : i32
    %dma_start3A_843 = tpu.memref_slice %arg3[%dma_start3A_841, %dma_start3A_842] : memref<1000000x128xf32, #tpu.memory_space<hbm>> -> memref<1000000x128xf32, #tpu.memory_space<hbm>>
    tpu.enqueue_indirect_dma source(%dma_start3A_843 : memref<1000000x128xf32, #tpu.memory_space<hbm>>) target(%dma_start3A_838 : memref<80x128xf32, #tpu.memory_space<vmem>>) offsets(%dma_start3A_840 : memref<80xi32, #tpu.memory_space<vmem>>) semaphore(%arg12 : memref<!tpu.dma_semaphore, #tpu.memory_space<semaphore_mem>>)
    %dma_start3A_844 = arith.constant 160 : i32
    %dma_start3A_845 = arith.constant 0 : i32
    %dma_start3A_846 = tpu.memref_slice %arg9[%dma_start3A_844, %dma_start3A_845] : memref<400x128xf32, #tpu.memory_space<vmem>> -> memref<80x128xf32, #tpu.memory_space<vmem>>
    %dma_start3A_847 = arith.constant 160 : i32
    %dma_start3A_848 = tpu.memref_slice %arg7[%dma_start3A_847] : memref<400xi32, #tpu.memory_space<vmem>> -> memref<80xi32, #tpu.memory_space<vmem>>
    %dma_start3A_849 = arith.constant 0 : i32
    %dma_start3A_850 = arith.constant 0 : i32
    %dma_start3A_851 = tpu.memref_slice %arg3[%dma_start3A_849, %dma_start3A_850] : memref<1000000x128xf32, #tpu.memory_space<hbm>> -> memref<1000000x128xf32, #tpu.memory_space<hbm>>
    tpu.enqueue_indirect_dma source(%dma_start3A_851 : memref<1000000x128xf32, #tpu.memory_space<hbm>>) target(%dma_start3A_846 : memref<80x128xf32, #tpu.memory_space<vmem>>) offsets(%dma_start3A_848 : memref<80xi32, #tpu.memory_space<vmem>>) semaphore(%arg12 : memref<!tpu.dma_semaphore, #tpu.memory_space<semaphore_mem>>)
    %dma_start3A_852 = arith.constant 240 : i32
    %dma_start3A_853 = arith.constant 0 : i32
    %dma_start3A_854 = tpu.memref_slice %arg9[%dma_start3A_852, %dma_start3A_853] : memref<400x128xf32, #tpu.memory_space<vmem>> -> memref<80x128xf32, #tpu.memory_space<vmem>>
    %dma_start3A_855 = arith.constant 240 : i32
    %dma_start3A_856 = tpu.memref_slice %arg7[%dma_start3A_855] : memref<400xi32, #tpu.memory_space<vmem>> -> memref<80xi32, #tpu.memory_space<vmem>>
    %dma_start3A_857 = arith.constant 0 : i32
    %dma_start3A_858 = arith.constant 0 : i32
    %dma_start3A_859 = tpu.memref_slice %arg3[%dma_start3A_857, %dma_start3A_858] : memref<1000000x128xf32, #tpu.memory_space<hbm>> -> memref<1000000x128xf32, #tpu.memory_space<hbm>>
    tpu.enqueue_indirect_dma source(%dma_start3A_859 : memref<1000000x128xf32, #tpu.memory_space<hbm>>) target(%dma_start3A_854 : memref<80x128xf32, #tpu.memory_space<vmem>>) offsets(%dma_start3A_856 : memref<80xi32, #tpu.memory_space<vmem>>) semaphore(%arg12 : memref<!tpu.dma_semaphore, #tpu.memory_space<semaphore_mem>>)
    %dma_start3A_860 = arith.constant 320 : i32
    %dma_start3A_861 = arith.constant 0 : i32
    %dma_start3A_862 = tpu.memref_slice %arg9[%dma_start3A_860, %dma_start3A_861] : memref<400x128xf32, #tpu.memory_space<vmem>> -> memref<80x128xf32, #tpu.memory_space<vmem>>
    %dma_start3A_863 = arith.constant 320 : i32
    %dma_start3A_864 = tpu.memref_slice %arg7[%dma_start3A_863] : memref<400xi32, #tpu.memory_space<vmem>> -> memref<80xi32, #tpu.memory_space<vmem>>
    %dma_start3A_865 = arith.constant 0 : i32
    %dma_start3A_866 = arith.constant 0 : i32
    %dma_start3A_867 = tpu.memref_slice %arg3[%dma_start3A_865, %dma_start3A_866] : memref<1000000x128xf32, #tpu.memory_space<hbm>> -> memref<1000000x128xf32, #tpu.memory_space<hbm>>
    tpu.enqueue_indirect_dma source(%dma_start3A_867 : memref<1000000x128xf32, #tpu.memory_space<hbm>>) target(%dma_start3A_862 : memref<80x128xf32, #tpu.memory_space<vmem>>) offsets(%dma_start3A_864 : memref<80xi32, #tpu.memory_space<vmem>>) semaphore(%arg12 : memref<!tpu.dma_semaphore, #tpu.memory_space<semaphore_mem>>)
    %dma_wait3A_868 = arith.constant 0 : i32
    %dma_wait3A_869 = arith.constant 0 : i32
    %dma_wait3A_870 = tpu.memref_slice %arg8[%dma_wait3A_868, %dma_wait3A_869] : memref<400x128xf32, #tpu.memory_space<vmem>> -> memref<80x128xf32, #tpu.memory_space<vmem>>
    %dma_wait3A_871 = arith.constant 0 : i32
    %dma_wait3A_872 = tpu.memref_slice %arg6[%dma_wait3A_871] : memref<400xi32, #tpu.memory_space<vmem>> -> memref<80xi32, #tpu.memory_space<vmem>>
    %dma_wait3A_873 = arith.constant 0 : i32
    %dma_wait3A_874 = arith.constant 0 : i32
    %dma_wait3A_875 = tpu.memref_slice %arg3[%dma_wait3A_873, %dma_wait3A_874] : memref<1000000x128xf32, #tpu.memory_space<hbm>> -> memref<1000000x128xf32, #tpu.memory_space<hbm>>
    tpu.wait_indirect_dma semaphore(%arg11 : memref<!tpu.dma_semaphore, #tpu.memory_space<semaphore_mem>>) src(%dma_wait3A_875 : memref<1000000x128xf32, #tpu.memory_space<hbm>>) dst(%dma_wait3A_870 : memref<80x128xf32, #tpu.memory_space<vmem>>)
    %dma_wait3A_876 = arith.constant 80 : i32
    %dma_wait3A_877 = arith.constant 0 : i32
    %dma_wait3A_878 = tpu.memref_slice %arg8[%dma_wait3A_876, %dma_wait3A_877] : memref<400x128xf32, #tpu.memory_space<vmem>> -> memref<80x128xf32, #tpu.memory_space<vmem>>
    %dma_wait3A_879 = arith.constant 80 : i32
    %dma_wait3A_880 = tpu.memref_slice %arg6[%dma_wait3A_879] : memref<400xi32, #tpu.memory_space<vmem>> -> memref<80xi32, #tpu.memory_space<vmem>>
    %dma_wait3A_881 = arith.constant 0 : i32
    %dma_wait3A_882 = arith.constant 0 : i32
    %dma_wait3A_883 = tpu.memref_slice %arg3[%dma_wait3A_881, %dma_wait3A_882] : memref<1000000x128xf32, #tpu.memory_space<hbm>> -> memref<1000000x128xf32, #tpu.memory_space<hbm>>
    tpu.wait_indirect_dma semaphore(%arg11 : memref<!tpu.dma_semaphore, #tpu.memory_space<semaphore_mem>>) src(%dma_wait3A_883 : memref<1000000x128xf32, #tpu.memory_space<hbm>>) dst(%dma_wait3A_878 : memref<80x128xf32, #tpu.memory_space<vmem>>)
    %dma_wait3A_884 = arith.constant 160 : i32
    %dma_wait3A_885 = arith.constant 0 : i32
    %dma_wait3A_886 = tpu.memref_slice %arg8[%dma_wait3A_884, %dma_wait3A_885] : memref<400x128xf32, #tpu.memory_space<vmem>> -> memref<80x128xf32, #tpu.memory_space<vmem>>
    %dma_wait3A_887 = arith.constant 160 : i32
    %dma_wait3A_888 = tpu.memref_slice %arg6[%dma_wait3A_887] : memref<400xi32, #tpu.memory_space<vmem>> -> memref<80xi32, #tpu.memory_space<vmem>>
    %dma_wait3A_889 = arith.constant 0 : i32
    %dma_wait3A_890 = arith.constant 0 : i32
    %dma_wait3A_891 = tpu.memref_slice %arg3[%dma_wait3A_889, %dma_wait3A_890] : memref<1000000x128xf32, #tpu.memory_space<hbm>> -> memref<1000000x128xf32, #tpu.memory_space<hbm>>
    tpu.wait_indirect_dma semaphore(%arg11 : memref<!tpu.dma_semaphore, #tpu.memory_space<semaphore_mem>>) src(%dma_wait3A_891 : memref<1000000x128xf32, #tpu.memory_space<hbm>>) dst(%dma_wait3A_886 : memref<80x128xf32, #tpu.memory_space<vmem>>)
    %dma_wait3A_892 = arith.constant 240 : i32
    %dma_wait3A_893 = arith.constant 0 : i32
    %dma_wait3A_894 = tpu.memref_slice %arg8[%dma_wait3A_892, %dma_wait3A_893] : memref<400x128xf32, #tpu.memory_space<vmem>> -> memref<80x128xf32, #tpu.memory_space<vmem>>
    %dma_wait3A_895 = arith.constant 240 : i32
    %dma_wait3A_896 = tpu.memref_slice %arg6[%dma_wait3A_895] : memref<400xi32, #tpu.memory_space<vmem>> -> memref<80xi32, #tpu.memory_space<vmem>>
    %dma_wait3A_897 = arith.constant 0 : i32
    %dma_wait3A_898 = arith.constant 0 : i32
    %dma_wait3A_899 = tpu.memref_slice %arg3[%dma_wait3A_897, %dma_wait3A_898] : memref<1000000x128xf32, #tpu.memory_space<hbm>> -> memref<1000000x128xf32, #tpu.memory_space<hbm>>
    tpu.wait_indirect_dma semaphore(%arg11 : memref<!tpu.dma_semaphore, #tpu.memory_space<semaphore_mem>>) src(%dma_wait3A_899 : memref<1000000x128xf32, #tpu.memory_space<hbm>>) dst(%dma_wait3A_894 : memref<80x128xf32, #tpu.memory_space<vmem>>)
    %dma_wait3A_900 = arith.constant 320 : i32
    %dma_wait3A_901 = arith.constant 0 : i32
    %dma_wait3A_902 = tpu.memref_slice %arg8[%dma_wait3A_900, %dma_wait3A_901] : memref<400x128xf32, #tpu.memory_space<vmem>> -> memref<80x128xf32, #tpu.memory_space<vmem>>
    %dma_wait3A_903 = arith.constant 320 : i32
    %dma_wait3A_904 = tpu.memref_slice %arg6[%dma_wait3A_903] : memref<400xi32, #tpu.memory_space<vmem>> -> memref<80xi32, #tpu.memory_space<vmem>>
    %dma_wait3A_905 = arith.constant 0 : i32
    %dma_wait3A_906 = arith.constant 0 : i32
    %dma_wait3A_907 = tpu.memref_slice %arg3[%dma_wait3A_905, %dma_wait3A_906] : memref<1000000x128xf32, #tpu.memory_space<hbm>> -> memref<1000000x128xf32, #tpu.memory_space<hbm>>
    tpu.wait_indirect_dma semaphore(%arg11 : memref<!tpu.dma_semaphore, #tpu.memory_space<semaphore_mem>>) src(%dma_wait3A_907 : memref<1000000x128xf32, #tpu.memory_space<hbm>>) dst(%dma_wait3A_902 : memref<80x128xf32, #tpu.memory_space<vmem>>)
    %scan3A_908 = arith.constant 0 : i32
    %scan3A_909 = arith.constant 0 : i32
    %scan3A_910 = arith.constant 400 : i32
    %scan3A_911 = arith.addi %scan3A_909, %scan3A_910 : i32
    %scan3A_912 = arith.constant 1 : i32
    scf.for %scan3A_1568 = %scan3A_909 to %scan3A_911 step %scan3A_912  : i32 {
      %get3A = arith.index_cast %scan3A_1568 : i32 to index
      %get3A_1569 = arith.constant 0 : index
      %get3A_1570 = tpu.vector_load %arg8[%get3A, %get3A_1569] {strides = array<i32>} : memref<400x128xf32, #tpu.memory_space<vmem>>, vector<1x16xf32>,
      %get3A_1571 = vector.shape_cast %get3A_1570 : vector<1x16xf32> to vector<16xf32>
      %get3A_1572 = arith.index_cast %scan3A_1568 : i32 to index
      %get3A_1573 = arith.constant 0 : index
      %get3A_1574 = tpu.vector_load %arg10[%get3A_1572, %get3A_1573] {strides = array<i32>} : memref<400x64xf32, #tpu.memory_space<vmem>>, vector<1x16xf32>,
      %get3A_1575 = vector.shape_cast %get3A_1574 : vector<1x16xf32> to vector<16xf32>
      %add3A_1576 = arith.addf %get3A_1571, %get3A_1575 : vector<16xf32>
      %swap3A = arith.index_cast %scan3A_1568 : i32 to index
      %swap3A_1577 = arith.constant 0 : index
      %swap3A_1578 = tpu.vector_load %arg8[%swap3A, %swap3A_1577] {strides = array<i32>} : memref<400x128xf32, #tpu.memory_space<vmem>>, vector<1x16xf32>,
      %swap3A_1579 = vector.shape_cast %swap3A_1578 : vector<1x16xf32> to vector<16xf32>
      %swap3A_1580 = vector.shape_cast %add3A_1576 : vector<16xf32> to vector<1x16xf32>
      tpu.vector_store %arg8[%swap3A, %swap3A_1577], %swap3A_1580 {strides = array<i32>} : memref<400x128xf32, #tpu.memory_space<vmem>>, vector<1x16xf32>,
      %get3A_1581 = arith.index_cast %scan3A_1568 : i32 to index
      %get3A_1582 = arith.constant 16 : index
      %get3A_1583 = tpu.vector_load %arg8[%get3A_1581, %get3A_1582] {strides = array<i32>} : memref<400x128xf32, #tpu.memory_space<vmem>>, vector<1x16xf32>,
      %get3A_1584 = vector.shape_cast %get3A_1583 : vector<1x16xf32> to vector<16xf32>
      %get3A_1585 = arith.index_cast %scan3A_1568 : i32 to index
      %get3A_1586 = arith.constant 16 : index
      %get3A_1587 = tpu.vector_load %arg10[%get3A_1585, %get3A_1586] {strides = array<i32>} : memref<400x64xf32, #tpu.memory_space<vmem>>, vector<1x16xf32>,
      %get3A_1588 = vector.shape_cast %get3A_1587 : vector<1x16xf32> to vector<16xf32>
      %add3A_1589 = arith.addf %get3A_1584, %get3A_1588 : vector<16xf32>
      %swap3A_1590 = arith.index_cast %scan3A_1568 : i32 to index
      %swap3A_1591 = arith.constant 16 : index
      %swap3A_1592 = tpu.vector_load %arg8[%swap3A_1590, %swap3A_1591] {strides = array<i32>} : memref<400x128xf32, #tpu.memory_space<vmem>>, vector<1x16xf32>,
      %swap3A_1593 = vector.shape_cast %swap3A_1592 : vector<1x16xf32> to vector<16xf32>
      %swap3A_1594 = vector.shape_cast %add3A_1589 : vector<16xf32> to vector<1x16xf32>
      tpu.vector_store %arg8[%swap3A_1590, %swap3A_1591], %swap3A_1594 {strides = array<i32>} : memref<400x128xf32, #tpu.memory_space<vmem>>, vector<1x16xf32>,
      %get3A_1595 = arith.index_cast %scan3A_1568 : i32 to index
      %get3A_1596 = arith.constant 32 : index
      %get3A_1597 = tpu.vector_load %arg8[%get3A_1595, %get3A_1596] {strides = array<i32>} : memref<400x128xf32, #tpu.memory_space<vmem>>, vector<1x16xf32>,
      %get3A_1598 = vector.shape_cast %get3A_1597 : vector<1x16xf32> to vector<16xf32>
      %get3A_1599 = arith.index_cast %scan3A_1568 : i32 to index
      %get3A_1600 = arith.constant 32 : index
      %get3A_1601 = tpu.vector_load %arg10[%get3A_1599, %get3A_1600] {strides = array<i32>} : memref<400x64xf32, #tpu.memory_space<vmem>>, vector<1x16xf32>,
      %get3A_1602 = vector.shape_cast %get3A_1601 : vector<1x16xf32> to vector<16xf32>
      %add3A_1603 = arith.addf %get3A_1598, %get3A_1602 : vector<16xf32>
      %swap3A_1604 = arith.index_cast %scan3A_1568 : i32 to index
      %swap3A_1605 = arith.constant 32 : index
      %swap3A_1606 = tpu.vector_load %arg8[%swap3A_1604, %swap3A_1605] {strides = array<i32>} : memref<400x128xf32, #tpu.memory_space<vmem>>, vector<1x16xf32>,
      %swap3A_1607 = vector.shape_cast %swap3A_1606 : vector<1x16xf32> to vector<16xf32>
      %swap3A_1608 = vector.shape_cast %add3A_1603 : vector<16xf32> to vector<1x16xf32>
      tpu.vector_store %arg8[%swap3A_1604, %swap3A_1605], %swap3A_1608 {strides = array<i32>} : memref<400x128xf32, #tpu.memory_space<vmem>>, vector<1x16xf32>,
      %get3A_1609 = arith.index_cast %scan3A_1568 : i32 to index
      %get3A_1610 = arith.constant 48 : index
      %get3A_1611 = tpu.vector_load %arg8[%get3A_1609, %get3A_1610] {strides = array<i32>} : memref<400x128xf32, #tpu.memory_space<vmem>>, vector<1x16xf32>,
      %get3A_1612 = vector.shape_cast %get3A_1611 : vector<1x16xf32> to vector<16xf32>
      %get3A_1613 = arith.index_cast %scan3A_1568 : i32 to index
      %get3A_1614 = arith.constant 48 : index
      %get3A_1615 = tpu.vector_load %arg10[%get3A_1613, %get3A_1614] {strides = array<i32>} : memref<400x64xf32, #tpu.memory_space<vmem>>, vector<1x16xf32>,
      %get3A_1616 = vector.shape_cast %get3A_1615 : vector<1x16xf32> to vector<16xf32>
      %add3A_1617 = arith.addf %get3A_1612, %get3A_1616 : vector<16xf32>
      %swap3A_1618 = arith.index_cast %scan3A_1568 : i32 to index
      %swap3A_1619 = arith.constant 48 : index
      %swap3A_1620 = tpu.vector_load %arg8[%swap3A_1618, %swap3A_1619] {strides = array<i32>} : memref<400x128xf32, #tpu.memory_space<vmem>>, vector<1x16xf32>,
      %swap3A_1621 = vector.shape_cast %swap3A_1620 : vector<1x16xf32> to vector<16xf32>
      %swap3A_1622 = vector.shape_cast %add3A_1617 : vector<16xf32> to vector<1x16xf32>
      tpu.vector_store %arg8[%swap3A_1618, %swap3A_1619], %swap3A_1622 {strides = array<i32>} : memref<400x128xf32, #tpu.memory_space<vmem>>, vector<1x16xf32>,
    }
    %scan3A_913 = arith.constant 400 : i32
    %add3A_914 = arith.constant 3200 : i32
    %add3A_915 = arith.addi %mul3A_2, %add3A_914 : i32
    %dma_start3A_916 = arith.constant 0 : i32
    %dma_start3A_917 = tpu.memref_slice %arg5[%add3A_915, %dma_start3A_916] : memref<204800x128xf32, #tpu.memory_space<hbm>> -> memref<400x128xf32, #tpu.memory_space<hbm>>
    %dma_start3A_918 = arith.constant 0 : i32
    %dma_start3A_919 = tpu.memref_slice %arg5[%add3A_915, %dma_start3A_918] : memref<204800x128xf32, #tpu.memory_space<hbm>> -> memref<400x128xf32, #tpu.memory_space<hbm>>
    tpu.enqueue_dma source(%arg8 : memref<400x128xf32, #tpu.memory_space<vmem>>) target(%dma_start3A_919 : memref<400x128xf32, #tpu.memory_space<hbm>>) target_semaphore(%arg13 : memref<!tpu.dma_semaphore, #tpu.memory_space<semaphore_mem>>)
    %dma_wait3A_920 = arith.constant 0 : i32
    %dma_wait3A_921 = tpu.memref_slice %arg5[%add3A_915, %dma_wait3A_920] : memref<204800x128xf32, #tpu.memory_space<hbm>> -> memref<400x128xf32, #tpu.memory_space<hbm>>
    %dma_wait3A_922 = arith.constant 0 : i32
    %dma_wait3A_923 = tpu.memref_slice %arg5[%add3A_915, %dma_wait3A_922] : memref<204800x128xf32, #tpu.memory_space<hbm>> -> memref<400x128xf32, #tpu.memory_space<hbm>>
    tpu.wait_dma2 semaphore(%arg13 : memref<!tpu.dma_semaphore, #tpu.memory_space<semaphore_mem>>) src(%arg8 : memref<400x128xf32, #tpu.memory_space<vmem>>) dst(%dma_wait3A_923 : memref<400x128xf32, #tpu.memory_space<hbm>>)
    %add3A_924 = arith.constant 4000 : i32
    %add3A_925 = arith.addi %mul3A_2, %add3A_924 : i32
    "tpu.region"() ({
      %run_scoped3A = tpu.sem_alloc : memref<!tpu.dma_semaphore, #tpu.memory_space<semaphore_mem>>
      %dma_start3A_1568 = tpu.memref_slice %arg2[%add3A_925] : memref<204800xi32, #tpu.memory_space<hbm>> -> memref<400xi32, #tpu.memory_space<hbm>>
      %dma_start3A_1569 = tpu.memref_slice %arg2[%add3A_925] : memref<204800xi32, #tpu.memory_space<hbm>> -> memref<400xi32, #tpu.memory_space<hbm>>
      tpu.enqueue_dma source(%dma_start3A_1569 : memref<400xi32, #tpu.memory_space<hbm>>) target(%arg6 : memref<400xi32, #tpu.memory_space<vmem>>) target_semaphore(%run_scoped3A : memref<!tpu.dma_semaphore, #tpu.memory_space<semaphore_mem>>)
      %dma_wait3A_1570 = tpu.memref_slice %arg2[%add3A_925] : memref<204800xi32, #tpu.memory_space<hbm>> -> memref<400xi32, #tpu.memory_space<hbm>>
      %dma_wait3A_1571 = tpu.memref_slice %arg2[%add3A_925] : memref<204800xi32, #tpu.memory_space<hbm>> -> memref<400xi32, #tpu.memory_space<hbm>>
      tpu.wait_dma2 semaphore(%run_scoped3A : memref<!tpu.dma_semaphore, #tpu.memory_space<semaphore_mem>>) src(%dma_wait3A_1571 : memref<400xi32, #tpu.memory_space<hbm>>) dst(%arg6 : memref<400xi32, #tpu.memory_space<vmem>>)
      tpu.yield
    }) : () -> ()
    %dma_start3A_926 = arith.constant 0 : i32
    %dma_start3A_927 = arith.constant 0 : i32
    %dma_start3A_928 = tpu.memref_slice %arg8[%dma_start3A_926, %dma_start3A_927] : memref<400x128xf32, #tpu.memory_space<vmem>> -> memref<80x128xf32, #tpu.memory_space<vmem>>
    %dma_start3A_929 = arith.constant 0 : i32
    %dma_start3A_930 = tpu.memref_slice %arg6[%dma_start3A_929] : memref<400xi32, #tpu.memory_space<vmem>> -> memref<80xi32, #tpu.memory_space<vmem>>
    %dma_start3A_931 = arith.constant 0 : i32
    %dma_start3A_932 = arith.constant 0 : i32
    %dma_start3A_933 = tpu.memref_slice %arg3[%dma_start3A_931, %dma_start3A_932] : memref<1000000x128xf32, #tpu.memory_space<hbm>> -> memref<1000000x128xf32, #tpu.memory_space<hbm>>
    tpu.enqueue_indirect_dma source(%dma_start3A_933 : memref<1000000x128xf32, #tpu.memory_space<hbm>>) target(%dma_start3A_928 : memref<80x128xf32, #tpu.memory_space<vmem>>) offsets(%dma_start3A_930 : memref<80xi32, #tpu.memory_space<vmem>>) semaphore(%arg11 : memref<!tpu.dma_semaphore, #tpu.memory_space<semaphore_mem>>)
    %dma_start3A_934 = arith.constant 80 : i32
    %dma_start3A_935 = arith.constant 0 : i32
    %dma_start3A_936 = tpu.memref_slice %arg8[%dma_start3A_934, %dma_start3A_935] : memref<400x128xf32, #tpu.memory_space<vmem>> -> memref<80x128xf32, #tpu.memory_space<vmem>>
    %dma_start3A_937 = arith.constant 80 : i32
    %dma_start3A_938 = tpu.memref_slice %arg6[%dma_start3A_937] : memref<400xi32, #tpu.memory_space<vmem>> -> memref<80xi32, #tpu.memory_space<vmem>>
    %dma_start3A_939 = arith.constant 0 : i32
    %dma_start3A_940 = arith.constant 0 : i32
    %dma_start3A_941 = tpu.memref_slice %arg3[%dma_start3A_939, %dma_start3A_940] : memref<1000000x128xf32, #tpu.memory_space<hbm>> -> memref<1000000x128xf32, #tpu.memory_space<hbm>>
    tpu.enqueue_indirect_dma source(%dma_start3A_941 : memref<1000000x128xf32, #tpu.memory_space<hbm>>) target(%dma_start3A_936 : memref<80x128xf32, #tpu.memory_space<vmem>>) offsets(%dma_start3A_938 : memref<80xi32, #tpu.memory_space<vmem>>) semaphore(%arg11 : memref<!tpu.dma_semaphore, #tpu.memory_space<semaphore_mem>>)
    %dma_start3A_942 = arith.constant 160 : i32
    %dma_start3A_943 = arith.constant 0 : i32
    %dma_start3A_944 = tpu.memref_slice %arg8[%dma_start3A_942, %dma_start3A_943] : memref<400x128xf32, #tpu.memory_space<vmem>> -> memref<80x128xf32, #tpu.memory_space<vmem>>
    %dma_start3A_945 = arith.constant 160 : i32
    %dma_start3A_946 = tpu.memref_slice %arg6[%dma_start3A_945] : memref<400xi32, #tpu.memory_space<vmem>> -> memref<80xi32, #tpu.memory_space<vmem>>
    %dma_start3A_947 = arith.constant 0 : i32
    %dma_start3A_948 = arith.constant 0 : i32
    %dma_start3A_949 = tpu.memref_slice %arg3[%dma_start3A_947, %dma_start3A_948] : memref<1000000x128xf32, #tpu.memory_space<hbm>> -> memref<1000000x128xf32, #tpu.memory_space<hbm>>
    tpu.enqueue_indirect_dma source(%dma_start3A_949 : memref<1000000x128xf32, #tpu.memory_space<hbm>>) target(%dma_start3A_944 : memref<80x128xf32, #tpu.memory_space<vmem>>) offsets(%dma_start3A_946 : memref<80xi32, #tpu.memory_space<vmem>>) semaphore(%arg11 : memref<!tpu.dma_semaphore, #tpu.memory_space<semaphore_mem>>)
    %dma_start3A_950 = arith.constant 240 : i32
    %dma_start3A_951 = arith.constant 0 : i32
    %dma_start3A_952 = tpu.memref_slice %arg8[%dma_start3A_950, %dma_start3A_951] : memref<400x128xf32, #tpu.memory_space<vmem>> -> memref<80x128xf32, #tpu.memory_space<vmem>>
    %dma_start3A_953 = arith.constant 240 : i32
    %dma_start3A_954 = tpu.memref_slice %arg6[%dma_start3A_953] : memref<400xi32, #tpu.memory_space<vmem>> -> memref<80xi32, #tpu.memory_space<vmem>>
    %dma_start3A_955 = arith.constant 0 : i32
    %dma_start3A_956 = arith.constant 0 : i32
    %dma_start3A_957 = tpu.memref_slice %arg3[%dma_start3A_955, %dma_start3A_956] : memref<1000000x128xf32, #tpu.memory_space<hbm>> -> memref<1000000x128xf32, #tpu.memory_space<hbm>>
    tpu.enqueue_indirect_dma source(%dma_start3A_957 : memref<1000000x128xf32, #tpu.memory_space<hbm>>) target(%dma_start3A_952 : memref<80x128xf32, #tpu.memory_space<vmem>>) offsets(%dma_start3A_954 : memref<80xi32, #tpu.memory_space<vmem>>) semaphore(%arg11 : memref<!tpu.dma_semaphore, #tpu.memory_space<semaphore_mem>>)
    %dma_start3A_958 = arith.constant 320 : i32
    %dma_start3A_959 = arith.constant 0 : i32
    %dma_start3A_960 = tpu.memref_slice %arg8[%dma_start3A_958, %dma_start3A_959] : memref<400x128xf32, #tpu.memory_space<vmem>> -> memref<80x128xf32, #tpu.memory_space<vmem>>
    %dma_start3A_961 = arith.constant 320 : i32
    %dma_start3A_962 = tpu.memref_slice %arg6[%dma_start3A_961] : memref<400xi32, #tpu.memory_space<vmem>> -> memref<80xi32, #tpu.memory_space<vmem>>
    %dma_start3A_963 = arith.constant 0 : i32
    %dma_start3A_964 = arith.constant 0 : i32
    %dma_start3A_965 = tpu.memref_slice %arg3[%dma_start3A_963, %dma_start3A_964] : memref<1000000x128xf32, #tpu.memory_space<hbm>> -> memref<1000000x128xf32, #tpu.memory_space<hbm>>
    tpu.enqueue_indirect_dma source(%dma_start3A_965 : memref<1000000x128xf32, #tpu.memory_space<hbm>>) target(%dma_start3A_960 : memref<80x128xf32, #tpu.memory_space<vmem>>) offsets(%dma_start3A_962 : memref<80xi32, #tpu.memory_space<vmem>>) semaphore(%arg11 : memref<!tpu.dma_semaphore, #tpu.memory_space<semaphore_mem>>)
    %dma_wait3A_966 = arith.constant 0 : i32
    %dma_wait3A_967 = arith.constant 0 : i32
    %dma_wait3A_968 = tpu.memref_slice %arg9[%dma_wait3A_966, %dma_wait3A_967] : memref<400x128xf32, #tpu.memory_space<vmem>> -> memref<80x128xf32, #tpu.memory_space<vmem>>
    %dma_wait3A_969 = arith.constant 0 : i32
    %dma_wait3A_970 = tpu.memref_slice %arg7[%dma_wait3A_969] : memref<400xi32, #tpu.memory_space<vmem>> -> memref<80xi32, #tpu.memory_space<vmem>>
    %dma_wait3A_971 = arith.constant 0 : i32
    %dma_wait3A_972 = arith.constant 0 : i32
    %dma_wait3A_973 = tpu.memref_slice %arg3[%dma_wait3A_971, %dma_wait3A_972] : memref<1000000x128xf32, #tpu.memory_space<hbm>> -> memref<1000000x128xf32, #tpu.memory_space<hbm>>
    tpu.wait_indirect_dma semaphore(%arg12 : memref<!tpu.dma_semaphore, #tpu.memory_space<semaphore_mem>>) src(%dma_wait3A_973 : memref<1000000x128xf32, #tpu.memory_space<hbm>>) dst(%dma_wait3A_968 : memref<80x128xf32, #tpu.memory_space<vmem>>)
    %dma_wait3A_974 = arith.constant 80 : i32
    %dma_wait3A_975 = arith.constant 0 : i32
    %dma_wait3A_976 = tpu.memref_slice %arg9[%dma_wait3A_974, %dma_wait3A_975] : memref<400x128xf32, #tpu.memory_space<vmem>> -> memref<80x128xf32, #tpu.memory_space<vmem>>
    %dma_wait3A_977 = arith.constant 80 : i32
    %dma_wait3A_978 = tpu.memref_slice %arg7[%dma_wait3A_977] : memref<400xi32, #tpu.memory_space<vmem>> -> memref<80xi32, #tpu.memory_space<vmem>>
    %dma_wait3A_979 = arith.constant 0 : i32
    %dma_wait3A_980 = arith.constant 0 : i32
    %dma_wait3A_981 = tpu.memref_slice %arg3[%dma_wait3A_979, %dma_wait3A_980] : memref<1000000x128xf32, #tpu.memory_space<hbm>> -> memref<1000000x128xf32, #tpu.memory_space<hbm>>
    tpu.wait_indirect_dma semaphore(%arg12 : memref<!tpu.dma_semaphore, #tpu.memory_space<semaphore_mem>>) src(%dma_wait3A_981 : memref<1000000x128xf32, #tpu.memory_space<hbm>>) dst(%dma_wait3A_976 : memref<80x128xf32, #tpu.memory_space<vmem>>)
    %dma_wait3A_982 = arith.constant 160 : i32
    %dma_wait3A_983 = arith.constant 0 : i32
    %dma_wait3A_984 = tpu.memref_slice %arg9[%dma_wait3A_982, %dma_wait3A_983] : memref<400x128xf32, #tpu.memory_space<vmem>> -> memref<80x128xf32, #tpu.memory_space<vmem>>
    %dma_wait3A_985 = arith.constant 160 : i32
    %dma_wait3A_986 = tpu.memref_slice %arg7[%dma_wait3A_985] : memref<400xi32, #tpu.memory_space<vmem>> -> memref<80xi32, #tpu.memory_space<vmem>>
    %dma_wait3A_987 = arith.constant 0 : i32
    %dma_wait3A_988 = arith.constant 0 : i32
    %dma_wait3A_989 = tpu.memref_slice %arg3[%dma_wait3A_987, %dma_wait3A_988] : memref<1000000x128xf32, #tpu.memory_space<hbm>> -> memref<1000000x128xf32, #tpu.memory_space<hbm>>
    tpu.wait_indirect_dma semaphore(%arg12 : memref<!tpu.dma_semaphore, #tpu.memory_space<semaphore_mem>>) src(%dma_wait3A_989 : memref<1000000x128xf32, #tpu.memory_space<hbm>>) dst(%dma_wait3A_984 : memref<80x128xf32, #tpu.memory_space<vmem>>)
    %dma_wait3A_990 = arith.constant 240 : i32
    %dma_wait3A_991 = arith.constant 0 : i32
    %dma_wait3A_992 = tpu.memref_slice %arg9[%dma_wait3A_990, %dma_wait3A_991] : memref<400x128xf32, #tpu.memory_space<vmem>> -> memref<80x128xf32, #tpu.memory_space<vmem>>
    %dma_wait3A_993 = arith.constant 240 : i32
    %dma_wait3A_994 = tpu.memref_slice %arg7[%dma_wait3A_993] : memref<400xi32, #tpu.memory_space<vmem>> -> memref<80xi32, #tpu.memory_space<vmem>>
    %dma_wait3A_995 = arith.constant 0 : i32
    %dma_wait3A_996 = arith.constant 0 : i32
    %dma_wait3A_997 = tpu.memref_slice %arg3[%dma_wait3A_995, %dma_wait3A_996] : memref<1000000x128xf32, #tpu.memory_space<hbm>> -> memref<1000000x128xf32, #tpu.memory_space<hbm>>
    tpu.wait_indirect_dma semaphore(%arg12 : memref<!tpu.dma_semaphore, #tpu.memory_space<semaphore_mem>>) src(%dma_wait3A_997 : memref<1000000x128xf32, #tpu.memory_space<hbm>>) dst(%dma_wait3A_992 : memref<80x128xf32, #tpu.memory_space<vmem>>)
    %dma_wait3A_998 = arith.constant 320 : i32
    %dma_wait3A_999 = arith.constant 0 : i32
    %dma_wait3A_1000 = tpu.memref_slice %arg9[%dma_wait3A_998, %dma_wait3A_999] : memref<400x128xf32, #tpu.memory_space<vmem>> -> memref<80x128xf32, #tpu.memory_space<vmem>>
    %dma_wait3A_1001 = arith.constant 320 : i32
    %dma_wait3A_1002 = tpu.memref_slice %arg7[%dma_wait3A_1001] : memref<400xi32, #tpu.memory_space<vmem>> -> memref<80xi32, #tpu.memory_space<vmem>>
    %dma_wait3A_1003 = arith.constant 0 : i32
    %dma_wait3A_1004 = arith.constant 0 : i32
    %dma_wait3A_1005 = tpu.memref_slice %arg3[%dma_wait3A_1003, %dma_wait3A_1004] : memref<1000000x128xf32, #tpu.memory_space<hbm>> -> memref<1000000x128xf32, #tpu.memory_space<hbm>>
    tpu.wait_indirect_dma semaphore(%arg12 : memref<!tpu.dma_semaphore, #tpu.memory_space<semaphore_mem>>) src(%dma_wait3A_1005 : memref<1000000x128xf32, #tpu.memory_space<hbm>>) dst(%dma_wait3A_1000 : memref<80x128xf32, #tpu.memory_space<vmem>>)
    %scan3A_1006 = arith.constant 0 : i32
    %scan3A_1007 = arith.constant 0 : i32
    %scan3A_1008 = arith.constant 400 : i32
    %scan3A_1009 = arith.addi %scan3A_1007, %scan3A_1008 : i32
    %scan3A_1010 = arith.constant 1 : i32
    scf.for %scan3A_1568 = %scan3A_1007 to %scan3A_1009 step %scan3A_1010  : i32 {
      %get3A = arith.index_cast %scan3A_1568 : i32 to index
      %get3A_1569 = arith.constant 0 : index
      %get3A_1570 = tpu.vector_load %arg9[%get3A, %get3A_1569] {strides = array<i32>} : memref<400x128xf32, #tpu.memory_space<vmem>>, vector<1x16xf32>,
      %get3A_1571 = vector.shape_cast %get3A_1570 : vector<1x16xf32> to vector<16xf32>
      %get3A_1572 = arith.index_cast %scan3A_1568 : i32 to index
      %get3A_1573 = arith.constant 0 : index
      %get3A_1574 = tpu.vector_load %arg10[%get3A_1572, %get3A_1573] {strides = array<i32>} : memref<400x64xf32, #tpu.memory_space<vmem>>, vector<1x16xf32>,
      %get3A_1575 = vector.shape_cast %get3A_1574 : vector<1x16xf32> to vector<16xf32>
      %add3A_1576 = arith.addf %get3A_1571, %get3A_1575 : vector<16xf32>
      %swap3A = arith.index_cast %scan3A_1568 : i32 to index
      %swap3A_1577 = arith.constant 0 : index
      %swap3A_1578 = tpu.vector_load %arg9[%swap3A, %swap3A_1577] {strides = array<i32>} : memref<400x128xf32, #tpu.memory_space<vmem>>, vector<1x16xf32>,
      %swap3A_1579 = vector.shape_cast %swap3A_1578 : vector<1x16xf32> to vector<16xf32>
      %swap3A_1580 = vector.shape_cast %add3A_1576 : vector<16xf32> to vector<1x16xf32>
      tpu.vector_store %arg9[%swap3A, %swap3A_1577], %swap3A_1580 {strides = array<i32>} : memref<400x128xf32, #tpu.memory_space<vmem>>, vector<1x16xf32>,
      %get3A_1581 = arith.index_cast %scan3A_1568 : i32 to index
      %get3A_1582 = arith.constant 16 : index
      %get3A_1583 = tpu.vector_load %arg9[%get3A_1581, %get3A_1582] {strides = array<i32>} : memref<400x128xf32, #tpu.memory_space<vmem>>, vector<1x16xf32>,
      %get3A_1584 = vector.shape_cast %get3A_1583 : vector<1x16xf32> to vector<16xf32>
      %get3A_1585 = arith.index_cast %scan3A_1568 : i32 to index
      %get3A_1586 = arith.constant 16 : index
      %get3A_1587 = tpu.vector_load %arg10[%get3A_1585, %get3A_1586] {strides = array<i32>} : memref<400x64xf32, #tpu.memory_space<vmem>>, vector<1x16xf32>,
      %get3A_1588 = vector.shape_cast %get3A_1587 : vector<1x16xf32> to vector<16xf32>
      %add3A_1589 = arith.addf %get3A_1584, %get3A_1588 : vector<16xf32>
      %swap3A_1590 = arith.index_cast %scan3A_1568 : i32 to index
      %swap3A_1591 = arith.constant 16 : index
      %swap3A_1592 = tpu.vector_load %arg9[%swap3A_1590, %swap3A_1591] {strides = array<i32>} : memref<400x128xf32, #tpu.memory_space<vmem>>, vector<1x16xf32>,
      %swap3A_1593 = vector.shape_cast %swap3A_1592 : vector<1x16xf32> to vector<16xf32>
      %swap3A_1594 = vector.shape_cast %add3A_1589 : vector<16xf32> to vector<1x16xf32>
      tpu.vector_store %arg9[%swap3A_1590, %swap3A_1591], %swap3A_1594 {strides = array<i32>} : memref<400x128xf32, #tpu.memory_space<vmem>>, vector<1x16xf32>,
      %get3A_1595 = arith.index_cast %scan3A_1568 : i32 to index
      %get3A_1596 = arith.constant 32 : index
      %get3A_1597 = tpu.vector_load %arg9[%get3A_1595, %get3A_1596] {strides = array<i32>} : memref<400x128xf32, #tpu.memory_space<vmem>>, vector<1x16xf32>,
      %get3A_1598 = vector.shape_cast %get3A_1597 : vector<1x16xf32> to vector<16xf32>
      %get3A_1599 = arith.index_cast %scan3A_1568 : i32 to index
      %get3A_1600 = arith.constant 32 : index
      %get3A_1601 = tpu.vector_load %arg10[%get3A_1599, %get3A_1600] {strides = array<i32>} : memref<400x64xf32, #tpu.memory_space<vmem>>, vector<1x16xf32>,
      %get3A_1602 = vector.shape_cast %get3A_1601 : vector<1x16xf32> to vector<16xf32>
      %add3A_1603 = arith.addf %get3A_1598, %get3A_1602 : vector<16xf32>
      %swap3A_1604 = arith.index_cast %scan3A_1568 : i32 to index
      %swap3A_1605 = arith.constant 32 : index
      %swap3A_1606 = tpu.vector_load %arg9[%swap3A_1604, %swap3A_1605] {strides = array<i32>} : memref<400x128xf32, #tpu.memory_space<vmem>>, vector<1x16xf32>,
      %swap3A_1607 = vector.shape_cast %swap3A_1606 : vector<1x16xf32> to vector<16xf32>
      %swap3A_1608 = vector.shape_cast %add3A_1603 : vector<16xf32> to vector<1x16xf32>
      tpu.vector_store %arg9[%swap3A_1604, %swap3A_1605], %swap3A_1608 {strides = array<i32>} : memref<400x128xf32, #tpu.memory_space<vmem>>, vector<1x16xf32>,
      %get3A_1609 = arith.index_cast %scan3A_1568 : i32 to index
      %get3A_1610 = arith.constant 48 : index
      %get3A_1611 = tpu.vector_load %arg9[%get3A_1609, %get3A_1610] {strides = array<i32>} : memref<400x128xf32, #tpu.memory_space<vmem>>, vector<1x16xf32>,
      %get3A_1612 = vector.shape_cast %get3A_1611 : vector<1x16xf32> to vector<16xf32>
      %get3A_1613 = arith.index_cast %scan3A_1568 : i32 to index
      %get3A_1614 = arith.constant 48 : index
      %get3A_1615 = tpu.vector_load %arg10[%get3A_1613, %get3A_1614] {strides = array<i32>} : memref<400x64xf32, #tpu.memory_space<vmem>>, vector<1x16xf32>,
      %get3A_1616 = vector.shape_cast %get3A_1615 : vector<1x16xf32> to vector<16xf32>
      %add3A_1617 = arith.addf %get3A_1612, %get3A_1616 : vector<16xf32>
      %swap3A_1618 = arith.index_cast %scan3A_1568 : i32 to index
      %swap3A_1619 = arith.constant 48 : index
      %swap3A_1620 = tpu.vector_load %arg9[%swap3A_1618, %swap3A_1619] {strides = array<i32>} : memref<400x128xf32, #tpu.memory_space<vmem>>, vector<1x16xf32>,
      %swap3A_1621 = vector.shape_cast %swap3A_1620 : vector<1x16xf32> to vector<16xf32>
      %swap3A_1622 = vector.shape_cast %add3A_1617 : vector<16xf32> to vector<1x16xf32>
      tpu.vector_store %arg9[%swap3A_1618, %swap3A_1619], %swap3A_1622 {strides = array<i32>} : memref<400x128xf32, #tpu.memory_space<vmem>>, vector<1x16xf32>,
    }
    %scan3A_1011 = arith.constant 400 : i32
    %add3A_1012 = arith.constant 3600 : i32
    %add3A_1013 = arith.addi %mul3A_2, %add3A_1012 : i32
    %dma_start3A_1014 = arith.constant 0 : i32
    %dma_start3A_1015 = tpu.memref_slice %arg5[%add3A_1013, %dma_start3A_1014] : memref<204800x128xf32, #tpu.memory_space<hbm>> -> memref<400x128xf32, #tpu.memory_space<hbm>>
    %dma_start3A_1016 = arith.constant 0 : i32
    %dma_start3A_1017 = tpu.memref_slice %arg5[%add3A_1013, %dma_start3A_1016] : memref<204800x128xf32, #tpu.memory_space<hbm>> -> memref<400x128xf32, #tpu.memory_space<hbm>>
    tpu.enqueue_dma source(%arg9 : memref<400x128xf32, #tpu.memory_space<vmem>>) target(%dma_start3A_1017 : memref<400x128xf32, #tpu.memory_space<hbm>>) target_semaphore(%arg14 : memref<!tpu.dma_semaphore, #tpu.memory_space<semaphore_mem>>)
    %dma_wait3A_1018 = arith.constant 0 : i32
    %dma_wait3A_1019 = tpu.memref_slice %arg5[%add3A_1013, %dma_wait3A_1018] : memref<204800x128xf32, #tpu.memory_space<hbm>> -> memref<400x128xf32, #tpu.memory_space<hbm>>
    %dma_wait3A_1020 = arith.constant 0 : i32
    %dma_wait3A_1021 = tpu.memref_slice %arg5[%add3A_1013, %dma_wait3A_1020] : memref<204800x128xf32, #tpu.memory_space<hbm>> -> memref<400x128xf32, #tpu.memory_space<hbm>>
    tpu.wait_dma2 semaphore(%arg14 : memref<!tpu.dma_semaphore, #tpu.memory_space<semaphore_mem>>) src(%arg9 : memref<400x128xf32, #tpu.memory_space<vmem>>) dst(%dma_wait3A_1021 : memref<400x128xf32, #tpu.memory_space<hbm>>)
    %add3A_1022 = arith.constant 4400 : i32
    %add3A_1023 = arith.addi %mul3A_2, %add3A_1022 : i32
    "tpu.region"() ({
      %run_scoped3A = tpu.sem_alloc : memref<!tpu.dma_semaphore, #tpu.memory_space<semaphore_mem>>
      %dma_start3A_1568 = tpu.memref_slice %arg2[%add3A_1023] : memref<204800xi32, #tpu.memory_space<hbm>> -> memref<400xi32, #tpu.memory_space<hbm>>
      %dma_start3A_1569 = tpu.memref_slice %arg2[%add3A_1023] : memref<204800xi32, #tpu.memory_space<hbm>> -> memref<400xi32, #tpu.memory_space<hbm>>
      tpu.enqueue_dma source(%dma_start3A_1569 : memref<400xi32, #tpu.memory_space<hbm>>) target(%arg7 : memref<400xi32, #tpu.memory_space<vmem>>) target_semaphore(%run_scoped3A : memref<!tpu.dma_semaphore, #tpu.memory_space<semaphore_mem>>)
      %dma_wait3A_1570 = tpu.memref_slice %arg2[%add3A_1023] : memref<204800xi32, #tpu.memory_space<hbm>> -> memref<400xi32, #tpu.memory_space<hbm>>
      %dma_wait3A_1571 = tpu.memref_slice %arg2[%add3A_1023] : memref<204800xi32, #tpu.memory_space<hbm>> -> memref<400xi32, #tpu.memory_space<hbm>>
      tpu.wait_dma2 semaphore(%run_scoped3A : memref<!tpu.dma_semaphore, #tpu.memory_space<semaphore_mem>>) src(%dma_wait3A_1571 : memref<400xi32, #tpu.memory_space<hbm>>) dst(%arg7 : memref<400xi32, #tpu.memory_space<vmem>>)
      tpu.yield
    }) : () -> ()
    %dma_start3A_1024 = arith.constant 0 : i32
    %dma_start3A_1025 = arith.constant 0 : i32
    %dma_start3A_1026 = tpu.memref_slice %arg9[%dma_start3A_1024, %dma_start3A_1025] : memref<400x128xf32, #tpu.memory_space<vmem>> -> memref<80x128xf32, #tpu.memory_space<vmem>>
    %dma_start3A_1027 = arith.constant 0 : i32
    %dma_start3A_1028 = tpu.memref_slice %arg7[%dma_start3A_1027] : memref<400xi32, #tpu.memory_space<vmem>> -> memref<80xi32, #tpu.memory_space<vmem>>
    %dma_start3A_1029 = arith.constant 0 : i32
    %dma_start3A_1030 = arith.constant 0 : i32
    %dma_start3A_1031 = tpu.memref_slice %arg3[%dma_start3A_1029, %dma_start3A_1030] : memref<1000000x128xf32, #tpu.memory_space<hbm>> -> memref<1000000x128xf32, #tpu.memory_space<hbm>>
    tpu.enqueue_indirect_dma source(%dma_start3A_1031 : memref<1000000x128xf32, #tpu.memory_space<hbm>>) target(%dma_start3A_1026 : memref<80x128xf32, #tpu.memory_space<vmem>>) offsets(%dma_start3A_1028 : memref<80xi32, #tpu.memory_space<vmem>>) semaphore(%arg12 : memref<!tpu.dma_semaphore, #tpu.memory_space<semaphore_mem>>)
    %dma_start3A_1032 = arith.constant 80 : i32
    %dma_start3A_1033 = arith.constant 0 : i32
    %dma_start3A_1034 = tpu.memref_slice %arg9[%dma_start3A_1032, %dma_start3A_1033] : memref<400x128xf32, #tpu.memory_space<vmem>> -> memref<80x128xf32, #tpu.memory_space<vmem>>
    %dma_start3A_1035 = arith.constant 80 : i32
    %dma_start3A_1036 = tpu.memref_slice %arg7[%dma_start3A_1035] : memref<400xi32, #tpu.memory_space<vmem>> -> memref<80xi32, #tpu.memory_space<vmem>>
    %dma_start3A_1037 = arith.constant 0 : i32
    %dma_start3A_1038 = arith.constant 0 : i32
    %dma_start3A_1039 = tpu.memref_slice %arg3[%dma_start3A_1037, %dma_start3A_1038] : memref<1000000x128xf32, #tpu.memory_space<hbm>> -> memref<1000000x128xf32, #tpu.memory_space<hbm>>
    tpu.enqueue_indirect_dma source(%dma_start3A_1039 : memref<1000000x128xf32, #tpu.memory_space<hbm>>) target(%dma_start3A_1034 : memref<80x128xf32, #tpu.memory_space<vmem>>) offsets(%dma_start3A_1036 : memref<80xi32, #tpu.memory_space<vmem>>) semaphore(%arg12 : memref<!tpu.dma_semaphore, #tpu.memory_space<semaphore_mem>>)
    %dma_start3A_1040 = arith.constant 160 : i32
    %dma_start3A_1041 = arith.constant 0 : i32
    %dma_start3A_1042 = tpu.memref_slice %arg9[%dma_start3A_1040, %dma_start3A_1041] : memref<400x128xf32, #tpu.memory_space<vmem>> -> memref<80x128xf32, #tpu.memory_space<vmem>>
    %dma_start3A_1043 = arith.constant 160 : i32
    %dma_start3A_1044 = tpu.memref_slice %arg7[%dma_start3A_1043] : memref<400xi32, #tpu.memory_space<vmem>> -> memref<80xi32, #tpu.memory_space<vmem>>
    %dma_start3A_1045 = arith.constant 0 : i32
    %dma_start3A_1046 = arith.constant 0 : i32
    %dma_start3A_1047 = tpu.memref_slice %arg3[%dma_start3A_1045, %dma_start3A_1046] : memref<1000000x128xf32, #tpu.memory_space<hbm>> -> memref<1000000x128xf32, #tpu.memory_space<hbm>>
    tpu.enqueue_indirect_dma source(%dma_start3A_1047 : memref<1000000x128xf32, #tpu.memory_space<hbm>>) target(%dma_start3A_1042 : memref<80x128xf32, #tpu.memory_space<vmem>>) offsets(%dma_start3A_1044 : memref<80xi32, #tpu.memory_space<vmem>>) semaphore(%arg12 : memref<!tpu.dma_semaphore, #tpu.memory_space<semaphore_mem>>)
    %dma_start3A_1048 = arith.constant 240 : i32
    %dma_start3A_1049 = arith.constant 0 : i32
    %dma_start3A_1050 = tpu.memref_slice %arg9[%dma_start3A_1048, %dma_start3A_1049] : memref<400x128xf32, #tpu.memory_space<vmem>> -> memref<80x128xf32, #tpu.memory_space<vmem>>
    %dma_start3A_1051 = arith.constant 240 : i32
    %dma_start3A_1052 = tpu.memref_slice %arg7[%dma_start3A_1051] : memref<400xi32, #tpu.memory_space<vmem>> -> memref<80xi32, #tpu.memory_space<vmem>>
    %dma_start3A_1053 = arith.constant 0 : i32
    %dma_start3A_1054 = arith.constant 0 : i32
    %dma_start3A_1055 = tpu.memref_slice %arg3[%dma_start3A_1053, %dma_start3A_1054] : memref<1000000x128xf32, #tpu.memory_space<hbm>> -> memref<1000000x128xf32, #tpu.memory_space<hbm>>
    tpu.enqueue_indirect_dma source(%dma_start3A_1055 : memref<1000000x128xf32, #tpu.memory_space<hbm>>) target(%dma_start3A_1050 : memref<80x128xf32, #tpu.memory_space<vmem>>) offsets(%dma_start3A_1052 : memref<80xi32, #tpu.memory_space<vmem>>) semaphore(%arg12 : memref<!tpu.dma_semaphore, #tpu.memory_space<semaphore_mem>>)
    %dma_start3A_1056 = arith.constant 320 : i32
    %dma_start3A_1057 = arith.constant 0 : i32
    %dma_start3A_1058 = tpu.memref_slice %arg9[%dma_start3A_1056, %dma_start3A_1057] : memref<400x128xf32, #tpu.memory_space<vmem>> -> memref<80x128xf32, #tpu.memory_space<vmem>>
    %dma_start3A_1059 = arith.constant 320 : i32
    %dma_start3A_1060 = tpu.memref_slice %arg7[%dma_start3A_1059] : memref<400xi32, #tpu.memory_space<vmem>> -> memref<80xi32, #tpu.memory_space<vmem>>
    %dma_start3A_1061 = arith.constant 0 : i32
    %dma_start3A_1062 = arith.constant 0 : i32
    %dma_start3A_1063 = tpu.memref_slice %arg3[%dma_start3A_1061, %dma_start3A_1062] : memref<1000000x128xf32, #tpu.memory_space<hbm>> -> memref<1000000x128xf32, #tpu.memory_space<hbm>>
    tpu.enqueue_indirect_dma source(%dma_start3A_1063 : memref<1000000x128xf32, #tpu.memory_space<hbm>>) target(%dma_start3A_1058 : memref<80x128xf32, #tpu.memory_space<vmem>>) offsets(%dma_start3A_1060 : memref<80xi32, #tpu.memory_space<vmem>>) semaphore(%arg12 : memref<!tpu.dma_semaphore, #tpu.memory_space<semaphore_mem>>)
    %dma_wait3A_1064 = arith.constant 0 : i32
    %dma_wait3A_1065 = arith.constant 0 : i32
    %dma_wait3A_1066 = tpu.memref_slice %arg8[%dma_wait3A_1064, %dma_wait3A_1065] : memref<400x128xf32, #tpu.memory_space<vmem>> -> memref<80x128xf32, #tpu.memory_space<vmem>>
    %dma_wait3A_1067 = arith.constant 0 : i32
    %dma_wait3A_1068 = tpu.memref_slice %arg6[%dma_wait3A_1067] : memref<400xi32, #tpu.memory_space<vmem>> -> memref<80xi32, #tpu.memory_space<vmem>>
    %dma_wait3A_1069 = arith.constant 0 : i32
    %dma_wait3A_1070 = arith.constant 0 : i32
    %dma_wait3A_1071 = tpu.memref_slice %arg3[%dma_wait3A_1069, %dma_wait3A_1070] : memref<1000000x128xf32, #tpu.memory_space<hbm>> -> memref<1000000x128xf32, #tpu.memory_space<hbm>>
    tpu.wait_indirect_dma semaphore(%arg11 : memref<!tpu.dma_semaphore, #tpu.memory_space<semaphore_mem>>) src(%dma_wait3A_1071 : memref<1000000x128xf32, #tpu.memory_space<hbm>>) dst(%dma_wait3A_1066 : memref<80x128xf32, #tpu.memory_space<vmem>>)
    %dma_wait3A_1072 = arith.constant 80 : i32
    %dma_wait3A_1073 = arith.constant 0 : i32
    %dma_wait3A_1074 = tpu.memref_slice %arg8[%dma_wait3A_1072, %dma_wait3A_1073] : memref<400x128xf32, #tpu.memory_space<vmem>> -> memref<80x128xf32, #tpu.memory_space<vmem>>
    %dma_wait3A_1075 = arith.constant 80 : i32
    %dma_wait3A_1076 = tpu.memref_slice %arg6[%dma_wait3A_1075] : memref<400xi32, #tpu.memory_space<vmem>> -> memref<80xi32, #tpu.memory_space<vmem>>
    %dma_wait3A_1077 = arith.constant 0 : i32
    %dma_wait3A_1078 = arith.constant 0 : i32
    %dma_wait3A_1079 = tpu.memref_slice %arg3[%dma_wait3A_1077, %dma_wait3A_1078] : memref<1000000x128xf32, #tpu.memory_space<hbm>> -> memref<1000000x128xf32, #tpu.memory_space<hbm>>
    tpu.wait_indirect_dma semaphore(%arg11 : memref<!tpu.dma_semaphore, #tpu.memory_space<semaphore_mem>>) src(%dma_wait3A_1079 : memref<1000000x128xf32, #tpu.memory_space<hbm>>) dst(%dma_wait3A_1074 : memref<80x128xf32, #tpu.memory_space<vmem>>)
    %dma_wait3A_1080 = arith.constant 160 : i32
    %dma_wait3A_1081 = arith.constant 0 : i32
    %dma_wait3A_1082 = tpu.memref_slice %arg8[%dma_wait3A_1080, %dma_wait3A_1081] : memref<400x128xf32, #tpu.memory_space<vmem>> -> memref<80x128xf32, #tpu.memory_space<vmem>>
    %dma_wait3A_1083 = arith.constant 160 : i32
    %dma_wait3A_1084 = tpu.memref_slice %arg6[%dma_wait3A_1083] : memref<400xi32, #tpu.memory_space<vmem>> -> memref<80xi32, #tpu.memory_space<vmem>>
    %dma_wait3A_1085 = arith.constant 0 : i32
    %dma_wait3A_1086 = arith.constant 0 : i32
    %dma_wait3A_1087 = tpu.memref_slice %arg3[%dma_wait3A_1085, %dma_wait3A_1086] : memref<1000000x128xf32, #tpu.memory_space<hbm>> -> memref<1000000x128xf32, #tpu.memory_space<hbm>>
    tpu.wait_indirect_dma semaphore(%arg11 : memref<!tpu.dma_semaphore, #tpu.memory_space<semaphore_mem>>) src(%dma_wait3A_1087 : memref<1000000x128xf32, #tpu.memory_space<hbm>>) dst(%dma_wait3A_1082 : memref<80x128xf32, #tpu.memory_space<vmem>>)
    %dma_wait3A_1088 = arith.constant 240 : i32
    %dma_wait3A_1089 = arith.constant 0 : i32
    %dma_wait3A_1090 = tpu.memref_slice %arg8[%dma_wait3A_1088, %dma_wait3A_1089] : memref<400x128xf32, #tpu.memory_space<vmem>> -> memref<80x128xf32, #tpu.memory_space<vmem>>
    %dma_wait3A_1091 = arith.constant 240 : i32
    %dma_wait3A_1092 = tpu.memref_slice %arg6[%dma_wait3A_1091] : memref<400xi32, #tpu.memory_space<vmem>> -> memref<80xi32, #tpu.memory_space<vmem>>
    %dma_wait3A_1093 = arith.constant 0 : i32
    %dma_wait3A_1094 = arith.constant 0 : i32
    %dma_wait3A_1095 = tpu.memref_slice %arg3[%dma_wait3A_1093, %dma_wait3A_1094] : memref<1000000x128xf32, #tpu.memory_space<hbm>> -> memref<1000000x128xf32, #tpu.memory_space<hbm>>
    tpu.wait_indirect_dma semaphore(%arg11 : memref<!tpu.dma_semaphore, #tpu.memory_space<semaphore_mem>>) src(%dma_wait3A_1095 : memref<1000000x128xf32, #tpu.memory_space<hbm>>) dst(%dma_wait3A_1090 : memref<80x128xf32, #tpu.memory_space<vmem>>)
    %dma_wait3A_1096 = arith.constant 320 : i32
    %dma_wait3A_1097 = arith.constant 0 : i32
    %dma_wait3A_1098 = tpu.memref_slice %arg8[%dma_wait3A_1096, %dma_wait3A_1097] : memref<400x128xf32, #tpu.memory_space<vmem>> -> memref<80x128xf32, #tpu.memory_space<vmem>>
    %dma_wait3A_1099 = arith.constant 320 : i32
    %dma_wait3A_1100 = tpu.memref_slice %arg6[%dma_wait3A_1099] : memref<400xi32, #tpu.memory_space<vmem>> -> memref<80xi32, #tpu.memory_space<vmem>>
    %dma_wait3A_1101 = arith.constant 0 : i32
    %dma_wait3A_1102 = arith.constant 0 : i32
    %dma_wait3A_1103 = tpu.memref_slice %arg3[%dma_wait3A_1101, %dma_wait3A_1102] : memref<1000000x128xf32, #tpu.memory_space<hbm>> -> memref<1000000x128xf32, #tpu.memory_space<hbm>>
    tpu.wait_indirect_dma semaphore(%arg11 : memref<!tpu.dma_semaphore, #tpu.memory_space<semaphore_mem>>) src(%dma_wait3A_1103 : memref<1000000x128xf32, #tpu.memory_space<hbm>>) dst(%dma_wait3A_1098 : memref<80x128xf32, #tpu.memory_space<vmem>>)
    %scan3A_1104 = arith.constant 0 : i32
    %scan3A_1105 = arith.constant 0 : i32
    %scan3A_1106 = arith.constant 400 : i32
    %scan3A_1107 = arith.addi %scan3A_1105, %scan3A_1106 : i32
    %scan3A_1108 = arith.constant 1 : i32
    scf.for %scan3A_1568 = %scan3A_1105 to %scan3A_1107 step %scan3A_1108  : i32 {
      %get3A = arith.index_cast %scan3A_1568 : i32 to index
      %get3A_1569 = arith.constant 0 : index
      %get3A_1570 = tpu.vector_load %arg8[%get3A, %get3A_1569] {strides = array<i32>} : memref<400x128xf32, #tpu.memory_space<vmem>>, vector<1x16xf32>,
      %get3A_1571 = vector.shape_cast %get3A_1570 : vector<1x16xf32> to vector<16xf32>
      %get3A_1572 = arith.index_cast %scan3A_1568 : i32 to index
      %get3A_1573 = arith.constant 0 : index
      %get3A_1574 = tpu.vector_load %arg10[%get3A_1572, %get3A_1573] {strides = array<i32>} : memref<400x64xf32, #tpu.memory_space<vmem>>, vector<1x16xf32>,
      %get3A_1575 = vector.shape_cast %get3A_1574 : vector<1x16xf32> to vector<16xf32>
      %add3A_1576 = arith.addf %get3A_1571, %get3A_1575 : vector<16xf32>
      %swap3A = arith.index_cast %scan3A_1568 : i32 to index
      %swap3A_1577 = arith.constant 0 : index
      %swap3A_1578 = tpu.vector_load %arg8[%swap3A, %swap3A_1577] {strides = array<i32>} : memref<400x128xf32, #tpu.memory_space<vmem>>, vector<1x16xf32>,
      %swap3A_1579 = vector.shape_cast %swap3A_1578 : vector<1x16xf32> to vector<16xf32>
      %swap3A_1580 = vector.shape_cast %add3A_1576 : vector<16xf32> to vector<1x16xf32>
      tpu.vector_store %arg8[%swap3A, %swap3A_1577], %swap3A_1580 {strides = array<i32>} : memref<400x128xf32, #tpu.memory_space<vmem>>, vector<1x16xf32>,
      %get3A_1581 = arith.index_cast %scan3A_1568 : i32 to index
      %get3A_1582 = arith.constant 16 : index
      %get3A_1583 = tpu.vector_load %arg8[%get3A_1581, %get3A_1582] {strides = array<i32>} : memref<400x128xf32, #tpu.memory_space<vmem>>, vector<1x16xf32>,
      %get3A_1584 = vector.shape_cast %get3A_1583 : vector<1x16xf32> to vector<16xf32>
      %get3A_1585 = arith.index_cast %scan3A_1568 : i32 to index
      %get3A_1586 = arith.constant 16 : index
      %get3A_1587 = tpu.vector_load %arg10[%get3A_1585, %get3A_1586] {strides = array<i32>} : memref<400x64xf32, #tpu.memory_space<vmem>>, vector<1x16xf32>,
      %get3A_1588 = vector.shape_cast %get3A_1587 : vector<1x16xf32> to vector<16xf32>
      %add3A_1589 = arith.addf %get3A_1584, %get3A_1588 : vector<16xf32>
      %swap3A_1590 = arith.index_cast %scan3A_1568 : i32 to index
      %swap3A_1591 = arith.constant 16 : index
      %swap3A_1592 = tpu.vector_load %arg8[%swap3A_1590, %swap3A_1591] {strides = array<i32>} : memref<400x128xf32, #tpu.memory_space<vmem>>, vector<1x16xf32>,
      %swap3A_1593 = vector.shape_cast %swap3A_1592 : vector<1x16xf32> to vector<16xf32>
      %swap3A_1594 = vector.shape_cast %add3A_1589 : vector<16xf32> to vector<1x16xf32>
      tpu.vector_store %arg8[%swap3A_1590, %swap3A_1591], %swap3A_1594 {strides = array<i32>} : memref<400x128xf32, #tpu.memory_space<vmem>>, vector<1x16xf32>,
      %get3A_1595 = arith.index_cast %scan3A_1568 : i32 to index
      %get3A_1596 = arith.constant 32 : index
      %get3A_1597 = tpu.vector_load %arg8[%get3A_1595, %get3A_1596] {strides = array<i32>} : memref<400x128xf32, #tpu.memory_space<vmem>>, vector<1x16xf32>,
      %get3A_1598 = vector.shape_cast %get3A_1597 : vector<1x16xf32> to vector<16xf32>
      %get3A_1599 = arith.index_cast %scan3A_1568 : i32 to index
      %get3A_1600 = arith.constant 32 : index
      %get3A_1601 = tpu.vector_load %arg10[%get3A_1599, %get3A_1600] {strides = array<i32>} : memref<400x64xf32, #tpu.memory_space<vmem>>, vector<1x16xf32>,
      %get3A_1602 = vector.shape_cast %get3A_1601 : vector<1x16xf32> to vector<16xf32>
      %add3A_1603 = arith.addf %get3A_1598, %get3A_1602 : vector<16xf32>
      %swap3A_1604 = arith.index_cast %scan3A_1568 : i32 to index
      %swap3A_1605 = arith.constant 32 : index
      %swap3A_1606 = tpu.vector_load %arg8[%swap3A_1604, %swap3A_1605] {strides = array<i32>} : memref<400x128xf32, #tpu.memory_space<vmem>>, vector<1x16xf32>,
      %swap3A_1607 = vector.shape_cast %swap3A_1606 : vector<1x16xf32> to vector<16xf32>
      %swap3A_1608 = vector.shape_cast %add3A_1603 : vector<16xf32> to vector<1x16xf32>
      tpu.vector_store %arg8[%swap3A_1604, %swap3A_1605], %swap3A_1608 {strides = array<i32>} : memref<400x128xf32, #tpu.memory_space<vmem>>, vector<1x16xf32>,
      %get3A_1609 = arith.index_cast %scan3A_1568 : i32 to index
      %get3A_1610 = arith.constant 48 : index
      %get3A_1611 = tpu.vector_load %arg8[%get3A_1609, %get3A_1610] {strides = array<i32>} : memref<400x128xf32, #tpu.memory_space<vmem>>, vector<1x16xf32>,
      %get3A_1612 = vector.shape_cast %get3A_1611 : vector<1x16xf32> to vector<16xf32>
      %get3A_1613 = arith.index_cast %scan3A_1568 : i32 to index
      %get3A_1614 = arith.constant 48 : index
      %get3A_1615 = tpu.vector_load %arg10[%get3A_1613, %get3A_1614] {strides = array<i32>} : memref<400x64xf32, #tpu.memory_space<vmem>>, vector<1x16xf32>,
      %get3A_1616 = vector.shape_cast %get3A_1615 : vector<1x16xf32> to vector<16xf32>
      %add3A_1617 = arith.addf %get3A_1612, %get3A_1616 : vector<16xf32>
      %swap3A_1618 = arith.index_cast %scan3A_1568 : i32 to index
      %swap3A_1619 = arith.constant 48 : index
      %swap3A_1620 = tpu.vector_load %arg8[%swap3A_1618, %swap3A_1619] {strides = array<i32>} : memref<400x128xf32, #tpu.memory_space<vmem>>, vector<1x16xf32>,
      %swap3A_1621 = vector.shape_cast %swap3A_1620 : vector<1x16xf32> to vector<16xf32>
      %swap3A_1622 = vector.shape_cast %add3A_1617 : vector<16xf32> to vector<1x16xf32>
      tpu.vector_store %arg8[%swap3A_1618, %swap3A_1619], %swap3A_1622 {strides = array<i32>} : memref<400x128xf32, #tpu.memory_space<vmem>>, vector<1x16xf32>,
    }
    %scan3A_1109 = arith.constant 400 : i32
    %add3A_1110 = arith.constant 4000 : i32
    %add3A_1111 = arith.addi %mul3A_2, %add3A_1110 : i32
    %dma_start3A_1112 = arith.constant 0 : i32
    %dma_start3A_1113 = tpu.memref_slice %arg5[%add3A_1111, %dma_start3A_1112] : memref<204800x128xf32, #tpu.memory_space<hbm>> -> memref<400x128xf32, #tpu.memory_space<hbm>>
    %dma_start3A_1114 = arith.constant 0 : i32
    %dma_start3A_1115 = tpu.memref_slice %arg5[%add3A_1111, %dma_start3A_1114] : memref<204800x128xf32, #tpu.memory_space<hbm>> -> memref<400x128xf32, #tpu.memory_space<hbm>>
    tpu.enqueue_dma source(%arg8 : memref<400x128xf32, #tpu.memory_space<vmem>>) target(%dma_start3A_1115 : memref<400x128xf32, #tpu.memory_space<hbm>>) target_semaphore(%arg13 : memref<!tpu.dma_semaphore, #tpu.memory_space<semaphore_mem>>)
    %dma_wait3A_1116 = arith.constant 0 : i32
    %dma_wait3A_1117 = tpu.memref_slice %arg5[%add3A_1111, %dma_wait3A_1116] : memref<204800x128xf32, #tpu.memory_space<hbm>> -> memref<400x128xf32, #tpu.memory_space<hbm>>
    %dma_wait3A_1118 = arith.constant 0 : i32
    %dma_wait3A_1119 = tpu.memref_slice %arg5[%add3A_1111, %dma_wait3A_1118] : memref<204800x128xf32, #tpu.memory_space<hbm>> -> memref<400x128xf32, #tpu.memory_space<hbm>>
    tpu.wait_dma2 semaphore(%arg13 : memref<!tpu.dma_semaphore, #tpu.memory_space<semaphore_mem>>) src(%arg8 : memref<400x128xf32, #tpu.memory_space<vmem>>) dst(%dma_wait3A_1119 : memref<400x128xf32, #tpu.memory_space<hbm>>)
    %add3A_1120 = arith.constant 4800 : i32
    %add3A_1121 = arith.addi %mul3A_2, %add3A_1120 : i32
    "tpu.region"() ({
      %run_scoped3A = tpu.sem_alloc : memref<!tpu.dma_semaphore, #tpu.memory_space<semaphore_mem>>
      %dma_start3A_1568 = tpu.memref_slice %arg2[%add3A_1121] : memref<204800xi32, #tpu.memory_space<hbm>> -> memref<400xi32, #tpu.memory_space<hbm>>
      %dma_start3A_1569 = tpu.memref_slice %arg2[%add3A_1121] : memref<204800xi32, #tpu.memory_space<hbm>> -> memref<400xi32, #tpu.memory_space<hbm>>
      tpu.enqueue_dma source(%dma_start3A_1569 : memref<400xi32, #tpu.memory_space<hbm>>) target(%arg6 : memref<400xi32, #tpu.memory_space<vmem>>) target_semaphore(%run_scoped3A : memref<!tpu.dma_semaphore, #tpu.memory_space<semaphore_mem>>)
      %dma_wait3A_1570 = tpu.memref_slice %arg2[%add3A_1121] : memref<204800xi32, #tpu.memory_space<hbm>> -> memref<400xi32, #tpu.memory_space<hbm>>
      %dma_wait3A_1571 = tpu.memref_slice %arg2[%add3A_1121] : memref<204800xi32, #tpu.memory_space<hbm>> -> memref<400xi32, #tpu.memory_space<hbm>>
      tpu.wait_dma2 semaphore(%run_scoped3A : memref<!tpu.dma_semaphore, #tpu.memory_space<semaphore_mem>>) src(%dma_wait3A_1571 : memref<400xi32, #tpu.memory_space<hbm>>) dst(%arg6 : memref<400xi32, #tpu.memory_space<vmem>>)
      tpu.yield
    }) : () -> ()
    %dma_start3A_1122 = arith.constant 0 : i32
    %dma_start3A_1123 = arith.constant 0 : i32
    %dma_start3A_1124 = tpu.memref_slice %arg8[%dma_start3A_1122, %dma_start3A_1123] : memref<400x128xf32, #tpu.memory_space<vmem>> -> memref<80x128xf32, #tpu.memory_space<vmem>>
    %dma_start3A_1125 = arith.constant 0 : i32
    %dma_start3A_1126 = tpu.memref_slice %arg6[%dma_start3A_1125] : memref<400xi32, #tpu.memory_space<vmem>> -> memref<80xi32, #tpu.memory_space<vmem>>
    %dma_start3A_1127 = arith.constant 0 : i32
    %dma_start3A_1128 = arith.constant 0 : i32
    %dma_start3A_1129 = tpu.memref_slice %arg3[%dma_start3A_1127, %dma_start3A_1128] : memref<1000000x128xf32, #tpu.memory_space<hbm>> -> memref<1000000x128xf32, #tpu.memory_space<hbm>>
    tpu.enqueue_indirect_dma source(%dma_start3A_1129 : memref<1000000x128xf32, #tpu.memory_space<hbm>>) target(%dma_start3A_1124 : memref<80x128xf32, #tpu.memory_space<vmem>>) offsets(%dma_start3A_1126 : memref<80xi32, #tpu.memory_space<vmem>>) semaphore(%arg11 : memref<!tpu.dma_semaphore, #tpu.memory_space<semaphore_mem>>)
    %dma_start3A_1130 = arith.constant 80 : i32
    %dma_start3A_1131 = arith.constant 0 : i32
    %dma_start3A_1132 = tpu.memref_slice %arg8[%dma_start3A_1130, %dma_start3A_1131] : memref<400x128xf32, #tpu.memory_space<vmem>> -> memref<80x128xf32, #tpu.memory_space<vmem>>
    %dma_start3A_1133 = arith.constant 80 : i32
    %dma_start3A_1134 = tpu.memref_slice %arg6[%dma_start3A_1133] : memref<400xi32, #tpu.memory_space<vmem>> -> memref<80xi32, #tpu.memory_space<vmem>>
    %dma_start3A_1135 = arith.constant 0 : i32
    %dma_start3A_1136 = arith.constant 0 : i32
    %dma_start3A_1137 = tpu.memref_slice %arg3[%dma_start3A_1135, %dma_start3A_1136] : memref<1000000x128xf32, #tpu.memory_space<hbm>> -> memref<1000000x128xf32, #tpu.memory_space<hbm>>
    tpu.enqueue_indirect_dma source(%dma_start3A_1137 : memref<1000000x128xf32, #tpu.memory_space<hbm>>) target(%dma_start3A_1132 : memref<80x128xf32, #tpu.memory_space<vmem>>) offsets(%dma_start3A_1134 : memref<80xi32, #tpu.memory_space<vmem>>) semaphore(%arg11 : memref<!tpu.dma_semaphore, #tpu.memory_space<semaphore_mem>>)
    %dma_start3A_1138 = arith.constant 160 : i32
    %dma_start3A_1139 = arith.constant 0 : i32
    %dma_start3A_1140 = tpu.memref_slice %arg8[%dma_start3A_1138, %dma_start3A_1139] : memref<400x128xf32, #tpu.memory_space<vmem>> -> memref<80x128xf32, #tpu.memory_space<vmem>>
    %dma_start3A_1141 = arith.constant 160 : i32
    %dma_start3A_1142 = tpu.memref_slice %arg6[%dma_start3A_1141] : memref<400xi32, #tpu.memory_space<vmem>> -> memref<80xi32, #tpu.memory_space<vmem>>
    %dma_start3A_1143 = arith.constant 0 : i32
    %dma_start3A_1144 = arith.constant 0 : i32
    %dma_start3A_1145 = tpu.memref_slice %arg3[%dma_start3A_1143, %dma_start3A_1144] : memref<1000000x128xf32, #tpu.memory_space<hbm>> -> memref<1000000x128xf32, #tpu.memory_space<hbm>>
    tpu.enqueue_indirect_dma source(%dma_start3A_1145 : memref<1000000x128xf32, #tpu.memory_space<hbm>>) target(%dma_start3A_1140 : memref<80x128xf32, #tpu.memory_space<vmem>>) offsets(%dma_start3A_1142 : memref<80xi32, #tpu.memory_space<vmem>>) semaphore(%arg11 : memref<!tpu.dma_semaphore, #tpu.memory_space<semaphore_mem>>)
    %dma_start3A_1146 = arith.constant 240 : i32
    %dma_start3A_1147 = arith.constant 0 : i32
    %dma_start3A_1148 = tpu.memref_slice %arg8[%dma_start3A_1146, %dma_start3A_1147] : memref<400x128xf32, #tpu.memory_space<vmem>> -> memref<80x128xf32, #tpu.memory_space<vmem>>
    %dma_start3A_1149 = arith.constant 240 : i32
    %dma_start3A_1150 = tpu.memref_slice %arg6[%dma_start3A_1149] : memref<400xi32, #tpu.memory_space<vmem>> -> memref<80xi32, #tpu.memory_space<vmem>>
    %dma_start3A_1151 = arith.constant 0 : i32
    %dma_start3A_1152 = arith.constant 0 : i32
    %dma_start3A_1153 = tpu.memref_slice %arg3[%dma_start3A_1151, %dma_start3A_1152] : memref<1000000x128xf32, #tpu.memory_space<hbm>> -> memref<1000000x128xf32, #tpu.memory_space<hbm>>
    tpu.enqueue_indirect_dma source(%dma_start3A_1153 : memref<1000000x128xf32, #tpu.memory_space<hbm>>) target(%dma_start3A_1148 : memref<80x128xf32, #tpu.memory_space<vmem>>) offsets(%dma_start3A_1150 : memref<80xi32, #tpu.memory_space<vmem>>) semaphore(%arg11 : memref<!tpu.dma_semaphore, #tpu.memory_space<semaphore_mem>>)
    %dma_start3A_1154 = arith.constant 320 : i32
    %dma_start3A_1155 = arith.constant 0 : i32
    %dma_start3A_1156 = tpu.memref_slice %arg8[%dma_start3A_1154, %dma_start3A_1155] : memref<400x128xf32, #tpu.memory_space<vmem>> -> memref<80x128xf32, #tpu.memory_space<vmem>>
    %dma_start3A_1157 = arith.constant 320 : i32
    %dma_start3A_1158 = tpu.memref_slice %arg6[%dma_start3A_1157] : memref<400xi32, #tpu.memory_space<vmem>> -> memref<80xi32, #tpu.memory_space<vmem>>
    %dma_start3A_1159 = arith.constant 0 : i32
    %dma_start3A_1160 = arith.constant 0 : i32
    %dma_start3A_1161 = tpu.memref_slice %arg3[%dma_start3A_1159, %dma_start3A_1160] : memref<1000000x128xf32, #tpu.memory_space<hbm>> -> memref<1000000x128xf32, #tpu.memory_space<hbm>>
    tpu.enqueue_indirect_dma source(%dma_start3A_1161 : memref<1000000x128xf32, #tpu.memory_space<hbm>>) target(%dma_start3A_1156 : memref<80x128xf32, #tpu.memory_space<vmem>>) offsets(%dma_start3A_1158 : memref<80xi32, #tpu.memory_space<vmem>>) semaphore(%arg11 : memref<!tpu.dma_semaphore, #tpu.memory_space<semaphore_mem>>)
    %dma_wait3A_1162 = arith.constant 0 : i32
    %dma_wait3A_1163 = arith.constant 0 : i32
    %dma_wait3A_1164 = tpu.memref_slice %arg9[%dma_wait3A_1162, %dma_wait3A_1163] : memref<400x128xf32, #tpu.memory_space<vmem>> -> memref<80x128xf32, #tpu.memory_space<vmem>>
    %dma_wait3A_1165 = arith.constant 0 : i32
    %dma_wait3A_1166 = tpu.memref_slice %arg7[%dma_wait3A_1165] : memref<400xi32, #tpu.memory_space<vmem>> -> memref<80xi32, #tpu.memory_space<vmem>>
    %dma_wait3A_1167 = arith.constant 0 : i32
    %dma_wait3A_1168 = arith.constant 0 : i32
    %dma_wait3A_1169 = tpu.memref_slice %arg3[%dma_wait3A_1167, %dma_wait3A_1168] : memref<1000000x128xf32, #tpu.memory_space<hbm>> -> memref<1000000x128xf32, #tpu.memory_space<hbm>>
    tpu.wait_indirect_dma semaphore(%arg12 : memref<!tpu.dma_semaphore, #tpu.memory_space<semaphore_mem>>) src(%dma_wait3A_1169 : memref<1000000x128xf32, #tpu.memory_space<hbm>>) dst(%dma_wait3A_1164 : memref<80x128xf32, #tpu.memory_space<vmem>>)
    %dma_wait3A_1170 = arith.constant 80 : i32
    %dma_wait3A_1171 = arith.constant 0 : i32
    %dma_wait3A_1172 = tpu.memref_slice %arg9[%dma_wait3A_1170, %dma_wait3A_1171] : memref<400x128xf32, #tpu.memory_space<vmem>> -> memref<80x128xf32, #tpu.memory_space<vmem>>
    %dma_wait3A_1173 = arith.constant 80 : i32
    %dma_wait3A_1174 = tpu.memref_slice %arg7[%dma_wait3A_1173] : memref<400xi32, #tpu.memory_space<vmem>> -> memref<80xi32, #tpu.memory_space<vmem>>
    %dma_wait3A_1175 = arith.constant 0 : i32
    %dma_wait3A_1176 = arith.constant 0 : i32
    %dma_wait3A_1177 = tpu.memref_slice %arg3[%dma_wait3A_1175, %dma_wait3A_1176] : memref<1000000x128xf32, #tpu.memory_space<hbm>> -> memref<1000000x128xf32, #tpu.memory_space<hbm>>
    tpu.wait_indirect_dma semaphore(%arg12 : memref<!tpu.dma_semaphore, #tpu.memory_space<semaphore_mem>>) src(%dma_wait3A_1177 : memref<1000000x128xf32, #tpu.memory_space<hbm>>) dst(%dma_wait3A_1172 : memref<80x128xf32, #tpu.memory_space<vmem>>)
    %dma_wait3A_1178 = arith.constant 160 : i32
    %dma_wait3A_1179 = arith.constant 0 : i32
    %dma_wait3A_1180 = tpu.memref_slice %arg9[%dma_wait3A_1178, %dma_wait3A_1179] : memref<400x128xf32, #tpu.memory_space<vmem>> -> memref<80x128xf32, #tpu.memory_space<vmem>>
    %dma_wait3A_1181 = arith.constant 160 : i32
    %dma_wait3A_1182 = tpu.memref_slice %arg7[%dma_wait3A_1181] : memref<400xi32, #tpu.memory_space<vmem>> -> memref<80xi32, #tpu.memory_space<vmem>>
    %dma_wait3A_1183 = arith.constant 0 : i32
    %dma_wait3A_1184 = arith.constant 0 : i32
    %dma_wait3A_1185 = tpu.memref_slice %arg3[%dma_wait3A_1183, %dma_wait3A_1184] : memref<1000000x128xf32, #tpu.memory_space<hbm>> -> memref<1000000x128xf32, #tpu.memory_space<hbm>>
    tpu.wait_indirect_dma semaphore(%arg12 : memref<!tpu.dma_semaphore, #tpu.memory_space<semaphore_mem>>) src(%dma_wait3A_1185 : memref<1000000x128xf32, #tpu.memory_space<hbm>>) dst(%dma_wait3A_1180 : memref<80x128xf32, #tpu.memory_space<vmem>>)
    %dma_wait3A_1186 = arith.constant 240 : i32
    %dma_wait3A_1187 = arith.constant 0 : i32
    %dma_wait3A_1188 = tpu.memref_slice %arg9[%dma_wait3A_1186, %dma_wait3A_1187] : memref<400x128xf32, #tpu.memory_space<vmem>> -> memref<80x128xf32, #tpu.memory_space<vmem>>
    %dma_wait3A_1189 = arith.constant 240 : i32
    %dma_wait3A_1190 = tpu.memref_slice %arg7[%dma_wait3A_1189] : memref<400xi32, #tpu.memory_space<vmem>> -> memref<80xi32, #tpu.memory_space<vmem>>
    %dma_wait3A_1191 = arith.constant 0 : i32
    %dma_wait3A_1192 = arith.constant 0 : i32
    %dma_wait3A_1193 = tpu.memref_slice %arg3[%dma_wait3A_1191, %dma_wait3A_1192] : memref<1000000x128xf32, #tpu.memory_space<hbm>> -> memref<1000000x128xf32, #tpu.memory_space<hbm>>
    tpu.wait_indirect_dma semaphore(%arg12 : memref<!tpu.dma_semaphore, #tpu.memory_space<semaphore_mem>>) src(%dma_wait3A_1193 : memref<1000000x128xf32, #tpu.memory_space<hbm>>) dst(%dma_wait3A_1188 : memref<80x128xf32, #tpu.memory_space<vmem>>)
    %dma_wait3A_1194 = arith.constant 320 : i32
    %dma_wait3A_1195 = arith.constant 0 : i32
    %dma_wait3A_1196 = tpu.memref_slice %arg9[%dma_wait3A_1194, %dma_wait3A_1195] : memref<400x128xf32, #tpu.memory_space<vmem>> -> memref<80x128xf32, #tpu.memory_space<vmem>>
    %dma_wait3A_1197 = arith.constant 320 : i32
    %dma_wait3A_1198 = tpu.memref_slice %arg7[%dma_wait3A_1197] : memref<400xi32, #tpu.memory_space<vmem>> -> memref<80xi32, #tpu.memory_space<vmem>>
    %dma_wait3A_1199 = arith.constant 0 : i32
    %dma_wait3A_1200 = arith.constant 0 : i32
    %dma_wait3A_1201 = tpu.memref_slice %arg3[%dma_wait3A_1199, %dma_wait3A_1200] : memref<1000000x128xf32, #tpu.memory_space<hbm>> -> memref<1000000x128xf32, #tpu.memory_space<hbm>>
    tpu.wait_indirect_dma semaphore(%arg12 : memref<!tpu.dma_semaphore, #tpu.memory_space<semaphore_mem>>) src(%dma_wait3A_1201 : memref<1000000x128xf32, #tpu.memory_space<hbm>>) dst(%dma_wait3A_1196 : memref<80x128xf32, #tpu.memory_space<vmem>>)
    %scan3A_1202 = arith.constant 0 : i32
    %scan3A_1203 = arith.constant 0 : i32
    %scan3A_1204 = arith.constant 400 : i32
    %scan3A_1205 = arith.addi %scan3A_1203, %scan3A_1204 : i32
    %scan3A_1206 = arith.constant 1 : i32
    scf.for %scan3A_1568 = %scan3A_1203 to %scan3A_1205 step %scan3A_1206  : i32 {
      %get3A = arith.index_cast %scan3A_1568 : i32 to index
      %get3A_1569 = arith.constant 0 : index
      %get3A_1570 = tpu.vector_load %arg9[%get3A, %get3A_1569] {strides = array<i32>} : memref<400x128xf32, #tpu.memory_space<vmem>>, vector<1x16xf32>,
      %get3A_1571 = vector.shape_cast %get3A_1570 : vector<1x16xf32> to vector<16xf32>
      %get3A_1572 = arith.index_cast %scan3A_1568 : i32 to index
      %get3A_1573 = arith.constant 0 : index
      %get3A_1574 = tpu.vector_load %arg10[%get3A_1572, %get3A_1573] {strides = array<i32>} : memref<400x64xf32, #tpu.memory_space<vmem>>, vector<1x16xf32>,
      %get3A_1575 = vector.shape_cast %get3A_1574 : vector<1x16xf32> to vector<16xf32>
      %add3A_1576 = arith.addf %get3A_1571, %get3A_1575 : vector<16xf32>
      %swap3A = arith.index_cast %scan3A_1568 : i32 to index
      %swap3A_1577 = arith.constant 0 : index
      %swap3A_1578 = tpu.vector_load %arg9[%swap3A, %swap3A_1577] {strides = array<i32>} : memref<400x128xf32, #tpu.memory_space<vmem>>, vector<1x16xf32>,
      %swap3A_1579 = vector.shape_cast %swap3A_1578 : vector<1x16xf32> to vector<16xf32>
      %swap3A_1580 = vector.shape_cast %add3A_1576 : vector<16xf32> to vector<1x16xf32>
      tpu.vector_store %arg9[%swap3A, %swap3A_1577], %swap3A_1580 {strides = array<i32>} : memref<400x128xf32, #tpu.memory_space<vmem>>, vector<1x16xf32>,
      %get3A_1581 = arith.index_cast %scan3A_1568 : i32 to index
      %get3A_1582 = arith.constant 16 : index
      %get3A_1583 = tpu.vector_load %arg9[%get3A_1581, %get3A_1582] {strides = array<i32>} : memref<400x128xf32, #tpu.memory_space<vmem>>, vector<1x16xf32>,
      %get3A_1584 = vector.shape_cast %get3A_1583 : vector<1x16xf32> to vector<16xf32>
      %get3A_1585 = arith.index_cast %scan3A_1568 : i32 to index
      %get3A_1586 = arith.constant 16 : index
      %get3A_1587 = tpu.vector_load %arg10[%get3A_1585, %get3A_1586] {strides = array<i32>} : memref<400x64xf32, #tpu.memory_space<vmem>>, vector<1x16xf32>,
      %get3A_1588 = vector.shape_cast %get3A_1587 : vector<1x16xf32> to vector<16xf32>
      %add3A_1589 = arith.addf %get3A_1584, %get3A_1588 : vector<16xf32>
      %swap3A_1590 = arith.index_cast %scan3A_1568 : i32 to index
      %swap3A_1591 = arith.constant 16 : index
      %swap3A_1592 = tpu.vector_load %arg9[%swap3A_1590, %swap3A_1591] {strides = array<i32>} : memref<400x128xf32, #tpu.memory_space<vmem>>, vector<1x16xf32>,
      %swap3A_1593 = vector.shape_cast %swap3A_1592 : vector<1x16xf32> to vector<16xf32>
      %swap3A_1594 = vector.shape_cast %add3A_1589 : vector<16xf32> to vector<1x16xf32>
      tpu.vector_store %arg9[%swap3A_1590, %swap3A_1591], %swap3A_1594 {strides = array<i32>} : memref<400x128xf32, #tpu.memory_space<vmem>>, vector<1x16xf32>,
      %get3A_1595 = arith.index_cast %scan3A_1568 : i32 to index
      %get3A_1596 = arith.constant 32 : index
      %get3A_1597 = tpu.vector_load %arg9[%get3A_1595, %get3A_1596] {strides = array<i32>} : memref<400x128xf32, #tpu.memory_space<vmem>>, vector<1x16xf32>,
      %get3A_1598 = vector.shape_cast %get3A_1597 : vector<1x16xf32> to vector<16xf32>
      %get3A_1599 = arith.index_cast %scan3A_1568 : i32 to index
      %get3A_1600 = arith.constant 32 : index
      %get3A_1601 = tpu.vector_load %arg10[%get3A_1599, %get3A_1600] {strides = array<i32>} : memref<400x64xf32, #tpu.memory_space<vmem>>, vector<1x16xf32>,
      %get3A_1602 = vector.shape_cast %get3A_1601 : vector<1x16xf32> to vector<16xf32>
      %add3A_1603 = arith.addf %get3A_1598, %get3A_1602 : vector<16xf32>
      %swap3A_1604 = arith.index_cast %scan3A_1568 : i32 to index
      %swap3A_1605 = arith.constant 32 : index
      %swap3A_1606 = tpu.vector_load %arg9[%swap3A_1604, %swap3A_1605] {strides = array<i32>} : memref<400x128xf32, #tpu.memory_space<vmem>>, vector<1x16xf32>,
      %swap3A_1607 = vector.shape_cast %swap3A_1606 : vector<1x16xf32> to vector<16xf32>
      %swap3A_1608 = vector.shape_cast %add3A_1603 : vector<16xf32> to vector<1x16xf32>
      tpu.vector_store %arg9[%swap3A_1604, %swap3A_1605], %swap3A_1608 {strides = array<i32>} : memref<400x128xf32, #tpu.memory_space<vmem>>, vector<1x16xf32>,
      %get3A_1609 = arith.index_cast %scan3A_1568 : i32 to index
      %get3A_1610 = arith.constant 48 : index
      %get3A_1611 = tpu.vector_load %arg9[%get3A_1609, %get3A_1610] {strides = array<i32>} : memref<400x128xf32, #tpu.memory_space<vmem>>, vector<1x16xf32>,
      %get3A_1612 = vector.shape_cast %get3A_1611 : vector<1x16xf32> to vector<16xf32>
      %get3A_1613 = arith.index_cast %scan3A_1568 : i32 to index
      %get3A_1614 = arith.constant 48 : index
      %get3A_1615 = tpu.vector_load %arg10[%get3A_1613, %get3A_1614] {strides = array<i32>} : memref<400x64xf32, #tpu.memory_space<vmem>>, vector<1x16xf32>,
      %get3A_1616 = vector.shape_cast %get3A_1615 : vector<1x16xf32> to vector<16xf32>
      %add3A_1617 = arith.addf %get3A_1612, %get3A_1616 : vector<16xf32>
      %swap3A_1618 = arith.index_cast %scan3A_1568 : i32 to index
      %swap3A_1619 = arith.constant 48 : index
      %swap3A_1620 = tpu.vector_load %arg9[%swap3A_1618, %swap3A_1619] {strides = array<i32>} : memref<400x128xf32, #tpu.memory_space<vmem>>, vector<1x16xf32>,
      %swap3A_1621 = vector.shape_cast %swap3A_1620 : vector<1x16xf32> to vector<16xf32>
      %swap3A_1622 = vector.shape_cast %add3A_1617 : vector<16xf32> to vector<1x16xf32>
      tpu.vector_store %arg9[%swap3A_1618, %swap3A_1619], %swap3A_1622 {strides = array<i32>} : memref<400x128xf32, #tpu.memory_space<vmem>>, vector<1x16xf32>,
    }
    %scan3A_1207 = arith.constant 400 : i32
    %add3A_1208 = arith.constant 4400 : i32
    %add3A_1209 = arith.addi %mul3A_2, %add3A_1208 : i32
    %dma_start3A_1210 = arith.constant 0 : i32
    %dma_start3A_1211 = tpu.memref_slice %arg5[%add3A_1209, %dma_start3A_1210] : memref<204800x128xf32, #tpu.memory_space<hbm>> -> memref<400x128xf32, #tpu.memory_space<hbm>>
    %dma_start3A_1212 = arith.constant 0 : i32
    %dma_start3A_1213 = tpu.memref_slice %arg5[%add3A_1209, %dma_start3A_1212] : memref<204800x128xf32, #tpu.memory_space<hbm>> -> memref<400x128xf32, #tpu.memory_space<hbm>>
    tpu.enqueue_dma source(%arg9 : memref<400x128xf32, #tpu.memory_space<vmem>>) target(%dma_start3A_1213 : memref<400x128xf32, #tpu.memory_space<hbm>>) target_semaphore(%arg14 : memref<!tpu.dma_semaphore, #tpu.memory_space<semaphore_mem>>)
    %dma_wait3A_1214 = arith.constant 0 : i32
    %dma_wait3A_1215 = tpu.memref_slice %arg5[%add3A_1209, %dma_wait3A_1214] : memref<204800x128xf32, #tpu.memory_space<hbm>> -> memref<400x128xf32, #tpu.memory_space<hbm>>
    %dma_wait3A_1216 = arith.constant 0 : i32
    %dma_wait3A_1217 = tpu.memref_slice %arg5[%add3A_1209, %dma_wait3A_1216] : memref<204800x128xf32, #tpu.memory_space<hbm>> -> memref<400x128xf32, #tpu.memory_space<hbm>>
    tpu.wait_dma2 semaphore(%arg14 : memref<!tpu.dma_semaphore, #tpu.memory_space<semaphore_mem>>) src(%arg9 : memref<400x128xf32, #tpu.memory_space<vmem>>) dst(%dma_wait3A_1217 : memref<400x128xf32, #tpu.memory_space<hbm>>)
    %add3A_1218 = arith.constant 5200 : i32
    %add3A_1219 = arith.addi %mul3A_2, %add3A_1218 : i32
    "tpu.region"() ({
      %run_scoped3A = tpu.sem_alloc : memref<!tpu.dma_semaphore, #tpu.memory_space<semaphore_mem>>
      %dma_start3A_1568 = tpu.memref_slice %arg2[%add3A_1219] : memref<204800xi32, #tpu.memory_space<hbm>> -> memref<400xi32, #tpu.memory_space<hbm>>
      %dma_start3A_1569 = tpu.memref_slice %arg2[%add3A_1219] : memref<204800xi32, #tpu.memory_space<hbm>> -> memref<400xi32, #tpu.memory_space<hbm>>
      tpu.enqueue_dma source(%dma_start3A_1569 : memref<400xi32, #tpu.memory_space<hbm>>) target(%arg7 : memref<400xi32, #tpu.memory_space<vmem>>) target_semaphore(%run_scoped3A : memref<!tpu.dma_semaphore, #tpu.memory_space<semaphore_mem>>)
      %dma_wait3A_1570 = tpu.memref_slice %arg2[%add3A_1219] : memref<204800xi32, #tpu.memory_space<hbm>> -> memref<400xi32, #tpu.memory_space<hbm>>
      %dma_wait3A_1571 = tpu.memref_slice %arg2[%add3A_1219] : memref<204800xi32, #tpu.memory_space<hbm>> -> memref<400xi32, #tpu.memory_space<hbm>>
      tpu.wait_dma2 semaphore(%run_scoped3A : memref<!tpu.dma_semaphore, #tpu.memory_space<semaphore_mem>>) src(%dma_wait3A_1571 : memref<400xi32, #tpu.memory_space<hbm>>) dst(%arg7 : memref<400xi32, #tpu.memory_space<vmem>>)
      tpu.yield
    }) : () -> ()
    %dma_start3A_1220 = arith.constant 0 : i32
    %dma_start3A_1221 = arith.constant 0 : i32
    %dma_start3A_1222 = tpu.memref_slice %arg9[%dma_start3A_1220, %dma_start3A_1221] : memref<400x128xf32, #tpu.memory_space<vmem>> -> memref<80x128xf32, #tpu.memory_space<vmem>>
    %dma_start3A_1223 = arith.constant 0 : i32
    %dma_start3A_1224 = tpu.memref_slice %arg7[%dma_start3A_1223] : memref<400xi32, #tpu.memory_space<vmem>> -> memref<80xi32, #tpu.memory_space<vmem>>
    %dma_start3A_1225 = arith.constant 0 : i32
    %dma_start3A_1226 = arith.constant 0 : i32
    %dma_start3A_1227 = tpu.memref_slice %arg3[%dma_start3A_1225, %dma_start3A_1226] : memref<1000000x128xf32, #tpu.memory_space<hbm>> -> memref<1000000x128xf32, #tpu.memory_space<hbm>>
    tpu.enqueue_indirect_dma source(%dma_start3A_1227 : memref<1000000x128xf32, #tpu.memory_space<hbm>>) target(%dma_start3A_1222 : memref<80x128xf32, #tpu.memory_space<vmem>>) offsets(%dma_start3A_1224 : memref<80xi32, #tpu.memory_space<vmem>>) semaphore(%arg12 : memref<!tpu.dma_semaphore, #tpu.memory_space<semaphore_mem>>)
    %dma_start3A_1228 = arith.constant 80 : i32
    %dma_start3A_1229 = arith.constant 0 : i32
    %dma_start3A_1230 = tpu.memref_slice %arg9[%dma_start3A_1228, %dma_start3A_1229] : memref<400x128xf32, #tpu.memory_space<vmem>> -> memref<80x128xf32, #tpu.memory_space<vmem>>
    %dma_start3A_1231 = arith.constant 80 : i32
    %dma_start3A_1232 = tpu.memref_slice %arg7[%dma_start3A_1231] : memref<400xi32, #tpu.memory_space<vmem>> -> memref<80xi32, #tpu.memory_space<vmem>>
    %dma_start3A_1233 = arith.constant 0 : i32
    %dma_start3A_1234 = arith.constant 0 : i32
    %dma_start3A_1235 = tpu.memref_slice %arg3[%dma_start3A_1233, %dma_start3A_1234] : memref<1000000x128xf32, #tpu.memory_space<hbm>> -> memref<1000000x128xf32, #tpu.memory_space<hbm>>
    tpu.enqueue_indirect_dma source(%dma_start3A_1235 : memref<1000000x128xf32, #tpu.memory_space<hbm>>) target(%dma_start3A_1230 : memref<80x128xf32, #tpu.memory_space<vmem>>) offsets(%dma_start3A_1232 : memref<80xi32, #tpu.memory_space<vmem>>) semaphore(%arg12 : memref<!tpu.dma_semaphore, #tpu.memory_space<semaphore_mem>>)
    %dma_start3A_1236 = arith.constant 160 : i32
    %dma_start3A_1237 = arith.constant 0 : i32
    %dma_start3A_1238 = tpu.memref_slice %arg9[%dma_start3A_1236, %dma_start3A_1237] : memref<400x128xf32, #tpu.memory_space<vmem>> -> memref<80x128xf32, #tpu.memory_space<vmem>>
    %dma_start3A_1239 = arith.constant 160 : i32
    %dma_start3A_1240 = tpu.memref_slice %arg7[%dma_start3A_1239] : memref<400xi32, #tpu.memory_space<vmem>> -> memref<80xi32, #tpu.memory_space<vmem>>
    %dma_start3A_1241 = arith.constant 0 : i32
    %dma_start3A_1242 = arith.constant 0 : i32
    %dma_start3A_1243 = tpu.memref_slice %arg3[%dma_start3A_1241, %dma_start3A_1242] : memref<1000000x128xf32, #tpu.memory_space<hbm>> -> memref<1000000x128xf32, #tpu.memory_space<hbm>>
    tpu.enqueue_indirect_dma source(%dma_start3A_1243 : memref<1000000x128xf32, #tpu.memory_space<hbm>>) target(%dma_start3A_1238 : memref<80x128xf32, #tpu.memory_space<vmem>>) offsets(%dma_start3A_1240 : memref<80xi32, #tpu.memory_space<vmem>>) semaphore(%arg12 : memref<!tpu.dma_semaphore, #tpu.memory_space<semaphore_mem>>)
    %dma_start3A_1244 = arith.constant 240 : i32
    %dma_start3A_1245 = arith.constant 0 : i32
    %dma_start3A_1246 = tpu.memref_slice %arg9[%dma_start3A_1244, %dma_start3A_1245] : memref<400x128xf32, #tpu.memory_space<vmem>> -> memref<80x128xf32, #tpu.memory_space<vmem>>
    %dma_start3A_1247 = arith.constant 240 : i32
    %dma_start3A_1248 = tpu.memref_slice %arg7[%dma_start3A_1247] : memref<400xi32, #tpu.memory_space<vmem>> -> memref<80xi32, #tpu.memory_space<vmem>>
    %dma_start3A_1249 = arith.constant 0 : i32
    %dma_start3A_1250 = arith.constant 0 : i32
    %dma_start3A_1251 = tpu.memref_slice %arg3[%dma_start3A_1249, %dma_start3A_1250] : memref<1000000x128xf32, #tpu.memory_space<hbm>> -> memref<1000000x128xf32, #tpu.memory_space<hbm>>
    tpu.enqueue_indirect_dma source(%dma_start3A_1251 : memref<1000000x128xf32, #tpu.memory_space<hbm>>) target(%dma_start3A_1246 : memref<80x128xf32, #tpu.memory_space<vmem>>) offsets(%dma_start3A_1248 : memref<80xi32, #tpu.memory_space<vmem>>) semaphore(%arg12 : memref<!tpu.dma_semaphore, #tpu.memory_space<semaphore_mem>>)
    %dma_start3A_1252 = arith.constant 320 : i32
    %dma_start3A_1253 = arith.constant 0 : i32
    %dma_start3A_1254 = tpu.memref_slice %arg9[%dma_start3A_1252, %dma_start3A_1253] : memref<400x128xf32, #tpu.memory_space<vmem>> -> memref<80x128xf32, #tpu.memory_space<vmem>>
    %dma_start3A_1255 = arith.constant 320 : i32
    %dma_start3A_1256 = tpu.memref_slice %arg7[%dma_start3A_1255] : memref<400xi32, #tpu.memory_space<vmem>> -> memref<80xi32, #tpu.memory_space<vmem>>
    %dma_start3A_1257 = arith.constant 0 : i32
    %dma_start3A_1258 = arith.constant 0 : i32
    %dma_start3A_1259 = tpu.memref_slice %arg3[%dma_start3A_1257, %dma_start3A_1258] : memref<1000000x128xf32, #tpu.memory_space<hbm>> -> memref<1000000x128xf32, #tpu.memory_space<hbm>>
    tpu.enqueue_indirect_dma source(%dma_start3A_1259 : memref<1000000x128xf32, #tpu.memory_space<hbm>>) target(%dma_start3A_1254 : memref<80x128xf32, #tpu.memory_space<vmem>>) offsets(%dma_start3A_1256 : memref<80xi32, #tpu.memory_space<vmem>>) semaphore(%arg12 : memref<!tpu.dma_semaphore, #tpu.memory_space<semaphore_mem>>)
    %dma_wait3A_1260 = arith.constant 0 : i32
    %dma_wait3A_1261 = arith.constant 0 : i32
    %dma_wait3A_1262 = tpu.memref_slice %arg8[%dma_wait3A_1260, %dma_wait3A_1261] : memref<400x128xf32, #tpu.memory_space<vmem>> -> memref<80x128xf32, #tpu.memory_space<vmem>>
    %dma_wait3A_1263 = arith.constant 0 : i32
    %dma_wait3A_1264 = tpu.memref_slice %arg6[%dma_wait3A_1263] : memref<400xi32, #tpu.memory_space<vmem>> -> memref<80xi32, #tpu.memory_space<vmem>>
    %dma_wait3A_1265 = arith.constant 0 : i32
    %dma_wait3A_1266 = arith.constant 0 : i32
    %dma_wait3A_1267 = tpu.memref_slice %arg3[%dma_wait3A_1265, %dma_wait3A_1266] : memref<1000000x128xf32, #tpu.memory_space<hbm>> -> memref<1000000x128xf32, #tpu.memory_space<hbm>>
    tpu.wait_indirect_dma semaphore(%arg11 : memref<!tpu.dma_semaphore, #tpu.memory_space<semaphore_mem>>) src(%dma_wait3A_1267 : memref<1000000x128xf32, #tpu.memory_space<hbm>>) dst(%dma_wait3A_1262 : memref<80x128xf32, #tpu.memory_space<vmem>>)
    %dma_wait3A_1268 = arith.constant 80 : i32
    %dma_wait3A_1269 = arith.constant 0 : i32
    %dma_wait3A_1270 = tpu.memref_slice %arg8[%dma_wait3A_1268, %dma_wait3A_1269] : memref<400x128xf32, #tpu.memory_space<vmem>> -> memref<80x128xf32, #tpu.memory_space<vmem>>
    %dma_wait3A_1271 = arith.constant 80 : i32
    %dma_wait3A_1272 = tpu.memref_slice %arg6[%dma_wait3A_1271] : memref<400xi32, #tpu.memory_space<vmem>> -> memref<80xi32, #tpu.memory_space<vmem>>
    %dma_wait3A_1273 = arith.constant 0 : i32
    %dma_wait3A_1274 = arith.constant 0 : i32
    %dma_wait3A_1275 = tpu.memref_slice %arg3[%dma_wait3A_1273, %dma_wait3A_1274] : memref<1000000x128xf32, #tpu.memory_space<hbm>> -> memref<1000000x128xf32, #tpu.memory_space<hbm>>
    tpu.wait_indirect_dma semaphore(%arg11 : memref<!tpu.dma_semaphore, #tpu.memory_space<semaphore_mem>>) src(%dma_wait3A_1275 : memref<1000000x128xf32, #tpu.memory_space<hbm>>) dst(%dma_wait3A_1270 : memref<80x128xf32, #tpu.memory_space<vmem>>)
    %dma_wait3A_1276 = arith.constant 160 : i32
    %dma_wait3A_1277 = arith.constant 0 : i32
    %dma_wait3A_1278 = tpu.memref_slice %arg8[%dma_wait3A_1276, %dma_wait3A_1277] : memref<400x128xf32, #tpu.memory_space<vmem>> -> memref<80x128xf32, #tpu.memory_space<vmem>>
    %dma_wait3A_1279 = arith.constant 160 : i32
    %dma_wait3A_1280 = tpu.memref_slice %arg6[%dma_wait3A_1279] : memref<400xi32, #tpu.memory_space<vmem>> -> memref<80xi32, #tpu.memory_space<vmem>>
    %dma_wait3A_1281 = arith.constant 0 : i32
    %dma_wait3A_1282 = arith.constant 0 : i32
    %dma_wait3A_1283 = tpu.memref_slice %arg3[%dma_wait3A_1281, %dma_wait3A_1282] : memref<1000000x128xf32, #tpu.memory_space<hbm>> -> memref<1000000x128xf32, #tpu.memory_space<hbm>>
    tpu.wait_indirect_dma semaphore(%arg11 : memref<!tpu.dma_semaphore, #tpu.memory_space<semaphore_mem>>) src(%dma_wait3A_1283 : memref<1000000x128xf32, #tpu.memory_space<hbm>>) dst(%dma_wait3A_1278 : memref<80x128xf32, #tpu.memory_space<vmem>>)
    %dma_wait3A_1284 = arith.constant 240 : i32
    %dma_wait3A_1285 = arith.constant 0 : i32
    %dma_wait3A_1286 = tpu.memref_slice %arg8[%dma_wait3A_1284, %dma_wait3A_1285] : memref<400x128xf32, #tpu.memory_space<vmem>> -> memref<80x128xf32, #tpu.memory_space<vmem>>
    %dma_wait3A_1287 = arith.constant 240 : i32
    %dma_wait3A_1288 = tpu.memref_slice %arg6[%dma_wait3A_1287] : memref<400xi32, #tpu.memory_space<vmem>> -> memref<80xi32, #tpu.memory_space<vmem>>
    %dma_wait3A_1289 = arith.constant 0 : i32
    %dma_wait3A_1290 = arith.constant 0 : i32
    %dma_wait3A_1291 = tpu.memref_slice %arg3[%dma_wait3A_1289, %dma_wait3A_1290] : memref<1000000x128xf32, #tpu.memory_space<hbm>> -> memref<1000000x128xf32, #tpu.memory_space<hbm>>
    tpu.wait_indirect_dma semaphore(%arg11 : memref<!tpu.dma_semaphore, #tpu.memory_space<semaphore_mem>>) src(%dma_wait3A_1291 : memref<1000000x128xf32, #tpu.memory_space<hbm>>) dst(%dma_wait3A_1286 : memref<80x128xf32, #tpu.memory_space<vmem>>)
    %dma_wait3A_1292 = arith.constant 320 : i32
    %dma_wait3A_1293 = arith.constant 0 : i32
    %dma_wait3A_1294 = tpu.memref_slice %arg8[%dma_wait3A_1292, %dma_wait3A_1293] : memref<400x128xf32, #tpu.memory_space<vmem>> -> memref<80x128xf32, #tpu.memory_space<vmem>>
    %dma_wait3A_1295 = arith.constant 320 : i32
    %dma_wait3A_1296 = tpu.memref_slice %arg6[%dma_wait3A_1295] : memref<400xi32, #tpu.memory_space<vmem>> -> memref<80xi32, #tpu.memory_space<vmem>>
    %dma_wait3A_1297 = arith.constant 0 : i32
    %dma_wait3A_1298 = arith.constant 0 : i32
    %dma_wait3A_1299 = tpu.memref_slice %arg3[%dma_wait3A_1297, %dma_wait3A_1298] : memref<1000000x128xf32, #tpu.memory_space<hbm>> -> memref<1000000x128xf32, #tpu.memory_space<hbm>>
    tpu.wait_indirect_dma semaphore(%arg11 : memref<!tpu.dma_semaphore, #tpu.memory_space<semaphore_mem>>) src(%dma_wait3A_1299 : memref<1000000x128xf32, #tpu.memory_space<hbm>>) dst(%dma_wait3A_1294 : memref<80x128xf32, #tpu.memory_space<vmem>>)
    %scan3A_1300 = arith.constant 0 : i32
    %scan3A_1301 = arith.constant 0 : i32
    %scan3A_1302 = arith.constant 400 : i32
    %scan3A_1303 = arith.addi %scan3A_1301, %scan3A_1302 : i32
    %scan3A_1304 = arith.constant 1 : i32
    scf.for %scan3A_1568 = %scan3A_1301 to %scan3A_1303 step %scan3A_1304  : i32 {
      %get3A = arith.index_cast %scan3A_1568 : i32 to index
      %get3A_1569 = arith.constant 0 : index
      %get3A_1570 = tpu.vector_load %arg8[%get3A, %get3A_1569] {strides = array<i32>} : memref<400x128xf32, #tpu.memory_space<vmem>>, vector<1x16xf32>,
      %get3A_1571 = vector.shape_cast %get3A_1570 : vector<1x16xf32> to vector<16xf32>
      %get3A_1572 = arith.index_cast %scan3A_1568 : i32 to index
      %get3A_1573 = arith.constant 0 : index
      %get3A_1574 = tpu.vector_load %arg10[%get3A_1572, %get3A_1573] {strides = array<i32>} : memref<400x64xf32, #tpu.memory_space<vmem>>, vector<1x16xf32>,
      %get3A_1575 = vector.shape_cast %get3A_1574 : vector<1x16xf32> to vector<16xf32>
      %add3A_1576 = arith.addf %get3A_1571, %get3A_1575 : vector<16xf32>
      %swap3A = arith.index_cast %scan3A_1568 : i32 to index
      %swap3A_1577 = arith.constant 0 : index
      %swap3A_1578 = tpu.vector_load %arg8[%swap3A, %swap3A_1577] {strides = array<i32>} : memref<400x128xf32, #tpu.memory_space<vmem>>, vector<1x16xf32>,
      %swap3A_1579 = vector.shape_cast %swap3A_1578 : vector<1x16xf32> to vector<16xf32>
      %swap3A_1580 = vector.shape_cast %add3A_1576 : vector<16xf32> to vector<1x16xf32>
      tpu.vector_store %arg8[%swap3A, %swap3A_1577], %swap3A_1580 {strides = array<i32>} : memref<400x128xf32, #tpu.memory_space<vmem>>, vector<1x16xf32>,
      %get3A_1581 = arith.index_cast %scan3A_1568 : i32 to index
      %get3A_1582 = arith.constant 16 : index
      %get3A_1583 = tpu.vector_load %arg8[%get3A_1581, %get3A_1582] {strides = array<i32>} : memref<400x128xf32, #tpu.memory_space<vmem>>, vector<1x16xf32>,
      %get3A_1584 = vector.shape_cast %get3A_1583 : vector<1x16xf32> to vector<16xf32>
      %get3A_1585 = arith.index_cast %scan3A_1568 : i32 to index
      %get3A_1586 = arith.constant 16 : index
      %get3A_1587 = tpu.vector_load %arg10[%get3A_1585, %get3A_1586] {strides = array<i32>} : memref<400x64xf32, #tpu.memory_space<vmem>>, vector<1x16xf32>,
      %get3A_1588 = vector.shape_cast %get3A_1587 : vector<1x16xf32> to vector<16xf32>
      %add3A_1589 = arith.addf %get3A_1584, %get3A_1588 : vector<16xf32>
      %swap3A_1590 = arith.index_cast %scan3A_1568 : i32 to index
      %swap3A_1591 = arith.constant 16 : index
      %swap3A_1592 = tpu.vector_load %arg8[%swap3A_1590, %swap3A_1591] {strides = array<i32>} : memref<400x128xf32, #tpu.memory_space<vmem>>, vector<1x16xf32>,
      %swap3A_1593 = vector.shape_cast %swap3A_1592 : vector<1x16xf32> to vector<16xf32>
      %swap3A_1594 = vector.shape_cast %add3A_1589 : vector<16xf32> to vector<1x16xf32>
      tpu.vector_store %arg8[%swap3A_1590, %swap3A_1591], %swap3A_1594 {strides = array<i32>} : memref<400x128xf32, #tpu.memory_space<vmem>>, vector<1x16xf32>,
      %get3A_1595 = arith.index_cast %scan3A_1568 : i32 to index
      %get3A_1596 = arith.constant 32 : index
      %get3A_1597 = tpu.vector_load %arg8[%get3A_1595, %get3A_1596] {strides = array<i32>} : memref<400x128xf32, #tpu.memory_space<vmem>>, vector<1x16xf32>,
      %get3A_1598 = vector.shape_cast %get3A_1597 : vector<1x16xf32> to vector<16xf32>
      %get3A_1599 = arith.index_cast %scan3A_1568 : i32 to index
      %get3A_1600 = arith.constant 32 : index
      %get3A_1601 = tpu.vector_load %arg10[%get3A_1599, %get3A_1600] {strides = array<i32>} : memref<400x64xf32, #tpu.memory_space<vmem>>, vector<1x16xf32>,
      %get3A_1602 = vector.shape_cast %get3A_1601 : vector<1x16xf32> to vector<16xf32>
      %add3A_1603 = arith.addf %get3A_1598, %get3A_1602 : vector<16xf32>
      %swap3A_1604 = arith.index_cast %scan3A_1568 : i32 to index
      %swap3A_1605 = arith.constant 32 : index
      %swap3A_1606 = tpu.vector_load %arg8[%swap3A_1604, %swap3A_1605] {strides = array<i32>} : memref<400x128xf32, #tpu.memory_space<vmem>>, vector<1x16xf32>,
      %swap3A_1607 = vector.shape_cast %swap3A_1606 : vector<1x16xf32> to vector<16xf32>
      %swap3A_1608 = vector.shape_cast %add3A_1603 : vector<16xf32> to vector<1x16xf32>
      tpu.vector_store %arg8[%swap3A_1604, %swap3A_1605], %swap3A_1608 {strides = array<i32>} : memref<400x128xf32, #tpu.memory_space<vmem>>, vector<1x16xf32>,
      %get3A_1609 = arith.index_cast %scan3A_1568 : i32 to index
      %get3A_1610 = arith.constant 48 : index
      %get3A_1611 = tpu.vector_load %arg8[%get3A_1609, %get3A_1610] {strides = array<i32>} : memref<400x128xf32, #tpu.memory_space<vmem>>, vector<1x16xf32>,
      %get3A_1612 = vector.shape_cast %get3A_1611 : vector<1x16xf32> to vector<16xf32>
      %get3A_1613 = arith.index_cast %scan3A_1568 : i32 to index
      %get3A_1614 = arith.constant 48 : index
      %get3A_1615 = tpu.vector_load %arg10[%get3A_1613, %get3A_1614] {strides = array<i32>} : memref<400x64xf32, #tpu.memory_space<vmem>>, vector<1x16xf32>,
      %get3A_1616 = vector.shape_cast %get3A_1615 : vector<1x16xf32> to vector<16xf32>
      %add3A_1617 = arith.addf %get3A_1612, %get3A_1616 : vector<16xf32>
      %swap3A_1618 = arith.index_cast %scan3A_1568 : i32 to index
      %swap3A_1619 = arith.constant 48 : index
      %swap3A_1620 = tpu.vector_load %arg8[%swap3A_1618, %swap3A_1619] {strides = array<i32>} : memref<400x128xf32, #tpu.memory_space<vmem>>, vector<1x16xf32>,
      %swap3A_1621 = vector.shape_cast %swap3A_1620 : vector<1x16xf32> to vector<16xf32>
      %swap3A_1622 = vector.shape_cast %add3A_1617 : vector<16xf32> to vector<1x16xf32>
      tpu.vector_store %arg8[%swap3A_1618, %swap3A_1619], %swap3A_1622 {strides = array<i32>} : memref<400x128xf32, #tpu.memory_space<vmem>>, vector<1x16xf32>,
    }
    %scan3A_1305 = arith.constant 400 : i32
    %add3A_1306 = arith.constant 4800 : i32
    %add3A_1307 = arith.addi %mul3A_2, %add3A_1306 : i32
    %dma_start3A_1308 = arith.constant 0 : i32
    %dma_start3A_1309 = tpu.memref_slice %arg5[%add3A_1307, %dma_start3A_1308] : memref<204800x128xf32, #tpu.memory_space<hbm>> -> memref<400x128xf32, #tpu.memory_space<hbm>>
    %dma_start3A_1310 = arith.constant 0 : i32
    %dma_start3A_1311 = tpu.memref_slice %arg5[%add3A_1307, %dma_start3A_1310] : memref<204800x128xf32, #tpu.memory_space<hbm>> -> memref<400x128xf32, #tpu.memory_space<hbm>>
    tpu.enqueue_dma source(%arg8 : memref<400x128xf32, #tpu.memory_space<vmem>>) target(%dma_start3A_1311 : memref<400x128xf32, #tpu.memory_space<hbm>>) target_semaphore(%arg13 : memref<!tpu.dma_semaphore, #tpu.memory_space<semaphore_mem>>)
    %dma_wait3A_1312 = arith.constant 0 : i32
    %dma_wait3A_1313 = tpu.memref_slice %arg5[%add3A_1307, %dma_wait3A_1312] : memref<204800x128xf32, #tpu.memory_space<hbm>> -> memref<400x128xf32, #tpu.memory_space<hbm>>
    %dma_wait3A_1314 = arith.constant 0 : i32
    %dma_wait3A_1315 = tpu.memref_slice %arg5[%add3A_1307, %dma_wait3A_1314] : memref<204800x128xf32, #tpu.memory_space<hbm>> -> memref<400x128xf32, #tpu.memory_space<hbm>>
    tpu.wait_dma2 semaphore(%arg13 : memref<!tpu.dma_semaphore, #tpu.memory_space<semaphore_mem>>) src(%arg8 : memref<400x128xf32, #tpu.memory_space<vmem>>) dst(%dma_wait3A_1315 : memref<400x128xf32, #tpu.memory_space<hbm>>)
    %add3A_1316 = arith.constant 5600 : i32
    %add3A_1317 = arith.addi %mul3A_2, %add3A_1316 : i32
    "tpu.region"() ({
      %run_scoped3A = tpu.sem_alloc : memref<!tpu.dma_semaphore, #tpu.memory_space<semaphore_mem>>
      %dma_start3A_1568 = tpu.memref_slice %arg2[%add3A_1317] : memref<204800xi32, #tpu.memory_space<hbm>> -> memref<400xi32, #tpu.memory_space<hbm>>
      %dma_start3A_1569 = tpu.memref_slice %arg2[%add3A_1317] : memref<204800xi32, #tpu.memory_space<hbm>> -> memref<400xi32, #tpu.memory_space<hbm>>
      tpu.enqueue_dma source(%dma_start3A_1569 : memref<400xi32, #tpu.memory_space<hbm>>) target(%arg6 : memref<400xi32, #tpu.memory_space<vmem>>) target_semaphore(%run_scoped3A : memref<!tpu.dma_semaphore, #tpu.memory_space<semaphore_mem>>)
      %dma_wait3A_1570 = tpu.memref_slice %arg2[%add3A_1317] : memref<204800xi32, #tpu.memory_space<hbm>> -> memref<400xi32, #tpu.memory_space<hbm>>
      %dma_wait3A_1571 = tpu.memref_slice %arg2[%add3A_1317] : memref<204800xi32, #tpu.memory_space<hbm>> -> memref<400xi32, #tpu.memory_space<hbm>>
      tpu.wait_dma2 semaphore(%run_scoped3A : memref<!tpu.dma_semaphore, #tpu.memory_space<semaphore_mem>>) src(%dma_wait3A_1571 : memref<400xi32, #tpu.memory_space<hbm>>) dst(%arg6 : memref<400xi32, #tpu.memory_space<vmem>>)
      tpu.yield
    }) : () -> ()
    %dma_start3A_1318 = arith.constant 0 : i32
    %dma_start3A_1319 = arith.constant 0 : i32
    %dma_start3A_1320 = tpu.memref_slice %arg8[%dma_start3A_1318, %dma_start3A_1319] : memref<400x128xf32, #tpu.memory_space<vmem>> -> memref<80x128xf32, #tpu.memory_space<vmem>>
    %dma_start3A_1321 = arith.constant 0 : i32
    %dma_start3A_1322 = tpu.memref_slice %arg6[%dma_start3A_1321] : memref<400xi32, #tpu.memory_space<vmem>> -> memref<80xi32, #tpu.memory_space<vmem>>
    %dma_start3A_1323 = arith.constant 0 : i32
    %dma_start3A_1324 = arith.constant 0 : i32
    %dma_start3A_1325 = tpu.memref_slice %arg3[%dma_start3A_1323, %dma_start3A_1324] : memref<1000000x128xf32, #tpu.memory_space<hbm>> -> memref<1000000x128xf32, #tpu.memory_space<hbm>>
    tpu.enqueue_indirect_dma source(%dma_start3A_1325 : memref<1000000x128xf32, #tpu.memory_space<hbm>>) target(%dma_start3A_1320 : memref<80x128xf32, #tpu.memory_space<vmem>>) offsets(%dma_start3A_1322 : memref<80xi32, #tpu.memory_space<vmem>>) semaphore(%arg11 : memref<!tpu.dma_semaphore, #tpu.memory_space<semaphore_mem>>)
    %dma_start3A_1326 = arith.constant 80 : i32
    %dma_start3A_1327 = arith.constant 0 : i32
    %dma_start3A_1328 = tpu.memref_slice %arg8[%dma_start3A_1326, %dma_start3A_1327] : memref<400x128xf32, #tpu.memory_space<vmem>> -> memref<80x128xf32, #tpu.memory_space<vmem>>
    %dma_start3A_1329 = arith.constant 80 : i32
    %dma_start3A_1330 = tpu.memref_slice %arg6[%dma_start3A_1329] : memref<400xi32, #tpu.memory_space<vmem>> -> memref<80xi32, #tpu.memory_space<vmem>>
    %dma_start3A_1331 = arith.constant 0 : i32
    %dma_start3A_1332 = arith.constant 0 : i32
    %dma_start3A_1333 = tpu.memref_slice %arg3[%dma_start3A_1331, %dma_start3A_1332] : memref<1000000x128xf32, #tpu.memory_space<hbm>> -> memref<1000000x128xf32, #tpu.memory_space<hbm>>
    tpu.enqueue_indirect_dma source(%dma_start3A_1333 : memref<1000000x128xf32, #tpu.memory_space<hbm>>) target(%dma_start3A_1328 : memref<80x128xf32, #tpu.memory_space<vmem>>) offsets(%dma_start3A_1330 : memref<80xi32, #tpu.memory_space<vmem>>) semaphore(%arg11 : memref<!tpu.dma_semaphore, #tpu.memory_space<semaphore_mem>>)
    %dma_start3A_1334 = arith.constant 160 : i32
    %dma_start3A_1335 = arith.constant 0 : i32
    %dma_start3A_1336 = tpu.memref_slice %arg8[%dma_start3A_1334, %dma_start3A_1335] : memref<400x128xf32, #tpu.memory_space<vmem>> -> memref<80x128xf32, #tpu.memory_space<vmem>>
    %dma_start3A_1337 = arith.constant 160 : i32
    %dma_start3A_1338 = tpu.memref_slice %arg6[%dma_start3A_1337] : memref<400xi32, #tpu.memory_space<vmem>> -> memref<80xi32, #tpu.memory_space<vmem>>
    %dma_start3A_1339 = arith.constant 0 : i32
    %dma_start3A_1340 = arith.constant 0 : i32
    %dma_start3A_1341 = tpu.memref_slice %arg3[%dma_start3A_1339, %dma_start3A_1340] : memref<1000000x128xf32, #tpu.memory_space<hbm>> -> memref<1000000x128xf32, #tpu.memory_space<hbm>>
    tpu.enqueue_indirect_dma source(%dma_start3A_1341 : memref<1000000x128xf32, #tpu.memory_space<hbm>>) target(%dma_start3A_1336 : memref<80x128xf32, #tpu.memory_space<vmem>>) offsets(%dma_start3A_1338 : memref<80xi32, #tpu.memory_space<vmem>>) semaphore(%arg11 : memref<!tpu.dma_semaphore, #tpu.memory_space<semaphore_mem>>)
    %dma_start3A_1342 = arith.constant 240 : i32
    %dma_start3A_1343 = arith.constant 0 : i32
    %dma_start3A_1344 = tpu.memref_slice %arg8[%dma_start3A_1342, %dma_start3A_1343] : memref<400x128xf32, #tpu.memory_space<vmem>> -> memref<80x128xf32, #tpu.memory_space<vmem>>
    %dma_start3A_1345 = arith.constant 240 : i32
    %dma_start3A_1346 = tpu.memref_slice %arg6[%dma_start3A_1345] : memref<400xi32, #tpu.memory_space<vmem>> -> memref<80xi32, #tpu.memory_space<vmem>>
    %dma_start3A_1347 = arith.constant 0 : i32
    %dma_start3A_1348 = arith.constant 0 : i32
    %dma_start3A_1349 = tpu.memref_slice %arg3[%dma_start3A_1347, %dma_start3A_1348] : memref<1000000x128xf32, #tpu.memory_space<hbm>> -> memref<1000000x128xf32, #tpu.memory_space<hbm>>
    tpu.enqueue_indirect_dma source(%dma_start3A_1349 : memref<1000000x128xf32, #tpu.memory_space<hbm>>) target(%dma_start3A_1344 : memref<80x128xf32, #tpu.memory_space<vmem>>) offsets(%dma_start3A_1346 : memref<80xi32, #tpu.memory_space<vmem>>) semaphore(%arg11 : memref<!tpu.dma_semaphore, #tpu.memory_space<semaphore_mem>>)
    %dma_start3A_1350 = arith.constant 320 : i32
    %dma_start3A_1351 = arith.constant 0 : i32
    %dma_start3A_1352 = tpu.memref_slice %arg8[%dma_start3A_1350, %dma_start3A_1351] : memref<400x128xf32, #tpu.memory_space<vmem>> -> memref<80x128xf32, #tpu.memory_space<vmem>>
    %dma_start3A_1353 = arith.constant 320 : i32
    %dma_start3A_1354 = tpu.memref_slice %arg6[%dma_start3A_1353] : memref<400xi32, #tpu.memory_space<vmem>> -> memref<80xi32, #tpu.memory_space<vmem>>
    %dma_start3A_1355 = arith.constant 0 : i32
    %dma_start3A_1356 = arith.constant 0 : i32
    %dma_start3A_1357 = tpu.memref_slice %arg3[%dma_start3A_1355, %dma_start3A_1356] : memref<1000000x128xf32, #tpu.memory_space<hbm>> -> memref<1000000x128xf32, #tpu.memory_space<hbm>>
    tpu.enqueue_indirect_dma source(%dma_start3A_1357 : memref<1000000x128xf32, #tpu.memory_space<hbm>>) target(%dma_start3A_1352 : memref<80x128xf32, #tpu.memory_space<vmem>>) offsets(%dma_start3A_1354 : memref<80xi32, #tpu.memory_space<vmem>>) semaphore(%arg11 : memref<!tpu.dma_semaphore, #tpu.memory_space<semaphore_mem>>)
    %dma_wait3A_1358 = arith.constant 0 : i32
    %dma_wait3A_1359 = arith.constant 0 : i32
    %dma_wait3A_1360 = tpu.memref_slice %arg9[%dma_wait3A_1358, %dma_wait3A_1359] : memref<400x128xf32, #tpu.memory_space<vmem>> -> memref<80x128xf32, #tpu.memory_space<vmem>>
    %dma_wait3A_1361 = arith.constant 0 : i32
    %dma_wait3A_1362 = tpu.memref_slice %arg7[%dma_wait3A_1361] : memref<400xi32, #tpu.memory_space<vmem>> -> memref<80xi32, #tpu.memory_space<vmem>>
    %dma_wait3A_1363 = arith.constant 0 : i32
    %dma_wait3A_1364 = arith.constant 0 : i32
    %dma_wait3A_1365 = tpu.memref_slice %arg3[%dma_wait3A_1363, %dma_wait3A_1364] : memref<1000000x128xf32, #tpu.memory_space<hbm>> -> memref<1000000x128xf32, #tpu.memory_space<hbm>>
    tpu.wait_indirect_dma semaphore(%arg12 : memref<!tpu.dma_semaphore, #tpu.memory_space<semaphore_mem>>) src(%dma_wait3A_1365 : memref<1000000x128xf32, #tpu.memory_space<hbm>>) dst(%dma_wait3A_1360 : memref<80x128xf32, #tpu.memory_space<vmem>>)
    %dma_wait3A_1366 = arith.constant 80 : i32
    %dma_wait3A_1367 = arith.constant 0 : i32
    %dma_wait3A_1368 = tpu.memref_slice %arg9[%dma_wait3A_1366, %dma_wait3A_1367] : memref<400x128xf32, #tpu.memory_space<vmem>> -> memref<80x128xf32, #tpu.memory_space<vmem>>
    %dma_wait3A_1369 = arith.constant 80 : i32
    %dma_wait3A_1370 = tpu.memref_slice %arg7[%dma_wait3A_1369] : memref<400xi32, #tpu.memory_space<vmem>> -> memref<80xi32, #tpu.memory_space<vmem>>
    %dma_wait3A_1371 = arith.constant 0 : i32
    %dma_wait3A_1372 = arith.constant 0 : i32
    %dma_wait3A_1373 = tpu.memref_slice %arg3[%dma_wait3A_1371, %dma_wait3A_1372] : memref<1000000x128xf32, #tpu.memory_space<hbm>> -> memref<1000000x128xf32, #tpu.memory_space<hbm>>
    tpu.wait_indirect_dma semaphore(%arg12 : memref<!tpu.dma_semaphore, #tpu.memory_space<semaphore_mem>>) src(%dma_wait3A_1373 : memref<1000000x128xf32, #tpu.memory_space<hbm>>) dst(%dma_wait3A_1368 : memref<80x128xf32, #tpu.memory_space<vmem>>)
    %dma_wait3A_1374 = arith.constant 160 : i32
    %dma_wait3A_1375 = arith.constant 0 : i32
    %dma_wait3A_1376 = tpu.memref_slice %arg9[%dma_wait3A_1374, %dma_wait3A_1375] : memref<400x128xf32, #tpu.memory_space<vmem>> -> memref<80x128xf32, #tpu.memory_space<vmem>>
    %dma_wait3A_1377 = arith.constant 160 : i32
    %dma_wait3A_1378 = tpu.memref_slice %arg7[%dma_wait3A_1377] : memref<400xi32, #tpu.memory_space<vmem>> -> memref<80xi32, #tpu.memory_space<vmem>>
    %dma_wait3A_1379 = arith.constant 0 : i32
    %dma_wait3A_1380 = arith.constant 0 : i32
    %dma_wait3A_1381 = tpu.memref_slice %arg3[%dma_wait3A_1379, %dma_wait3A_1380] : memref<1000000x128xf32, #tpu.memory_space<hbm>> -> memref<1000000x128xf32, #tpu.memory_space<hbm>>
    tpu.wait_indirect_dma semaphore(%arg12 : memref<!tpu.dma_semaphore, #tpu.memory_space<semaphore_mem>>) src(%dma_wait3A_1381 : memref<1000000x128xf32, #tpu.memory_space<hbm>>) dst(%dma_wait3A_1376 : memref<80x128xf32, #tpu.memory_space<vmem>>)
    %dma_wait3A_1382 = arith.constant 240 : i32
    %dma_wait3A_1383 = arith.constant 0 : i32
    %dma_wait3A_1384 = tpu.memref_slice %arg9[%dma_wait3A_1382, %dma_wait3A_1383] : memref<400x128xf32, #tpu.memory_space<vmem>> -> memref<80x128xf32, #tpu.memory_space<vmem>>
    %dma_wait3A_1385 = arith.constant 240 : i32
    %dma_wait3A_1386 = tpu.memref_slice %arg7[%dma_wait3A_1385] : memref<400xi32, #tpu.memory_space<vmem>> -> memref<80xi32, #tpu.memory_space<vmem>>
    %dma_wait3A_1387 = arith.constant 0 : i32
    %dma_wait3A_1388 = arith.constant 0 : i32
    %dma_wait3A_1389 = tpu.memref_slice %arg3[%dma_wait3A_1387, %dma_wait3A_1388] : memref<1000000x128xf32, #tpu.memory_space<hbm>> -> memref<1000000x128xf32, #tpu.memory_space<hbm>>
    tpu.wait_indirect_dma semaphore(%arg12 : memref<!tpu.dma_semaphore, #tpu.memory_space<semaphore_mem>>) src(%dma_wait3A_1389 : memref<1000000x128xf32, #tpu.memory_space<hbm>>) dst(%dma_wait3A_1384 : memref<80x128xf32, #tpu.memory_space<vmem>>)
    %dma_wait3A_1390 = arith.constant 320 : i32
    %dma_wait3A_1391 = arith.constant 0 : i32
    %dma_wait3A_1392 = tpu.memref_slice %arg9[%dma_wait3A_1390, %dma_wait3A_1391] : memref<400x128xf32, #tpu.memory_space<vmem>> -> memref<80x128xf32, #tpu.memory_space<vmem>>
    %dma_wait3A_1393 = arith.constant 320 : i32
    %dma_wait3A_1394 = tpu.memref_slice %arg7[%dma_wait3A_1393] : memref<400xi32, #tpu.memory_space<vmem>> -> memref<80xi32, #tpu.memory_space<vmem>>
    %dma_wait3A_1395 = arith.constant 0 : i32
    %dma_wait3A_1396 = arith.constant 0 : i32
    %dma_wait3A_1397 = tpu.memref_slice %arg3[%dma_wait3A_1395, %dma_wait3A_1396] : memref<1000000x128xf32, #tpu.memory_space<hbm>> -> memref<1000000x128xf32, #tpu.memory_space<hbm>>
    tpu.wait_indirect_dma semaphore(%arg12 : memref<!tpu.dma_semaphore, #tpu.memory_space<semaphore_mem>>) src(%dma_wait3A_1397 : memref<1000000x128xf32, #tpu.memory_space<hbm>>) dst(%dma_wait3A_1392 : memref<80x128xf32, #tpu.memory_space<vmem>>)
    %scan3A_1398 = arith.constant 0 : i32
    %scan3A_1399 = arith.constant 0 : i32
    %scan3A_1400 = arith.constant 400 : i32
    %scan3A_1401 = arith.addi %scan3A_1399, %scan3A_1400 : i32
    %scan3A_1402 = arith.constant 1 : i32
    scf.for %scan3A_1568 = %scan3A_1399 to %scan3A_1401 step %scan3A_1402  : i32 {
      %get3A = arith.index_cast %scan3A_1568 : i32 to index
      %get3A_1569 = arith.constant 0 : index
      %get3A_1570 = tpu.vector_load %arg9[%get3A, %get3A_1569] {strides = array<i32>} : memref<400x128xf32, #tpu.memory_space<vmem>>, vector<1x16xf32>,
      %get3A_1571 = vector.shape_cast %get3A_1570 : vector<1x16xf32> to vector<16xf32>
      %get3A_1572 = arith.index_cast %scan3A_1568 : i32 to index
      %get3A_1573 = arith.constant 0 : index
      %get3A_1574 = tpu.vector_load %arg10[%get3A_1572, %get3A_1573] {strides = array<i32>} : memref<400x64xf32, #tpu.memory_space<vmem>>, vector<1x16xf32>,
      %get3A_1575 = vector.shape_cast %get3A_1574 : vector<1x16xf32> to vector<16xf32>
      %add3A_1576 = arith.addf %get3A_1571, %get3A_1575 : vector<16xf32>
      %swap3A = arith.index_cast %scan3A_1568 : i32 to index
      %swap3A_1577 = arith.constant 0 : index
      %swap3A_1578 = tpu.vector_load %arg9[%swap3A, %swap3A_1577] {strides = array<i32>} : memref<400x128xf32, #tpu.memory_space<vmem>>, vector<1x16xf32>,
      %swap3A_1579 = vector.shape_cast %swap3A_1578 : vector<1x16xf32> to vector<16xf32>
      %swap3A_1580 = vector.shape_cast %add3A_1576 : vector<16xf32> to vector<1x16xf32>
      tpu.vector_store %arg9[%swap3A, %swap3A_1577], %swap3A_1580 {strides = array<i32>} : memref<400x128xf32, #tpu.memory_space<vmem>>, vector<1x16xf32>,
      %get3A_1581 = arith.index_cast %scan3A_1568 : i32 to index
      %get3A_1582 = arith.constant 16 : index
      %get3A_1583 = tpu.vector_load %arg9[%get3A_1581, %get3A_1582] {strides = array<i32>} : memref<400x128xf32, #tpu.memory_space<vmem>>, vector<1x16xf32>,
      %get3A_1584 = vector.shape_cast %get3A_1583 : vector<1x16xf32> to vector<16xf32>
      %get3A_1585 = arith.index_cast %scan3A_1568 : i32 to index
      %get3A_1586 = arith.constant 16 : index
      %get3A_1587 = tpu.vector_load %arg10[%get3A_1585, %get3A_1586] {strides = array<i32>} : memref<400x64xf32, #tpu.memory_space<vmem>>, vector<1x16xf32>,
      %get3A_1588 = vector.shape_cast %get3A_1587 : vector<1x16xf32> to vector<16xf32>
      %add3A_1589 = arith.addf %get3A_1584, %get3A_1588 : vector<16xf32>
      %swap3A_1590 = arith.index_cast %scan3A_1568 : i32 to index
      %swap3A_1591 = arith.constant 16 : index
      %swap3A_1592 = tpu.vector_load %arg9[%swap3A_1590, %swap3A_1591] {strides = array<i32>} : memref<400x128xf32, #tpu.memory_space<vmem>>, vector<1x16xf32>,
      %swap3A_1593 = vector.shape_cast %swap3A_1592 : vector<1x16xf32> to vector<16xf32>
      %swap3A_1594 = vector.shape_cast %add3A_1589 : vector<16xf32> to vector<1x16xf32>
      tpu.vector_store %arg9[%swap3A_1590, %swap3A_1591], %swap3A_1594 {strides = array<i32>} : memref<400x128xf32, #tpu.memory_space<vmem>>, vector<1x16xf32>,
      %get3A_1595 = arith.index_cast %scan3A_1568 : i32 to index
      %get3A_1596 = arith.constant 32 : index
      %get3A_1597 = tpu.vector_load %arg9[%get3A_1595, %get3A_1596] {strides = array<i32>} : memref<400x128xf32, #tpu.memory_space<vmem>>, vector<1x16xf32>,
      %get3A_1598 = vector.shape_cast %get3A_1597 : vector<1x16xf32> to vector<16xf32>
      %get3A_1599 = arith.index_cast %scan3A_1568 : i32 to index
      %get3A_1600 = arith.constant 32 : index
      %get3A_1601 = tpu.vector_load %arg10[%get3A_1599, %get3A_1600] {strides = array<i32>} : memref<400x64xf32, #tpu.memory_space<vmem>>, vector<1x16xf32>,
      %get3A_1602 = vector.shape_cast %get3A_1601 : vector<1x16xf32> to vector<16xf32>
      %add3A_1603 = arith.addf %get3A_1598, %get3A_1602 : vector<16xf32>
      %swap3A_1604 = arith.index_cast %scan3A_1568 : i32 to index
      %swap3A_1605 = arith.constant 32 : index
      %swap3A_1606 = tpu.vector_load %arg9[%swap3A_1604, %swap3A_1605] {strides = array<i32>} : memref<400x128xf32, #tpu.memory_space<vmem>>, vector<1x16xf32>,
      %swap3A_1607 = vector.shape_cast %swap3A_1606 : vector<1x16xf32> to vector<16xf32>
      %swap3A_1608 = vector.shape_cast %add3A_1603 : vector<16xf32> to vector<1x16xf32>
      tpu.vector_store %arg9[%swap3A_1604, %swap3A_1605], %swap3A_1608 {strides = array<i32>} : memref<400x128xf32, #tpu.memory_space<vmem>>, vector<1x16xf32>,
      %get3A_1609 = arith.index_cast %scan3A_1568 : i32 to index
      %get3A_1610 = arith.constant 48 : index
      %get3A_1611 = tpu.vector_load %arg9[%get3A_1609, %get3A_1610] {strides = array<i32>} : memref<400x128xf32, #tpu.memory_space<vmem>>, vector<1x16xf32>,
      %get3A_1612 = vector.shape_cast %get3A_1611 : vector<1x16xf32> to vector<16xf32>
      %get3A_1613 = arith.index_cast %scan3A_1568 : i32 to index
      %get3A_1614 = arith.constant 48 : index
      %get3A_1615 = tpu.vector_load %arg10[%get3A_1613, %get3A_1614] {strides = array<i32>} : memref<400x64xf32, #tpu.memory_space<vmem>>, vector<1x16xf32>,
      %get3A_1616 = vector.shape_cast %get3A_1615 : vector<1x16xf32> to vector<16xf32>
      %add3A_1617 = arith.addf %get3A_1612, %get3A_1616 : vector<16xf32>
      %swap3A_1618 = arith.index_cast %scan3A_1568 : i32 to index
      %swap3A_1619 = arith.constant 48 : index
      %swap3A_1620 = tpu.vector_load %arg9[%swap3A_1618, %swap3A_1619] {strides = array<i32>} : memref<400x128xf32, #tpu.memory_space<vmem>>, vector<1x16xf32>,
      %swap3A_1621 = vector.shape_cast %swap3A_1620 : vector<1x16xf32> to vector<16xf32>
      %swap3A_1622 = vector.shape_cast %add3A_1617 : vector<16xf32> to vector<1x16xf32>
      tpu.vector_store %arg9[%swap3A_1618, %swap3A_1619], %swap3A_1622 {strides = array<i32>} : memref<400x128xf32, #tpu.memory_space<vmem>>, vector<1x16xf32>,
    }
    %scan3A_1403 = arith.constant 400 : i32
    %add3A_1404 = arith.constant 5200 : i32
    %add3A_1405 = arith.addi %mul3A_2, %add3A_1404 : i32
    %dma_start3A_1406 = arith.constant 0 : i32
    %dma_start3A_1407 = tpu.memref_slice %arg5[%add3A_1405, %dma_start3A_1406] : memref<204800x128xf32, #tpu.memory_space<hbm>> -> memref<400x128xf32, #tpu.memory_space<hbm>>
    %dma_start3A_1408 = arith.constant 0 : i32
    %dma_start3A_1409 = tpu.memref_slice %arg5[%add3A_1405, %dma_start3A_1408] : memref<204800x128xf32, #tpu.memory_space<hbm>> -> memref<400x128xf32, #tpu.memory_space<hbm>>
    tpu.enqueue_dma source(%arg9 : memref<400x128xf32, #tpu.memory_space<vmem>>) target(%dma_start3A_1409 : memref<400x128xf32, #tpu.memory_space<hbm>>) target_semaphore(%arg14 : memref<!tpu.dma_semaphore, #tpu.memory_space<semaphore_mem>>)
    %dma_wait3A_1410 = arith.constant 0 : i32
    %dma_wait3A_1411 = tpu.memref_slice %arg5[%add3A_1405, %dma_wait3A_1410] : memref<204800x128xf32, #tpu.memory_space<hbm>> -> memref<400x128xf32, #tpu.memory_space<hbm>>
    %dma_wait3A_1412 = arith.constant 0 : i32
    %dma_wait3A_1413 = tpu.memref_slice %arg5[%add3A_1405, %dma_wait3A_1412] : memref<204800x128xf32, #tpu.memory_space<hbm>> -> memref<400x128xf32, #tpu.memory_space<hbm>>
    tpu.wait_dma2 semaphore(%arg14 : memref<!tpu.dma_semaphore, #tpu.memory_space<semaphore_mem>>) src(%arg9 : memref<400x128xf32, #tpu.memory_space<vmem>>) dst(%dma_wait3A_1413 : memref<400x128xf32, #tpu.memory_space<hbm>>)
    %add3A_1414 = arith.constant 6000 : i32
    %add3A_1415 = arith.addi %mul3A_2, %add3A_1414 : i32
    "tpu.region"() ({
      %run_scoped3A = tpu.sem_alloc : memref<!tpu.dma_semaphore, #tpu.memory_space<semaphore_mem>>
      %dma_start3A_1568 = tpu.memref_slice %arg2[%add3A_1415] : memref<204800xi32, #tpu.memory_space<hbm>> -> memref<400xi32, #tpu.memory_space<hbm>>
      %dma_start3A_1569 = tpu.memref_slice %arg2[%add3A_1415] : memref<204800xi32, #tpu.memory_space<hbm>> -> memref<400xi32, #tpu.memory_space<hbm>>
      tpu.enqueue_dma source(%dma_start3A_1569 : memref<400xi32, #tpu.memory_space<hbm>>) target(%arg7 : memref<400xi32, #tpu.memory_space<vmem>>) target_semaphore(%run_scoped3A : memref<!tpu.dma_semaphore, #tpu.memory_space<semaphore_mem>>)
      %dma_wait3A_1570 = tpu.memref_slice %arg2[%add3A_1415] : memref<204800xi32, #tpu.memory_space<hbm>> -> memref<400xi32, #tpu.memory_space<hbm>>
      %dma_wait3A_1571 = tpu.memref_slice %arg2[%add3A_1415] : memref<204800xi32, #tpu.memory_space<hbm>> -> memref<400xi32, #tpu.memory_space<hbm>>
      tpu.wait_dma2 semaphore(%run_scoped3A : memref<!tpu.dma_semaphore, #tpu.memory_space<semaphore_mem>>) src(%dma_wait3A_1571 : memref<400xi32, #tpu.memory_space<hbm>>) dst(%arg7 : memref<400xi32, #tpu.memory_space<vmem>>)
      tpu.yield
    }) : () -> ()
    %dma_start3A_1416 = arith.constant 0 : i32
    %dma_start3A_1417 = arith.constant 0 : i32
    %dma_start3A_1418 = tpu.memref_slice %arg9[%dma_start3A_1416, %dma_start3A_1417] : memref<400x128xf32, #tpu.memory_space<vmem>> -> memref<80x128xf32, #tpu.memory_space<vmem>>
    %dma_start3A_1419 = arith.constant 0 : i32
    %dma_start3A_1420 = tpu.memref_slice %arg7[%dma_start3A_1419] : memref<400xi32, #tpu.memory_space<vmem>> -> memref<80xi32, #tpu.memory_space<vmem>>
    %dma_start3A_1421 = arith.constant 0 : i32
    %dma_start3A_1422 = arith.constant 0 : i32
    %dma_start3A_1423 = tpu.memref_slice %arg3[%dma_start3A_1421, %dma_start3A_1422] : memref<1000000x128xf32, #tpu.memory_space<hbm>> -> memref<1000000x128xf32, #tpu.memory_space<hbm>>
    tpu.enqueue_indirect_dma source(%dma_start3A_1423 : memref<1000000x128xf32, #tpu.memory_space<hbm>>) target(%dma_start3A_1418 : memref<80x128xf32, #tpu.memory_space<vmem>>) offsets(%dma_start3A_1420 : memref<80xi32, #tpu.memory_space<vmem>>) semaphore(%arg12 : memref<!tpu.dma_semaphore, #tpu.memory_space<semaphore_mem>>)
    %dma_start3A_1424 = arith.constant 80 : i32
    %dma_start3A_1425 = arith.constant 0 : i32
    %dma_start3A_1426 = tpu.memref_slice %arg9[%dma_start3A_1424, %dma_start3A_1425] : memref<400x128xf32, #tpu.memory_space<vmem>> -> memref<80x128xf32, #tpu.memory_space<vmem>>
    %dma_start3A_1427 = arith.constant 80 : i32
    %dma_start3A_1428 = tpu.memref_slice %arg7[%dma_start3A_1427] : memref<400xi32, #tpu.memory_space<vmem>> -> memref<80xi32, #tpu.memory_space<vmem>>
    %dma_start3A_1429 = arith.constant 0 : i32
    %dma_start3A_1430 = arith.constant 0 : i32
    %dma_start3A_1431 = tpu.memref_slice %arg3[%dma_start3A_1429, %dma_start3A_1430] : memref<1000000x128xf32, #tpu.memory_space<hbm>> -> memref<1000000x128xf32, #tpu.memory_space<hbm>>
    tpu.enqueue_indirect_dma source(%dma_start3A_1431 : memref<1000000x128xf32, #tpu.memory_space<hbm>>) target(%dma_start3A_1426 : memref<80x128xf32, #tpu.memory_space<vmem>>) offsets(%dma_start3A_1428 : memref<80xi32, #tpu.memory_space<vmem>>) semaphore(%arg12 : memref<!tpu.dma_semaphore, #tpu.memory_space<semaphore_mem>>)
    %dma_start3A_1432 = arith.constant 160 : i32
    %dma_start3A_1433 = arith.constant 0 : i32
    %dma_start3A_1434 = tpu.memref_slice %arg9[%dma_start3A_1432, %dma_start3A_1433] : memref<400x128xf32, #tpu.memory_space<vmem>> -> memref<80x128xf32, #tpu.memory_space<vmem>>
    %dma_start3A_1435 = arith.constant 160 : i32
    %dma_start3A_1436 = tpu.memref_slice %arg7[%dma_start3A_1435] : memref<400xi32, #tpu.memory_space<vmem>> -> memref<80xi32, #tpu.memory_space<vmem>>
    %dma_start3A_1437 = arith.constant 0 : i32
    %dma_start3A_1438 = arith.constant 0 : i32
    %dma_start3A_1439 = tpu.memref_slice %arg3[%dma_start3A_1437, %dma_start3A_1438] : memref<1000000x128xf32, #tpu.memory_space<hbm>> -> memref<1000000x128xf32, #tpu.memory_space<hbm>>
    tpu.enqueue_indirect_dma source(%dma_start3A_1439 : memref<1000000x128xf32, #tpu.memory_space<hbm>>) target(%dma_start3A_1434 : memref<80x128xf32, #tpu.memory_space<vmem>>) offsets(%dma_start3A_1436 : memref<80xi32, #tpu.memory_space<vmem>>) semaphore(%arg12 : memref<!tpu.dma_semaphore, #tpu.memory_space<semaphore_mem>>)
    %dma_start3A_1440 = arith.constant 240 : i32
    %dma_start3A_1441 = arith.constant 0 : i32
    %dma_start3A_1442 = tpu.memref_slice %arg9[%dma_start3A_1440, %dma_start3A_1441] : memref<400x128xf32, #tpu.memory_space<vmem>> -> memref<80x128xf32, #tpu.memory_space<vmem>>
    %dma_start3A_1443 = arith.constant 240 : i32
    %dma_start3A_1444 = tpu.memref_slice %arg7[%dma_start3A_1443] : memref<400xi32, #tpu.memory_space<vmem>> -> memref<80xi32, #tpu.memory_space<vmem>>
    %dma_start3A_1445 = arith.constant 0 : i32
    %dma_start3A_1446 = arith.constant 0 : i32
    %dma_start3A_1447 = tpu.memref_slice %arg3[%dma_start3A_1445, %dma_start3A_1446] : memref<1000000x128xf32, #tpu.memory_space<hbm>> -> memref<1000000x128xf32, #tpu.memory_space<hbm>>
    tpu.enqueue_indirect_dma source(%dma_start3A_1447 : memref<1000000x128xf32, #tpu.memory_space<hbm>>) target(%dma_start3A_1442 : memref<80x128xf32, #tpu.memory_space<vmem>>) offsets(%dma_start3A_1444 : memref<80xi32, #tpu.memory_space<vmem>>) semaphore(%arg12 : memref<!tpu.dma_semaphore, #tpu.memory_space<semaphore_mem>>)
    %dma_start3A_1448 = arith.constant 320 : i32
    %dma_start3A_1449 = arith.constant 0 : i32
    %dma_start3A_1450 = tpu.memref_slice %arg9[%dma_start3A_1448, %dma_start3A_1449] : memref<400x128xf32, #tpu.memory_space<vmem>> -> memref<80x128xf32, #tpu.memory_space<vmem>>
    %dma_start3A_1451 = arith.constant 320 : i32
    %dma_start3A_1452 = tpu.memref_slice %arg7[%dma_start3A_1451] : memref<400xi32, #tpu.memory_space<vmem>> -> memref<80xi32, #tpu.memory_space<vmem>>
    %dma_start3A_1453 = arith.constant 0 : i32
    %dma_start3A_1454 = arith.constant 0 : i32
    %dma_start3A_1455 = tpu.memref_slice %arg3[%dma_start3A_1453, %dma_start3A_1454] : memref<1000000x128xf32, #tpu.memory_space<hbm>> -> memref<1000000x128xf32, #tpu.memory_space<hbm>>
    tpu.enqueue_indirect_dma source(%dma_start3A_1455 : memref<1000000x128xf32, #tpu.memory_space<hbm>>) target(%dma_start3A_1450 : memref<80x128xf32, #tpu.memory_space<vmem>>) offsets(%dma_start3A_1452 : memref<80xi32, #tpu.memory_space<vmem>>) semaphore(%arg12 : memref<!tpu.dma_semaphore, #tpu.memory_space<semaphore_mem>>)
    %dma_wait3A_1456 = arith.constant 0 : i32
    %dma_wait3A_1457 = arith.constant 0 : i32
    %dma_wait3A_1458 = tpu.memref_slice %arg8[%dma_wait3A_1456, %dma_wait3A_1457] : memref<400x128xf32, #tpu.memory_space<vmem>> -> memref<80x128xf32, #tpu.memory_space<vmem>>
    %dma_wait3A_1459 = arith.constant 0 : i32
    %dma_wait3A_1460 = tpu.memref_slice %arg6[%dma_wait3A_1459] : memref<400xi32, #tpu.memory_space<vmem>> -> memref<80xi32, #tpu.memory_space<vmem>>
    %dma_wait3A_1461 = arith.constant 0 : i32
    %dma_wait3A_1462 = arith.constant 0 : i32
    %dma_wait3A_1463 = tpu.memref_slice %arg3[%dma_wait3A_1461, %dma_wait3A_1462] : memref<1000000x128xf32, #tpu.memory_space<hbm>> -> memref<1000000x128xf32, #tpu.memory_space<hbm>>
    tpu.wait_indirect_dma semaphore(%arg11 : memref<!tpu.dma_semaphore, #tpu.memory_space<semaphore_mem>>) src(%dma_wait3A_1463 : memref<1000000x128xf32, #tpu.memory_space<hbm>>) dst(%dma_wait3A_1458 : memref<80x128xf32, #tpu.memory_space<vmem>>)
    %dma_wait3A_1464 = arith.constant 80 : i32
    %dma_wait3A_1465 = arith.constant 0 : i32
    %dma_wait3A_1466 = tpu.memref_slice %arg8[%dma_wait3A_1464, %dma_wait3A_1465] : memref<400x128xf32, #tpu.memory_space<vmem>> -> memref<80x128xf32, #tpu.memory_space<vmem>>
    %dma_wait3A_1467 = arith.constant 80 : i32
    %dma_wait3A_1468 = tpu.memref_slice %arg6[%dma_wait3A_1467] : memref<400xi32, #tpu.memory_space<vmem>> -> memref<80xi32, #tpu.memory_space<vmem>>
    %dma_wait3A_1469 = arith.constant 0 : i32
    %dma_wait3A_1470 = arith.constant 0 : i32
    %dma_wait3A_1471 = tpu.memref_slice %arg3[%dma_wait3A_1469, %dma_wait3A_1470] : memref<1000000x128xf32, #tpu.memory_space<hbm>> -> memref<1000000x128xf32, #tpu.memory_space<hbm>>
    tpu.wait_indirect_dma semaphore(%arg11 : memref<!tpu.dma_semaphore, #tpu.memory_space<semaphore_mem>>) src(%dma_wait3A_1471 : memref<1000000x128xf32, #tpu.memory_space<hbm>>) dst(%dma_wait3A_1466 : memref<80x128xf32, #tpu.memory_space<vmem>>)
    %dma_wait3A_1472 = arith.constant 160 : i32
    %dma_wait3A_1473 = arith.constant 0 : i32
    %dma_wait3A_1474 = tpu.memref_slice %arg8[%dma_wait3A_1472, %dma_wait3A_1473] : memref<400x128xf32, #tpu.memory_space<vmem>> -> memref<80x128xf32, #tpu.memory_space<vmem>>
    %dma_wait3A_1475 = arith.constant 160 : i32
    %dma_wait3A_1476 = tpu.memref_slice %arg6[%dma_wait3A_1475] : memref<400xi32, #tpu.memory_space<vmem>> -> memref<80xi32, #tpu.memory_space<vmem>>
    %dma_wait3A_1477 = arith.constant 0 : i32
    %dma_wait3A_1478 = arith.constant 0 : i32
    %dma_wait3A_1479 = tpu.memref_slice %arg3[%dma_wait3A_1477, %dma_wait3A_1478] : memref<1000000x128xf32, #tpu.memory_space<hbm>> -> memref<1000000x128xf32, #tpu.memory_space<hbm>>
    tpu.wait_indirect_dma semaphore(%arg11 : memref<!tpu.dma_semaphore, #tpu.memory_space<semaphore_mem>>) src(%dma_wait3A_1479 : memref<1000000x128xf32, #tpu.memory_space<hbm>>) dst(%dma_wait3A_1474 : memref<80x128xf32, #tpu.memory_space<vmem>>)
    %dma_wait3A_1480 = arith.constant 240 : i32
    %dma_wait3A_1481 = arith.constant 0 : i32
    %dma_wait3A_1482 = tpu.memref_slice %arg8[%dma_wait3A_1480, %dma_wait3A_1481] : memref<400x128xf32, #tpu.memory_space<vmem>> -> memref<80x128xf32, #tpu.memory_space<vmem>>
    %dma_wait3A_1483 = arith.constant 240 : i32
    %dma_wait3A_1484 = tpu.memref_slice %arg6[%dma_wait3A_1483] : memref<400xi32, #tpu.memory_space<vmem>> -> memref<80xi32, #tpu.memory_space<vmem>>
    %dma_wait3A_1485 = arith.constant 0 : i32
    %dma_wait3A_1486 = arith.constant 0 : i32
    %dma_wait3A_1487 = tpu.memref_slice %arg3[%dma_wait3A_1485, %dma_wait3A_1486] : memref<1000000x128xf32, #tpu.memory_space<hbm>> -> memref<1000000x128xf32, #tpu.memory_space<hbm>>
    tpu.wait_indirect_dma semaphore(%arg11 : memref<!tpu.dma_semaphore, #tpu.memory_space<semaphore_mem>>) src(%dma_wait3A_1487 : memref<1000000x128xf32, #tpu.memory_space<hbm>>) dst(%dma_wait3A_1482 : memref<80x128xf32, #tpu.memory_space<vmem>>)
    %dma_wait3A_1488 = arith.constant 320 : i32
    %dma_wait3A_1489 = arith.constant 0 : i32
    %dma_wait3A_1490 = tpu.memref_slice %arg8[%dma_wait3A_1488, %dma_wait3A_1489] : memref<400x128xf32, #tpu.memory_space<vmem>> -> memref<80x128xf32, #tpu.memory_space<vmem>>
    %dma_wait3A_1491 = arith.constant 320 : i32
    %dma_wait3A_1492 = tpu.memref_slice %arg6[%dma_wait3A_1491] : memref<400xi32, #tpu.memory_space<vmem>> -> memref<80xi32, #tpu.memory_space<vmem>>
    %dma_wait3A_1493 = arith.constant 0 : i32
    %dma_wait3A_1494 = arith.constant 0 : i32
    %dma_wait3A_1495 = tpu.memref_slice %arg3[%dma_wait3A_1493, %dma_wait3A_1494] : memref<1000000x128xf32, #tpu.memory_space<hbm>> -> memref<1000000x128xf32, #tpu.memory_space<hbm>>
    tpu.wait_indirect_dma semaphore(%arg11 : memref<!tpu.dma_semaphore, #tpu.memory_space<semaphore_mem>>) src(%dma_wait3A_1495 : memref<1000000x128xf32, #tpu.memory_space<hbm>>) dst(%dma_wait3A_1490 : memref<80x128xf32, #tpu.memory_space<vmem>>)
    %scan3A_1496 = arith.constant 0 : i32
    %scan3A_1497 = arith.constant 0 : i32
    %scan3A_1498 = arith.constant 400 : i32
    %scan3A_1499 = arith.addi %scan3A_1497, %scan3A_1498 : i32
    %scan3A_1500 = arith.constant 1 : i32
    scf.for %scan3A_1568 = %scan3A_1497 to %scan3A_1499 step %scan3A_1500  : i32 {
      %get3A = arith.index_cast %scan3A_1568 : i32 to index
      %get3A_1569 = arith.constant 0 : index
      %get3A_1570 = tpu.vector_load %arg8[%get3A, %get3A_1569] {strides = array<i32>} : memref<400x128xf32, #tpu.memory_space<vmem>>, vector<1x16xf32>,
      %get3A_1571 = vector.shape_cast %get3A_1570 : vector<1x16xf32> to vector<16xf32>
      %get3A_1572 = arith.index_cast %scan3A_1568 : i32 to index
      %get3A_1573 = arith.constant 0 : index
      %get3A_1574 = tpu.vector_load %arg10[%get3A_1572, %get3A_1573] {strides = array<i32>} : memref<400x64xf32, #tpu.memory_space<vmem>>, vector<1x16xf32>,
      %get3A_1575 = vector.shape_cast %get3A_1574 : vector<1x16xf32> to vector<16xf32>
      %add3A_1576 = arith.addf %get3A_1571, %get3A_1575 : vector<16xf32>
      %swap3A = arith.index_cast %scan3A_1568 : i32 to index
      %swap3A_1577 = arith.constant 0 : index
      %swap3A_1578 = tpu.vector_load %arg8[%swap3A, %swap3A_1577] {strides = array<i32>} : memref<400x128xf32, #tpu.memory_space<vmem>>, vector<1x16xf32>,
      %swap3A_1579 = vector.shape_cast %swap3A_1578 : vector<1x16xf32> to vector<16xf32>
      %swap3A_1580 = vector.shape_cast %add3A_1576 : vector<16xf32> to vector<1x16xf32>
      tpu.vector_store %arg8[%swap3A, %swap3A_1577], %swap3A_1580 {strides = array<i32>} : memref<400x128xf32, #tpu.memory_space<vmem>>, vector<1x16xf32>,
      %get3A_1581 = arith.index_cast %scan3A_1568 : i32 to index
      %get3A_1582 = arith.constant 16 : index
      %get3A_1583 = tpu.vector_load %arg8[%get3A_1581, %get3A_1582] {strides = array<i32>} : memref<400x128xf32, #tpu.memory_space<vmem>>, vector<1x16xf32>,
      %get3A_1584 = vector.shape_cast %get3A_1583 : vector<1x16xf32> to vector<16xf32>
      %get3A_1585 = arith.index_cast %scan3A_1568 : i32 to index
      %get3A_1586 = arith.constant 16 : index
      %get3A_1587 = tpu.vector_load %arg10[%get3A_1585, %get3A_1586] {strides = array<i32>} : memref<400x64xf32, #tpu.memory_space<vmem>>, vector<1x16xf32>,
      %get3A_1588 = vector.shape_cast %get3A_1587 : vector<1x16xf32> to vector<16xf32>
      %add3A_1589 = arith.addf %get3A_1584, %get3A_1588 : vector<16xf32>
      %swap3A_1590 = arith.index_cast %scan3A_1568 : i32 to index
      %swap3A_1591 = arith.constant 16 : index
      %swap3A_1592 = tpu.vector_load %arg8[%swap3A_1590, %swap3A_1591] {strides = array<i32>} : memref<400x128xf32, #tpu.memory_space<vmem>>, vector<1x16xf32>,
      %swap3A_1593 = vector.shape_cast %swap3A_1592 : vector<1x16xf32> to vector<16xf32>
      %swap3A_1594 = vector.shape_cast %add3A_1589 : vector<16xf32> to vector<1x16xf32>
      tpu.vector_store %arg8[%swap3A_1590, %swap3A_1591], %swap3A_1594 {strides = array<i32>} : memref<400x128xf32, #tpu.memory_space<vmem>>, vector<1x16xf32>,
      %get3A_1595 = arith.index_cast %scan3A_1568 : i32 to index
      %get3A_1596 = arith.constant 32 : index
      %get3A_1597 = tpu.vector_load %arg8[%get3A_1595, %get3A_1596] {strides = array<i32>} : memref<400x128xf32, #tpu.memory_space<vmem>>, vector<1x16xf32>,
      %get3A_1598 = vector.shape_cast %get3A_1597 : vector<1x16xf32> to vector<16xf32>
      %get3A_1599 = arith.index_cast %scan3A_1568 : i32 to index
      %get3A_1600 = arith.constant 32 : index
      %get3A_1601 = tpu.vector_load %arg10[%get3A_1599, %get3A_1600] {strides = array<i32>} : memref<400x64xf32, #tpu.memory_space<vmem>>, vector<1x16xf32>,
      %get3A_1602 = vector.shape_cast %get3A_1601 : vector<1x16xf32> to vector<16xf32>
      %add3A_1603 = arith.addf %get3A_1598, %get3A_1602 : vector<16xf32>
      %swap3A_1604 = arith.index_cast %scan3A_1568 : i32 to index
      %swap3A_1605 = arith.constant 32 : index
      %swap3A_1606 = tpu.vector_load %arg8[%swap3A_1604, %swap3A_1605] {strides = array<i32>} : memref<400x128xf32, #tpu.memory_space<vmem>>, vector<1x16xf32>,
      %swap3A_1607 = vector.shape_cast %swap3A_1606 : vector<1x16xf32> to vector<16xf32>
      %swap3A_1608 = vector.shape_cast %add3A_1603 : vector<16xf32> to vector<1x16xf32>
      tpu.vector_store %arg8[%swap3A_1604, %swap3A_1605], %swap3A_1608 {strides = array<i32>} : memref<400x128xf32, #tpu.memory_space<vmem>>, vector<1x16xf32>,
      %get3A_1609 = arith.index_cast %scan3A_1568 : i32 to index
      %get3A_1610 = arith.constant 48 : index
      %get3A_1611 = tpu.vector_load %arg8[%get3A_1609, %get3A_1610] {strides = array<i32>} : memref<400x128xf32, #tpu.memory_space<vmem>>, vector<1x16xf32>,
      %get3A_1612 = vector.shape_cast %get3A_1611 : vector<1x16xf32> to vector<16xf32>
      %get3A_1613 = arith.index_cast %scan3A_1568 : i32 to index
      %get3A_1614 = arith.constant 48 : index
      %get3A_1615 = tpu.vector_load %arg10[%get3A_1613, %get3A_1614] {strides = array<i32>} : memref<400x64xf32, #tpu.memory_space<vmem>>, vector<1x16xf32>,
      %get3A_1616 = vector.shape_cast %get3A_1615 : vector<1x16xf32> to vector<16xf32>
      %add3A_1617 = arith.addf %get3A_1612, %get3A_1616 : vector<16xf32>
      %swap3A_1618 = arith.index_cast %scan3A_1568 : i32 to index
      %swap3A_1619 = arith.constant 48 : index
      %swap3A_1620 = tpu.vector_load %arg8[%swap3A_1618, %swap3A_1619] {strides = array<i32>} : memref<400x128xf32, #tpu.memory_space<vmem>>, vector<1x16xf32>,
      %swap3A_1621 = vector.shape_cast %swap3A_1620 : vector<1x16xf32> to vector<16xf32>
      %swap3A_1622 = vector.shape_cast %add3A_1617 : vector<16xf32> to vector<1x16xf32>
      tpu.vector_store %arg8[%swap3A_1618, %swap3A_1619], %swap3A_1622 {strides = array<i32>} : memref<400x128xf32, #tpu.memory_space<vmem>>, vector<1x16xf32>,
    }
    %scan3A_1501 = arith.constant 400 : i32
    %add3A_1502 = arith.constant 5600 : i32
    %add3A_1503 = arith.addi %mul3A_2, %add3A_1502 : i32
    %dma_start3A_1504 = arith.constant 0 : i32
    %dma_start3A_1505 = tpu.memref_slice %arg5[%add3A_1503, %dma_start3A_1504] : memref<204800x128xf32, #tpu.memory_space<hbm>> -> memref<400x128xf32, #tpu.memory_space<hbm>>
    %dma_start3A_1506 = arith.constant 0 : i32
    %dma_start3A_1507 = tpu.memref_slice %arg5[%add3A_1503, %dma_start3A_1506] : memref<204800x128xf32, #tpu.memory_space<hbm>> -> memref<400x128xf32, #tpu.memory_space<hbm>>
    tpu.enqueue_dma source(%arg8 : memref<400x128xf32, #tpu.memory_space<vmem>>) target(%dma_start3A_1507 : memref<400x128xf32, #tpu.memory_space<hbm>>) target_semaphore(%arg13 : memref<!tpu.dma_semaphore, #tpu.memory_space<semaphore_mem>>)
    %dma_wait3A_1508 = arith.constant 0 : i32
    %dma_wait3A_1509 = arith.constant 0 : i32
    %dma_wait3A_1510 = tpu.memref_slice %arg9[%dma_wait3A_1508, %dma_wait3A_1509] : memref<400x128xf32, #tpu.memory_space<vmem>> -> memref<80x128xf32, #tpu.memory_space<vmem>>
    %dma_wait3A_1511 = arith.constant 0 : i32
    %dma_wait3A_1512 = tpu.memref_slice %arg7[%dma_wait3A_1511] : memref<400xi32, #tpu.memory_space<vmem>> -> memref<80xi32, #tpu.memory_space<vmem>>
    %dma_wait3A_1513 = arith.constant 0 : i32
    %dma_wait3A_1514 = arith.constant 0 : i32
    %dma_wait3A_1515 = tpu.memref_slice %arg3[%dma_wait3A_1513, %dma_wait3A_1514] : memref<1000000x128xf32, #tpu.memory_space<hbm>> -> memref<1000000x128xf32, #tpu.memory_space<hbm>>
    tpu.wait_indirect_dma semaphore(%arg12 : memref<!tpu.dma_semaphore, #tpu.memory_space<semaphore_mem>>) src(%dma_wait3A_1515 : memref<1000000x128xf32, #tpu.memory_space<hbm>>) dst(%dma_wait3A_1510 : memref<80x128xf32, #tpu.memory_space<vmem>>)
    %dma_wait3A_1516 = arith.constant 80 : i32
    %dma_wait3A_1517 = arith.constant 0 : i32
    %dma_wait3A_1518 = tpu.memref_slice %arg9[%dma_wait3A_1516, %dma_wait3A_1517] : memref<400x128xf32, #tpu.memory_space<vmem>> -> memref<80x128xf32, #tpu.memory_space<vmem>>
    %dma_wait3A_1519 = arith.constant 80 : i32
    %dma_wait3A_1520 = tpu.memref_slice %arg7[%dma_wait3A_1519] : memref<400xi32, #tpu.memory_space<vmem>> -> memref<80xi32, #tpu.memory_space<vmem>>
    %dma_wait3A_1521 = arith.constant 0 : i32
    %dma_wait3A_1522 = arith.constant 0 : i32
    %dma_wait3A_1523 = tpu.memref_slice %arg3[%dma_wait3A_1521, %dma_wait3A_1522] : memref<1000000x128xf32, #tpu.memory_space<hbm>> -> memref<1000000x128xf32, #tpu.memory_space<hbm>>
    tpu.wait_indirect_dma semaphore(%arg12 : memref<!tpu.dma_semaphore, #tpu.memory_space<semaphore_mem>>) src(%dma_wait3A_1523 : memref<1000000x128xf32, #tpu.memory_space<hbm>>) dst(%dma_wait3A_1518 : memref<80x128xf32, #tpu.memory_space<vmem>>)
    %dma_wait3A_1524 = arith.constant 160 : i32
    %dma_wait3A_1525 = arith.constant 0 : i32
    %dma_wait3A_1526 = tpu.memref_slice %arg9[%dma_wait3A_1524, %dma_wait3A_1525] : memref<400x128xf32, #tpu.memory_space<vmem>> -> memref<80x128xf32, #tpu.memory_space<vmem>>
    %dma_wait3A_1527 = arith.constant 160 : i32
    %dma_wait3A_1528 = tpu.memref_slice %arg7[%dma_wait3A_1527] : memref<400xi32, #tpu.memory_space<vmem>> -> memref<80xi32, #tpu.memory_space<vmem>>
    %dma_wait3A_1529 = arith.constant 0 : i32
    %dma_wait3A_1530 = arith.constant 0 : i32
    %dma_wait3A_1531 = tpu.memref_slice %arg3[%dma_wait3A_1529, %dma_wait3A_1530] : memref<1000000x128xf32, #tpu.memory_space<hbm>> -> memref<1000000x128xf32, #tpu.memory_space<hbm>>
    tpu.wait_indirect_dma semaphore(%arg12 : memref<!tpu.dma_semaphore, #tpu.memory_space<semaphore_mem>>) src(%dma_wait3A_1531 : memref<1000000x128xf32, #tpu.memory_space<hbm>>) dst(%dma_wait3A_1526 : memref<80x128xf32, #tpu.memory_space<vmem>>)
    %dma_wait3A_1532 = arith.constant 240 : i32
    %dma_wait3A_1533 = arith.constant 0 : i32
    %dma_wait3A_1534 = tpu.memref_slice %arg9[%dma_wait3A_1532, %dma_wait3A_1533] : memref<400x128xf32, #tpu.memory_space<vmem>> -> memref<80x128xf32, #tpu.memory_space<vmem>>
    %dma_wait3A_1535 = arith.constant 240 : i32
    %dma_wait3A_1536 = tpu.memref_slice %arg7[%dma_wait3A_1535] : memref<400xi32, #tpu.memory_space<vmem>> -> memref<80xi32, #tpu.memory_space<vmem>>
    %dma_wait3A_1537 = arith.constant 0 : i32
    %dma_wait3A_1538 = arith.constant 0 : i32
    %dma_wait3A_1539 = tpu.memref_slice %arg3[%dma_wait3A_1537, %dma_wait3A_1538] : memref<1000000x128xf32, #tpu.memory_space<hbm>> -> memref<1000000x128xf32, #tpu.memory_space<hbm>>
    tpu.wait_indirect_dma semaphore(%arg12 : memref<!tpu.dma_semaphore, #tpu.memory_space<semaphore_mem>>) src(%dma_wait3A_1539 : memref<1000000x128xf32, #tpu.memory_space<hbm>>) dst(%dma_wait3A_1534 : memref<80x128xf32, #tpu.memory_space<vmem>>)
    %dma_wait3A_1540 = arith.constant 320 : i32
    %dma_wait3A_1541 = arith.constant 0 : i32
    %dma_wait3A_1542 = tpu.memref_slice %arg9[%dma_wait3A_1540, %dma_wait3A_1541] : memref<400x128xf32, #tpu.memory_space<vmem>> -> memref<80x128xf32, #tpu.memory_space<vmem>>
    %dma_wait3A_1543 = arith.constant 320 : i32
    %dma_wait3A_1544 = tpu.memref_slice %arg7[%dma_wait3A_1543] : memref<400xi32, #tpu.memory_space<vmem>> -> memref<80xi32, #tpu.memory_space<vmem>>
    %dma_wait3A_1545 = arith.constant 0 : i32
    %dma_wait3A_1546 = arith.constant 0 : i32
    %dma_wait3A_1547 = tpu.memref_slice %arg3[%dma_wait3A_1545, %dma_wait3A_1546] : memref<1000000x128xf32, #tpu.memory_space<hbm>> -> memref<1000000x128xf32, #tpu.memory_space<hbm>>
    tpu.wait_indirect_dma semaphore(%arg12 : memref<!tpu.dma_semaphore, #tpu.memory_space<semaphore_mem>>) src(%dma_wait3A_1547 : memref<1000000x128xf32, #tpu.memory_space<hbm>>) dst(%dma_wait3A_1542 : memref<80x128xf32, #tpu.memory_space<vmem>>)
    %scan3A_1548 = arith.constant 0 : i32
    %scan3A_1549 = arith.constant 0 : i32
    %scan3A_1550 = arith.constant 400 : i32
    %scan3A_1551 = arith.addi %scan3A_1549, %scan3A_1550 : i32
    %scan3A_1552 = arith.constant 1 : i32
    scf.for %scan3A_1568 = %scan3A_1549 to %scan3A_1551 step %scan3A_1552  : i32 {
      %get3A = arith.index_cast %scan3A_1568 : i32 to index
      %get3A_1569 = arith.constant 0 : index
      %get3A_1570 = tpu.vector_load %arg9[%get3A, %get3A_1569] {strides = array<i32>} : memref<400x128xf32, #tpu.memory_space<vmem>>, vector<1x16xf32>,
      %get3A_1571 = vector.shape_cast %get3A_1570 : vector<1x16xf32> to vector<16xf32>
      %get3A_1572 = arith.index_cast %scan3A_1568 : i32 to index
      %get3A_1573 = arith.constant 0 : index
      %get3A_1574 = tpu.vector_load %arg10[%get3A_1572, %get3A_1573] {strides = array<i32>} : memref<400x64xf32, #tpu.memory_space<vmem>>, vector<1x16xf32>,
      %get3A_1575 = vector.shape_cast %get3A_1574 : vector<1x16xf32> to vector<16xf32>
      %add3A_1576 = arith.addf %get3A_1571, %get3A_1575 : vector<16xf32>
      %swap3A = arith.index_cast %scan3A_1568 : i32 to index
      %swap3A_1577 = arith.constant 0 : index
      %swap3A_1578 = tpu.vector_load %arg9[%swap3A, %swap3A_1577] {strides = array<i32>} : memref<400x128xf32, #tpu.memory_space<vmem>>, vector<1x16xf32>,
      %swap3A_1579 = vector.shape_cast %swap3A_1578 : vector<1x16xf32> to vector<16xf32>
      %swap3A_1580 = vector.shape_cast %add3A_1576 : vector<16xf32> to vector<1x16xf32>
      tpu.vector_store %arg9[%swap3A, %swap3A_1577], %swap3A_1580 {strides = array<i32>} : memref<400x128xf32, #tpu.memory_space<vmem>>, vector<1x16xf32>,
      %get3A_1581 = arith.index_cast %scan3A_1568 : i32 to index
      %get3A_1582 = arith.constant 16 : index
      %get3A_1583 = tpu.vector_load %arg9[%get3A_1581, %get3A_1582] {strides = array<i32>} : memref<400x128xf32, #tpu.memory_space<vmem>>, vector<1x16xf32>,
      %get3A_1584 = vector.shape_cast %get3A_1583 : vector<1x16xf32> to vector<16xf32>
      %get3A_1585 = arith.index_cast %scan3A_1568 : i32 to index
      %get3A_1586 = arith.constant 16 : index
      %get3A_1587 = tpu.vector_load %arg10[%get3A_1585, %get3A_1586] {strides = array<i32>} : memref<400x64xf32, #tpu.memory_space<vmem>>, vector<1x16xf32>,
      %get3A_1588 = vector.shape_cast %get3A_1587 : vector<1x16xf32> to vector<16xf32>
      %add3A_1589 = arith.addf %get3A_1584, %get3A_1588 : vector<16xf32>
      %swap3A_1590 = arith.index_cast %scan3A_1568 : i32 to index
      %swap3A_1591 = arith.constant 16 : index
      %swap3A_1592 = tpu.vector_load %arg9[%swap3A_1590, %swap3A_1591] {strides = array<i32>} : memref<400x128xf32, #tpu.memory_space<vmem>>, vector<1x16xf32>,
      %swap3A_1593 = vector.shape_cast %swap3A_1592 : vector<1x16xf32> to vector<16xf32>
      %swap3A_1594 = vector.shape_cast %add3A_1589 : vector<16xf32> to vector<1x16xf32>
      tpu.vector_store %arg9[%swap3A_1590, %swap3A_1591], %swap3A_1594 {strides = array<i32>} : memref<400x128xf32, #tpu.memory_space<vmem>>, vector<1x16xf32>,
      %get3A_1595 = arith.index_cast %scan3A_1568 : i32 to index
      %get3A_1596 = arith.constant 32 : index
      %get3A_1597 = tpu.vector_load %arg9[%get3A_1595, %get3A_1596] {strides = array<i32>} : memref<400x128xf32, #tpu.memory_space<vmem>>, vector<1x16xf32>,
      %get3A_1598 = vector.shape_cast %get3A_1597 : vector<1x16xf32> to vector<16xf32>
      %get3A_1599 = arith.index_cast %scan3A_1568 : i32 to index
      %get3A_1600 = arith.constant 32 : index
      %get3A_1601 = tpu.vector_load %arg10[%get3A_1599, %get3A_1600] {strides = array<i32>} : memref<400x64xf32, #tpu.memory_space<vmem>>, vector<1x16xf32>,
      %get3A_1602 = vector.shape_cast %get3A_1601 : vector<1x16xf32> to vector<16xf32>
      %add3A_1603 = arith.addf %get3A_1598, %get3A_1602 : vector<16xf32>
      %swap3A_1604 = arith.index_cast %scan3A_1568 : i32 to index
      %swap3A_1605 = arith.constant 32 : index
      %swap3A_1606 = tpu.vector_load %arg9[%swap3A_1604, %swap3A_1605] {strides = array<i32>} : memref<400x128xf32, #tpu.memory_space<vmem>>, vector<1x16xf32>,
      %swap3A_1607 = vector.shape_cast %swap3A_1606 : vector<1x16xf32> to vector<16xf32>
      %swap3A_1608 = vector.shape_cast %add3A_1603 : vector<16xf32> to vector<1x16xf32>
      tpu.vector_store %arg9[%swap3A_1604, %swap3A_1605], %swap3A_1608 {strides = array<i32>} : memref<400x128xf32, #tpu.memory_space<vmem>>, vector<1x16xf32>,
      %get3A_1609 = arith.index_cast %scan3A_1568 : i32 to index
      %get3A_1610 = arith.constant 48 : index
      %get3A_1611 = tpu.vector_load %arg9[%get3A_1609, %get3A_1610] {strides = array<i32>} : memref<400x128xf32, #tpu.memory_space<vmem>>, vector<1x16xf32>,
      %get3A_1612 = vector.shape_cast %get3A_1611 : vector<1x16xf32> to vector<16xf32>
      %get3A_1613 = arith.index_cast %scan3A_1568 : i32 to index
      %get3A_1614 = arith.constant 48 : index
      %get3A_1615 = tpu.vector_load %arg10[%get3A_1613, %get3A_1614] {strides = array<i32>} : memref<400x64xf32, #tpu.memory_space<vmem>>, vector<1x16xf32>,
      %get3A_1616 = vector.shape_cast %get3A_1615 : vector<1x16xf32> to vector<16xf32>
      %add3A_1617 = arith.addf %get3A_1612, %get3A_1616 : vector<16xf32>
      %swap3A_1618 = arith.index_cast %scan3A_1568 : i32 to index
      %swap3A_1619 = arith.constant 48 : index
      %swap3A_1620 = tpu.vector_load %arg9[%swap3A_1618, %swap3A_1619] {strides = array<i32>} : memref<400x128xf32, #tpu.memory_space<vmem>>, vector<1x16xf32>,
      %swap3A_1621 = vector.shape_cast %swap3A_1620 : vector<1x16xf32> to vector<16xf32>
      %swap3A_1622 = vector.shape_cast %add3A_1617 : vector<16xf32> to vector<1x16xf32>
      tpu.vector_store %arg9[%swap3A_1618, %swap3A_1619], %swap3A_1622 {strides = array<i32>} : memref<400x128xf32, #tpu.memory_space<vmem>>, vector<1x16xf32>,
    }
    %scan3A_1553 = arith.constant 400 : i32
    %add3A_1554 = arith.constant 6000 : i32
    %add3A_1555 = arith.addi %mul3A_2, %add3A_1554 : i32
    %dma_start3A_1556 = arith.constant 0 : i32
    %dma_start3A_1557 = tpu.memref_slice %arg5[%add3A_1555, %dma_start3A_1556] : memref<204800x128xf32, #tpu.memory_space<hbm>> -> memref<400x128xf32, #tpu.memory_space<hbm>>
    %dma_start3A_1558 = arith.constant 0 : i32
    %dma_start3A_1559 = tpu.memref_slice %arg5[%add3A_1555, %dma_start3A_1558] : memref<204800x128xf32, #tpu.memory_space<hbm>> -> memref<400x128xf32, #tpu.memory_space<hbm>>
    tpu.enqueue_dma source(%arg9 : memref<400x128xf32, #tpu.memory_space<vmem>>) target(%dma_start3A_1559 : memref<400x128xf32, #tpu.memory_space<hbm>>) target_semaphore(%arg14 : memref<!tpu.dma_semaphore, #tpu.memory_space<semaphore_mem>>)
    %dma_wait3A_1560 = arith.constant 0 : i32
    %dma_wait3A_1561 = tpu.memref_slice %arg5[%add3A_1503, %dma_wait3A_1560] : memref<204800x128xf32, #tpu.memory_space<hbm>> -> memref<400x128xf32, #tpu.memory_space<hbm>>
    %dma_wait3A_1562 = arith.constant 0 : i32
    %dma_wait3A_1563 = tpu.memref_slice %arg5[%add3A_1503, %dma_wait3A_1562] : memref<204800x128xf32, #tpu.memory_space<hbm>> -> memref<400x128xf32, #tpu.memory_space<hbm>>
    tpu.wait_dma2 semaphore(%arg13 : memref<!tpu.dma_semaphore, #tpu.memory_space<semaphore_mem>>) src(%arg8 : memref<400x128xf32, #tpu.memory_space<vmem>>) dst(%dma_wait3A_1563 : memref<400x128xf32, #tpu.memory_space<hbm>>)
    %dma_wait3A_1564 = arith.constant 0 : i32
    %dma_wait3A_1565 = tpu.memref_slice %arg5[%add3A_1555, %dma_wait3A_1564] : memref<204800x128xf32, #tpu.memory_space<hbm>> -> memref<400x128xf32, #tpu.memory_space<hbm>>
    %dma_wait3A_1566 = arith.constant 0 : i32
    %dma_wait3A_1567 = tpu.memref_slice %arg5[%add3A_1555, %dma_wait3A_1566] : memref<204800x128xf32, #tpu.memory_space<hbm>> -> memref<400x128xf32, #tpu.memory_space<hbm>>
    tpu.wait_dma2 semaphore(%arg14 : memref<!tpu.dma_semaphore, #tpu.memory_space<semaphore_mem>>) src(%arg9 : memref<400x128xf32, #tpu.memory_space<vmem>>) dst(%dma_wait3A_1567 : memref<400x128xf32, #tpu.memory_space<hbm>>)
    return
  }
}

module attributes {stable_mosaic.version = 14 : i64} {
  func.func @_detile_body(%arg0: i32, %arg1: memref<64x16384xf32, #tpu.memory_space<vmem>>, %arg2: memref<16384x128xf32, #tpu.memory_space<vmem>>) attributes {dimension_semantics = [#tpu.dimension_semantics<parallel>], iteration_bounds = array<i64: 62>, scalar_prefetch = 0 : i64, scratch_operands = 0 : i64, tpu.core_type = #tpu.core_type<tc>, window_params = [{transform_indices = @transform_0, window_bounds = array<i64: 64, 16384>}, {transform_indices = @transform_1, window_bounds = array<i64: 16384, 128>}]} {
    %get3A = arith.constant 0 : index
    %get3A_0 = arith.constant 0 : index
    %get3A_1 = vector.load %arg1[%get3A, %get3A_0] : memref<64x16384xf32, #tpu.memory_space<vmem>>, vector<64x16384xf32>
    %transpose3A = tpu.transpose %get3A_1, [1, 0] : vector<64x16384xf32> -> vector<16384x64xf32>
    %broadcast_in_dim3A = arith.constant 0.000000e+00 : f32
    %broadcast_in_dim3A_2 = vector.broadcast %broadcast_in_dim3A : f32 to vector<16384x64xf32>
    %concatenate3A = tpu.concatenate %transpose3A, %broadcast_in_dim3A_2 in 1 : vector<16384x64xf32>, vector<16384x64xf32> -> vector<16384x128xf32>
    %swap3A = arith.constant 0 : index
    %swap3A_3 = arith.constant 0 : index
    %swap3A_4 = vector.load %arg2[%swap3A, %swap3A_3] : memref<16384x128xf32, #tpu.memory_space<vmem>>, vector<16384x128xf32>
    tpu.vector_store %arg2[%swap3A, %swap3A_3], %concatenate3A {strides = array<i32>} : memref<16384x128xf32, #tpu.memory_space<vmem>>, vector<16384x128xf32>,
    return
  }
  func.func @transform_0(%arg0: i32) -> (i32, i32) {
    %c0_i32 = arith.constant 0 : i32
    %c0_i32_0 = arith.constant 0 : i32
    return %c0_i32, %arg0 : i32, i32
  }
  func.func @transform_1(%arg0: i32) -> (i32, i32) {
    %c0_i32 = arith.constant 0 : i32
    %c0_i32_0 = arith.constant 0 : i32
    return %arg0, %c0_i32 : i32, i32
  }
}

</mosaic_0001>

<sc_bundles>
// kernel: kernel.4.cloned.1.call-start
scs
__scs_entry_jumppad:
0x0: {  	(pc) =	sbr.rel $0x88, $3  }
0x1: {  	(tag) =	ssettag $0x0;
	lr =	simm.s32 $0x1  }
0x2: {  	[smem:$0x3F9E] =	sst lr;
	_ =	strace $0xD0000000  }
0x3: {  	_ = 	snop  }
0x4: {  	_ = 	snop  }
0x5: {  	_ = 	snop  }
0x6: {  	_ = 	snop  }
0x7: {  	_ = 	snop  }
__scs_overlays_trampoline_lowered:
0x8: {  	[smem:$0x3FAD] =	sst s0  }
0x9: {  	[smem:$0x3FAE] =	sst s1  }
0xa: {  	[smem:$0x3FAF] =	sst s2  }
0xb: {  	[smem:$0x3FB0] =	sst s3  }
0xc: {  	[smem:$0x3FB1] =	sst s4  }
0xd: {  	[smem:$0x3FB2] =	sst s5  }
0xe: {  	[smem:$0x3FB3] =	sst s6  }
0xf: {  	[smem:$0x3FB4] =	sst s7  }
0x10: {  	[smem:$0x3FB5] =	sst s8  }
0x11: {  	[smem:$0x3FB6] =	sst s9;
	s0 =	simm.s32 @!p0 $0x0  }
0x12: {  	s1 =	sld [smem:$0x3F9C];
	s0 =	simm.s32 @p0 $0x1  }
0x13: {  	[smem:$0x3FB7] =	sst s0;
	s0 =	simm.s32 @!p1 $0x0  }
0x14: {  	s2 =	sld [smem:$0x3F9B];
	s0 =	simm.s32 @p1 $0x1  }
0x15: {  	[smem:$0x3FB8] =	sst s0;
	s0 =	simm.s32 @!p2 $0x0  }
0x16: {  	s3 =	sld [smem:$0x3FDB];
	s0 =	simm.s32 @p2 $0x1  }
0x17: {  	s4 =	simm.s32 $0x1BF5;
	[smem:$0x3FBA] =	sst s0  }
0x18: {  	s0 =	sld [smem:$0x3F9D];
	_ =	swait.ge [sflag:s4], $0x0  }
0x19: {  	s7 =	sld [smem:$0x3F9E]  }
0x1a: {  	s8 =	sadd.s32 $0xFFFFE003, lr  }
0x1b: {  	s9 =	sadd.s32 $0xFFFFFEF7, lr;
	s5 =	simm.s32 $0xFFFFFFFF;
	p2 =	slt.u32 s8, $0xFFFFF086  }
0x1c: {  	p1 =	slt.u32 s9, $0xF7A;
	s5 =	simm.s32 @!p2 $0x0  }
0x1d: {  	s5 =	simm.s32 @p1 $0x1;
	p0 =	seq.s32 s7, s2  }
0x1e: {  	s7 =	smul.u32 @!p0 $0xF7A, s2;
	p2 =	seq.s32 @!p0 s5, $0x0  }
0x1f: {  	s9 =	smul.u32 $0xF7A, s1;
	s8 =	simm.s32 @!p0 $0x1BF5;
	p2 =	por !p2, p0  }
0x20: {  	[sflag:s8] =	ssyncset.s32 @!p0 $0xFFFFF086;
	s6 =	sadd.s32 @!p0 s3, s7;
	s7 =	simm.s32 @!p0 $0x108  }
0x21: {  	s3 =	sadd.s32 s3, s9;
	s6 =	sadd.s32 @!p0 $0x88, s6;
	s7 =	simm.s32 @p2 $0x1082  }
0x22: {  	[simem:s7], [sflag:s8] =	dma.local @!p0 [hbm:s6], $0xF7A  }
0x23: {  	s9 =	sor.u32 $0xD0000000, s2;
	s6 =	simm.s32 $0x108;
	_ =	swait.ge @!p0 [sflag:s8], $0x0  }
0x24: {  	s3 =	sadd.s32 $0x88, s3;
	s6 =	simm.s32 @!p1 $0x1082;
	[sflag:s4] =	ssyncset.s32 $0xFFFFF086  }
0x25: {  	[simem:s6], [sflag:s4] =	dma.local [hbm:s3], $0xF7A  }
0x26: {  	[smem:$0x3F9E] =	sst s1;
	(tag) =	ssettag s2;
	_ =	strace s9  }
0x27: {  	s1 =	sld [smem:$0x3FAE]  }
0x28: {  	s2 =	sld [smem:$0x3FAF]  }
0x29: {  	s4 =	sld [smem:$0x3FB1]  }
0x2a: {  	p0 =	seq.s32 s5, $0x0;
	s5 =	sld [smem:$0x3FB2]  }
0x2b: {  	s6 =	sld [smem:$0x3FB3]  }
0x2c: {  	s7 =	sld [smem:$0x3FB4]  }
0x2d: {  	s3 =	simm.s32 $0x108;
	s8 =	sld [smem:$0x3FB5]  }
0x2e: {  	s3 =	simm.s32 @!p0 $0x1082;
	s9 =	sld [smem:$0x3FB6]  }
0x2f: {  	lr =	sadd.s32 s0, s3;
	s0 =	sld [smem:$0x3FAD]  }
0x30: {  	s3 =	sld [smem:$0x3FB0]  }
0x31: {  	[smem:$0x3FB9] =	sst s10  }
0x32: {  	s10 =	sld [smem:$0x3FB7];
	_ =	sdelay $0x3  }
0x33: {  	p0 =	seq.s32 s10, $0x1;
	s10 =	sld [smem:$0x3FB9];
	_ =	sdelay $0x3  }
0x34: {  	[smem:$0x3FB9] =	sst s10  }
0x35: {  	s10 =	sld [smem:$0x3FB8];
	_ =	sdelay $0x3  }
0x36: {  	p1 =	seq.s32 s10, $0x1;
	s10 =	sld [smem:$0x3FB9];
	_ =	sdelay $0x3  }
0x37: {  	[smem:$0x3FB9] =	sst s10  }
0x38: {  	s10 =	sld [smem:$0x3FBA]  }
0x39: {  	_ = 	snop;
	(pc) =	sbr.ind lr, $3  }
0x3a: {  	_ = 	snop  }
0x3b: {  	_ = 	snop  }
0x3c: {  	p2 =	seq.s32 s10, $0x1;
	s10 =	sld [smem:$0x3FB9]  }
0x3d: {  	_ =	shalt  }
0x3e: {  	_ =	shalt  }
0x3f: {  	_ =	shalt  }
0x40: {  	_ =	shalt  }
0x41: {  	_ =	shalt  }
0x42: {  	_ =	shalt  }
0x43: {  	_ =	shalt  }
0x44: {  	_ =	shalt  }
0x45: {  	_ =	shalt  }
0x46: {  	_ =	shalt  }
0x47: {  	_ =	shalt  }
0x48: {  	_ =	shalt  }
0x49: {  	_ =	shalt  }
0x4a: {  	_ =	shalt  }
0x4b: {  	_ =	shalt  }
0x4c: {  	_ =	shalt  }
0x4d: {  	_ =	shalt  }
0x4e: {  	_ =	shalt  }
0x4f: {  	_ =	shalt  }
0x50: {  	_ =	shalt  }
0x51: {  	_ =	shalt  }
0x52: {  	_ =	shalt  }
0x53: {  	_ =	shalt  }
0x54: {  	_ =	shalt  }
0x55: {  	_ =	shalt  }
0x56: {  	_ =	shalt  }
0x57: {  	_ =	shalt  }
0x58: {  	_ =	shalt  }
0x59: {  	_ =	shalt  }
0x5a: {  	_ =	shalt  }
0x5b: {  	_ =	shalt  }
0x5c: {  	_ =	shalt  }
0x5d: {  	_ =	shalt  }
0x5e: {  	_ =	shalt  }
0x5f: {  	_ =	shalt  }
0x60: {  	_ =	shalt  }
0x61: {  	_ =	shalt  }
0x62: {  	_ =	shalt  }
0x63: {  	_ =	shalt  }
0x64: {  	_ =	shalt  }
0x65: {  	_ =	shalt  }
0x66: {  	_ =	shalt  }
0x67: {  	_ =	shalt  }
0x68: {  	_ =	shalt  }
0x69: {  	_ =	shalt  }
0x6a: {  	_ =	shalt  }
0x6b: {  	_ =	shalt  }
0x6c: {  	_ =	shalt  }
0x6d: {  	_ =	shalt  }
0x6e: {  	_ =	shalt  }
0x6f: {  	_ =	shalt  }
0x70: {  	_ =	shalt  }
0x71: {  	_ =	shalt  }
0x72: {  	_ =	shalt  }
0x73: {  	_ =	shalt  }
0x74: {  	_ =	shalt  }
0x75: {  	_ =	shalt  }
0x76: {  	_ =	shalt  }
0x77: {  	_ =	shalt  }
0x78: {  	_ =	shalt  }
0x79: {  	_ =	shalt  }
0x7a: {  	_ =	shalt  }
0x7b: {  	_ =	shalt  }
0x7c: {  	_ =	shalt  }
0x7d: {  	_ =	shalt  }
0x7e: {  	_ =	shalt  }
0x7f: {  	_ =	shalt  }
0x80: {  	_ =	shalt  }
0x81: {  	_ =	shalt  }
0x82: {  	_ =	shalt  }
0x83: {  	_ =	shalt  }
0x84: {  	_ =	shalt  }
0x85: {  	_ =	shalt  }
0x86: {  	_ =	shalt  }
0x87: {  	_ =	shalt  }
.Lfunc_end0:
.L_simem_size_0:
called_computation.1_lowered:
.L_overlay_start_0:
0x88: {  	s2 =	sld [smem:$0x3FD9]  }
0x89: {  	s3 =	sld [smem:$0x3FFE];
	_ =	sdelay $0x1  }
0x8a: {  	s1 =	srdreg.scid  }
0x8b: {  	s0 =	sand.u32 $0x1, s1  }
0x8c: {  	s17 =	sshll.u32 s0, $0xA;
	s2 =	sadd.s32 s3, s2  }
0x8d: {  	s2 =	sadd.s32 s2, s17  }
0x8e: {  	[smem:$0x3FC5] =	sst s2  }
0x8f: {  	_ = 	snop  }
0x90: {  	s2 =	sld [smem:$0x3FD0];
	(tm) =	ssettm $0x1  }
0x91: {  	s18 =	sld [smem:$0x3FFB];
	_ =	sdelay $0x3  }
0x92: {  	_ =	strace s18  }
0x93: {  	s3 =	sld [smem:$0x3FFC];
	_ =	sdelay $0x3  }
0x94: {  	_ =	strace s3  }
0x95: {  	s3 =	sld [smem:$0x3FFD];
	_ =	sdelay $0x3  }
0x96: {  	_ =	strace s3  }
0x97: {  	_ =	strace $0x8FFFFFFF  }
0x98: {  	s19 =	sld [smem:$0x3FDB];
	_ =	sdelay $0x1  }
0x99: {  	s4 =	simm.s32 $_scs_section_size  }
0x9a: {  	s5 =	simm.s32 $_size__tile_overlayer_lowered;
	s6 =	simm.s32 $_tile_overlayer_lowered  }
0x9b: {  	s22 =	simm.s32 $0x1BFF;
	s21 =	sshll.u32 s6, $0x1;
	s3 =	sadd.s32 s4, s19  }
0x9c: {  	s7 =	simm.s32 $0x0;
	s20 =	sshll.u32 s5, $0x1;
	s5 =	sadd.s32 s21, s3  }
0x9d: {  	[timem:s7], [sflag:s22] =	dma.local [hbm:s5], s20  }
0x9e: {  	_ =	swait.ge [sflag:s22], s20  }
0x9f: {  	s4 =	ssub.s32 $0x0, s20;
	[sflag:s22] =	ssyncset.done $0x0  }
0xa0: {  	[sflag:s22] =	ssyncadd.s32 s4;
	_ =	sdelay $0x1  }
0xa1: {  	s23 =	simm.s32 $0x1B8B  }
0xa2: {  	_ =	swait.ge [sflag:s23], $0x1  }
0xa3: {  	[sflag:s23] =	ssyncset.done $0x0  }
0xa4: {  	s25 =	simm.s32 $0x1B8E;
	s24 =	sld [smem:$0x3FFE];
	[sflag:s23] =	ssyncadd.s32 $0xFFFFFFFF  }
0xa5: {  	s26 =	simm.s32 $execute0_lowered;
	[smem:$0x3FD2] =	sst s25  }
0xa6: {  	s5 =	sshll.u32 s26, $0x1;
	_ =	strace $0x80000046;
	[dreg:$0x1] =	wrdreg $0xFFFFFFFF  }
0xa7: {  	s28 =	simm.s32 $_size_execute0_lowered;
	s3 =	sadd.s32 s3, s5;
	[dreg:$0x0] =	wrdreg $0x0  }
0xa8: {  	s5 =	sshll.u32 s28, $0x1;
	[dreg:$0x2] =	wrdreg s3  }
0xa9: {  	[dreg:$0x3] =	wrdreg s5  }
0xaa: {  	[dreg:$0x4] =	wrdreg $0xC0  }
0xab: {  	_ =	task [dreg:s7], $0x5FFFF  }
0xac: {  	[dreg:$0x1] =	wrdreg $0xFFFFFFFF  }
0xad: {  	[dreg:$0x0] =	wrdreg $0x60  }
0xae: {  	[dreg:$0x2] =	wrdreg s2  }
0xaf: {  	[dreg:$0x3] =	wrdreg s24  }
0xb0: {  	[dreg:$0x4] =	wrdreg $0x9  }
0xb1: {  	_ =	task.clear_ibuf [dreg:s7], $0x5FFFF;
	_ =	strace $0x90000046  }
0xb2: {  	s29 =	simm.s32 $0x9;
	_ =	strace $0x80000048  }
0xb3: {  	_ =	swait.ge [sflag:s29], $0x1  }
0xb4: {  	[sflag:s29] =	ssyncadd.s32 $0xFFFFFFFF  }
0xb5: {  	_ =	strace $0x90000048  }
0xb6: {  	_ =	sfence  }
0xb7: {  	s30 =	sld [smem:$0x0];
	_ =	sdelay $0x2  }
0xb8: {  	s31 =	sshll.u32 s1, $0xD;
	s1 =	sshrl.u32 s1, $0x2  }
0xb9: {  	s3 =	sand.u32 $0x4000, s31;
	s1 =	sadd.s32 s1, s30  }
0xba: {  	s0 =	sor.u32 s3, s0;
	s1 =	sshll.u32 s1, $0x11  }
0xbb: {  	s0 =	sor.u32 s1, s0  }
0xbc: {  	s0 =	sadd.s32 $0x8F2B, s0  }
0xbd: {  	[sflag:s0] =	ssyncadd.remote.s32 $0x1  }
0xbe: {  	_ =	sfence.sel $0xFFFF  }
0xbf: {  	[dreg:$0x0] =	wrdreg $0xFFFFFFFF;
	(pc) =	sbr.abs _section_cstart, $3  }
0xc0: {  	[dreg:$0x1] =	wrdreg $0xFFFFFFFF  }
0xc1: {  	_ =	task.clear_ibuf [dreg:s7], $0x2FFFF;
	_ =	strace $0x9FFFFFFF  }
0xc2: {  	(tm) =	ssettm $0x7FFFFFFF  }
0xc3: {  	_ =	shalt  }
tec
execute0_lowered:
.L_overlay_start_1:
0x0: {  	(tag) =	ssettag $0x1  }
0x1: {  	s0 =	srdreg.scid  }
0x2: {  	s1 =	stileid.u32;
	s3 =	rddreg [dreg:$0x0]  }
0x3: {  	s28 =	simm.s32 $0x1;
	s0 =	sand.u32 $0x1, s0;
	s1 =	sshll.u32 s1, $0x1  }
0x4: {  	s29 =	simm.s32 $0x3;
	s1 =	sor.u32 s0, s1;
	s0 =	ssub.s32 $0x2, s0  }
0x5: {  	s30 =	simm.s32 $0x2;
	s2 =	smul.u32 $0x1900, s1;
	s4 =	sshrl.u32 s0, $0x1  }
0x6: {  	s31 =	simm.s32 $0x4;
	s1 =	smul.u32 $0x19000, s1;
	s0 =	ssub.s32 s0, s4  }
0x7: {  	s5 =	sadd.s32 $0x190, s2;
	s24 =	sshrl.u32 s2, $0x3;
	s26 =	sadd.s32 $0x320, s2  }
0x8: {  	s7 =	sadd.s32 $0x4B0, s2;
	s8 =	sadd.s32 $0x640, s2;
	s9 =	sadd.s32 $0x7D0, s2  }
0x9: {  	s10 =	sadd.s32 $0x960, s2;
	s0 =	smax.u32 s0, $0x1;
	s6 =	sshrl.u32 s5, $0x3  }
0xa: {  	s4 =	sadd.s32 s3, s24;
	s11 =	sshrl.u32 s26, $0x3;
	s12 =	sshrl.u32 s7, $0x3  }
0xb: {  	s13 =	sshrl.u32 s8, $0x3;
	s14 =	sshrl.u32 s9, $0x3;
	s15 =	sshrl.u32 s10, $0x3  }
0xc: {  	s24 =	sshll.u32 s5, $0x4;
	[dreg:$0x3] =	wrdreg s4;
	s25 =	sadd.s32 s3, s6  }
0xd: {  	s5 =	sshll.u32 s8, $0x4;
	s6 =	sadd.s32 s3, s11;
	[dreg:$0x4] =	wrdreg s25  }
0xe: {  	s8 =	sshll.u32 s10, $0x4;
	s11 =	sadd.s32 $0xAF0, s2;
	[dreg:$0x5] =	wrdreg s6  }
0xf: {  	s6 =	sadd.s32 s3, s12;
	s16 =	sshrl.u32 s11, $0x3;
	s12 =	sadd.s32 $0xC80, s2  }
0x10: {  	s25 =	sshll.u32 s26, $0x4;
	s26 =	sshll.u32 s7, $0x4;
	s7 =	sshll.u32 s9, $0x4  }
0x11: {  	s10 =	sshll.u32 s11, $0x4;
	[dreg:$0x6] =	wrdreg s6;
	s6 =	sadd.s32 s3, s13  }
0x12: {  	s17 =	sshrl.u32 s12, $0x3;
	s13 =	sadd.s32 $0xE10, s2;
	s11 =	sshll.u32 s12, $0x4  }
0x13: {  	[dreg:$0x7] =	wrdreg s6;
	s6 =	sadd.s32 s3, s14;
	s18 =	sshrl.u32 s13, $0x3  }
0x14: {  	s14 =	sadd.s32 $0xFA0, s2;
	s12 =	sshll.u32 s13, $0x4;
	[dreg:$0x8] =	wrdreg s6  }
0x15: {  	s6 =	sadd.s32 s3, s15;
	s19 =	sshrl.u32 s14, $0x3;
	s15 =	sadd.s32 $0x1130, s2  }
0x16: {  	s14 =	sshll.u32 s14, $0x4;
	[dreg:$0x9] =	wrdreg s6;
	s6 =	sadd.s32 s3, s16  }
0x17: {  	s20 =	sshrl.u32 s15, $0x3;
	[dreg:$0xa] =	wrdreg s6;
	s6 =	sadd.s32 s3, s17  }
0x18: {  	s16 =	sadd.s32 $0x12C0, s2;
	[dreg:$0xb] =	wrdreg s6;
	s6 =	sadd.s32 s3, s18  }
0x19: {  	s21 =	sshrl.u32 s16, $0x3;
	s18 =	sadd.s32 $0x1450, s2;
	[dreg:$0xc] =	wrdreg s6  }
0x1a: {  	s6 =	sadd.s32 s3, s19;
	s22 =	sshrl.u32 s18, $0x3;
	s19 =	sadd.s32 $0x15E0, s2  }
0x1b: {  	s2 =	sadd.s32 $0x1770, s2;
	[dreg:$0xd] =	wrdreg s6;
	s6 =	sadd.s32 s3, s20  }
0x1c: {  	s23 =	sshrl.u32 s19, $0x3;
	s17 =	sshrl.u32 s2, $0x3;
	s20 =	sshll.u32 s15, $0x4  }
0x1d: {  	s2 =	sshll.u32 s2, $0x4;
	[dreg:$0xe] =	wrdreg s6;
	s6 =	sadd.s32 s3, s21  }
0x1e: {  	s15 =	simm.s32 $0xA320;
	[dreg:$0xf] =	wrdreg s6;
	s6 =	sadd.s32 s3, s22  }
0x1f: {  	s21 =	sshll.u32 s16, $0x4;
	[dreg:$0x10] =	wrdreg s6;
	s6 =	sadd.s32 s3, s23  }
0x20: {  	s16 =	simm.s32 $0x190;
	s3 =	sadd.s32 s3, s17;
	[dreg:$0x11] =	wrdreg s6  }
0x21: {  	s17 =	simm.s32 $0x0;
	s23 =	sshll.u32 s18, $0x4;
	s6 =	rddreg [dreg:$0x1]  }
0x22: {  	s18 =	simm.s32 $0xCB20;
	[dreg:$0x12] =	wrdreg s3;
	s3 =	sadd.s32 $0xF43A00, s6  }
0x23: {  	[smem:$0x7FF] =	sst s17;
	s1 =	sadd.s32 s3, s1;
	s4 =	sadd.s32 s3, s26  }
0x24: {  	s9 =	sadd.s32 s3, s8;
	s13 =	sadd.s32 s3, s12;
	[dreg:$0x13] =	wrdreg s1  }
0x25: {  	s22 =	sadd.s32 s3, s21;
	s26 =	sadd.s32 $0x800, s6;
	[dreg:$0x16] =	wrdreg s4  }
0x26: {  	s8 =	simm.s32 $0x320;
	s12 =	simm.s32 $0xF0;
	[dreg:$0x19] =	wrdreg s9  }
0x27: {  	s21 =	simm.s32 $0x230;
	s1 =	sadd.s32 s3, s24;
	[dreg:$0x1c] =	wrdreg s13  }
0x28: {  	[dreg:$0x1f] =	wrdreg s22;
	s24 =	sshll.u32 s19, $0x4;
	s9 =	simm.s32 $0x2B20  }
0x29: {  	s13 =	simm.s32 $0x7B20;
	[dreg:$0x14] =	wrdreg s1;
	s1 =	sadd.s32 s3, s25  }
0x2a: {  	s19 =	simm.s32 $0x1E0;
	s25 =	sadd.s32 s3, s2;
	[dreg:$0x15] =	wrdreg s1  }
0x2b: {  	s22 =	simm.s32 $0x11B20;
	s1 =	sadd.s32 s3, s5;
	[smem:$0x7FB] =	sst s25  }
0x2c: {  	s25 =	simm.s32 $0x2D0;
	[dreg:$0x17] =	wrdreg s1;
	s1 =	sadd.s32 s3, s7  }
0x2d: {  	s7 =	simm.s32 $0x50;
	[dreg:$0x18] =	wrdreg s1;
	s1 =	sadd.s32 s3, s10  }
0x2e: {  	s10 =	simm.s32 $0xA0;
	[dreg:$0x1a] =	wrdreg s1;
	s1 =	sadd.s32 s3, s11  }
0x2f: {  	s11 =	simm.s32 $0x5320;
	[dreg:$0x1b] =	wrdreg s1;
	s1 =	sadd.s32 s3, s14  }
0x30: {  	s14 =	simm.s32 $0x140;
	[dreg:$0x1d] =	wrdreg s1;
	s1 =	sadd.s32 s3, s20  }
0x31: {  	s20 =	simm.s32 $0xF320;
	[dreg:$0x1e] =	wrdreg s1;
	s1 =	sadd.s32 s3, s23  }
0x32: {  	s23 =	simm.s32 $0x280;
	[smem:$0x7F9] =	sst s1;
	s1 =	sadd.s32 s3, s24  }
0x33: {  	s3 =	sadd.s32 $0x1600, s6;
	s6 =	simm.s32 $0x5;
	[smem:$0x7FA] =	sst s1  }
0x34: {  	s24 =	simm.s32 $0x14320;
	_ =	strace $0x80000047;
	[smem:$0x7FC] =	sst s26  }
0x35: {  	[smem:$0x7FD] =	sst s0;
	s26 =	simm.s32 $0x16B20;
	s0 =	simm.s32 $0x0  }
.LBB2_1:
0x36: {  	s1 =	sld [smem:$0x7FC];
	_ =	sdelay $0x1  }
0x37: {  	s2 =	simm.s32 $0x19320  }
0x38: {  	[tilespmem:s2], [sflag:$0x5] =	stream.linear.gather [hbm4b:s1+s17], $0x6400, $0x38;
	[tilespmem:$0x1F720] =	vst v63  }
0x39: {  	_ =	swait.ge [sflag:s6], $0x6400  }
0x3a: {  	[sflag:s6] =	ssyncset.done $0x0  }
0x3b: {  	s4 =	rddreg [dreg:$0x3];
	[sflag:s6] =	ssyncadd.s32 $0xFFFF9C00  }
0x3c: {  	[tilespmem:s17], [sflag:$0x5] =	stream.linear.gather [hbm4b:s4+s17], $0x190, $0x38;
	[tilespmem:$0x1F720] =	vst v63  }
0x3d: {  	_ =	swait.ge [sflag:s6], $0x190  }
0x3e: {  	[sflag:s6] =	ssyncset.done $0x0  }
0x3f: {  	[sflag:s6] =	ssyncadd.s32 $0xFFFFFE70  }
0x40: {  	[tilespmem:s8], [sflag:$0x1] =	stream.indirect.gather [hbm4b:s3+s7], $0x80, s17, s7, $0xb8;
	[tilespmem:$0x1F720] =	vst v63  }
0x41: {  	_ = 	snop  }
0x42: {  	[tilespmem:s9], [sflag:$0x1] =	stream.indirect.gather [hbm4b:s3+s7], $0x80, s7, s7, $0xb8;
	[tilespmem:$0x1F720] =	vst v63  }
0x43: {  	_ = 	snop  }
0x44: {  	[tilespmem:s11], [sflag:$0x1] =	stream.indirect.gather [hbm4b:s3+s7], $0x80, s10, s7, $0xb8;
	[tilespmem:$0x1F720] =	vst v63  }
0x45: {  	_ = 	snop  }
0x46: {  	[tilespmem:s13], [sflag:$0x1] =	stream.indirect.gather [hbm4b:s3+s7], $0x80, s12, s7, $0xb8;
	[tilespmem:$0x1F720] =	vst v63  }
0x47: {  	_ = 	snop  }
0x48: {  	[tilespmem:s15], [sflag:$0x1] =	stream.indirect.gather [hbm4b:s3+s7], $0x80, s14, s7, $0xb8;
	[tilespmem:$0x1F720] =	vst v63  }
0x49: {  	s5 =	rddreg [dreg:$0x4]  }
0x4a: {  	[tilespmem:s16], [sflag:$0x5] =	stream.linear.gather [hbm4b:s5+s17], $0x190, $0x38;
	[tilespmem:$0x1F720] =	vst v63  }
0x4b: {  	_ =	swait.ge [sflag:s6], $0x190  }
0x4c: {  	[sflag:s6] =	ssyncset.done $0x0  }
0x4d: {  	[sflag:s6] =	ssyncadd.s32 $0xFFFFFE70  }
0x4e: {  	[tilespmem:s18], [sflag:$0x2] =	stream.indirect.gather [hbm4b:s3+s7], $0x80, s16, s7, $0xb8;
	[tilespmem:$0x1F720] =	vst v63  }
0x4f: {  	_ = 	snop  }
0x50: {  	[tilespmem:s20], [sflag:$0x2] =	stream.indirect.gather [hbm4b:s3+s7], $0x80, s19, s7, $0xb8;
	[tilespmem:$0x1F720] =	vst v63  }
0x51: {  	_ = 	snop  }
0x52: {  	[tilespmem:s22], [sflag:$0x2] =	stream.indirect.gather [hbm4b:s3+s7], $0x80, s21, s7, $0xb8;
	[tilespmem:$0x1F720] =	vst v63  }
0x53: {  	_ = 	snop  }
0x54: {  	[tilespmem:s24], [sflag:$0x2] =	stream.indirect.gather [hbm4b:s3+s7], $0x80, s23, s7, $0xb8;
	[tilespmem:$0x1F720] =	vst v63  }
0x55: {  	_ = 	snop  }
0x56: {  	[tilespmem:s26], [sflag:$0x2] =	stream.indirect.gather [hbm4b:s3+s7], $0x80, s25, s7, $0xb8;
	[tilespmem:$0x1F720] =	vst v63  }
0x57: {  	_ =	swait.ge [sflag:s28], $0x2800  }
0x58: {  	[sflag:s28] =	ssyncset.done $0x0  }
0x59: {  	[sflag:s28] =	ssyncadd.s32 $0xFFFFD800  }
0x5a: {  	_ =	swait.ge [sflag:s28], $0x2800  }
0x5b: {  	[sflag:s28] =	ssyncset.done $0x0  }
0x5c: {  	[sflag:s28] =	ssyncadd.s32 $0xFFFFD800  }
0x5d: {  	_ =	swait.ge [sflag:s28], $0x2800  }
0x5e: {  	[sflag:s28] =	ssyncset.done $0x0  }
0x5f: {  	[sflag:s28] =	ssyncadd.s32 $0xFFFFD800  }
0x60: {  	_ =	swait.ge [sflag:s28], $0x2800  }
0x61: {  	[sflag:s28] =	ssyncset.done $0x0  }
0x62: {  	[sflag:s28] =	ssyncadd.s32 $0xFFFFD800  }
0x63: {  	_ =	swait.ge [sflag:s28], $0x2800  }
0x64: {  	[sflag:s28] =	ssyncset.done $0x0  }
0x65: {  	s1 =	simm.s32 $0x340;
	[sflag:s28] =	ssyncadd.s32 $0xFFFFD800  }
0x66: {  	s2 =	simm.s32 $0x340;
	s4 =	simm.s32 $0x0;
	s5 =	simm.s32 $0x100;
	v0 =	vld [tilespmem:s1+$0xFFFFFFE0]  }
.LBB2_2:
0x67: {  	p0 =	sne.s32 s5, $0x18F00;
	v1 =	vld [tilespmem:s4+$0x19320];
	_ =	sdelay $0x4  }
0x68: {  	v0 =	vadd.f32 v1, v0;
	_ =	sdelay $0x1  }
0x69: {  	[tilespmem:s1+$0xFFFFFFE0] =	vst v0;
	v0 =	vld [tilespmem:s1+$0xFFFFFFF0]  }
0x6a: {  	v1 =	vld [tilespmem:s4+$0x19330];
	_ =	sdelay $0x4  }
0x6b: {  	v0 =	vadd.f32 v1, v0;
	_ =	sdelay $0x1  }
0x6c: {  	[tilespmem:s1+$0xFFFFFFF0] =	vst v0;
	v0 =	vld [tilespmem:s1+$0x0]  }
0x6d: {  	v1 =	vld [tilespmem:s4+$0x19340];
	_ =	sdelay $0x4  }
0x6e: {  	v0 =	vadd.f32 v1, v0;
	_ =	sdelay $0x1  }
0x6f: {  	[tilespmem:s1+$0x0] =	vst v0;
	v0 =	vld [tilespmem:s1+$0x10]  }
0x70: {  	v1 =	vld [tilespmem:s4+$0x19350];
	_ =	sdelay $0x2  }
.Ltmp0:
0x71: {  	(pc) =	sbr.rel @p0 .LBB2_2-.Ltmp0, $4  }
0x72: {  	_ = 	snop  }
0x73: {  	v1 =	vadd.f32 v1, v0  }
0x74: {  	s1 =	sadd.s32 $0x80, s1  }
0x75: {  	s4 =	sshra.s32 s5, $0x2;
	s5 =	sadd.s32 $0x100, s5;
	v0 =	vld [tilespmem:s1+$0xFFFFFFE0];
	[tilespmem:s2+$0x10] =	vst v1;
	s2 =	smov.u32 s1  }
0x76: {  	v1 =	vld [tilespmem:s4+$0x19320];
	_ =	sdelay $0x4  }
0x77: {  	v0 =	vadd.f32 v1, v0;
	_ =	sdelay $0x1  }
0x78: {  	[tilespmem:s1+$0xFFFFFFE0] =	vst v0;
	v0 =	vld [tilespmem:s1+$0xFFFFFFF0]  }
0x79: {  	v1 =	vld [tilespmem:s4+$0x19330];
	_ =	sdelay $0x4  }
0x7a: {  	v0 =	vadd.f32 v1, v0;
	_ =	sdelay $0x1  }
0x7b: {  	[tilespmem:s1+$0xFFFFFFF0] =	vst v0;
	v0 =	vld [tilespmem:s1+$0x0]  }
0x7c: {  	v1 =	vld [tilespmem:s4+$0x19340];
	_ =	sdelay $0x4  }
0x7d: {  	v0 =	vadd.f32 v1, v0;
	_ =	sdelay $0x1  }
0x7e: {  	[tilespmem:s1+$0x0] =	vst v0;
	v0 =	vld [tilespmem:s1+$0x10]  }
0x7f: {  	v1 =	vld [tilespmem:s4+$0x19350];
	_ =	sdelay $0x4  }
0x80: {  	v0 =	vadd.f32 v1, v0;
	_ =	sdelay $0x1  }
0x81: {  	s1 =	simm.s32 $0x0;
	s4 =	rddreg [dreg:$0x13];
	[tilespmem:s2+$0x10] =	vst v0  }
0x82: {  	[hbm4b:s4+s1] =	stream.linear.scatter [tilespmem:s8], [sflag:$0x3], $0xC800, $0x38;
	[tilespmem:$0x1F720] =	vst v63  }
0x83: {  	_ =	swait.ge [sflag:s29], $0xC800  }
0x84: {  	[sflag:s29] =	ssyncset.done $0x0  }
0x85: {  	s5 =	rddreg [dreg:$0x5];
	[sflag:s29] =	ssyncadd.s32 $0xFFFF3800  }
0x86: {  	[tilespmem:s1], [sflag:$0x5] =	stream.linear.gather [hbm4b:s5+s1], $0x190, $0x38;
	[tilespmem:$0x1F720] =	vst v63  }
0x87: {  	_ =	swait.ge [sflag:s6], $0x190  }
0x88: {  	[sflag:s6] =	ssyncset.done $0x0  }
0x89: {  	[sflag:s6] =	ssyncadd.s32 $0xFFFFFE70  }
0x8a: {  	[tilespmem:s8], [sflag:$0x1] =	stream.indirect.gather [hbm4b:s3+s7], $0x80, s1, s7, $0xb8;
	[tilespmem:$0x1F720] =	vst v63  }
0x8b: {  	_ = 	snop  }
0x8c: {  	[tilespmem:s9], [sflag:$0x1] =	stream.indirect.gather [hbm4b:s3+s7], $0x80, s7, s7, $0xb8;
	[tilespmem:$0x1F720] =	vst v63  }
0x8d: {  	_ = 	snop  }
0x8e: {  	[tilespmem:s11], [sflag:$0x1] =	stream.indirect.gather [hbm4b:s3+s7], $0x80, s10, s7, $0xb8;
	[tilespmem:$0x1F720] =	vst v63  }
0x8f: {  	_ = 	snop  }
0x90: {  	[tilespmem:s13], [sflag:$0x1] =	stream.indirect.gather [hbm4b:s3+s7], $0x80, s12, s7, $0xb8;
	[tilespmem:$0x1F720] =	vst v63  }
0x91: {  	_ = 	snop  }
0x92: {  	[tilespmem:s15], [sflag:$0x1] =	stream.indirect.gather [hbm4b:s3+s7], $0x80, s14, s7, $0xb8;
	[tilespmem:$0x1F720] =	vst v63  }
0x93: {  	_ =	swait.ge [sflag:s30], $0x2800  }
0x94: {  	[sflag:s30] =	ssyncset.done $0x0  }
0x95: {  	[sflag:s30] =	ssyncadd.s32 $0xFFFFD800  }
0x96: {  	_ =	swait.ge [sflag:s30], $0x2800  }
0x97: {  	[sflag:s30] =	ssyncset.done $0x0  }
0x98: {  	[sflag:s30] =	ssyncadd.s32 $0xFFFFD800  }
0x99: {  	_ =	swait.ge [sflag:s30], $0x2800  }
0x9a: {  	[sflag:s30] =	ssyncset.done $0x0  }
0x9b: {  	[sflag:s30] =	ssyncadd.s32 $0xFFFFD800  }
0x9c: {  	_ =	swait.ge [sflag:s30], $0x2800  }
0x9d: {  	[sflag:s30] =	ssyncset.done $0x0  }
0x9e: {  	[sflag:s30] =	ssyncadd.s32 $0xFFFFD800  }
0x9f: {  	_ =	swait.ge [sflag:s30], $0x2800  }
0xa0: {  	[sflag:s30] =	ssyncset.done $0x0  }
0xa1: {  	s1 =	simm.s32 $0xCB40;
	[sflag:s30] =	ssyncadd.s32 $0xFFFFD800  }
0xa2: {  	s2 =	simm.s32 $0xCB40;
	s4 =	simm.s32 $0x0;
	s5 =	simm.s32 $0x100;
	v0 =	vld [tilespmem:s1+$0xFFFFFFE0]  }
.LBB2_4:
0xa3: {  	p0 =	sne.s32 s5, $0x18F00;
	v1 =	vld [tilespmem:s4+$0x19320];
	_ =	sdelay $0x4  }
0xa4: {  	v0 =	vadd.f32 v1, v0;
	_ =	sdelay $0x1  }
0xa5: {  	[tilespmem:s1+$0xFFFFFFE0] =	vst v0;
	v0 =	vld [tilespmem:s1+$0xFFFFFFF0]  }
0xa6: {  	v1 =	vld [tilespmem:s4+$0x19330];
	_ =	sdelay $0x4  }
0xa7: {  	v0 =	vadd.f32 v1, v0;
	_ =	sdelay $0x1  }
0xa8: {  	[tilespmem:s1+$0xFFFFFFF0] =	vst v0;
	v0 =	vld [tilespmem:s1+$0x0]  }
0xa9: {  	v1 =	vld [tilespmem:s4+$0x19340];
	_ =	sdelay $0x4  }
0xaa: {  	v0 =	vadd.f32 v1, v0;
	_ =	sdelay $0x1  }
0xab: {  	[tilespmem:s1+$0x0] =	vst v0;
	v0 =	vld [tilespmem:s1+$0x10]  }
0xac: {  	v1 =	vld [tilespmem:s4+$0x19350];
	_ =	sdelay $0x2  }
.Ltmp1:
0xad: {  	(pc) =	sbr.rel @p0 .LBB2_4-.Ltmp1, $4  }
0xae: {  	_ = 	snop  }
0xaf: {  	v1 =	vadd.f32 v1, v0  }
0xb0: {  	s1 =	sadd.s32 $0x80, s1  }
0xb1: {  	s4 =	sshra.s32 s5, $0x2;
	s5 =	sadd.s32 $0x100, s5;
	v0 =	vld [tilespmem:s1+$0xFFFFFFE0];
	[tilespmem:s2+$0x10] =	vst v1;
	s2 =	smov.u32 s1  }
0xb2: {  	v1 =	vld [tilespmem:s4+$0x19320];
	_ =	sdelay $0x4  }
0xb3: {  	v0 =	vadd.f32 v1, v0;
	_ =	sdelay $0x1  }
0xb4: {  	[tilespmem:s1+$0xFFFFFFE0] =	vst v0;
	v0 =	vld [tilespmem:s1+$0xFFFFFFF0]  }
0xb5: {  	v1 =	vld [tilespmem:s4+$0x19330];
	_ =	sdelay $0x4  }
0xb6: {  	v0 =	vadd.f32 v1, v0;
	_ =	sdelay $0x1  }
0xb7: {  	[tilespmem:s1+$0xFFFFFFF0] =	vst v0;
	v0 =	vld [tilespmem:s1+$0x0]  }
0xb8: {  	v1 =	vld [tilespmem:s4+$0x19340];
	_ =	sdelay $0x4  }
0xb9: {  	v0 =	vadd.f32 v1, v0;
	_ =	sdelay $0x1  }
0xba: {  	[tilespmem:s1+$0x0] =	vst v0;
	v0 =	vld [tilespmem:s1+$0x10]  }
0xbb: {  	v1 =	vld [tilespmem:s4+$0x19350];
	_ =	sdelay $0x4  }
0xbc: {  	v0 =	vadd.f32 v1, v0;
	_ =	sdelay $0x1  }
0xbd: {  	s1 =	simm.s32 $0x0;
	s4 =	rddreg [dreg:$0x14];
	[tilespmem:s2+$0x10] =	vst v0  }
0xbe: {  	[hbm4b:s4+s1] =	stream.linear.scatter [tilespmem:s18], [sflag:$0x4], $0xC800, $0x38;
	[tilespmem:$0x1F720] =	vst v63  }
0xbf: {  	_ =	swait.ge [sflag:s31], $0xC800  }
0xc0: {  	[sflag:s31] =	ssyncset.done $0x0  }
0xc1: {  	s5 =	rddreg [dreg:$0x6];
	[sflag:s31] =	ssyncadd.s32 $0xFFFF3800  }
0xc2: {  	[tilespmem:s16], [sflag:$0x5] =	stream.linear.gather [hbm4b:s5+s1], $0x190, $0x38;
	[tilespmem:$0x1F720] =	vst v63  }
0xc3: {  	_ =	swait.ge [sflag:s6], $0x190  }
0xc4: {  	[sflag:s6] =	ssyncset.done $0x0  }
0xc5: {  	[sflag:s6] =	ssyncadd.s32 $0xFFFFFE70  }
0xc6: {  	[tilespmem:s18], [sflag:$0x2] =	stream.indirect.gather [hbm4b:s3+s7], $0x80, s16, s7, $0xb8;
	[tilespmem:$0x1F720] =	vst v63  }
0xc7: {  	_ = 	snop  }
0xc8: {  	[tilespmem:s20], [sflag:$0x2] =	stream.indirect.gather [hbm4b:s3+s7], $0x80, s19, s7, $0xb8;
	[tilespmem:$0x1F720] =	vst v63  }
0xc9: {  	_ = 	snop  }
0xca: {  	[tilespmem:s22], [sflag:$0x2] =	stream.indirect.gather [hbm4b:s3+s7], $0x80, s21, s7, $0xb8;
	[tilespmem:$0x1F720] =	vst v63  }
0xcb: {  	_ = 	snop  }
0xcc: {  	[tilespmem:s24], [sflag:$0x2] =	stream.indirect.gather [hbm4b:s3+s7], $0x80, s23, s7, $0xb8;
	[tilespmem:$0x1F720] =	vst v63  }
0xcd: {  	_ = 	snop  }
0xce: {  	[tilespmem:s26], [sflag:$0x2] =	stream.indirect.gather [hbm4b:s3+s7], $0x80, s25, s7, $0xb8;
	[tilespmem:$0x1F720] =	vst v63  }
0xcf: {  	_ =	swait.ge [sflag:s28], $0x2800  }
0xd0: {  	[sflag:s28] =	ssyncset.done $0x0  }
0xd1: {  	[sflag:s28] =	ssyncadd.s32 $0xFFFFD800  }
0xd2: {  	_ =	swait.ge [sflag:s28], $0x2800  }
0xd3: {  	[sflag:s28] =	ssyncset.done $0x0  }
0xd4: {  	[sflag:s28] =	ssyncadd.s32 $0xFFFFD800  }
0xd5: {  	_ =	swait.ge [sflag:s28], $0x2800  }
0xd6: {  	[sflag:s28] =	ssyncset.done $0x0  }
0xd7: {  	[sflag:s28] =	ssyncadd.s32 $0xFFFFD800  }
0xd8: {  	_ =	swait.ge [sflag:s28], $0x2800  }
0xd9: {  	[sflag:s28] =	ssyncset.done $0x0  }
0xda: {  	[sflag:s28] =	ssyncadd.s32 $0xFFFFD800  }
0xdb: {  	_ =	swait.ge [sflag:s28], $0x2800  }
0xdc: {  	[sflag:s28] =	ssyncset.done $0x0  }
0xdd: {  	s1 =	simm.s32 $0x340;
	[sflag:s28] =	ssyncadd.s32 $0xFFFFD800  }
0xde: {  	s2 =	simm.s32 $0x340;
	s4 =	simm.s32 $0x0;
	s5 =	simm.s32 $0x100;
	v0 =	vld [tilespmem:s1+$0xFFFFFFE0]  }
.LBB2_6:
0xdf: {  	p0 =	sne.s32 s5, $0x18F00;
	v1 =	vld [tilespmem:s4+$0x19320];
	_ =	sdelay $0x4  }
0xe0: {  	v0 =	vadd.f32 v1, v0;
	_ =	sdelay $0x1  }
0xe1: {  	[tilespmem:s1+$0xFFFFFFE0] =	vst v0;
	v0 =	vld [tilespmem:s1+$0xFFFFFFF0]  }
0xe2: {  	v1 =	vld [tilespmem:s4+$0x19330];
	_ =	sdelay $0x4  }
0xe3: {  	v0 =	vadd.f32 v1, v0;
	_ =	sdelay $0x1  }
0xe4: {  	[tilespmem:s1+$0xFFFFFFF0] =	vst v0;
	v0 =	vld [tilespmem:s1+$0x0]  }
0xe5: {  	v1 =	vld [tilespmem:s4+$0x19340];
	_ =	sdelay $0x4  }
0xe6: {  	v0 =	vadd.f32 v1, v0;
	_ =	sdelay $0x1  }
0xe7: {  	[tilespmem:s1+$0x0] =	vst v0;
	v0 =	vld [tilespmem:s1+$0x10]  }
0xe8: {  	v1 =	vld [tilespmem:s4+$0x19350];
	_ =	sdelay $0x2  }
.Ltmp2:
0xe9: {  	(pc) =	sbr.rel @p0 .LBB2_6-.Ltmp2, $4  }
0xea: {  	_ = 	snop  }
0xeb: {  	v1 =	vadd.f32 v1, v0  }
0xec: {  	s1 =	sadd.s32 $0x80, s1  }
0xed: {  	s4 =	sshra.s32 s5, $0x2;
	s5 =	sadd.s32 $0x100, s5;
	v0 =	vld [tilespmem:s1+$0xFFFFFFE0];
	[tilespmem:s2+$0x10] =	vst v1;
	s2 =	smov.u32 s1  }
0xee: {  	v1 =	vld [tilespmem:s4+$0x19320];
	_ =	sdelay $0x4  }
0xef: {  	v0 =	vadd.f32 v1, v0;
	_ =	sdelay $0x1  }
0xf0: {  	[tilespmem:s1+$0xFFFFFFE0] =	vst v0;
	v0 =	vld [tilespmem:s1+$0xFFFFFFF0]  }
0xf1: {  	v1 =	vld [tilespmem:s4+$0x19330];
	_ =	sdelay $0x4  }
0xf2: {  	v0 =	vadd.f32 v1, v0;
	_ =	sdelay $0x1  }
0xf3: {  	[tilespmem:s1+$0xFFFFFFF0] =	vst v0;
	v0 =	vld [tilespmem:s1+$0x0]  }
0xf4: {  	v1 =	vld [tilespmem:s4+$0x19340];
	_ =	sdelay $0x4  }
0xf5: {  	v0 =	vadd.f32 v1, v0;
	_ =	sdelay $0x1  }
0xf6: {  	[tilespmem:s1+$0x0] =	vst v0;
	v0 =	vld [tilespmem:s1+$0x10]  }
0xf7: {  	v1 =	vld [tilespmem:s4+$0x19350];
	_ =	sdelay $0x4  }
0xf8: {  	v0 =	vadd.f32 v1, v0;
	_ =	sdelay $0x1  }
0xf9: {  	s1 =	simm.s32 $0x0;
	s4 =	rddreg [dreg:$0x15];
	[tilespmem:s2+$0x10] =	vst v0  }
0xfa: {  	[hbm4b:s4+s1] =	stream.linear.scatter [tilespmem:s8], [sflag:$0x3], $0xC800, $0x38;
	[tilespmem:$0x1F720] =	vst v63  }
0xfb: {  	_ =	swait.ge [sflag:s29], $0xC800  }
0xfc: {  	[sflag:s29] =	ssyncset.done $0x0  }
0xfd: {  	s5 =	rddreg [dreg:$0x7];
	[sflag:s29] =	ssyncadd.s32 $0xFFFF3800  }
0xfe: {  	[tilespmem:s1], [sflag:$0x5] =	stream.linear.gather [hbm4b:s5+s1], $0x190, $0x38;
	[tilespmem:$0x1F720] =	vst v63  }
0xff: {  	_ =	swait.ge [sflag:s6], $0x190  }
0x100: {  	[sflag:s6] =	ssyncset.done $0x0  }
0x101: {  	[sflag:s6] =	ssyncadd.s32 $0xFFFFFE70  }
0x102: {  	[tilespmem:s8], [sflag:$0x1] =	stream.indirect.gather [hbm4b:s3+s7], $0x80, s1, s7, $0xb8;
	[tilespmem:$0x1F720] =	vst v63  }
0x103: {  	_ = 	snop  }
0x104: {  	[tilespmem:s9], [sflag:$0x1] =	stream.indirect.gather [hbm4b:s3+s7], $0x80, s7, s7, $0xb8;
	[tilespmem:$0x1F720] =	vst v63  }
0x105: {  	_ = 	snop  }
0x106: {  	[tilespmem:s11], [sflag:$0x1] =	stream.indirect.gather [hbm4b:s3+s7], $0x80, s10, s7, $0xb8;
	[tilespmem:$0x1F720] =	vst v63  }
0x107: {  	_ = 	snop  }
0x108: {  	[tilespmem:s13], [sflag:$0x1] =	stream.indirect.gather [hbm4b:s3+s7], $0x80, s12, s7, $0xb8;
	[tilespmem:$0x1F720] =	vst v63  }
0x109: {  	_ = 	snop  }
0x10a: {  	[tilespmem:s15], [sflag:$0x1] =	stream.indirect.gather [hbm4b:s3+s7], $0x80, s14, s7, $0xb8;
	[tilespmem:$0x1F720] =	vst v63  }
0x10b: {  	_ =	swait.ge [sflag:s30], $0x2800  }
0x10c: {  	[sflag:s30] =	ssyncset.done $0x0  }
0x10d: {  	[sflag:s30] =	ssyncadd.s32 $0xFFFFD800  }
0x10e: {  	_ =	swait.ge [sflag:s30], $0x2800  }
0x10f: {  	[sflag:s30] =	ssyncset.done $0x0  }
0x110: {  	[sflag:s30] =	ssyncadd.s32 $0xFFFFD800  }
0x111: {  	_ =	swait.ge [sflag:s30], $0x2800  }
0x112: {  	[sflag:s30] =	ssyncset.done $0x0  }
0x113: {  	[sflag:s30] =	ssyncadd.s32 $0xFFFFD800  }
0x114: {  	_ =	swait.ge [sflag:s30], $0x2800  }
0x115: {  	[sflag:s30] =	ssyncset.done $0x0  }
0x116: {  	[sflag:s30] =	ssyncadd.s32 $0xFFFFD800  }
0x117: {  	_ =	swait.ge [sflag:s30], $0x2800  }
0x118: {  	[sflag:s30] =	ssyncset.done $0x0  }
0x119: {  	s1 =	simm.s32 $0xCB40;
	[sflag:s30] =	ssyncadd.s32 $0xFFFFD800  }
0x11a: {  	s2 =	simm.s32 $0xCB40;
	s4 =	simm.s32 $0x0;
	s5 =	simm.s32 $0x100;
	v0 =	vld [tilespmem:s1+$0xFFFFFFE0]  }
.LBB2_8:
0x11b: {  	p0 =	sne.s32 s5, $0x18F00;
	v1 =	vld [tilespmem:s4+$0x19320];
	_ =	sdelay $0x4  }
0x11c: {  	v0 =	vadd.f32 v1, v0;
	_ =	sdelay $0x1  }
0x11d: {  	[tilespmem:s1+$0xFFFFFFE0] =	vst v0;
	v0 =	vld [tilespmem:s1+$0xFFFFFFF0]  }
0x11e: {  	v1 =	vld [tilespmem:s4+$0x19330];
	_ =	sdelay $0x4  }
0x11f: {  	v0 =	vadd.f32 v1, v0;
	_ =	sdelay $0x1  }
0x120: {  	[tilespmem:s1+$0xFFFFFFF0] =	vst v0;
	v0 =	vld [tilespmem:s1+$0x0]  }
0x121: {  	v1 =	vld [tilespmem:s4+$0x19340];
	_ =	sdelay $0x4  }
0x122: {  	v0 =	vadd.f32 v1, v0;
	_ =	sdelay $0x1  }
0x123: {  	[tilespmem:s1+$0x0] =	vst v0;
	v0 =	vld [tilespmem:s1+$0x10]  }
0x124: {  	v1 =	vld [tilespmem:s4+$0x19350];
	_ =	sdelay $0x2  }
.Ltmp3:
0x125: {  	(pc) =	sbr.rel @p0 .LBB2_8-.Ltmp3, $4  }
0x126: {  	_ = 	snop  }
0x127: {  	v1 =	vadd.f32 v1, v0  }
0x128: {  	s1 =	sadd.s32 $0x80, s1  }
0x129: {  	s4 =	sshra.s32 s5, $0x2;
	s5 =	sadd.s32 $0x100, s5;
	v0 =	vld [tilespmem:s1+$0xFFFFFFE0];
	[tilespmem:s2+$0x10] =	vst v1;
	s2 =	smov.u32 s1  }
0x12a: {  	v1 =	vld [tilespmem:s4+$0x19320];
	_ =	sdelay $0x4  }
0x12b: {  	v0 =	vadd.f32 v1, v0;
	_ =	sdelay $0x1  }
0x12c: {  	[tilespmem:s1+$0xFFFFFFE0] =	vst v0;
	v0 =	vld [tilespmem:s1+$0xFFFFFFF0]  }
0x12d: {  	v1 =	vld [tilespmem:s4+$0x19330];
	_ =	sdelay $0x4  }
0x12e: {  	v0 =	vadd.f32 v1, v0;
	_ =	sdelay $0x1  }
0x12f: {  	[tilespmem:s1+$0xFFFFFFF0] =	vst v0;
	v0 =	vld [tilespmem:s1+$0x0]  }
0x130: {  	v1 =	vld [tilespmem:s4+$0x19340];
	_ =	sdelay $0x4  }
0x131: {  	v0 =	vadd.f32 v1, v0;
	_ =	sdelay $0x1  }
0x132: {  	[tilespmem:s1+$0x0] =	vst v0;
	v0 =	vld [tilespmem:s1+$0x10]  }
0x133: {  	v1 =	vld [tilespmem:s4+$0x19350];
	_ =	sdelay $0x4  }
0x134: {  	v0 =	vadd.f32 v1, v0;
	_ =	sdelay $0x1  }
0x135: {  	s1 =	simm.s32 $0x0;
	s4 =	rddreg [dreg:$0x16];
	[tilespmem:s2+$0x10] =	vst v0  }
0x136: {  	[hbm4b:s4+s1] =	stream.linear.scatter [tilespmem:s18], [sflag:$0x4], $0xC800, $0x38;
	[tilespmem:$0x1F720] =	vst v63  }
0x137: {  	_ =	swait.ge [sflag:s31], $0xC800  }
0x138: {  	[sflag:s31] =	ssyncset.done $0x0  }
0x139: {  	s5 =	rddreg [dreg:$0x8];
	[sflag:s31] =	ssyncadd.s32 $0xFFFF3800  }
0x13a: {  	[tilespmem:s16], [sflag:$0x5] =	stream.linear.gather [hbm4b:s5+s1], $0x190, $0x38;
	[tilespmem:$0x1F720] =	vst v63  }
0x13b: {  	_ =	swait.ge [sflag:s6], $0x190  }
0x13c: {  	[sflag:s6] =	ssyncset.done $0x0  }
0x13d: {  	[sflag:s6] =	ssyncadd.s32 $0xFFFFFE70  }
0x13e: {  	[tilespmem:s18], [sflag:$0x2] =	stream.indirect.gather [hbm4b:s3+s7], $0x80, s16, s7, $0xb8;
	[tilespmem:$0x1F720] =	vst v63  }
0x13f: {  	_ = 	snop  }
0x140: {  	[tilespmem:s20], [sflag:$0x2] =	stream.indirect.gather [hbm4b:s3+s7], $0x80, s19, s7, $0xb8;
	[tilespmem:$0x1F720] =	vst v63  }
0x141: {  	_ = 	snop  }
0x142: {  	[tilespmem:s22], [sflag:$0x2] =	stream.indirect.gather [hbm4b:s3+s7], $0x80, s21, s7, $0xb8;
	[tilespmem:$0x1F720] =	vst v63  }
0x143: {  	_ = 	snop  }
0x144: {  	[tilespmem:s24], [sflag:$0x2] =	stream.indirect.gather [hbm4b:s3+s7], $0x80, s23, s7, $0xb8;
	[tilespmem:$0x1F720] =	vst v63  }
0x145: {  	_ = 	snop  }
0x146: {  	[tilespmem:s26], [sflag:$0x2] =	stream.indirect.gather [hbm4b:s3+s7], $0x80, s25, s7, $0xb8;
	[tilespmem:$0x1F720] =	vst v63  }
0x147: {  	_ =	swait.ge [sflag:s28], $0x2800  }
0x148: {  	[sflag:s28] =	ssyncset.done $0x0  }
0x149: {  	[sflag:s28] =	ssyncadd.s32 $0xFFFFD800  }
0x14a: {  	_ =	swait.ge [sflag:s28], $0x2800  }
0x14b: {  	[sflag:s28] =	ssyncset.done $0x0  }
0x14c: {  	[sflag:s28] =	ssyncadd.s32 $0xFFFFD800  }
0x14d: {  	_ =	swait.ge [sflag:s28], $0x2800  }
0x14e: {  	[sflag:s28] =	ssyncset.done $0x0  }
0x14f: {  	[sflag:s28] =	ssyncadd.s32 $0xFFFFD800  }
0x150: {  	_ =	swait.ge [sflag:s28], $0x2800  }
0x151: {  	[sflag:s28] =	ssyncset.done $0x0  }
0x152: {  	[sflag:s28] =	ssyncadd.s32 $0xFFFFD800  }
0x153: {  	_ =	swait.ge [sflag:s28], $0x2800  }
0x154: {  	[sflag:s28] =	ssyncset.done $0x0  }
0x155: {  	s1 =	simm.s32 $0x340;
	[sflag:s28] =	ssyncadd.s32 $0xFFFFD800  }
0x156: {  	s2 =	simm.s32 $0x340;
	s4 =	simm.s32 $0x0;
	s5 =	simm.s32 $0x100;
	v0 =	vld [tilespmem:s1+$0xFFFFFFE0]  }
.LBB2_10:
0x157: {  	p0 =	sne.s32 s5, $0x18F00;
	v1 =	vld [tilespmem:s4+$0x19320];
	_ =	sdelay $0x4  }
0x158: {  	v0 =	vadd.f32 v1, v0;
	_ =	sdelay $0x1  }
0x159: {  	[tilespmem:s1+$0xFFFFFFE0] =	vst v0;
	v0 =	vld [tilespmem:s1+$0xFFFFFFF0]  }
0x15a: {  	v1 =	vld [tilespmem:s4+$0x19330];
	_ =	sdelay $0x4  }
0x15b: {  	v0 =	vadd.f32 v1, v0;
	_ =	sdelay $0x1  }
0x15c: {  	[tilespmem:s1+$0xFFFFFFF0] =	vst v0;
	v0 =	vld [tilespmem:s1+$0x0]  }
0x15d: {  	v1 =	vld [tilespmem:s4+$0x19340];
	_ =	sdelay $0x4  }
0x15e: {  	v0 =	vadd.f32 v1, v0;
	_ =	sdelay $0x1  }
0x15f: {  	[tilespmem:s1+$0x0] =	vst v0;
	v0 =	vld [tilespmem:s1+$0x10]  }
0x160: {  	v1 =	vld [tilespmem:s4+$0x19350];
	_ =	sdelay $0x2  }
.Ltmp4:
0x161: {  	(pc) =	sbr.rel @p0 .LBB2_10-.Ltmp4, $4  }
0x162: {  	_ = 	snop  }
0x163: {  	v1 =	vadd.f32 v1, v0  }
0x164: {  	s1 =	sadd.s32 $0x80, s1  }
0x165: {  	s4 =	sshra.s32 s5, $0x2;
	s5 =	sadd.s32 $0x100, s5;
	v0 =	vld [tilespmem:s1+$0xFFFFFFE0];
	[tilespmem:s2+$0x10] =	vst v1;
	s2 =	smov.u32 s1  }
0x166: {  	v1 =	vld [tilespmem:s4+$0x19320];
	_ =	sdelay $0x4  }
0x167: {  	v0 =	vadd.f32 v1, v0;
	_ =	sdelay $0x1  }
0x168: {  	[tilespmem:s1+$0xFFFFFFE0] =	vst v0;
	v0 =	vld [tilespmem:s1+$0xFFFFFFF0]  }
0x169: {  	v1 =	vld [tilespmem:s4+$0x19330];
	_ =	sdelay $0x4  }
0x16a: {  	v0 =	vadd.f32 v1, v0;
	_ =	sdelay $0x1  }
0x16b: {  	[tilespmem:s1+$0xFFFFFFF0] =	vst v0;
	v0 =	vld [tilespmem:s1+$0x0]  }
0x16c: {  	v1 =	vld [tilespmem:s4+$0x19340];
	_ =	sdelay $0x4  }
0x16d: {  	v0 =	vadd.f32 v1, v0;
	_ =	sdelay $0x1  }
0x16e: {  	[tilespmem:s1+$0x0] =	vst v0;
	v0 =	vld [tilespmem:s1+$0x10]  }
0x16f: {  	v1 =	vld [tilespmem:s4+$0x19350];
	_ =	sdelay $0x4  }
0x170: {  	v0 =	vadd.f32 v1, v0;
	_ =	sdelay $0x1  }
0x171: {  	s1 =	simm.s32 $0x0;
	s4 =	rddreg [dreg:$0x17];
	[tilespmem:s2+$0x10] =	vst v0  }
0x172: {  	[hbm4b:s4+s1] =	stream.linear.scatter [tilespmem:s8], [sflag:$0x3], $0xC800, $0x38;
	[tilespmem:$0x1F720] =	vst v63  }
0x173: {  	_ =	swait.ge [sflag:s29], $0xC800  }
0x174: {  	[sflag:s29] =	ssyncset.done $0x0  }
0x175: {  	s5 =	rddreg [dreg:$0x9];
	[sflag:s29] =	ssyncadd.s32 $0xFFFF3800  }
0x176: {  	[tilespmem:s1], [sflag:$0x5] =	stream.linear.gather [hbm4b:s5+s1], $0x190, $0x38;
	[tilespmem:$0x1F720] =	vst v63  }
0x177: {  	_ =	swait.ge [sflag:s6], $0x190  }
0x178: {  	[sflag:s6] =	ssyncset.done $0x0  }
0x179: {  	[sflag:s6] =	ssyncadd.s32 $0xFFFFFE70  }
0x17a: {  	[tilespmem:s8], [sflag:$0x1] =	stream.indirect.gather [hbm4b:s3+s7], $0x80, s1, s7, $0xb8;
	[tilespmem:$0x1F720] =	vst v63  }
0x17b: {  	_ = 	snop  }
0x17c: {  	[tilespmem:s9], [sflag:$0x1] =	stream.indirect.gather [hbm4b:s3+s7], $0x80, s7, s7, $0xb8;
	[tilespmem:$0x1F720] =	vst v63  }
0x17d: {  	_ = 	snop  }
0x17e: {  	[tilespmem:s11], [sflag:$0x1] =	stream.indirect.gather [hbm4b:s3+s7], $0x80, s10, s7, $0xb8;
	[tilespmem:$0x1F720] =	vst v63  }
0x17f: {  	_ = 	snop  }
0x180: {  	[tilespmem:s13], [sflag:$0x1] =	stream.indirect.gather [hbm4b:s3+s7], $0x80, s12, s7, $0xb8;
	[tilespmem:$0x1F720] =	vst v63  }
0x181: {  	_ = 	snop  }
0x182: {  	[tilespmem:s15], [sflag:$0x1] =	stream.indirect.gather [hbm4b:s3+s7], $0x80, s14, s7, $0xb8;
	[tilespmem:$0x1F720] =	vst v63  }
0x183: {  	_ =	swait.ge [sflag:s30], $0x2800  }
0x184: {  	[sflag:s30] =	ssyncset.done $0x0  }
0x185: {  	[sflag:s30] =	ssyncadd.s32 $0xFFFFD800  }
0x186: {  	_ =	swait.ge [sflag:s30], $0x2800  }
0x187: {  	[sflag:s30] =	ssyncset.done $0x0  }
0x188: {  	[sflag:s30] =	ssyncadd.s32 $0xFFFFD800  }
0x189: {  	_ =	swait.ge [sflag:s30], $0x2800  }
0x18a: {  	[sflag:s30] =	ssyncset.done $0x0  }
0x18b: {  	[sflag:s30] =	ssyncadd.s32 $0xFFFFD800  }
0x18c: {  	_ =	swait.ge [sflag:s30], $0x2800  }
0x18d: {  	[sflag:s30] =	ssyncset.done $0x0  }
0x18e: {  	[sflag:s30] =	ssyncadd.s32 $0xFFFFD800  }
0x18f: {  	_ =	swait.ge [sflag:s30], $0x2800  }
0x190: {  	[sflag:s30] =	ssyncset.done $0x0  }
0x191: {  	s1 =	simm.s32 $0xCB40;
	[sflag:s30] =	ssyncadd.s32 $0xFFFFD800  }
0x192: {  	s2 =	simm.s32 $0xCB40;
	s4 =	simm.s32 $0x0;
	s5 =	simm.s32 $0x100;
	v0 =	vld [tilespmem:s1+$0xFFFFFFE0]  }
.LBB2_12:
0x193: {  	p0 =	sne.s32 s5, $0x18F00;
	v1 =	vld [tilespmem:s4+$0x19320];
	_ =	sdelay $0x4  }
0x194: {  	v0 =	vadd.f32 v1, v0;
	_ =	sdelay $0x1  }
0x195: {  	[tilespmem:s1+$0xFFFFFFE0] =	vst v0;
	v0 =	vld [tilespmem:s1+$0xFFFFFFF0]  }
0x196: {  	v1 =	vld [tilespmem:s4+$0x19330];
	_ =	sdelay $0x4  }
0x197: {  	v0 =	vadd.f32 v1, v0;
	_ =	sdelay $0x1  }
0x198: {  	[tilespmem:s1+$0xFFFFFFF0] =	vst v0;
	v0 =	vld [tilespmem:s1+$0x0]  }
0x199: {  	v1 =	vld [tilespmem:s4+$0x19340];
	_ =	sdelay $0x4  }
0x19a: {  	v0 =	vadd.f32 v1, v0;
	_ =	sdelay $0x1  }
0x19b: {  	[tilespmem:s1+$0x0] =	vst v0;
	v0 =	vld [tilespmem:s1+$0x10]  }
0x19c: {  	v1 =	vld [tilespmem:s4+$0x19350];
	_ =	sdelay $0x2  }
.Ltmp5:
0x19d: {  	(pc) =	sbr.rel @p0 .LBB2_12-.Ltmp5, $4  }
0x19e: {  	_ = 	snop  }
0x19f: {  	v1 =	vadd.f32 v1, v0  }
0x1a0: {  	s1 =	sadd.s32 $0x80, s1  }
0x1a1: {  	s4 =	sshra.s32 s5, $0x2;
	s5 =	sadd.s32 $0x100, s5;
	v0 =	vld [tilespmem:s1+$0xFFFFFFE0];
	[tilespmem:s2+$0x10] =	vst v1;
	s2 =	smov.u32 s1  }
0x1a2: {  	v1 =	vld [tilespmem:s4+$0x19320];
	_ =	sdelay $0x4  }
0x1a3: {  	v0 =	vadd.f32 v1, v0;
	_ =	sdelay $0x1  }
0x1a4: {  	[tilespmem:s1+$0xFFFFFFE0] =	vst v0;
	v0 =	vld [tilespmem:s1+$0xFFFFFFF0]  }
0x1a5: {  	v1 =	vld [tilespmem:s4+$0x19330];
	_ =	sdelay $0x4  }
0x1a6: {  	v0 =	vadd.f32 v1, v0;
	_ =	sdelay $0x1  }
0x1a7: {  	[tilespmem:s1+$0xFFFFFFF0] =	vst v0;
	v0 =	vld [tilespmem:s1+$0x0]  }
0x1a8: {  	v1 =	vld [tilespmem:s4+$0x19340];
	_ =	sdelay $0x4  }
0x1a9: {  	v0 =	vadd.f32 v1, v0;
	_ =	sdelay $0x1  }
0x1aa: {  	[tilespmem:s1+$0x0] =	vst v0;
	v0 =	vld [tilespmem:s1+$0x10]  }
0x1ab: {  	v1 =	vld [tilespmem:s4+$0x19350];
	_ =	sdelay $0x4  }
0x1ac: {  	v0 =	vadd.f32 v1, v0;
	_ =	sdelay $0x1  }
0x1ad: {  	s1 =	simm.s32 $0x0;
	s4 =	rddreg [dreg:$0x18];
	[tilespmem:s2+$0x10] =	vst v0  }
0x1ae: {  	[hbm4b:s4+s1] =	stream.linear.scatter [tilespmem:s18], [sflag:$0x4], $0xC800, $0x38;
	[tilespmem:$0x1F720] =	vst v63  }
0x1af: {  	_ =	swait.ge [sflag:s31], $0xC800  }
0x1b0: {  	[sflag:s31] =	ssyncset.done $0x0  }
0x1b1: {  	s5 =	rddreg [dreg:$0xa];
	[sflag:s31] =	ssyncadd.s32 $0xFFFF3800  }
0x1b2: {  	[tilespmem:s16], [sflag:$0x5] =	stream.linear.gather [hbm4b:s5+s1], $0x190, $0x38;
	[tilespmem:$0x1F720] =	vst v63  }
0x1b3: {  	_ =	swait.ge [sflag:s6], $0x190  }
0x1b4: {  	[sflag:s6] =	ssyncset.done $0x0  }
0x1b5: {  	[sflag:s6] =	ssyncadd.s32 $0xFFFFFE70  }
0x1b6: {  	[tilespmem:s18], [sflag:$0x2] =	stream.indirect.gather [hbm4b:s3+s7], $0x80, s16, s7, $0xb8;
	[tilespmem:$0x1F720] =	vst v63  }
0x1b7: {  	_ = 	snop  }
0x1b8: {  	[tilespmem:s20], [sflag:$0x2] =	stream.indirect.gather [hbm4b:s3+s7], $0x80, s19, s7, $0xb8;
	[tilespmem:$0x1F720] =	vst v63  }
0x1b9: {  	_ = 	snop  }
0x1ba: {  	[tilespmem:s22], [sflag:$0x2] =	stream.indirect.gather [hbm4b:s3+s7], $0x80, s21, s7, $0xb8;
	[tilespmem:$0x1F720] =	vst v63  }
0x1bb: {  	_ = 	snop  }
0x1bc: {  	[tilespmem:s24], [sflag:$0x2] =	stream.indirect.gather [hbm4b:s3+s7], $0x80, s23, s7, $0xb8;
	[tilespmem:$0x1F720] =	vst v63  }
0x1bd: {  	_ = 	snop  }
0x1be: {  	[tilespmem:s26], [sflag:$0x2] =	stream.indirect.gather [hbm4b:s3+s7], $0x80, s25, s7, $0xb8;
	[tilespmem:$0x1F720] =	vst v63  }
0x1bf: {  	_ =	swait.ge [sflag:s28], $0x2800  }
0x1c0: {  	[sflag:s28] =	ssyncset.done $0x0  }
0x1c1: {  	[sflag:s28] =	ssyncadd.s32 $0xFFFFD800  }
0x1c2: {  	_ =	swait.ge [sflag:s28], $0x2800  }
0x1c3: {  	[sflag:s28] =	ssyncset.done $0x0  }
0x1c4: {  	[sflag:s28] =	ssyncadd.s32 $0xFFFFD800  }
0x1c5: {  	_ =	swait.ge [sflag:s28], $0x2800  }
0x1c6: {  	[sflag:s28] =	ssyncset.done $0x0  }
0x1c7: {  	[sflag:s28] =	ssyncadd.s32 $0xFFFFD800  }
0x1c8: {  	_ =	swait.ge [sflag:s28], $0x2800  }
0x1c9: {  	[sflag:s28] =	ssyncset.done $0x0  }
0x1ca: {  	[sflag:s28] =	ssyncadd.s32 $0xFFFFD800  }
0x1cb: {  	_ =	swait.ge [sflag:s28], $0x2800  }
0x1cc: {  	[sflag:s28] =	ssyncset.done $0x0  }
0x1cd: {  	s1 =	simm.s32 $0x340;
	[sflag:s28] =	ssyncadd.s32 $0xFFFFD800  }
0x1ce: {  	s2 =	simm.s32 $0x340;
	s4 =	simm.s32 $0x0;
	s5 =	simm.s32 $0x100;
	v0 =	vld [tilespmem:s1+$0xFFFFFFE0]  }
.LBB2_14:
0x1cf: {  	p0 =	sne.s32 s5, $0x18F00;
	v1 =	vld [tilespmem:s4+$0x19320];
	_ =	sdelay $0x4  }
0x1d0: {  	v0 =	vadd.f32 v1, v0;
	_ =	sdelay $0x1  }
0x1d1: {  	[tilespmem:s1+$0xFFFFFFE0] =	vst v0;
	v0 =	vld [tilespmem:s1+$0xFFFFFFF0]  }
0x1d2: {  	v1 =	vld [tilespmem:s4+$0x19330];
	_ =	sdelay $0x4  }
0x1d3: {  	v0 =	vadd.f32 v1, v0;
	_ =	sdelay $0x1  }
0x1d4: {  	[tilespmem:s1+$0xFFFFFFF0] =	vst v0;
	v0 =	vld [tilespmem:s1+$0x0]  }
0x1d5: {  	v1 =	vld [tilespmem:s4+$0x19340];
	_ =	sdelay $0x4  }
0x1d6: {  	v0 =	vadd.f32 v1, v0;
	_ =	sdelay $0x1  }
0x1d7: {  	[tilespmem:s1+$0x0] =	vst v0;
	v0 =	vld [tilespmem:s1+$0x10]  }
0x1d8: {  	v1 =	vld [tilespmem:s4+$0x19350];
	_ =	sdelay $0x2  }
.Ltmp6:
0x1d9: {  	(pc) =	sbr.rel @p0 .LBB2_14-.Ltmp6, $4  }
0x1da: {  	_ = 	snop  }
0x1db: {  	v1 =	vadd.f32 v1, v0  }
0x1dc: {  	s1 =	sadd.s32 $0x80, s1  }
0x1dd: {  	s4 =	sshra.s32 s5, $0x2;
	s5 =	sadd.s32 $0x100, s5;
	v0 =	vld [tilespmem:s1+$0xFFFFFFE0];
	[tilespmem:s2+$0x10] =	vst v1;
	s2 =	smov.u32 s1  }
0x1de: {  	v1 =	vld [tilespmem:s4+$0x19320];
	_ =	sdelay $0x4  }
0x1df: {  	v0 =	vadd.f32 v1, v0;
	_ =	sdelay $0x1  }
0x1e0: {  	[tilespmem:s1+$0xFFFFFFE0] =	vst v0;
	v0 =	vld [tilespmem:s1+$0xFFFFFFF0]  }
0x1e1: {  	v1 =	vld [tilespmem:s4+$0x19330];
	_ =	sdelay $0x4  }
0x1e2: {  	v0 =	vadd.f32 v1, v0;
	_ =	sdelay $0x1  }
0x1e3: {  	[tilespmem:s1+$0xFFFFFFF0] =	vst v0;
	v0 =	vld [tilespmem:s1+$0x0]  }
0x1e4: {  	v1 =	vld [tilespmem:s4+$0x19340];
	_ =	sdelay $0x4  }
0x1e5: {  	v0 =	vadd.f32 v1, v0;
	_ =	sdelay $0x1  }
0x1e6: {  	[tilespmem:s1+$0x0] =	vst v0;
	v0 =	vld [tilespmem:s1+$0x10]  }
0x1e7: {  	v1 =	vld [tilespmem:s4+$0x19350];
	_ =	sdelay $0x4  }
0x1e8: {  	v0 =	vadd.f32 v1, v0;
	_ =	sdelay $0x1  }
0x1e9: {  	s1 =	simm.s32 $0x0;
	s4 =	rddreg [dreg:$0x19];
	[tilespmem:s2+$0x10] =	vst v0  }
0x1ea: {  	[hbm4b:s4+s1] =	stream.linear.scatter [tilespmem:s8], [sflag:$0x3], $0xC800, $0x38;
	[tilespmem:$0x1F720] =	vst v63  }
0x1eb: {  	_ =	swait.ge [sflag:s29], $0xC800  }
0x1ec: {  	[sflag:s29] =	ssyncset.done $0x0  }
0x1ed: {  	s5 =	rddreg [dreg:$0xb];
	[sflag:s29] =	ssyncadd.s32 $0xFFFF3800  }
0x1ee: {  	[tilespmem:s1], [sflag:$0x5] =	stream.linear.gather [hbm4b:s5+s1], $0x190, $0x38;
	[tilespmem:$0x1F720] =	vst v63  }
0x1ef: {  	_ =	swait.ge [sflag:s6], $0x190  }
0x1f0: {  	[sflag:s6] =	ssyncset.done $0x0  }
0x1f1: {  	[sflag:s6] =	ssyncadd.s32 $0xFFFFFE70  }
0x1f2: {  	[tilespmem:s8], [sflag:$0x1] =	stream.indirect.gather [hbm4b:s3+s7], $0x80, s1, s7, $0xb8;
	[tilespmem:$0x1F720] =	vst v63  }
0x1f3: {  	_ = 	snop  }
0x1f4: {  	[tilespmem:s9], [sflag:$0x1] =	stream.indirect.gather [hbm4b:s3+s7], $0x80, s7, s7, $0xb8;
	[tilespmem:$0x1F720] =	vst v63  }
0x1f5: {  	_ = 	snop  }
0x1f6: {  	[tilespmem:s11], [sflag:$0x1] =	stream.indirect.gather [hbm4b:s3+s7], $0x80, s10, s7, $0xb8;
	[tilespmem:$0x1F720] =	vst v63  }
0x1f7: {  	_ = 	snop  }
0x1f8: {  	[tilespmem:s13], [sflag:$0x1] =	stream.indirect.gather [hbm4b:s3+s7], $0x80, s12, s7, $0xb8;
	[tilespmem:$0x1F720] =	vst v63  }
0x1f9: {  	_ = 	snop  }
0x1fa: {  	[tilespmem:s15], [sflag:$0x1] =	stream.indirect.gather [hbm4b:s3+s7], $0x80, s14, s7, $0xb8;
	[tilespmem:$0x1F720] =	vst v63  }
0x1fb: {  	_ =	swait.ge [sflag:s30], $0x2800  }
0x1fc: {  	[sflag:s30] =	ssyncset.done $0x0  }
0x1fd: {  	[sflag:s30] =	ssyncadd.s32 $0xFFFFD800  }
0x1fe: {  	_ =	swait.ge [sflag:s30], $0x2800  }
0x1ff: {  	[sflag:s30] =	ssyncset.done $0x0  }
0x200: {  	[sflag:s30] =	ssyncadd.s32 $0xFFFFD800  }
0x201: {  	_ =	swait.ge [sflag:s30], $0x2800  }
0x202: {  	[sflag:s30] =	ssyncset.done $0x0  }
0x203: {  	[sflag:s30] =	ssyncadd.s32 $0xFFFFD800  }
0x204: {  	_ =	swait.ge [sflag:s30], $0x2800  }
0x205: {  	[sflag:s30] =	ssyncset.done $0x0  }
0x206: {  	[sflag:s30] =	ssyncadd.s32 $0xFFFFD800  }
0x207: {  	_ =	swait.ge [sflag:s30], $0x2800  }
0x208: {  	[sflag:s30] =	ssyncset.done $0x0  }
0x209: {  	s1 =	simm.s32 $0xCB40;
	[sflag:s30] =	ssyncadd.s32 $0xFFFFD800  }
0x20a: {  	s2 =	simm.s32 $0xCB40;
	s4 =	simm.s32 $0x0;
	s5 =	simm.s32 $0x100;
	v0 =	vld [tilespmem:s1+$0xFFFFFFE0]  }
.LBB2_16:
0x20b: {  	p0 =	sne.s32 s5, $0x18F00;
	v1 =	vld [tilespmem:s4+$0x19320];
	_ =	sdelay $0x4  }
0x20c: {  	v0 =	vadd.f32 v1, v0;
	_ =	sdelay $0x1  }
0x20d: {  	[tilespmem:s1+$0xFFFFFFE0] =	vst v0;
	v0 =	vld [tilespmem:s1+$0xFFFFFFF0]  }
0x20e: {  	v1 =	vld [tilespmem:s4+$0x19330];
	_ =	sdelay $0x4  }
0x20f: {  	v0 =	vadd.f32 v1, v0;
	_ =	sdelay $0x1  }
0x210: {  	[tilespmem:s1+$0xFFFFFFF0] =	vst v0;
	v0 =	vld [tilespmem:s1+$0x0]  }
0x211: {  	v1 =	vld [tilespmem:s4+$0x19340];
	_ =	sdelay $0x4  }
0x212: {  	v0 =	vadd.f32 v1, v0;
	_ =	sdelay $0x1  }
0x213: {  	[tilespmem:s1+$0x0] =	vst v0;
	v0 =	vld [tilespmem:s1+$0x10]  }
0x214: {  	v1 =	vld [tilespmem:s4+$0x19350];
	_ =	sdelay $0x2  }
.Ltmp7:
0x215: {  	(pc) =	sbr.rel @p0 .LBB2_16-.Ltmp7, $4  }
0x216: {  	_ = 	snop  }
0x217: {  	v1 =	vadd.f32 v1, v0  }
0x218: {  	s1 =	sadd.s32 $0x80, s1  }
0x219: {  	s4 =	sshra.s32 s5, $0x2;
	s5 =	sadd.s32 $0x100, s5;
	v0 =	vld [tilespmem:s1+$0xFFFFFFE0];
	[tilespmem:s2+$0x10] =	vst v1;
	s2 =	smov.u32 s1  }
0x21a: {  	v1 =	vld [tilespmem:s4+$0x19320];
	_ =	sdelay $0x4  }
0x21b: {  	v0 =	vadd.f32 v1, v0;
	_ =	sdelay $0x1  }
0x21c: {  	[tilespmem:s1+$0xFFFFFFE0] =	vst v0;
	v0 =	vld [tilespmem:s1+$0xFFFFFFF0]  }
0x21d: {  	v1 =	vld [tilespmem:s4+$0x19330];
	_ =	sdelay $0x4  }
0x21e: {  	v0 =	vadd.f32 v1, v0;
	_ =	sdelay $0x1  }
0x21f: {  	[tilespmem:s1+$0xFFFFFFF0] =	vst v0;
	v0 =	vld [tilespmem:s1+$0x0]  }
0x220: {  	v1 =	vld [tilespmem:s4+$0x19340];
	_ =	sdelay $0x4  }
0x221: {  	v0 =	vadd.f32 v1, v0;
	_ =	sdelay $0x1  }
0x222: {  	[tilespmem:s1+$0x0] =	vst v0;
	v0 =	vld [tilespmem:s1+$0x10]  }
0x223: {  	v1 =	vld [tilespmem:s4+$0x19350];
	_ =	sdelay $0x4  }
0x224: {  	v0 =	vadd.f32 v1, v0;
	_ =	sdelay $0x1  }
0x225: {  	s1 =	simm.s32 $0x0;
	s4 =	rddreg [dreg:$0x1a];
	[tilespmem:s2+$0x10] =	vst v0  }
0x226: {  	[hbm4b:s4+s1] =	stream.linear.scatter [tilespmem:s18], [sflag:$0x4], $0xC800, $0x38;
	[tilespmem:$0x1F720] =	vst v63  }
0x227: {  	_ =	swait.ge [sflag:s31], $0xC800  }
0x228: {  	[sflag:s31] =	ssyncset.done $0x0  }
0x229: {  	s5 =	rddreg [dreg:$0xc];
	[sflag:s31] =	ssyncadd.s32 $0xFFFF3800  }
0x22a: {  	[tilespmem:s16], [sflag:$0x5] =	stream.linear.gather [hbm4b:s5+s1], $0x190, $0x38;
	[tilespmem:$0x1F720] =	vst v63  }
0x22b: {  	_ =	swait.ge [sflag:s6], $0x190  }
0x22c: {  	[sflag:s6] =	ssyncset.done $0x0  }
0x22d: {  	[sflag:s6] =	ssyncadd.s32 $0xFFFFFE70  }
0x22e: {  	[tilespmem:s18], [sflag:$0x2] =	stream.indirect.gather [hbm4b:s3+s7], $0x80, s16, s7, $0xb8;
	[tilespmem:$0x1F720] =	vst v63  }
0x22f: {  	_ = 	snop  }
0x230: {  	[tilespmem:s20], [sflag:$0x2] =	stream.indirect.gather [hbm4b:s3+s7], $0x80, s19, s7, $0xb8;
	[tilespmem:$0x1F720] =	vst v63  }
0x231: {  	_ = 	snop  }
0x232: {  	[tilespmem:s22], [sflag:$0x2] =	stream.indirect.gather [hbm4b:s3+s7], $0x80, s21, s7, $0xb8;
	[tilespmem:$0x1F720] =	vst v63  }
0x233: {  	_ = 	snop  }
0x234: {  	[tilespmem:s24], [sflag:$0x2] =	stream.indirect.gather [hbm4b:s3+s7], $0x80, s23, s7, $0xb8;
	[tilespmem:$0x1F720] =	vst v63  }
0x235: {  	_ = 	snop  }
0x236: {  	[tilespmem:s26], [sflag:$0x2] =	stream.indirect.gather [hbm4b:s3+s7], $0x80, s25, s7, $0xb8;
	[tilespmem:$0x1F720] =	vst v63  }
0x237: {  	_ =	swait.ge [sflag:s28], $0x2800  }
0x238: {  	[sflag:s28] =	ssyncset.done $0x0  }
0x239: {  	[sflag:s28] =	ssyncadd.s32 $0xFFFFD800  }
0x23a: {  	_ =	swait.ge [sflag:s28], $0x2800  }
0x23b: {  	[sflag:s28] =	ssyncset.done $0x0  }
0x23c: {  	[sflag:s28] =	ssyncadd.s32 $0xFFFFD800  }
0x23d: {  	_ =	swait.ge [sflag:s28], $0x2800  }
0x23e: {  	[sflag:s28] =	ssyncset.done $0x0  }
0x23f: {  	[sflag:s28] =	ssyncadd.s32 $0xFFFFD800  }
0x240: {  	_ =	swait.ge [sflag:s28], $0x2800  }
0x241: {  	[sflag:s28] =	ssyncset.done $0x0  }
0x242: {  	[sflag:s28] =	ssyncadd.s32 $0xFFFFD800  }
0x243: {  	_ =	swait.ge [sflag:s28], $0x2800  }
0x244: {  	[sflag:s28] =	ssyncset.done $0x0  }
0x245: {  	s1 =	simm.s32 $0x340;
	[sflag:s28] =	ssyncadd.s32 $0xFFFFD800  }
0x246: {  	s2 =	simm.s32 $0x340;
	s4 =	simm.s32 $0x0;
	s5 =	simm.s32 $0x100;
	v0 =	vld [tilespmem:s1+$0xFFFFFFE0]  }
.LBB2_18:
0x247: {  	p0 =	sne.s32 s5, $0x18F00;
	v1 =	vld [tilespmem:s4+$0x19320];
	_ =	sdelay $0x4  }
0x248: {  	v0 =	vadd.f32 v1, v0;
	_ =	sdelay $0x1  }
0x249: {  	[tilespmem:s1+$0xFFFFFFE0] =	vst v0;
	v0 =	vld [tilespmem:s1+$0xFFFFFFF0]  }
0x24a: {  	v1 =	vld [tilespmem:s4+$0x19330];
	_ =	sdelay $0x4  }
0x24b: {  	v0 =	vadd.f32 v1, v0;
	_ =	sdelay $0x1  }
0x24c: {  	[tilespmem:s1+$0xFFFFFFF0] =	vst v0;
	v0 =	vld [tilespmem:s1+$0x0]  }
0x24d: {  	v1 =	vld [tilespmem:s4+$0x19340];
	_ =	sdelay $0x4  }
0x24e: {  	v0 =	vadd.f32 v1, v0;
	_ =	sdelay $0x1  }
0x24f: {  	[tilespmem:s1+$0x0] =	vst v0;
	v0 =	vld [tilespmem:s1+$0x10]  }
0x250: {  	v1 =	vld [tilespmem:s4+$0x19350];
	_ =	sdelay $0x2  }
.Ltmp8:
0x251: {  	(pc) =	sbr.rel @p0 .LBB2_18-.Ltmp8, $4  }
0x252: {  	_ = 	snop  }
0x253: {  	v1 =	vadd.f32 v1, v0  }
0x254: {  	s1 =	sadd.s32 $0x80, s1  }
0x255: {  	s4 =	sshra.s32 s5, $0x2;
	s5 =	sadd.s32 $0x100, s5;
	v0 =	vld [tilespmem:s1+$0xFFFFFFE0];
	[tilespmem:s2+$0x10] =	vst v1;
	s2 =	smov.u32 s1  }
0x256: {  	v1 =	vld [tilespmem:s4+$0x19320];
	_ =	sdelay $0x4  }
0x257: {  	v0 =	vadd.f32 v1, v0;
	_ =	sdelay $0x1  }
0x258: {  	[tilespmem:s1+$0xFFFFFFE0] =	vst v0;
	v0 =	vld [tilespmem:s1+$0xFFFFFFF0]  }
0x259: {  	v1 =	vld [tilespmem:s4+$0x19330];
	_ =	sdelay $0x4  }
0x25a: {  	v0 =	vadd.f32 v1, v0;
	_ =	sdelay $0x1  }
0x25b: {  	[tilespmem:s1+$0xFFFFFFF0] =	vst v0;
	v0 =	vld [tilespmem:s1+$0x0]  }
0x25c: {  	v1 =	vld [tilespmem:s4+$0x19340];
	_ =	sdelay $0x4  }
0x25d: {  	v0 =	vadd.f32 v1, v0;
	_ =	sdelay $0x1  }
0x25e: {  	[tilespmem:s1+$0x0] =	vst v0;
	v0 =	vld [tilespmem:s1+$0x10]  }
0x25f: {  	v1 =	vld [tilespmem:s4+$0x19350];
	_ =	sdelay $0x4  }
0x260: {  	v0 =	vadd.f32 v1, v0;
	_ =	sdelay $0x1  }
0x261: {  	s1 =	simm.s32 $0x0;
	s4 =	rddreg [dreg:$0x1b];
	[tilespmem:s2+$0x10] =	vst v0  }
0x262: {  	[hbm4b:s4+s1] =	stream.linear.scatter [tilespmem:s8], [sflag:$0x3], $0xC800, $0x38;
	[tilespmem:$0x1F720] =	vst v63  }
0x263: {  	_ =	swait.ge [sflag:s29], $0xC800  }
0x264: {  	[sflag:s29] =	ssyncset.done $0x0  }
0x265: {  	s5 =	rddreg [dreg:$0xd];
	[sflag:s29] =	ssyncadd.s32 $0xFFFF3800  }
0x266: {  	[tilespmem:s1], [sflag:$0x5] =	stream.linear.gather [hbm4b:s5+s1], $0x190, $0x38;
	[tilespmem:$0x1F720] =	vst v63  }
0x267: {  	_ =	swait.ge [sflag:s6], $0x190  }
0x268: {  	[sflag:s6] =	ssyncset.done $0x0  }
0x269: {  	[sflag:s6] =	ssyncadd.s32 $0xFFFFFE70  }
0x26a: {  	[tilespmem:s8], [sflag:$0x1] =	stream.indirect.gather [hbm4b:s3+s7], $0x80, s1, s7, $0xb8;
	[tilespmem:$0x1F720] =	vst v63  }
0x26b: {  	_ = 	snop  }
0x26c: {  	[tilespmem:s9], [sflag:$0x1] =	stream.indirect.gather [hbm4b:s3+s7], $0x80, s7, s7, $0xb8;
	[tilespmem:$0x1F720] =	vst v63  }
0x26d: {  	_ = 	snop  }
0x26e: {  	[tilespmem:s11], [sflag:$0x1] =	stream.indirect.gather [hbm4b:s3+s7], $0x80, s10, s7, $0xb8;
	[tilespmem:$0x1F720] =	vst v63  }
0x26f: {  	_ = 	snop  }
0x270: {  	[tilespmem:s13], [sflag:$0x1] =	stream.indirect.gather [hbm4b:s3+s7], $0x80, s12, s7, $0xb8;
	[tilespmem:$0x1F720] =	vst v63  }
0x271: {  	_ = 	snop  }
0x272: {  	[tilespmem:s15], [sflag:$0x1] =	stream.indirect.gather [hbm4b:s3+s7], $0x80, s14, s7, $0xb8;
	[tilespmem:$0x1F720] =	vst v63  }
0x273: {  	_ =	swait.ge [sflag:s30], $0x2800  }
0x274: {  	[sflag:s30] =	ssyncset.done $0x0  }
0x275: {  	[sflag:s30] =	ssyncadd.s32 $0xFFFFD800  }
0x276: {  	_ =	swait.ge [sflag:s30], $0x2800  }
0x277: {  	[sflag:s30] =	ssyncset.done $0x0  }
0x278: {  	[sflag:s30] =	ssyncadd.s32 $0xFFFFD800  }
0x279: {  	_ =	swait.ge [sflag:s30], $0x2800  }
0x27a: {  	[sflag:s30] =	ssyncset.done $0x0  }
0x27b: {  	[sflag:s30] =	ssyncadd.s32 $0xFFFFD800  }
0x27c: {  	_ =	swait.ge [sflag:s30], $0x2800  }
0x27d: {  	[sflag:s30] =	ssyncset.done $0x0  }
0x27e: {  	[sflag:s30] =	ssyncadd.s32 $0xFFFFD800  }
0x27f: {  	_ =	swait.ge [sflag:s30], $0x2800  }
0x280: {  	[sflag:s30] =	ssyncset.done $0x0  }
0x281: {  	s1 =	simm.s32 $0xCB40;
	[sflag:s30] =	ssyncadd.s32 $0xFFFFD800  }
0x282: {  	s2 =	simm.s32 $0xCB40;
	s4 =	simm.s32 $0x0;
	s5 =	simm.s32 $0x100;
	v0 =	vld [tilespmem:s1+$0xFFFFFFE0]  }
.LBB2_20:
0x283: {  	p0 =	sne.s32 s5, $0x18F00;
	v1 =	vld [tilespmem:s4+$0x19320];
	_ =	sdelay $0x4  }
0x284: {  	v0 =	vadd.f32 v1, v0;
	_ =	sdelay $0x1  }
0x285: {  	[tilespmem:s1+$0xFFFFFFE0] =	vst v0;
	v0 =	vld [tilespmem:s1+$0xFFFFFFF0]  }
0x286: {  	v1 =	vld [tilespmem:s4+$0x19330];
	_ =	sdelay $0x4  }
0x287: {  	v0 =	vadd.f32 v1, v0;
	_ =	sdelay $0x1  }
0x288: {  	[tilespmem:s1+$0xFFFFFFF0] =	vst v0;
	v0 =	vld [tilespmem:s1+$0x0]  }
0x289: {  	v1 =	vld [tilespmem:s4+$0x19340];
	_ =	sdelay $0x4  }
0x28a: {  	v0 =	vadd.f32 v1, v0;
	_ =	sdelay $0x1  }
0x28b: {  	[tilespmem:s1+$0x0] =	vst v0;
	v0 =	vld [tilespmem:s1+$0x10]  }
0x28c: {  	v1 =	vld [tilespmem:s4+$0x19350];
	_ =	sdelay $0x2  }
.Ltmp9:
0x28d: {  	(pc) =	sbr.rel @p0 .LBB2_20-.Ltmp9, $4  }
0x28e: {  	_ = 	snop  }
0x28f: {  	v1 =	vadd.f32 v1, v0  }
0x290: {  	s1 =	sadd.s32 $0x80, s1  }
0x291: {  	s4 =	sshra.s32 s5, $0x2;
	s5 =	sadd.s32 $0x100, s5;
	v0 =	vld [tilespmem:s1+$0xFFFFFFE0];
	[tilespmem:s2+$0x10] =	vst v1;
	s2 =	smov.u32 s1  }
0x292: {  	v1 =	vld [tilespmem:s4+$0x19320];
	_ =	sdelay $0x4  }
0x293: {  	v0 =	vadd.f32 v1, v0;
	_ =	sdelay $0x1  }
0x294: {  	[tilespmem:s1+$0xFFFFFFE0] =	vst v0;
	v0 =	vld [tilespmem:s1+$0xFFFFFFF0]  }
0x295: {  	v1 =	vld [tilespmem:s4+$0x19330];
	_ =	sdelay $0x4  }
0x296: {  	v0 =	vadd.f32 v1, v0;
	_ =	sdelay $0x1  }
0x297: {  	[tilespmem:s1+$0xFFFFFFF0] =	vst v0;
	v0 =	vld [tilespmem:s1+$0x0]  }
0x298: {  	v1 =	vld [tilespmem:s4+$0x19340];
	_ =	sdelay $0x4  }
0x299: {  	v0 =	vadd.f32 v1, v0;
	_ =	sdelay $0x1  }
0x29a: {  	[tilespmem:s1+$0x0] =	vst v0;
	v0 =	vld [tilespmem:s1+$0x10]  }
0x29b: {  	v1 =	vld [tilespmem:s4+$0x19350];
	_ =	sdelay $0x4  }
0x29c: {  	v0 =	vadd.f32 v1, v0;
	_ =	sdelay $0x1  }
0x29d: {  	s1 =	simm.s32 $0x0;
	s4 =	rddreg [dreg:$0x1c];
	[tilespmem:s2+$0x10] =	vst v0  }
0x29e: {  	[hbm4b:s4+s1] =	stream.linear.scatter [tilespmem:s18], [sflag:$0x4], $0xC800, $0x38;
	[tilespmem:$0x1F720] =	vst v63  }
0x29f: {  	_ =	swait.ge [sflag:s31], $0xC800  }
0x2a0: {  	[sflag:s31] =	ssyncset.done $0x0  }
0x2a1: {  	s5 =	rddreg [dreg:$0xe];
	[sflag:s31] =	ssyncadd.s32 $0xFFFF3800  }
0x2a2: {  	[tilespmem:s16], [sflag:$0x5] =	stream.linear.gather [hbm4b:s5+s1], $0x190, $0x38;
	[tilespmem:$0x1F720] =	vst v63  }
0x2a3: {  	_ =	swait.ge [sflag:s6], $0x190  }
0x2a4: {  	[sflag:s6] =	ssyncset.done $0x0  }
0x2a5: {  	[sflag:s6] =	ssyncadd.s32 $0xFFFFFE70  }
0x2a6: {  	[tilespmem:s18], [sflag:$0x2] =	stream.indirect.gather [hbm4b:s3+s7], $0x80, s16, s7, $0xb8;
	[tilespmem:$0x1F720] =	vst v63  }
0x2a7: {  	_ = 	snop  }
0x2a8: {  	[tilespmem:s20], [sflag:$0x2] =	stream.indirect.gather [hbm4b:s3+s7], $0x80, s19, s7, $0xb8;
	[tilespmem:$0x1F720] =	vst v63  }
0x2a9: {  	_ = 	snop  }
0x2aa: {  	[tilespmem:s22], [sflag:$0x2] =	stream.indirect.gather [hbm4b:s3+s7], $0x80, s21, s7, $0xb8;
	[tilespmem:$0x1F720] =	vst v63  }
0x2ab: {  	_ = 	snop  }
0x2ac: {  	[tilespmem:s24], [sflag:$0x2] =	stream.indirect.gather [hbm4b:s3+s7], $0x80, s23, s7, $0xb8;
	[tilespmem:$0x1F720] =	vst v63  }
0x2ad: {  	_ = 	snop  }
0x2ae: {  	[tilespmem:s26], [sflag:$0x2] =	stream.indirect.gather [hbm4b:s3+s7], $0x80, s25, s7, $0xb8;
	[tilespmem:$0x1F720] =	vst v63  }
0x2af: {  	_ =	swait.ge [sflag:s28], $0x2800  }
0x2b0: {  	[sflag:s28] =	ssyncset.done $0x0  }
0x2b1: {  	[sflag:s28] =	ssyncadd.s32 $0xFFFFD800  }
0x2b2: {  	_ =	swait.ge [sflag:s28], $0x2800  }
0x2b3: {  	[sflag:s28] =	ssyncset.done $0x0  }
0x2b4: {  	[sflag:s28] =	ssyncadd.s32 $0xFFFFD800  }
0x2b5: {  	_ =	swait.ge [sflag:s28], $0x2800  }
0x2b6: {  	[sflag:s28] =	ssyncset.done $0x0  }
0x2b7: {  	[sflag:s28] =	ssyncadd.s32 $0xFFFFD800  }
0x2b8: {  	_ =	swait.ge [sflag:s28], $0x2800  }
0x2b9: {  	[sflag:s28] =	ssyncset.done $0x0  }
0x2ba: {  	[sflag:s28] =	ssyncadd.s32 $0xFFFFD800  }
0x2bb: {  	_ =	swait.ge [sflag:s28], $0x2800  }
0x2bc: {  	[sflag:s28] =	ssyncset.done $0x0  }
0x2bd: {  	s1 =	simm.s32 $0x340;
	[sflag:s28] =	ssyncadd.s32 $0xFFFFD800  }
0x2be: {  	s2 =	simm.s32 $0x340;
	s4 =	simm.s32 $0x0;
	s5 =	simm.s32 $0x100;
	v0 =	vld [tilespmem:s1+$0xFFFFFFE0]  }
.LBB2_22:
0x2bf: {  	p0 =	sne.s32 s5, $0x18F00;
	v1 =	vld [tilespmem:s4+$0x19320];
	_ =	sdelay $0x4  }
0x2c0: {  	v0 =	vadd.f32 v1, v0;
	_ =	sdelay $0x1  }
0x2c1: {  	[tilespmem:s1+$0xFFFFFFE0] =	vst v0;
	v0 =	vld [tilespmem:s1+$0xFFFFFFF0]  }
0x2c2: {  	v1 =	vld [tilespmem:s4+$0x19330];
	_ =	sdelay $0x4  }
0x2c3: {  	v0 =	vadd.f32 v1, v0;
	_ =	sdelay $0x1  }
0x2c4: {  	[tilespmem:s1+$0xFFFFFFF0] =	vst v0;
	v0 =	vld [tilespmem:s1+$0x0]  }
0x2c5: {  	v1 =	vld [tilespmem:s4+$0x19340];
	_ =	sdelay $0x4  }
0x2c6: {  	v0 =	vadd.f32 v1, v0;
	_ =	sdelay $0x1  }
0x2c7: {  	[tilespmem:s1+$0x0] =	vst v0;
	v0 =	vld [tilespmem:s1+$0x10]  }
0x2c8: {  	v1 =	vld [tilespmem:s4+$0x19350];
	_ =	sdelay $0x2  }
.Ltmp10:
0x2c9: {  	(pc) =	sbr.rel @p0 .LBB2_22-.Ltmp10, $4  }
0x2ca: {  	_ = 	snop  }
0x2cb: {  	v1 =	vadd.f32 v1, v0  }
0x2cc: {  	s1 =	sadd.s32 $0x80, s1  }
0x2cd: {  	s4 =	sshra.s32 s5, $0x2;
	s5 =	sadd.s32 $0x100, s5;
	v0 =	vld [tilespmem:s1+$0xFFFFFFE0];
	[tilespmem:s2+$0x10] =	vst v1;
	s2 =	smov.u32 s1  }
0x2ce: {  	v1 =	vld [tilespmem:s4+$0x19320];
	_ =	sdelay $0x4  }
0x2cf: {  	v0 =	vadd.f32 v1, v0;
	_ =	sdelay $0x1  }
0x2d0: {  	[tilespmem:s1+$0xFFFFFFE0] =	vst v0;
	v0 =	vld [tilespmem:s1+$0xFFFFFFF0]  }
0x2d1: {  	v1 =	vld [tilespmem:s4+$0x19330];
	_ =	sdelay $0x4  }
0x2d2: {  	v0 =	vadd.f32 v1, v0;
	_ =	sdelay $0x1  }
0x2d3: {  	[tilespmem:s1+$0xFFFFFFF0] =	vst v0;
	v0 =	vld [tilespmem:s1+$0x0]  }
0x2d4: {  	v1 =	vld [tilespmem:s4+$0x19340];
	_ =	sdelay $0x4  }
0x2d5: {  	v0 =	vadd.f32 v1, v0;
	_ =	sdelay $0x1  }
0x2d6: {  	[tilespmem:s1+$0x0] =	vst v0;
	v0 =	vld [tilespmem:s1+$0x10]  }
0x2d7: {  	v1 =	vld [tilespmem:s4+$0x19350];
	_ =	sdelay $0x4  }
0x2d8: {  	v0 =	vadd.f32 v1, v0;
	_ =	sdelay $0x1  }
0x2d9: {  	s1 =	simm.s32 $0x0;
	s4 =	rddreg [dreg:$0x1d];
	[tilespmem:s2+$0x10] =	vst v0  }
0x2da: {  	[hbm4b:s4+s1] =	stream.linear.scatter [tilespmem:s8], [sflag:$0x3], $0xC800, $0x38;
	[tilespmem:$0x1F720] =	vst v63  }
0x2db: {  	_ =	swait.ge [sflag:s29], $0xC800  }
0x2dc: {  	[sflag:s29] =	ssyncset.done $0x0  }
0x2dd: {  	s5 =	rddreg [dreg:$0xf];
	[sflag:s29] =	ssyncadd.s32 $0xFFFF3800  }
0x2de: {  	[tilespmem:s1], [sflag:$0x5] =	stream.linear.gather [hbm4b:s5+s1], $0x190, $0x38;
	[tilespmem:$0x1F720] =	vst v63  }
0x2df: {  	_ =	swait.ge [sflag:s6], $0x190  }
0x2e0: {  	[sflag:s6] =	ssyncset.done $0x0  }
0x2e1: {  	[sflag:s6] =	ssyncadd.s32 $0xFFFFFE70  }
0x2e2: {  	[tilespmem:s8], [sflag:$0x1] =	stream.indirect.gather [hbm4b:s3+s7], $0x80, s1, s7, $0xb8;
	[tilespmem:$0x1F720] =	vst v63  }
0x2e3: {  	_ = 	snop  }
0x2e4: {  	[tilespmem:s9], [sflag:$0x1] =	stream.indirect.gather [hbm4b:s3+s7], $0x80, s7, s7, $0xb8;
	[tilespmem:$0x1F720] =	vst v63  }
0x2e5: {  	_ = 	snop  }
0x2e6: {  	[tilespmem:s11], [sflag:$0x1] =	stream.indirect.gather [hbm4b:s3+s7], $0x80, s10, s7, $0xb8;
	[tilespmem:$0x1F720] =	vst v63  }
0x2e7: {  	_ = 	snop  }
0x2e8: {  	[tilespmem:s13], [sflag:$0x1] =	stream.indirect.gather [hbm4b:s3+s7], $0x80, s12, s7, $0xb8;
	[tilespmem:$0x1F720] =	vst v63  }
0x2e9: {  	_ = 	snop  }
0x2ea: {  	[tilespmem:s15], [sflag:$0x1] =	stream.indirect.gather [hbm4b:s3+s7], $0x80, s14, s7, $0xb8;
	[tilespmem:$0x1F720] =	vst v63  }
0x2eb: {  	_ =	swait.ge [sflag:s30], $0x2800  }
0x2ec: {  	[sflag:s30] =	ssyncset.done $0x0  }
0x2ed: {  	[sflag:s30] =	ssyncadd.s32 $0xFFFFD800  }
0x2ee: {  	_ =	swait.ge [sflag:s30], $0x2800  }
0x2ef: {  	[sflag:s30] =	ssyncset.done $0x0  }
0x2f0: {  	[sflag:s30] =	ssyncadd.s32 $0xFFFFD800  }
0x2f1: {  	_ =	swait.ge [sflag:s30], $0x2800  }
0x2f2: {  	[sflag:s30] =	ssyncset.done $0x0  }
0x2f3: {  	[sflag:s30] =	ssyncadd.s32 $0xFFFFD800  }
0x2f4: {  	_ =	swait.ge [sflag:s30], $0x2800  }
0x2f5: {  	[sflag:s30] =	ssyncset.done $0x0  }
0x2f6: {  	[sflag:s30] =	ssyncadd.s32 $0xFFFFD800  }
0x2f7: {  	_ =	swait.ge [sflag:s30], $0x2800  }
0x2f8: {  	[sflag:s30] =	ssyncset.done $0x0  }
0x2f9: {  	s1 =	simm.s32 $0xCB40;
	[sflag:s30] =	ssyncadd.s32 $0xFFFFD800  }
0x2fa: {  	s2 =	simm.s32 $0xCB40;
	s4 =	simm.s32 $0x0;
	s5 =	simm.s32 $0x100;
	v0 =	vld [tilespmem:s1+$0xFFFFFFE0]  }
.LBB2_24:
0x2fb: {  	p0 =	sne.s32 s5, $0x18F00;
	v1 =	vld [tilespmem:s4+$0x19320];
	_ =	sdelay $0x4  }
0x2fc: {  	v0 =	vadd.f32 v1, v0;
	_ =	sdelay $0x1  }
0x2fd: {  	[tilespmem:s1+$0xFFFFFFE0] =	vst v0;
	v0 =	vld [tilespmem:s1+$0xFFFFFFF0]  }
0x2fe: {  	v1 =	vld [tilespmem:s4+$0x19330];
	_ =	sdelay $0x4  }
0x2ff: {  	v0 =	vadd.f32 v1, v0;
	_ =	sdelay $0x1  }
0x300: {  	[tilespmem:s1+$0xFFFFFFF0] =	vst v0;
	v0 =	vld [tilespmem:s1+$0x0]  }
0x301: {  	v1 =	vld [tilespmem:s4+$0x19340];
	_ =	sdelay $0x4  }
0x302: {  	v0 =	vadd.f32 v1, v0;
	_ =	sdelay $0x1  }
0x303: {  	[tilespmem:s1+$0x0] =	vst v0;
	v0 =	vld [tilespmem:s1+$0x10]  }
0x304: {  	v1 =	vld [tilespmem:s4+$0x19350];
	_ =	sdelay $0x2  }
.Ltmp11:
0x305: {  	(pc) =	sbr.rel @p0 .LBB2_24-.Ltmp11, $4  }
0x306: {  	_ = 	snop  }
0x307: {  	v1 =	vadd.f32 v1, v0  }
0x308: {  	s1 =	sadd.s32 $0x80, s1  }
0x309: {  	s4 =	sshra.s32 s5, $0x2;
	s5 =	sadd.s32 $0x100, s5;
	v0 =	vld [tilespmem:s1+$0xFFFFFFE0];
	[tilespmem:s2+$0x10] =	vst v1;
	s2 =	smov.u32 s1  }
0x30a: {  	v1 =	vld [tilespmem:s4+$0x19320];
	_ =	sdelay $0x4  }
0x30b: {  	v0 =	vadd.f32 v1, v0;
	_ =	sdelay $0x1  }
0x30c: {  	[tilespmem:s1+$0xFFFFFFE0] =	vst v0;
	v0 =	vld [tilespmem:s1+$0xFFFFFFF0]  }
0x30d: {  	v1 =	vld [tilespmem:s4+$0x19330];
	_ =	sdelay $0x4  }
0x30e: {  	v0 =	vadd.f32 v1, v0;
	_ =	sdelay $0x1  }
0x30f: {  	[tilespmem:s1+$0xFFFFFFF0] =	vst v0;
	v0 =	vld [tilespmem:s1+$0x0]  }
0x310: {  	v1 =	vld [tilespmem:s4+$0x19340];
	_ =	sdelay $0x4  }
0x311: {  	v0 =	vadd.f32 v1, v0;
	_ =	sdelay $0x1  }
0x312: {  	[tilespmem:s1+$0x0] =	vst v0;
	v0 =	vld [tilespmem:s1+$0x10]  }
0x313: {  	v1 =	vld [tilespmem:s4+$0x19350];
	_ =	sdelay $0x4  }
0x314: {  	v0 =	vadd.f32 v1, v0;
	_ =	sdelay $0x1  }
0x315: {  	s1 =	simm.s32 $0x0;
	s4 =	rddreg [dreg:$0x1e];
	[tilespmem:s2+$0x10] =	vst v0  }
0x316: {  	[hbm4b:s4+s1] =	stream.linear.scatter [tilespmem:s18], [sflag:$0x4], $0xC800, $0x38;
	[tilespmem:$0x1F720] =	vst v63  }
0x317: {  	_ =	swait.ge [sflag:s31], $0xC800  }
0x318: {  	[sflag:s31] =	ssyncset.done $0x0  }
0x319: {  	s5 =	rddreg [dreg:$0x10];
	[sflag:s31] =	ssyncadd.s32 $0xFFFF3800  }
0x31a: {  	[tilespmem:s16], [sflag:$0x5] =	stream.linear.gather [hbm4b:s5+s1], $0x190, $0x38;
	[tilespmem:$0x1F720] =	vst v63  }
0x31b: {  	_ =	swait.ge [sflag:s6], $0x190  }
0x31c: {  	[sflag:s6] =	ssyncset.done $0x0  }
0x31d: {  	[sflag:s6] =	ssyncadd.s32 $0xFFFFFE70  }
0x31e: {  	[tilespmem:s18], [sflag:$0x2] =	stream.indirect.gather [hbm4b:s3+s7], $0x80, s16, s7, $0xb8;
	[tilespmem:$0x1F720] =	vst v63  }
0x31f: {  	_ = 	snop  }
0x320: {  	[tilespmem:s20], [sflag:$0x2] =	stream.indirect.gather [hbm4b:s3+s7], $0x80, s19, s7, $0xb8;
	[tilespmem:$0x1F720] =	vst v63  }
0x321: {  	_ = 	snop  }
0x322: {  	[tilespmem:s22], [sflag:$0x2] =	stream.indirect.gather [hbm4b:s3+s7], $0x80, s21, s7, $0xb8;
	[tilespmem:$0x1F720] =	vst v63  }
0x323: {  	_ = 	snop  }
0x324: {  	[tilespmem:s24], [sflag:$0x2] =	stream.indirect.gather [hbm4b:s3+s7], $0x80, s23, s7, $0xb8;
	[tilespmem:$0x1F720] =	vst v63  }
0x325: {  	_ = 	snop  }
0x326: {  	[tilespmem:s26], [sflag:$0x2] =	stream.indirect.gather [hbm4b:s3+s7], $0x80, s25, s7, $0xb8;
	[tilespmem:$0x1F720] =	vst v63  }
0x327: {  	_ =	swait.ge [sflag:s28], $0x2800  }
0x328: {  	[sflag:s28] =	ssyncset.done $0x0  }
0x329: {  	[sflag:s28] =	ssyncadd.s32 $0xFFFFD800  }
0x32a: {  	_ =	swait.ge [sflag:s28], $0x2800  }
0x32b: {  	[sflag:s28] =	ssyncset.done $0x0  }
0x32c: {  	[sflag:s28] =	ssyncadd.s32 $0xFFFFD800  }
0x32d: {  	_ =	swait.ge [sflag:s28], $0x2800  }
0x32e: {  	[sflag:s28] =	ssyncset.done $0x0  }
0x32f: {  	[sflag:s28] =	ssyncadd.s32 $0xFFFFD800  }
0x330: {  	_ =	swait.ge [sflag:s28], $0x2800  }
0x331: {  	[sflag:s28] =	ssyncset.done $0x0  }
0x332: {  	[sflag:s28] =	ssyncadd.s32 $0xFFFFD800  }
0x333: {  	_ =	swait.ge [sflag:s28], $0x2800  }
0x334: {  	[sflag:s28] =	ssyncset.done $0x0  }
0x335: {  	s1 =	simm.s32 $0x340;
	[sflag:s28] =	ssyncadd.s32 $0xFFFFD800  }
0x336: {  	s2 =	simm.s32 $0x340;
	s4 =	simm.s32 $0x0;
	s5 =	simm.s32 $0x100;
	v0 =	vld [tilespmem:s1+$0xFFFFFFE0]  }
.LBB2_26:
0x337: {  	p0 =	sne.s32 s5, $0x18F00;
	v1 =	vld [tilespmem:s4+$0x19320];
	_ =	sdelay $0x4  }
0x338: {  	v0 =	vadd.f32 v1, v0;
	_ =	sdelay $0x1  }
0x339: {  	[tilespmem:s1+$0xFFFFFFE0] =	vst v0;
	v0 =	vld [tilespmem:s1+$0xFFFFFFF0]  }
0x33a: {  	v1 =	vld [tilespmem:s4+$0x19330];
	_ =	sdelay $0x4  }
0x33b: {  	v0 =	vadd.f32 v1, v0;
	_ =	sdelay $0x1  }
0x33c: {  	[tilespmem:s1+$0xFFFFFFF0] =	vst v0;
	v0 =	vld [tilespmem:s1+$0x0]  }
0x33d: {  	v1 =	vld [tilespmem:s4+$0x19340];
	_ =	sdelay $0x4  }
0x33e: {  	v0 =	vadd.f32 v1, v0;
	_ =	sdelay $0x1  }
0x33f: {  	[tilespmem:s1+$0x0] =	vst v0;
	v0 =	vld [tilespmem:s1+$0x10]  }
0x340: {  	v1 =	vld [tilespmem:s4+$0x19350];
	_ =	sdelay $0x2  }
.Ltmp12:
0x341: {  	(pc) =	sbr.rel @p0 .LBB2_26-.Ltmp12, $4  }
0x342: {  	_ = 	snop  }
0x343: {  	v1 =	vadd.f32 v1, v0  }
0x344: {  	s1 =	sadd.s32 $0x80, s1  }
0x345: {  	s4 =	sshra.s32 s5, $0x2;
	s5 =	sadd.s32 $0x100, s5;
	v0 =	vld [tilespmem:s1+$0xFFFFFFE0];
	[tilespmem:s2+$0x10] =	vst v1;
	s2 =	smov.u32 s1  }
0x346: {  	v1 =	vld [tilespmem:s4+$0x19320];
	_ =	sdelay $0x4  }
0x347: {  	v0 =	vadd.f32 v1, v0;
	_ =	sdelay $0x1  }
0x348: {  	[tilespmem:s1+$0xFFFFFFE0] =	vst v0;
	v0 =	vld [tilespmem:s1+$0xFFFFFFF0]  }
0x349: {  	v1 =	vld [tilespmem:s4+$0x19330];
	_ =	sdelay $0x4  }
0x34a: {  	v0 =	vadd.f32 v1, v0;
	_ =	sdelay $0x1  }
0x34b: {  	[tilespmem:s1+$0xFFFFFFF0] =	vst v0;
	v0 =	vld [tilespmem:s1+$0x0]  }
0x34c: {  	v1 =	vld [tilespmem:s4+$0x19340];
	_ =	sdelay $0x4  }
0x34d: {  	v0 =	vadd.f32 v1, v0;
	_ =	sdelay $0x1  }
0x34e: {  	[tilespmem:s1+$0x0] =	vst v0;
	v0 =	vld [tilespmem:s1+$0x10]  }
0x34f: {  	v1 =	vld [tilespmem:s4+$0x19350];
	_ =	sdelay $0x4  }
0x350: {  	v0 =	vadd.f32 v1, v0;
	_ =	sdelay $0x1  }
0x351: {  	s1 =	simm.s32 $0x0;
	s4 =	rddreg [dreg:$0x1f];
	[tilespmem:s2+$0x10] =	vst v0  }
0x352: {  	[hbm4b:s4+s1] =	stream.linear.scatter [tilespmem:s8], [sflag:$0x3], $0xC800, $0x38;
	[tilespmem:$0x1F720] =	vst v63  }
0x353: {  	_ =	swait.ge [sflag:s29], $0xC800  }
0x354: {  	[sflag:s29] =	ssyncset.done $0x0  }
0x355: {  	s5 =	rddreg [dreg:$0x11];
	[sflag:s29] =	ssyncadd.s32 $0xFFFF3800  }
0x356: {  	[tilespmem:s1], [sflag:$0x5] =	stream.linear.gather [hbm4b:s5+s1], $0x190, $0x38;
	[tilespmem:$0x1F720] =	vst v63  }
0x357: {  	_ =	swait.ge [sflag:s6], $0x190  }
0x358: {  	[sflag:s6] =	ssyncset.done $0x0  }
0x359: {  	[sflag:s6] =	ssyncadd.s32 $0xFFFFFE70  }
0x35a: {  	[tilespmem:s8], [sflag:$0x1] =	stream.indirect.gather [hbm4b:s3+s7], $0x80, s1, s7, $0xb8;
	[tilespmem:$0x1F720] =	vst v63  }
0x35b: {  	_ = 	snop  }
0x35c: {  	[tilespmem:s9], [sflag:$0x1] =	stream.indirect.gather [hbm4b:s3+s7], $0x80, s7, s7, $0xb8;
	[tilespmem:$0x1F720] =	vst v63  }
0x35d: {  	_ = 	snop  }
0x35e: {  	[tilespmem:s11], [sflag:$0x1] =	stream.indirect.gather [hbm4b:s3+s7], $0x80, s10, s7, $0xb8;
	[tilespmem:$0x1F720] =	vst v63  }
0x35f: {  	_ = 	snop  }
0x360: {  	[tilespmem:s13], [sflag:$0x1] =	stream.indirect.gather [hbm4b:s3+s7], $0x80, s12, s7, $0xb8;
	[tilespmem:$0x1F720] =	vst v63  }
0x361: {  	_ = 	snop  }
0x362: {  	[tilespmem:s15], [sflag:$0x1] =	stream.indirect.gather [hbm4b:s3+s7], $0x80, s14, s7, $0xb8;
	[tilespmem:$0x1F720] =	vst v63  }
0x363: {  	_ =	swait.ge [sflag:s30], $0x2800  }
0x364: {  	[sflag:s30] =	ssyncset.done $0x0  }
0x365: {  	[sflag:s30] =	ssyncadd.s32 $0xFFFFD800  }
0x366: {  	_ =	swait.ge [sflag:s30], $0x2800  }
0x367: {  	[sflag:s30] =	ssyncset.done $0x0  }
0x368: {  	[sflag:s30] =	ssyncadd.s32 $0xFFFFD800  }
0x369: {  	_ =	swait.ge [sflag:s30], $0x2800  }
0x36a: {  	[sflag:s30] =	ssyncset.done $0x0  }
0x36b: {  	[sflag:s30] =	ssyncadd.s32 $0xFFFFD800  }
0x36c: {  	_ =	swait.ge [sflag:s30], $0x2800  }
0x36d: {  	[sflag:s30] =	ssyncset.done $0x0  }
0x36e: {  	[sflag:s30] =	ssyncadd.s32 $0xFFFFD800  }
0x36f: {  	_ =	swait.ge [sflag:s30], $0x2800  }
0x370: {  	[sflag:s30] =	ssyncset.done $0x0  }
0x371: {  	s1 =	simm.s32 $0xCB40;
	[sflag:s30] =	ssyncadd.s32 $0xFFFFD800  }
0x372: {  	s2 =	simm.s32 $0xCB40;
	s4 =	simm.s32 $0x0;
	s5 =	simm.s32 $0x100;
	v0 =	vld [tilespmem:s1+$0xFFFFFFE0]  }
.LBB2_28:
0x373: {  	p0 =	sne.s32 s5, $0x18F00;
	v1 =	vld [tilespmem:s4+$0x19320];
	_ =	sdelay $0x4  }
0x374: {  	v0 =	vadd.f32 v1, v0;
	_ =	sdelay $0x1  }
0x375: {  	[tilespmem:s1+$0xFFFFFFE0] =	vst v0;
	v0 =	vld [tilespmem:s1+$0xFFFFFFF0]  }
0x376: {  	v1 =	vld [tilespmem:s4+$0x19330];
	_ =	sdelay $0x4  }
0x377: {  	v0 =	vadd.f32 v1, v0;
	_ =	sdelay $0x1  }
0x378: {  	[tilespmem:s1+$0xFFFFFFF0] =	vst v0;
	v0 =	vld [tilespmem:s1+$0x0]  }
0x379: {  	v1 =	vld [tilespmem:s4+$0x19340];
	_ =	sdelay $0x4  }
0x37a: {  	v0 =	vadd.f32 v1, v0;
	_ =	sdelay $0x1  }
0x37b: {  	[tilespmem:s1+$0x0] =	vst v0;
	v0 =	vld [tilespmem:s1+$0x10]  }
0x37c: {  	v1 =	vld [tilespmem:s4+$0x19350];
	_ =	sdelay $0x2  }
.Ltmp13:
0x37d: {  	(pc) =	sbr.rel @p0 .LBB2_28-.Ltmp13, $4  }
0x37e: {  	_ = 	snop  }
0x37f: {  	v1 =	vadd.f32 v1, v0  }
0x380: {  	s1 =	sadd.s32 $0x80, s1  }
0x381: {  	s4 =	sshra.s32 s5, $0x2;
	s5 =	sadd.s32 $0x100, s5;
	v0 =	vld [tilespmem:s1+$0xFFFFFFE0];
	[tilespmem:s2+$0x10] =	vst v1;
	s2 =	smov.u32 s1  }
0x382: {  	v1 =	vld [tilespmem:s4+$0x19320];
	_ =	sdelay $0x4  }
0x383: {  	v0 =	vadd.f32 v1, v0;
	_ =	sdelay $0x1  }
0x384: {  	[tilespmem:s1+$0xFFFFFFE0] =	vst v0;
	v0 =	vld [tilespmem:s1+$0xFFFFFFF0]  }
0x385: {  	v1 =	vld [tilespmem:s4+$0x19330];
	_ =	sdelay $0x4  }
0x386: {  	v0 =	vadd.f32 v1, v0;
	_ =	sdelay $0x1  }
0x387: {  	[tilespmem:s1+$0xFFFFFFF0] =	vst v0;
	v0 =	vld [tilespmem:s1+$0x0]  }
0x388: {  	v1 =	vld [tilespmem:s4+$0x19340];
	_ =	sdelay $0x4  }
0x389: {  	v0 =	vadd.f32 v1, v0;
	_ =	sdelay $0x1  }
0x38a: {  	[tilespmem:s1+$0x0] =	vst v0;
	v0 =	vld [tilespmem:s1+$0x10]  }
0x38b: {  	v1 =	vld [tilespmem:s4+$0x19350];
	_ =	sdelay $0x4  }
0x38c: {  	s4 =	sld [smem:$0x7F9];
	v0 =	vadd.f32 v1, v0;
	_ =	sdelay $0x1  }
0x38d: {  	s1 =	simm.s32 $0x0;
	[tilespmem:s2+$0x10] =	vst v0  }
0x38e: {  	[hbm4b:s4+s1] =	stream.linear.scatter [tilespmem:s18], [sflag:$0x4], $0xC800, $0x38;
	[tilespmem:$0x1F720] =	vst v63  }
0x38f: {  	_ =	swait.ge [sflag:s31], $0xC800  }
0x390: {  	[sflag:s31] =	ssyncset.done $0x0  }
0x391: {  	s5 =	rddreg [dreg:$0x12];
	[sflag:s31] =	ssyncadd.s32 $0xFFFF3800  }
0x392: {  	[tilespmem:s16], [sflag:$0x5] =	stream.linear.gather [hbm4b:s5+s1], $0x190, $0x38;
	[tilespmem:$0x1F720] =	vst v63  }
0x393: {  	_ =	swait.ge [sflag:s6], $0x190  }
0x394: {  	[sflag:s6] =	ssyncset.done $0x0  }
0x395: {  	[sflag:s6] =	ssyncadd.s32 $0xFFFFFE70  }
0x396: {  	[tilespmem:s18], [sflag:$0x2] =	stream.indirect.gather [hbm4b:s3+s7], $0x80, s16, s7, $0xb8;
	[tilespmem:$0x1F720] =	vst v63  }
0x397: {  	_ = 	snop  }
0x398: {  	[tilespmem:s20], [sflag:$0x2] =	stream.indirect.gather [hbm4b:s3+s7], $0x80, s19, s7, $0xb8;
	[tilespmem:$0x1F720] =	vst v63  }
0x399: {  	_ = 	snop  }
0x39a: {  	[tilespmem:s22], [sflag:$0x2] =	stream.indirect.gather [hbm4b:s3+s7], $0x80, s21, s7, $0xb8;
	[tilespmem:$0x1F720] =	vst v63  }
0x39b: {  	_ = 	snop  }
0x39c: {  	[tilespmem:s24], [sflag:$0x2] =	stream.indirect.gather [hbm4b:s3+s7], $0x80, s23, s7, $0xb8;
	[tilespmem:$0x1F720] =	vst v63  }
0x39d: {  	_ = 	snop  }
0x39e: {  	[tilespmem:s26], [sflag:$0x2] =	stream.indirect.gather [hbm4b:s3+s7], $0x80, s25, s7, $0xb8;
	[tilespmem:$0x1F720] =	vst v63  }
0x39f: {  	_ =	swait.ge [sflag:s28], $0x2800  }
0x3a0: {  	[sflag:s28] =	ssyncset.done $0x0  }
0x3a1: {  	[sflag:s28] =	ssyncadd.s32 $0xFFFFD800  }
0x3a2: {  	_ =	swait.ge [sflag:s28], $0x2800  }
0x3a3: {  	[sflag:s28] =	ssyncset.done $0x0  }
0x3a4: {  	[sflag:s28] =	ssyncadd.s32 $0xFFFFD800  }
0x3a5: {  	_ =	swait.ge [sflag:s28], $0x2800  }
0x3a6: {  	[sflag:s28] =	ssyncset.done $0x0  }
0x3a7: {  	[sflag:s28] =	ssyncadd.s32 $0xFFFFD800  }
0x3a8: {  	_ =	swait.ge [sflag:s28], $0x2800  }
0x3a9: {  	[sflag:s28] =	ssyncset.done $0x0  }
0x3aa: {  	[sflag:s28] =	ssyncadd.s32 $0xFFFFD800  }
0x3ab: {  	_ =	swait.ge [sflag:s28], $0x2800  }
0x3ac: {  	[sflag:s28] =	ssyncset.done $0x0  }
0x3ad: {  	s1 =	simm.s32 $0x340;
	[sflag:s28] =	ssyncadd.s32 $0xFFFFD800  }
0x3ae: {  	s2 =	simm.s32 $0x340;
	s4 =	simm.s32 $0x0;
	s5 =	simm.s32 $0x100;
	v0 =	vld [tilespmem:s1+$0xFFFFFFE0]  }
.LBB2_30:
0x3af: {  	p0 =	sne.s32 s5, $0x18F00;
	v1 =	vld [tilespmem:s4+$0x19320];
	_ =	sdelay $0x4  }
0x3b0: {  	v0 =	vadd.f32 v1, v0;
	_ =	sdelay $0x1  }
0x3b1: {  	[tilespmem:s1+$0xFFFFFFE0] =	vst v0;
	v0 =	vld [tilespmem:s1+$0xFFFFFFF0]  }
0x3b2: {  	v1 =	vld [tilespmem:s4+$0x19330];
	_ =	sdelay $0x4  }
0x3b3: {  	v0 =	vadd.f32 v1, v0;
	_ =	sdelay $0x1  }
0x3b4: {  	[tilespmem:s1+$0xFFFFFFF0] =	vst v0;
	v0 =	vld [tilespmem:s1+$0x0]  }
0x3b5: {  	v1 =	vld [tilespmem:s4+$0x19340];
	_ =	sdelay $0x4  }
0x3b6: {  	v0 =	vadd.f32 v1, v0;
	_ =	sdelay $0x1  }
0x3b7: {  	[tilespmem:s1+$0x0] =	vst v0;
	v0 =	vld [tilespmem:s1+$0x10]  }
0x3b8: {  	v1 =	vld [tilespmem:s4+$0x19350];
	_ =	sdelay $0x2  }
.Ltmp14:
0x3b9: {  	(pc) =	sbr.rel @p0 .LBB2_30-.Ltmp14, $4  }
0x3ba: {  	_ = 	snop  }
0x3bb: {  	v1 =	vadd.f32 v1, v0  }
0x3bc: {  	s1 =	sadd.s32 $0x80, s1  }
0x3bd: {  	s4 =	sshra.s32 s5, $0x2;
	s5 =	sadd.s32 $0x100, s5;
	v0 =	vld [tilespmem:s1+$0xFFFFFFE0];
	[tilespmem:s2+$0x10] =	vst v1;
	s2 =	smov.u32 s1  }
0x3be: {  	v1 =	vld [tilespmem:s4+$0x19320];
	_ =	sdelay $0x4  }
0x3bf: {  	v0 =	vadd.f32 v1, v0;
	_ =	sdelay $0x1  }
0x3c0: {  	[tilespmem:s1+$0xFFFFFFE0] =	vst v0;
	v0 =	vld [tilespmem:s1+$0xFFFFFFF0]  }
0x3c1: {  	v1 =	vld [tilespmem:s4+$0x19330];
	_ =	sdelay $0x4  }
0x3c2: {  	v0 =	vadd.f32 v1, v0;
	_ =	sdelay $0x1  }
0x3c3: {  	[tilespmem:s1+$0xFFFFFFF0] =	vst v0;
	v0 =	vld [tilespmem:s1+$0x0]  }
0x3c4: {  	v1 =	vld [tilespmem:s4+$0x19340];
	_ =	sdelay $0x4  }
0x3c5: {  	v0 =	vadd.f32 v1, v0;
	_ =	sdelay $0x1  }
0x3c6: {  	[tilespmem:s1+$0x0] =	vst v0;
	v0 =	vld [tilespmem:s1+$0x10]  }
0x3c7: {  	v1 =	vld [tilespmem:s4+$0x19350];
	_ =	sdelay $0x4  }
0x3c8: {  	s5 =	sld [smem:$0x7FA];
	v0 =	vadd.f32 v1, v0;
	_ =	sdelay $0x1  }
0x3c9: {  	s4 =	simm.s32 $0x0;
	[tilespmem:s2+$0x10] =	vst v0  }
0x3ca: {  	[hbm4b:s5+s4] =	stream.linear.scatter [tilespmem:s8], [sflag:$0x3], $0xC800, $0x38;
	[tilespmem:$0x1F720] =	vst v63  }
0x3cb: {  	_ =	swait.ge [sflag:s30], $0x2800  }
0x3cc: {  	[sflag:s30] =	ssyncset.done $0x0  }
0x3cd: {  	[sflag:s30] =	ssyncadd.s32 $0xFFFFD800  }
0x3ce: {  	_ =	swait.ge [sflag:s30], $0x2800  }
0x3cf: {  	[sflag:s30] =	ssyncset.done $0x0  }
0x3d0: {  	[sflag:s30] =	ssyncadd.s32 $0xFFFFD800  }
0x3d1: {  	_ =	swait.ge [sflag:s30], $0x2800  }
0x3d2: {  	[sflag:s30] =	ssyncset.done $0x0  }
0x3d3: {  	[sflag:s30] =	ssyncadd.s32 $0xFFFFD800  }
0x3d4: {  	_ =	swait.ge [sflag:s30], $0x2800  }
0x3d5: {  	[sflag:s30] =	ssyncset.done $0x0  }
0x3d6: {  	[sflag:s30] =	ssyncadd.s32 $0xFFFFD800  }
0x3d7: {  	_ =	swait.ge [sflag:s30], $0x2800  }
0x3d8: {  	[sflag:s30] =	ssyncset.done $0x0  }
0x3d9: {  	s1 =	simm.s32 $0xCB40;
	[sflag:s30] =	ssyncadd.s32 $0xFFFFD800  }
0x3da: {  	s2 =	simm.s32 $0xCB40;
	s4 =	simm.s32 $0x0;
	s5 =	simm.s32 $0x100;
	v0 =	vld [tilespmem:s1+$0xFFFFFFE0]  }
.LBB2_32:
0x3db: {  	p0 =	sne.s32 s5, $0x18F00;
	v1 =	vld [tilespmem:s4+$0x19320];
	_ =	sdelay $0x4  }
0x3dc: {  	v0 =	vadd.f32 v1, v0;
	_ =	sdelay $0x1  }
0x3dd: {  	[tilespmem:s1+$0xFFFFFFE0] =	vst v0;
	v0 =	vld [tilespmem:s1+$0xFFFFFFF0]  }
0x3de: {  	v1 =	vld [tilespmem:s4+$0x19330];
	_ =	sdelay $0x4  }
0x3df: {  	v0 =	vadd.f32 v1, v0;
	_ =	sdelay $0x1  }
0x3e0: {  	[tilespmem:s1+$0xFFFFFFF0] =	vst v0;
	v0 =	vld [tilespmem:s1+$0x0]  }
0x3e1: {  	v1 =	vld [tilespmem:s4+$0x19340];
	_ =	sdelay $0x4  }
0x3e2: {  	v0 =	vadd.f32 v1, v0;
	_ =	sdelay $0x1  }
0x3e3: {  	[tilespmem:s1+$0x0] =	vst v0;
	v0 =	vld [tilespmem:s1+$0x10]  }
0x3e4: {  	v1 =	vld [tilespmem:s4+$0x19350];
	_ =	sdelay $0x2  }
.Ltmp15:
0x3e5: {  	(pc) =	sbr.rel @p0 .LBB2_32-.Ltmp15, $4  }
0x3e6: {  	_ = 	snop  }
0x3e7: {  	v1 =	vadd.f32 v1, v0  }
0x3e8: {  	s1 =	sadd.s32 $0x80, s1  }
0x3e9: {  	s4 =	sshra.s32 s5, $0x2;
	s5 =	sadd.s32 $0x100, s5;
	v0 =	vld [tilespmem:s1+$0xFFFFFFE0];
	[tilespmem:s2+$0x10] =	vst v1;
	s2 =	smov.u32 s1  }
0x3ea: {  	v1 =	vld [tilespmem:s4+$0x19320];
	_ =	sdelay $0x4  }
0x3eb: {  	v0 =	vadd.f32 v1, v0;
	_ =	sdelay $0x1  }
0x3ec: {  	v58 =	vld [tilespmem:s1+$0xFFFFFFF0];
	[tilespmem:s1+$0xFFFFFFE0] =	vst v0  }
0x3ed: {  	v59 =	vld [tilespmem:s4+$0x19330];
	_ =	sdelay $0x4  }
0x3ee: {  	v0 =	vadd.f32 v59, v58;
	_ =	sdelay $0x1  }
0x3ef: {  	v60 =	vld [tilespmem:s1+$0x0];
	[tilespmem:s1+$0xFFFFFFF0] =	vst v0  }
0x3f0: {  	v61 =	vld [tilespmem:s4+$0x19340];
	_ =	sdelay $0x4  }
0x3f1: {  	v0 =	vadd.f32 v61, v60;
	_ =	sdelay $0x1  }
0x3f2: {  	v62 =	vld [tilespmem:s1+$0x10];
	[tilespmem:s1+$0x0] =	vst v0  }
0x3f3: {  	v63 =	vld [tilespmem:s4+$0x19350];
	_ =	sdelay $0x4  }
0x3f4: {  	s4 =	sld [smem:$0x7FB];
	v0 =	vadd.f32 v63, v62;
	_ =	sdelay $0x1  }
0x3f5: {  	[tilespmem:s2+$0x10] =	vst v0  }
0x3f6: {  	[hbm4b:s4+s17] =	stream.linear.scatter [tilespmem:s18], [sflag:$0x4], $0xC800, $0x38;
	[tilespmem:$0x1F720] =	vst v63  }
0x3f7: {  	_ =	swait.ge [sflag:s29], $0xC800  }
0x3f8: {  	[sflag:s29] =	ssyncset.done $0x0  }
0x3f9: {  	[sflag:s29] =	ssyncadd.s32 $0xFFFF3800  }
0x3fa: {  	_ =	swait.ge [sflag:s31], $0xC800  }
0x3fb: {  	s5 =	sld [smem:$0x7FD];
	_ =	sdelay $0x1  }
0x3fc: {  	s0 =	sadd.s32 $0x1, s0  }
0x3fd: {  	p0 =	sne.s32 s0, s5  }
.Ltmp16:
0x3fe: {  	_ = 	snop;
	(pc) =	sbr.rel @p0 .LBB2_1-.Ltmp16, $3  }
0x3ff: {  	_ =	sdelay $0x1  }
0x400: {  	[sflag:s31] =	ssyncset.done $0x0  }
0x401: {  	[sflag:s31] =	ssyncadd.s32 $0xFFFF3800  }
0x402: {  	_ =	sfence.sel $0x180000  }
0x403: {  	[bflag:$0x0] =	sbarrier.arrive $0xFFFF  }
0x404: {  	_ =	strace $0x90000047  }
0x405: {  	s0 =	stileid.u32;
	[bflag:$0x2] =	sbarrier.arrive $0xFFFF  }
0x406: {  	p0 =	sne.s32 s0, $0x0;
	s0 =	rddreg [dreg:$0x2]  }
0x407: {  	s0 =	sadd.s32 @!p0 $0x100000, s0  }
0x408: {  	[sflag:s0] =	ssyncadd.tile.s32 @!p0 $0x1;
	_ =	shalt  }
.Lfunc_end2:
_tile_overlayer_lowered:
.L_overlay_start_2:
0x409: {  	(tag) =	ssettag $0x2  }
0x40a: {  	s0 =	rddreg [dreg:$0x0];
	s2 =	stileid.u32  }
0x40b: {  	s1 =	rddreg [dreg:$0x1];
	p0 =	sne.s32 s2, $0x0  }
0x40c: {  	s3 =	rddreg [dreg:$0x2];
	[bflag:$0x3] =	sbarrier.arrive $0xFFFF;
	s2 =	simm.s32 @!p0 $0x1C05  }
0x40d: {  	[timem:s3], [sflag:s2] =	dma.local @!p0 [hbm:s0], s1  }
0x40e: {  	s0 =	simm.s32 @!p0 $0x5  }
0x40f: {  	_ =	swait.ge @!p0 [sflag:s0], s1  }
0x410: {  	s1 =	ssub.s32 @!p0 $0x0, s1;
	[sflag:s0] =	ssyncset.done @!p0 $0x0  }
0x411: {  	[sflag:s0] =	ssyncadd.s32 @!p0 s1  }
0x412: {  	[bflag:$0x3] =	sbarrier.arrive $0xFFFF  }
0x413: {  	_ =	shalt  }

// kernel: sparse-core-data-format-call.cloned.1.call-start
scs
called_computation_lowered:
.L_overlay_start_0:
0x0: {  	s2 =	sld [smem:$0x3FD9]  }
0x1: {  	s3 =	sld [smem:$0x3FFE];
	_ =	sdelay $0x1  }
0x2: {  	s1 =	srdreg.scid  }
0x3: {  	s0 =	sand.u32 $0x1, s1  }
0x4: {  	s18 =	sshll.u32 s0, $0xA;
	s2 =	sadd.s32 s3, s2  }
0x5: {  	s2 =	sadd.s32 s2, s18  }
0x6: {  	[smem:$0x3FC5] =	sst s2  }
0x7: {  	_ = 	snop  }
0x8: {  	s2 =	sld [smem:$0x3FD0];
	(tm) =	ssettm $0x1  }
0x9: {  	s19 =	sld [smem:$0x3FFB];
	_ =	sdelay $0x3  }
0xa: {  	_ =	strace s19  }
0xb: {  	s3 =	sld [smem:$0x3FFC];
	_ =	sdelay $0x3  }
0xc: {  	_ =	strace s3  }
0xd: {  	s3 =	sld [smem:$0x3FFD];
	_ =	sdelay $0x3  }
0xe: {  	_ =	strace s3  }
0xf: {  	_ =	strace $0x8FFFFFFF  }
0x10: {  	s20 =	sld [smem:$0x3FDB];
	_ =	sdelay $0x1  }
0x11: {  	s4 =	simm.s32 $_scs_section_size  }
0x12: {  	s5 =	simm.s32 $_size__tile_overlayer_lowered;
	s6 =	simm.s32 $_tile_overlayer_lowered  }
0x13: {  	s23 =	simm.s32 $0x1BFF;
	s22 =	sshll.u32 s6, $0x1;
	s3 =	sadd.s32 s4, s20  }
0x14: {  	s7 =	simm.s32 $0x0;
	s21 =	sshll.u32 s5, $0x1;
	s5 =	sadd.s32 s22, s3  }
0x15: {  	[timem:s7], [sflag:s23] =	dma.local [hbm:s5], s21  }
0x16: {  	_ =	swait.ge [sflag:s23], s21  }
0x17: {  	s4 =	ssub.s32 $0x0, s21;
	[sflag:s23] =	ssyncset.done $0x0  }
0x18: {  	[sflag:s23] =	ssyncadd.s32 s4;
	_ =	sdelay $0x1  }
0x19: {  	s24 =	simm.s32 $0x1B8B  }
0x1a: {  	_ =	swait.ge [sflag:s24], $0x1  }
0x1b: {  	[sflag:s24] =	ssyncset.done $0x0  }
0x1c: {  	s26 =	simm.s32 $0x1B8E;
	s25 =	sld [smem:$0x3FFE];
	[sflag:s24] =	ssyncadd.s32 $0xFFFFFFFF  }
0x1d: {  	s27 =	simm.s32 $execute0_lowered;
	[smem:$0x3FD2] =	sst s26  }
0x1e: {  	s5 =	sshll.u32 s27, $0x1;
	_ =	strace $0x80000049;
	[dreg:$0x1] =	wrdreg $0xFFFFFFFF  }
0x1f: {  	s28 =	simm.s32 $_size_execute0_lowered;
	s3 =	sadd.s32 s3, s5;
	[dreg:$0x0] =	wrdreg $0x0  }
0x20: {  	s5 =	sshll.u32 s28, $0x1;
	[dreg:$0x2] =	wrdreg s3  }
0x21: {  	[dreg:$0x3] =	wrdreg s5  }
0x22: {  	[dreg:$0x4] =	wrdreg $0xC0  }
0x23: {  	_ =	task [dreg:s7], $0x5FFFF  }
0x24: {  	[dreg:$0x1] =	wrdreg $0xFFFFFFFF  }
0x25: {  	[dreg:$0x0] =	wrdreg $0x60  }
0x26: {  	[dreg:$0x2] =	wrdreg s25  }
0x27: {  	[dreg:$0x3] =	wrdreg s2  }
0x28: {  	[dreg:$0x4] =	wrdreg $0x9  }
0x29: {  	_ =	task.clear_ibuf [dreg:s7], $0x5FFFF;
	_ =	strace $0x90000049  }
0x2a: {  	s29 =	simm.s32 $0x9;
	_ =	strace $0x8000004B  }
0x2b: {  	_ =	swait.ge [sflag:s29], $0x1  }
0x2c: {  	[sflag:s29] =	ssyncadd.s32 $0xFFFFFFFF  }
0x2d: {  	_ =	strace $0x9000004B  }
0x2e: {  	_ =	sfence  }
0x2f: {  	s30 =	sld [smem:$0x0];
	_ =	sdelay $0x2  }
0x30: {  	s31 =	sshll.u32 s1, $0xD;
	s1 =	sshrl.u32 s1, $0x2  }
0x31: {  	s3 =	sand.u32 $0x4000, s31;
	s1 =	sadd.s32 s1, s30  }
0x32: {  	s0 =	sor.u32 s3, s0;
	s1 =	sshll.u32 s1, $0x11  }
0x33: {  	s0 =	sor.u32 s1, s0  }
0x34: {  	s0 =	sadd.s32 $0x8F2B, s0  }
0x35: {  	[sflag:s0] =	ssyncadd.remote.s32 $0x1  }
0x36: {  	_ =	sfence.sel $0xFFFF  }
0x37: {  	[dreg:$0x0] =	wrdreg $0xFFFFFFFF;
	(pc) =	sbr.abs _section_cstart, $3  }
0x38: {  	[dreg:$0x1] =	wrdreg $0xFFFFFFFF  }
0x39: {  	_ =	task.clear_ibuf [dreg:s7], $0x2FFFF;
	_ =	strace $0x9FFFFFFF  }
0x3a: {  	(tm) =	ssettm $0x7FFFFFFF  }
0x3b: {  	_ =	shalt  }
tec
execute0_lowered:
.L_overlay_start_1:
0x0: {  	(tag) =	ssettag $0x1  }
0x1: {  	s0 =	stileid.u32;
	s6 =	rddreg [dreg:$0x0]  }
0x2: {  	s2 =	rddreg [dreg:$0x1];
	s5 =	srdreg.scid  }
0x3: {  	s31 =	simm.s32 $0x2;
	s13 =	simm.s32 $0x0;
	s1 =	sshll.u32 s0, $0x7  }
0x4: {  	s14 =	simm.s32 $0x0;
	s12 =	simm.s32 $0x0;
	s3 =	sand.u32 $0x380, s1  }
0x5: {  	s5 =	sshll.u32 s5, $0x4;
	s6 =	sadd.s32 $0xF43A00, s6;
	s4 =	ssub.s32 $0x400, s3  }
0x6: {  	s1 =	rddreg [dreg:$0x2];
	_ =	strace $0x8000004A;
	s7 =	sand.u32 $0x380, s4  }
0x7: {  	s5 =	sand.u32 $0x10, s5;
	p0 =	sne.s32 s7, $0x0;
	s7 =	simm.s32 $0x1  }
.Ltmp0:
0x8: {  	s8 =	sshrl.u32 s4, $0xA;
	s7 =	simm.s32 @!p0 $0x0;
	(pc) =	sbr.rel .LBB1_1-.Ltmp0, $4  }
0x9: {  	s9 =	sor.u32 s0, s5;
	s4 =	simm.s32 $0x1;
	s30 =	sadd.s32 s7, s8  }
0xa: {  	s11 =	smov.u32 s3;
	[sflag:s4] =	ssyncpa.u1 $0x0;
	s5 =	smul.u32 $0x32, s30  }
0xb: {  	[sflag:s31] =	ssyncpa.u1 $0x0;
	p0 =	por $0x0, $0x0;
	s7 =	sshrl.u32 s9, $0x3  }
0xc: {  	s9 =	simm.s32 $0x2000;
	s10 =	smov.u32 s7;
	s8 =	sor.u32 $0x1, s5  }
.LBB1_4:
0xd: {  	s17 =	sand.u32 $0x1F80, s14;
	s13 =	sshll.u32 s13, $0xD  }
0xe: {  	[tilespmem:s16+$0x810 ss:$0x81] =	vst.msk $0xffff, v2;
	s18 =	sshrl.u32 s14, $0x3;
	s31 =	sand.u32 $0x7, s14;
	s17 =	sadd.s32 s2, s17  }
0xf: {  	[tilespmem:s16+$0x1020 ss:$0x81] =	vst.msk $0xffff, v0;
	s18 =	sand.u32 $0xF, s18;
	s14 =	sshll.u32 s31, $0x12;
	s13 =	sadd.s32 s13, s17  }
0x10: {  	[tilespmem:s16+$0x0 ss:$0x81] =	vst.msk $0xffff, v1;
	s14 =	sor.u32 $0x400, s14;
	s13 =	sadd.s32 s18, s13  }
0x11: {  	[hbm4b:s13+s14] =	stream.strided.scatter [tilespmem:s15], [sflag:$0x2], $0x2000, s9, s14, $0x20;
	[tilespmem:$0x8080] =	vst v63  }
.LBB1_5:
0x12: {  	s15 =	sadd.s32 $0x4, s10  }
0x13: {  	s13 =	sadd.s32 $0x400, s11;
	s17 =	smov.u32 s11;
	p2 =	sgt.s32 s15, $0xC7  }
0x14: {  	s17 =	smov.u32 @p2 s13  }
0x15: {  	s15 =	smov.u32 @p2 s7;
	p2 =	sgt.s32 s17, $0x3FF  }
0x16: {  	s17 =	smov.u32 @p2 s3;
	p2 =	sne.s32 s12, s8  }
.Ltmp1:
0x17: {  	p1 =	slt.u32 s12, $0x2;
	(pc) =	sbr.rel @!p2 .LBB1_6-.Ltmp1, $4  }
0x18: {  	s16 =	simm.s32 @!p1 $0x2  }
0x19: {  	s14 =	smov.u32 s11;
	p0 =	por !p0, !p0;
	_ =	swait.ge @!p1 [sflag:s16], $0x2000  }
0x1a: {  	s13 =	smov.u32 s10;
	[sflag:s16] =	ssyncset.done @!p1 $0x0;
	s10 =	smov.u32 s15  }
0x1b: {  	s12 =	sadd.s32 $0x1, s12;
	[sflag:s16] =	ssyncadd.s32 @!p1 $0xFFFFE000;
	s11 =	smov.u32 s17  }
.LBB1_1:
0x1c: {  	p1 =	sge.u32 s12, s5  }
0x1d: {  	s15 =	sand.u32 @!p1 $0x1FFFFFF, s10  }
0x1e: {  	s16 =	smulhi.u32 @!p1 $0x147AE15, s15;
	_ =	sdelay $0x1  }
0x1f: {  	s16 =	smul.u32 @!p1 $0xC8, s16  }
0x20: {  	s17 =	sxor.u32 @!p1 $0xFFFFFFFF, s12;
	s18 =	smul.u32 @!p1 $0xC80, s11  }
0x21: {  	s31 =	sadd.s32 $0xFFFFFFFF, s12;
	s17 =	sshll.u32 @!p1 s17, $0xD;
	s15 =	ssub.s32 @!p1 s15, s16  }
0x22: {  	s16 =	sand.u32 @!p1 $0x2000, s17;
	s17 =	sadd.s32 @!p1 s6, s18;
	s15 =	sshll.u32 @!p1 s15, $0x4  }
0x23: {  	s18 =	simm.s32 @!p1 $0x6400;
	s15 =	sadd.s32 @!p1 s15, s17;
	s17 =	simm.s32 @!p1 $0x40  }
0x24: {  	[tilespmem:s16], [sflag:$0x1] =	stream.strided.gather @!p1 [hbm4b:s15+s17], $0x2000, s18, s17, $0x38;
	[tilespmem:$0x8080] =	vst v63  }
0x25: {  	p1 =	sge.u32 s31, s5  }
.Ltmp2:
0x26: {  	_ = 	snop;
	(pc) =	sbr.rel @p1 .LBB1_5-.Ltmp2, $1  }
0x27: {  	_ =	sdelay $0x3  }
0x28: {  	s15 =	simm.s32 $0x1  }
0x29: {  	_ =	swait.ge [sflag:s4], $0x2000;
	s15 =	simm.s32 @!p0 $0x0  }
0x2a: {  	[sflag:s4] =	ssyncset.done $0x0;
	s16 =	sshll.u32 s15, $0xD  }
0x2b: {  	[sflag:s4] =	ssyncadd.s32 $0xFFFFE000;
	s19 =	sor.u32 $0x20, s16  }
0x2c: {  	s15 =	smul.u32 $0x8100, s15;
	v3 =	vld [tilespmem:s19+$0x10]  }
0x2d: {  	s30 =	sand.u32 $0x1, s12;
	v2 =	vld [tilespmem:s19+$0xFFFFFFF0]  }
0x2e: {  	s16 =	smul.u32 $0x8100, s30;
	s15 =	sshrl.u32 s15, $0x2;
	v0 =	vld [tilespmem:s19+$0x0]  }
0x2f: {  	v1 =	vld [tilespmem:s19+$0xFFFFFFE0];
	s17 =	sor.u32 $0x4000, s15  }
0x30: {  	s31 =	sshrl.u32 s16, $0x2;
	s16 =	sadd.s32 $0x0, s17  }
0x31: {  	s18 =	simm.s32 $0x4;
	s19 =	sadd.s32 $0x40, s19;
	s15 =	sor.u32 $0x4000, s31;
	[tilespmem:s16+$0x1830 ss:$0x81] =	vst.msk $0xffff, v3  }
.LBB1_3:
0x32: {  	v3 =	vld [tilespmem:s19+$0x10];
	p1 =	sne.s32 s18, $0x1FC;
	[tilespmem:s16+$0x810 ss:$0x81] =	vst.msk $0xffff, v2;
	s20 =	smov.u32 s18;
	s18 =	sadd.s32 $0x4, s18  }
.Ltmp3:
0x33: {  	v2 =	vld [tilespmem:s19+$0xFFFFFFF0];
	[tilespmem:s16+$0x1020 ss:$0x81] =	vst.msk $0xffff, v0;
	(pc) =	sbr.rel @p1 .LBB1_3-.Ltmp3, $4  }
0x34: {  	v0 =	vld [tilespmem:s19+$0x0];
	[tilespmem:s16+$0x0 ss:$0x81] =	vst.msk $0xffff, v1  }
0x35: {  	s16 =	sshra.s32 s20, $0x2;
	v1 =	vld [tilespmem:s19+$0xFFFFFFE0]  }
0x36: {  	s16 =	sadd.s32 s16, s17  }
0x37: {  	s19 =	sadd.s32 $0x40, s19;
	[tilespmem:s16+$0x1830 ss:$0x81] =	vst.msk $0xffff, v3  }
.Ltmp4:
0x38: {  	_ = 	snop;
	(pc) =	sbr.rel .LBB1_4-.Ltmp4, $1  }
0x39: {  	_ =	sdelay $0x3  }
.LBB1_6:
0x3a: {  	_ =	sfence.sel $0x180000  }
0x3b: {  	s2 =	simm.s32 $0x1;
	[bflag:$0x0] =	sbarrier.arrive $0xFFFF  }
0x3c: {  	s31 =	simm.s32 $0x2;
	[sflag:s2] =	ssyncpa.u1 $0x1  }
0x3d: {  	[sflag:s31] =	ssyncpa.u1 $0x1  }
0x3e: {  	p0 =	sne.s32 s0, $0x0;
	_ =	strace $0x9000004A  }
0x3f: {  	s0 =	sadd.s32 @!p0 $0x100000, s1;
	[bflag:$0x2] =	sbarrier.arrive $0xFFFF  }
0x40: {  	[sflag:s0] =	ssyncadd.tile.s32 @!p0 $0x1;
	_ =	shalt  }
.Lfunc_end1:
_tile_overlayer_lowered:
.L_overlay_start_2:
0x41: {  	(tag) =	ssettag $0x2  }
0x42: {  	s0 =	rddreg [dreg:$0x0];
	s2 =	stileid.u32  }
0x43: {  	s1 =	rddreg [dreg:$0x1];
	p0 =	sne.s32 s2, $0x0  }
0x44: {  	s3 =	rddreg [dreg:$0x2];
	[bflag:$0x3] =	sbarrier.arrive $0xFFFF;
	s2 =	simm.s32 @!p0 $0x1C01  }
0x45: {  	[timem:s3], [sflag:s2] =	dma.local @!p0 [hbm:s0], s1  }
0x46: {  	s0 =	simm.s32 @!p0 $0x1  }
0x47: {  	_ =	swait.ge @!p0 [sflag:s0], s1  }
0x48: {  	s1 =	ssub.s32 @!p0 $0x0, s1;
	[sflag:s0] =	ssyncset.done @!p0 $0x0  }
0x49: {  	[sflag:s0] =	ssyncadd.s32 @!p0 s1  }
0x4a: {  	[bflag:$0x3] =	sbarrier.arrive $0xFFFF  }
0x4b: {  	_ =	shalt  }

</sc_bundles>
